<compile_context>
chip_gen: v7x
topology: tpu7x:2x2x1
jax: 0.10.2.dev20260603
libtpu: 0.0.44.dev20260713+nightly
codegen_flags: <defaults>
</compile_context>

<pallas_src>
import jax
import jax.numpy as jnp
from jax import lax
from jax.experimental import pallas as pl
from jax.experimental.pallas import tpu as pltpu
from jax.experimental.pallas import tpu_sc as plsc

N_OBJ = 4096
D = 256
DH = 128
N_REL = 131072
NT = 16
CHUNK = N_REL // NT
L = 16
GROUPS = CHUNK // L
ROWS_T = N_OBJ // NT



def _tc1_body(obj_ref, wsw_ref, wsb_ref, wow_ref, wob_ref, cw_ref, cb_ref,
              s_ref, o_ref, cf_ref):
    x = obj_ref[...]
    s_ref[...] = jnp.dot(x, wsw_ref[...], preferred_element_type=jnp.float32) + wsb_ref[...]
    o_ref[...] = jnp.dot(x, wow_ref[...], preferred_element_type=jnp.float32) + wob_ref[...]
    cf_ref[...] = jnp.maximum(
        jnp.dot(x, cw_ref[...], preferred_element_type=jnp.float32) + cb_ref[...], 0.0)


def _tc2_body(obj_ref, cf_ref, rs_ref, o1_ref, o2_ref, t1w_ref, t1b_ref,
              lng_ref, lnb_ref, t2w_ref, t2b_ref, out_ref):
    r = 2047.5 + rs_ref[...]
    cf = cf_ref[...]
    g = cf / r[:, None]
    sumg = jnp.sum(g, axis=0)
    sumc = jnp.sum(cf, axis=0)
    out1 = 0.5 * sumg[None, :] - 0.5 * g + o1_ref[...]
    out2 = (0.5 * sumc[None, :] - 0.5 * cf + o2_ref[...]) / r[:, None]
    ctx = jnp.concatenate([out1, out2], axis=1)
    h = jnp.dot(ctx, t1w_ref[...], preferred_element_type=jnp.float32) + t1b_ref[...]
    mu = jnp.mean(h, axis=1, keepdims=True)
    var = jnp.mean((h - mu) ** 2, axis=1, keepdims=True)
    h = (h - mu) / jnp.sqrt(var + 1e-5) * lng_ref[...] + lnb_ref[...]
    h = jnp.maximum(h, 0.0)
    y = jnp.dot(h, t2w_ref[...], preferred_element_type=jnp.float32) + t2b_ref[...]
    out_ref[...] = jnp.maximum(obj_ref[...] + y, 0.0)



SUBR = 8
ZCAP = N_REL // SUBR


def _sc_body(rel0_h, rel1_h, rel2_h, s_h, o_h, phr_h, convf_h, wwb_h,
             rsum_h, out1_h, out2_h, own_h, zsum_h,
             c0, lids, blist, clist,
             wwb_v, meta_v, metal, ids_i, iv_b, jv_b,
             sbuf, obuf, pbuf, abuf, bbuf, cbuf, cob,
             cfa, cfb, st1, st2, rv_b, z0, z1,
             spm_rs, spm_o1, spm_o2, spm_meta, spm_z,
             sem0, sem1, sem2):
    w = lax.axis_index("s")
    iota = lax.iota(jnp.int32, L)
    row0 = w * ROWS_T

    def zz0(i, _):
        rr = i // (DH // L)
        cc = (i % (DH // L)) * L
        z0[rr, pl.ds(cc, L)] = jnp.zeros((L,), jnp.float32)
        return 0
    lax.fori_loop(0, L * (DH // L), zz0, 0)

    def zz1(i, _):
        z1[pl.ds(i * L, L)] = jnp.zeros((L,), jnp.float32)
        return 0
    lax.fori_loop(0, ROWS_T // L, zz1, 0)

    cps = [pltpu.async_copy(z1, spm_rs.at[pl.ds(row0, ROWS_T)], sem0)]
    for blk in range(ROWS_T // L):
        cps.append(pltpu.async_copy(z0, spm_o1.at[pl.ds(row0 + blk * L, L)],
                                    sem0))
        cps.append(pltpu.async_copy(z0, spm_o2.at[pl.ds(row0 + blk * L, L)],
                                    sem0))
    for cp in cps:
        cp.wait()

    pltpu.sync_copy(wwb_h, wwb_v)

    base = w * CHUNK
    pltpu.sync_copy(rel0_h.at[pl.ds(base, CHUNK)], c0)

    UNR = 4

    def scan_body(gi, k):
        ms = [c0[pl.ds((gi * UNR + u) * L, L)] == 0 for u in range(UNR)]
        cnts = [plsc.all_reduce_population_count(mu)[0] for mu in ms]
        tot = cnts[0] + cnts[1] + cnts[2] + cnts[3]

        @pl.when(tot > 0)
        def _():
            kk = k
            for u in range(UNR):
                @pl.when(cnts[u] > 0)
                def _(mu=ms[u], kk=kk, uu=u):
                    pos = kk + plsc.cumsum(mu.astype(jnp.int32)) - 1
                    ids = base + (gi * UNR + uu) * L + iota
                    plsc.store_scatter(lids, [pos], ids, mask=mu)
                kk = kk + cnts[u]

        return k + tot

    k_w = lax.fori_loop(0, GROUPS // UNR, scan_body, jnp.int32(0))
    ngrp = (k_w + (L - 1)) // L

    def b1_body(gi, vmin):
        off = gi * L
        valid = off + iota < k_w
        idv = jnp.where(valid, lids[pl.ds(off, L)], 0)
        ids_i[...] = idv
        cp_p = pltpu.async_copy(phr_h.at[ids_i], pbuf, sem0)
        cp_i = pltpu.async_copy(rel1_h.at[ids_i], iv_b, sem1)
        cp_j = pltpu.async_copy(rel2_h.at[ids_i], jv_b, sem2)
        cp_p.wait()
        cp_i.wait()
        cp_j.wait()
        cp_s = pltpu.async_copy(s_h.at[iv_b], sbuf, sem1)
        cp_o = pltpu.async_copy(o_h.at[jv_b], obuf, sem2)
        cp_s.wait()
        cp_o.wait()
        iv = iv_b[...]
        jv = jv_b[...]

        def dot_body(rr, zv):
            acc = jnp.zeros((L,), jnp.float32)
            for dd in range(D // L):
                acc = acc + (sbuf[rr, pl.ds(dd * L, L)]
                             * obuf[rr, pl.ds(dd * L, L)]
                             * pbuf[rr, pl.ds(dd * L, L)]
                             * wwb_v[pl.ds(dd * L, L)])
            return jnp.where(iota == rr, jnp.sum(acc), zv)

        zv = lax.fori_loop(0, L, dot_body, jnp.zeros((L,), jnp.float32))
        wbv = wwb_v[pl.ds(D, L)]
        zv = zv + wbv[0]
        mn = jnp.where(valid, jnp.minimum(iv, jv), jnp.int32(N_OBJ))
        vmin = jnp.minimum(vmin, mn)
        lids[pl.ds(off, L)] = iv
        blist[pl.ds(off, L)] = jv
        clist[pl.ds(off, L)] = zv
        return vmin

    vmin = lax.fori_loop(0, ngrp, b1_body,
                         jnp.full((L,), N_OBJ, jnp.int32))
    h_w = jnp.min(vmin)

    meta_v[...] = jnp.where(iota == 0, h_w, jnp.where(iota == 1, k_w, 0))
    pltpu.sync_copy(meta_v, spm_meta.at[w])
    plsc.subcore_barrier()
    pltpu.sync_copy(spm_meta, metal)
    head = jnp.int32(N_OBJ)
    pref = jnp.int32(0)
    ktot = jnp.int32(0)
    for u in range(NT):
        mrow = metal[u, :]
        head = jnp.minimum(head, mrow[0])
        ku = mrow[1]
        ktot = ktot + ku
        pref = pref + jnp.where(jnp.int32(u) < w, ku, 0)

    def dda_body(gi, _):
        off = gi * L
        valid = off + iota < k_w
        iv = lids[pl.ds(off, L)]
        jv = blist[pl.ds(off, L)]
        key = jnp.where(valid, iv * N_OBJ + jv, 0)
        abuf[...] = key
        bbuf[...] = jnp.where(valid, pref + off + iota, jnp.int32(N_REL - 1))
        pltpu.sync_copy(bbuf, own_h.at[abuf])
        return 0

    lax.fori_loop(0, ngrp, dda_body, 0)
    plsc.subcore_barrier()

    zbase = w * (ZCAP // NT)
    nrounds = (ktot + (ZCAP - 1)) // ZCAP

    def round_body(rnd, _):
        for q in range(ZCAP // NT // ROWS_T):
            pltpu.sync_copy(z1, spm_z.at[pl.ds(zbase + q * ROWS_T, ROWS_T)])
        plsc.subcore_barrier()

        def ddb_body(gi, _):
            off = gi * L
            valid = off + iota < k_w
            iv = lids[pl.ds(off, L)]
            jv = blist[pl.ds(off, L)]
            zv = clist[pl.ds(off, L)]
            key = jnp.where(valid, iv * N_OBJ + jv, 0)
            abuf[...] = key
            cp = pltpu.async_copy(own_h.at[abuf], ids_i, sem0)
            cp.wait()
            ov = ids_i[...]
            inr = (ov // ZCAP) == rnd
            bbuf[...] = jnp.where(inr, ov - rnd * ZCAP, 0)
            cbuf[...] = jnp.where(valid & inr, zv, 0.0)
            pltpu.sync_copy(cbuf, spm_z.at[bbuf], add=True)
            return 0

        lax.fori_loop(0, ngrp, ddb_body, 0)
        plsc.subcore_barrier()
        pltpu.sync_copy(spm_z.at[pl.ds(zbase, ZCAP // NT)],
                        zsum_h.at[pl.ds(rnd * ZCAP + zbase, ZCAP // NT)])
        return 0

    lax.fori_loop(0, nrounds, round_body, 0)
    plsc.subcore_barrier()

    def b2_body(gi, _):
        off = gi * L
        valid = off + iota < k_w
        iv = lids[pl.ds(off, L)]
        jv = blist[pl.ds(off, L)]
        zv = clist[pl.ds(off, L)]
        key = jnp.where(valid, iv * N_OBJ + jv, 0)
        abuf[...] = key
        cp = pltpu.async_copy(own_h.at[abuf], ids_i, sem0)
        cp.wait()
        ov = ids_i[...]
        gid = pref + off + iota
        winner = valid & (ov == gid)
        bbuf[...] = jnp.where(winner, gid, 0)
        cp2 = pltpu.async_copy(zsum_h.at[bbuf], rv_b, sem1)
        cp2.wait()
        zv = jnp.where(winner, rv_b[...], zv)
        jv = jnp.where(winner, jv, iv)
        av = iv - head
        bv = jv - head
        cv = 1.0 / (1.0 + jnp.exp(-zv)) - 0.5
        cv = jnp.where(valid & (av != bv), cv, 0.0)
        av = jnp.where(valid, av, 0)
        bv = jnp.where(valid, bv, 0)
        lids[pl.ds(off, L)] = av
        blist[pl.ds(off, L)] = bv
        clist[pl.ds(off, L)] = cv
        abuf[...] = av
        cbuf[...] = cv
        pltpu.sync_copy(cbuf, spm_rs.at[abuf], add=True)
        return 0

    lax.fori_loop(0, ngrp, b2_body, 0)
    plsc.subcore_barrier()
    pltpu.sync_copy(spm_rs.at[pl.ds(row0, ROWS_T)],
                    rsum_h.at[pl.ds(row0, ROWS_T)])
    plsc.subcore_barrier()


    def c_body(gi, _):
        off = gi * L
        av = lids[pl.ds(off, L)]
        bv = blist[pl.ds(off, L)]
        cv = clist[pl.ds(off, L)]
        abuf[...] = av
        bbuf[...] = bv
        cpa = pltpu.async_copy(convf_h.at[abuf], cfa, sem0)
        cpb = pltpu.async_copy(convf_h.at[bbuf], cfb, sem1)
        cpr = pltpu.async_copy(rsum_h.at[bbuf], rv_b, sem2)
        cpa.wait()
        cpb.wait()
        cpr.wait()
        rv = rv_b[...]
        co1v = cv / (2047.5 + rv)
        cob[pl.ds(0, L)] = co1v

        def row_body(rr, _):
            cvw = clist[pl.ds(off + rr, L)]
            c_rr = cvw[0]
            cow = cob[pl.ds(rr, L)]
            co1 = cow[0]
            for dd in range(DH // L):
                st1[rr, pl.ds(dd * L, L)] = cfb[rr, pl.ds(dd * L, L)] * co1
                st2[rr, pl.ds(dd * L, L)] = cfa[rr, pl.ds(dd * L, L)] * c_rr
            return 0

        lax.fori_loop(0, L, row_body, 0)
        cp1 = pltpu.async_copy(st1, spm_o1.at[abuf], sem0, add=True)
        cp2 = pltpu.async_copy(st2, spm_o2.at[bbuf], sem1, add=True)
        cp1.wait()
        cp2.wait()
        return 0

    lax.fori_loop(0, ngrp, c_body, 0)
    plsc.subcore_barrier()

    cpo1 = pltpu.async_copy(spm_o1.at[pl.ds(row0, ROWS_T)],
                            out1_h.at[pl.ds(row0, ROWS_T)], sem0)
    cpo2 = pltpu.async_copy(spm_o2.at[pl.ds(row0, ROWS_T)],
                            out2_h.at[pl.ds(row0, ROWS_T)], sem1)
    cpo1.wait()
    cpo2.wait()


def _sc_call(rel0, rel1, rel2, s, o, phr, convf, wwb):
    mesh = plsc.VectorSubcoreMesh(core_axis_name="c", subcore_axis_name="s",
                                  num_cores=1)
    f = pl.kernel(
        _sc_body, mesh=mesh,
        compiler_params=pltpu.CompilerParams(needs_layout_passes=False),
        out_type=[jax.ShapeDtypeStruct((N_OBJ,), jnp.float32),
                  jax.ShapeDtypeStruct((N_OBJ, DH), jnp.float32),
                  jax.ShapeDtypeStruct((N_OBJ, DH), jnp.float32),
                  jax.ShapeDtypeStruct((N_OBJ * N_OBJ,), jnp.int32),
                  jax.ShapeDtypeStruct((N_REL,), jnp.float32)],
        scratch_types=[
            pltpu.VMEM((CHUNK,), jnp.int32),
            pltpu.VMEM((CHUNK,), jnp.int32),
            pltpu.VMEM((CHUNK,), jnp.int32),
            pltpu.VMEM((CHUNK + L,), jnp.float32),
            pltpu.VMEM((D + L,), jnp.float32),
            pltpu.VMEM((L,), jnp.int32),
            pltpu.VMEM((NT, L), jnp.int32),
            pltpu.VMEM((L,), jnp.int32),
            pltpu.VMEM((L,), jnp.int32),
            pltpu.VMEM((L,), jnp.int32),
            pltpu.VMEM((L, D), jnp.float32),
            pltpu.VMEM((L, D), jnp.float32),
            pltpu.VMEM((L, D), jnp.float32),
            pltpu.VMEM((L,), jnp.int32),
            pltpu.VMEM((L,), jnp.int32),
            pltpu.VMEM((L,), jnp.float32),
            pltpu.VMEM((2 * L,), jnp.float32),
            pltpu.VMEM((L, DH), jnp.float32),
            pltpu.VMEM((L, DH), jnp.float32),
            pltpu.VMEM((L, DH), jnp.float32),
            pltpu.VMEM((L, DH), jnp.float32),
            pltpu.VMEM((L,), jnp.float32),
            pltpu.VMEM((L, DH), jnp.float32),
            pltpu.VMEM((ROWS_T,), jnp.float32),
            pltpu.VMEM_SHARED((N_OBJ,), jnp.float32),
            pltpu.VMEM_SHARED((N_OBJ, DH), jnp.float32),
            pltpu.VMEM_SHARED((N_OBJ, DH), jnp.float32),
            pltpu.VMEM_SHARED((NT, L), jnp.int32),
            pltpu.VMEM_SHARED((ZCAP,), jnp.float32),
            pltpu.SemaphoreType.DMA,
            pltpu.SemaphoreType.DMA,
            pltpu.SemaphoreType.DMA,
        ])
    return f(rel0, rel1, rel2, s, o, phr, convf, wwb)



def kernel(obj_feats, phr_feats, im_inds, rel_inds, ws_w, ws_b, wo_w, wo_b,
           w_w, w_b, conv_w, conv_b, t1_w, t1_b, ln_g, ln_b, t2_w, t2_b):
    s, o, convf = pl.pallas_call(
        _tc1_body,
        out_shape=[jax.ShapeDtypeStruct((N_OBJ, D), jnp.float32),
                   jax.ShapeDtypeStruct((N_OBJ, D), jnp.float32),
                   jax.ShapeDtypeStruct((N_OBJ, DH), jnp.float32)],
    )(obj_feats, ws_w, ws_b, wo_w, wo_b, conv_w, conv_b)

    rel0 = rel_inds[:, 0]
    rel1 = rel_inds[:, 1]
    rel2 = rel_inds[:, 2]
    wwb = jnp.concatenate([w_w[:, 0], w_b,
                           jnp.zeros((L - 1,), jnp.float32)])

    rsum, out1c, out2c, _own, _zs = _sc_call(rel0, rel1, rel2, s, o,
                                             phr_feats, convf, wwb)

    out = pl.pallas_call(
        _tc2_body,
        out_shape=jax.ShapeDtypeStruct((N_OBJ, D), jnp.float32),
    )(obj_feats, convf, rsum, out1c, out2c, t1_w, t1_b, ln_g, ln_b,
      t2_w, t2_b)
    return out

# --- scband reference (transcript-rebuilt; emitter-appended) ---
"""Pipeline reference for scband-message-passing4-obj-67095979099058 (READ-ONLY COPY).

The authoritative reference and input builder live on the scoring server;
editing this copy changes nothing except your own understanding.
"""

import jax, jax.numpy as jnp
import numpy as np

N_OBJ = 4096
D = 256
N_REL = 131072
P = 1


def setup_inputs(seed: int = 0):
    key = jax.random.key(seed)
    ks = jax.random.split(key, 20)

    def lin_w(k, fi, fo):
        return (jax.random.normal(k, (fi, fo), dtype=jnp.float32) / np.sqrt(fi)).astype(jnp.float32)

    def lin_b(k, fo):
        return (jax.random.normal(k, (fo,), dtype=jnp.float32) * 0.01).astype(jnp.float32)

    inp = {
        "obj_feats": jax.random.normal(ks[0], (N_OBJ, D), dtype=jnp.float32),
        "phr_feats": jax.random.normal(ks[1], (N_REL, D), dtype=jnp.float32),
        "im_inds": jnp.zeros((N_OBJ,), dtype=jnp.int32),
        "rel_inds": jax.random.randint(ks[2], (N_REL, 3), 0, N_OBJ, dtype=jnp.int32),
        "ws_w": lin_w(ks[3], D, D), "ws_b": lin_b(ks[4], D),
        "wo_w": lin_w(ks[5], D, D), "wo_b": lin_b(ks[6], D),
        "w_w": lin_w(ks[7], D, P), "w_b": lin_b(ks[8], P),
        "conv_w": lin_w(ks[9], D, D // 2), "conv_b": lin_b(ks[10], D // 2),
        "t1_w": lin_w(ks[11], D, D // 4), "t1_b": lin_b(ks[12], D // 4),
        "ln_g": jnp.ones((D // 4,), dtype=jnp.float32),
        "ln_b": jnp.zeros((D // 4,), dtype=jnp.float32),
        "t2_w": lin_w(ks[13], D // 4, D), "t2_b": lin_b(ks[14], D),
    }
    return inp


def _forward(obj_feats, phr_feats, ws_w, ws_b, wo_w, wo_b, w_w, w_b,
             conv_w, conv_b, t1_w, t1_b, ln_g, ln_b, t2_w, t2_b,
             obj_mask_sets, rel_mask_sets, rel_inds):
    outs = []
    for i, obj_mask in enumerate(obj_mask_sets):
        n = int(obj_mask.shape[0])
        cur_obj = jnp.where(obj_mask[:, None], obj_feats, 0.0)
        rmask = rel_mask_sets[i]
        union = phr_feats
        # Get_Atten_map_mc (uses the FULL obj_feats, as in the torch code)
        s = obj_feats @ ws_w + ws_b
        o = obj_feats @ wo_w + wo_b
        prod = s[rel_inds[:, 1]] * o[rel_inds[:, 2]]
        atten_f = (prod * union) @ w_w + w_b  # [N_REL, P]
        atten_f = jnp.where(rmask[:, None], atten_f, 0.0)
        head = jnp.where(rmask, jnp.minimum(rel_inds[:, 1], rel_inds[:, 2]),
                         jnp.int32(n)).min()
        atten = jnp.zeros((n, n, P), dtype=jnp.float32).at[
            rel_inds[:, 1] - head, rel_inds[:, 2] - head].add(atten_f)
        mask = 1.0 - jnp.tile(jnp.eye(n, dtype=jnp.float32)[:, :, None], (1, 1, P))
        atten = jax.nn.sigmoid(atten) * mask
        atten = atten / atten.sum(1)  # broadcast (n,n,P)/(1,n,P), same as torch
        # concat with transpose
        atten_cat = jnp.concatenate([atten, jnp.transpose(atten, (1, 0, 2))], -1)  # [n,n,2P]
        # conv: Linear(D, D//2) + ReLU
        convf = jax.nn.relu(cur_obj @ conv_w + conv_b)  # [n, D//2]
        # mc_matmul
        ctx = jnp.concatenate(
            [atten_cat[:, :, c] @ convf for c in range(atten_cat.shape[-1])], -1)  # [n, D]
        # trans: Linear(D, D//4) -> LayerNorm -> ReLU -> Linear(D//4, D)
        h = ctx @ t1_w + t1_b
        mu = h.mean(-1, keepdims=True)
        var = ((h - mu) ** 2).mean(-1, keepdims=True)
        h = (h - mu) / jnp.sqrt(var + 1e-5) * ln_g + ln_b
        h = jax.nn.relu(h)
        outs.append(h @ t2_w + t2_b)
    return jax.nn.relu(obj_feats + jnp.concatenate(outs, 0))


def reference(obj_feats, phr_feats, im_inds, rel_inds, ws_w, ws_b, wo_w, wo_b,
              w_w, w_b, conv_w, conv_b, t1_w, t1_b, ln_g, ln_b, t2_w, t2_b):
    num_img = 1  # im_inds is all-zero by construction, so there is a single image
    obj_mask_sets = [im_inds == i for i in range(num_img)]
    rel_mask_sets = [rel_inds[:, 0] == i for i in range(num_img)]
    return _forward(obj_feats, phr_feats, ws_w, ws_b, wo_w, wo_b, w_w, w_b,
                    conv_w, conv_b, t1_w, t1_b, ln_g, ln_b, t2_w, t2_b,
                    obj_mask_sets, rel_mask_sets, rel_inds)

if __name__ == "__main__":
    import jax
    _d = setup_inputs()
    print(jax.jit(kernel)(*tuple(_d.values())))

</pallas_src>

<mosaic_0001>
#map = affine_map<(d0, d1) -> (0)>
#map1 = affine_map<(d0, d1) -> (0, 0)>
module attributes {stable_mosaic.version = 14 : i64} {
  func.func @_sc_body(%arg0: i32, %arg1: i32, %arg2: memref<131072xi32, #tpu.memory_space<hbm>>, %arg3: memref<131072xi32, #tpu.memory_space<hbm>>, %arg4: memref<131072xi32, #tpu.memory_space<hbm>>, %arg5: memref<4096x256xf32, #tpu.memory_space<hbm>>, %arg6: memref<4096x256xf32, #tpu.memory_space<hbm>>, %arg7: memref<131072x256xf32, #tpu.memory_space<hbm>>, %arg8: memref<4096x128xf32, #tpu.memory_space<hbm>>, %arg9: memref<272xf32, #tpu.memory_space<hbm>>, %arg10: memref<4096xf32, #tpu.memory_space<hbm>>, %arg11: memref<4096x128xf32, #tpu.memory_space<hbm>>, %arg12: memref<4096x128xf32, #tpu.memory_space<hbm>>, %arg13: memref<16777216xi32, #tpu.memory_space<hbm>>, %arg14: memref<131072xf32, #tpu.memory_space<hbm>>, %arg15: memref<8192xi32, #tpu.memory_space<vmem>>, %arg16: memref<8192xi32, #tpu.memory_space<vmem>>, %arg17: memref<8192xi32, #tpu.memory_space<vmem>>, %arg18: memref<8208xf32, #tpu.memory_space<vmem>>, %arg19: memref<272xf32, #tpu.memory_space<vmem>>, %arg20: memref<16xi32, #tpu.memory_space<vmem>>, %arg21: memref<16x16xi32, #tpu.memory_space<vmem>>, %arg22: memref<16xi32, #tpu.memory_space<vmem>>, %arg23: memref<16xi32, #tpu.memory_space<vmem>>, %arg24: memref<16xi32, #tpu.memory_space<vmem>>, %arg25: memref<16x256xf32, #tpu.memory_space<vmem>>, %arg26: memref<16x256xf32, #tpu.memory_space<vmem>>, %arg27: memref<16x256xf32, #tpu.memory_space<vmem>>, %arg28: memref<16xi32, #tpu.memory_space<vmem>>, %arg29: memref<16xi32, #tpu.memory_space<vmem>>, %arg30: memref<16xf32, #tpu.memory_space<vmem>>, %arg31: memref<32xf32, #tpu.memory_space<vmem>>, %arg32: memref<16x128xf32, #tpu.memory_space<vmem>>, %arg33: memref<16x128xf32, #tpu.memory_space<vmem>>, %arg34: memref<16x128xf32, #tpu.memory_space<vmem>>, %arg35: memref<16x128xf32, #tpu.memory_space<vmem>>, %arg36: memref<16xf32, #tpu.memory_space<vmem>>, %arg37: memref<16x128xf32, #tpu.memory_space<vmem>>, %arg38: memref<256xf32, #tpu.memory_space<vmem>>, %arg39: memref<4096xf32, #tpu.memory_space<vmem_shared>>, %arg40: memref<4096x128xf32, #tpu.memory_space<vmem_shared>>, %arg41: memref<4096x128xf32, #tpu.memory_space<vmem_shared>>, %arg42: memref<16x16xi32, #tpu.memory_space<vmem_shared>>, %arg43: memref<16384xf32, #tpu.memory_space<vmem_shared>>, %arg44: memref<!tpu.dma_semaphore, #tpu.memory_space<semaphore_mem>>, %arg45: memref<!tpu.dma_semaphore, #tpu.memory_space<semaphore_mem>>, %arg46: memref<!tpu.dma_semaphore, #tpu.memory_space<semaphore_mem>>) attributes {dimension_semantics = [#tpu.dimension_semantics<core_parallel>, #tpu.dimension_semantics<subcore_parallel>], iteration_bounds = array<i64: 1, 16>, scalar_prefetch = 0 : i64, scratch_operands = 32 : i64, tpu.core_type = #tpu.core_type<sc_vector_subcore>, window_params = [{transform_indices = #map}, {transform_indices = #map}, {transform_indices = #map}, {transform_indices = #map1}, {transform_indices = #map1}, {transform_indices = #map1}, {transform_indices = #map1}, {transform_indices = #map}, {transform_indices = #map}, {transform_indices = #map1}, {transform_indices = #map1}, {transform_indices = #map}, {transform_indices = #map}]} {
    %iota3A = tpu.iota {dimensions = array<i32: 0>} : vector<16xi32>
    %mul3A = arith.constant 256 : i32
    %mul3A_0 = arith.muli %arg1, %mul3A : i32
    %scan3A = arith.constant 0 : i32
    %scan3A_1 = arith.constant 0 : i32
    %scan3A_2 = arith.constant 128 : i32
    %scan3A_3 = arith.addi %scan3A_1, %scan3A_2 : i32
    %scan3A_4 = arith.constant 1 : i32
    %scan3A_5 = scf.for %scan3A_727 = %scan3A_1 to %scan3A_3 step %scan3A_4 iter_args(%scan3A_728 = %scan3A) -> (i32)  : i32 {
      %jit3A_729 = arith.constant 8 : i32
      %div3A_730 = arith.divsi %scan3A_727, %jit3A_729 : i32
      %sign3A_731 = arith.constant 0 : i32
      %sign3A_732 = arith.cmpi sgt, %scan3A_727, %sign3A_731 : i32
      %sign3A_733 = arith.extui %sign3A_732 : i1 to i32
      %sign3A_734 = arith.constant 0 : i32
      %sign3A_735 = arith.cmpi slt, %scan3A_727, %sign3A_734 : i32
      %sign3A_736 = arith.extui %sign3A_735 : i1 to i32
      %sign3A_737 = arith.subi %sign3A_733, %sign3A_736 : i32
      %sign3A_738 = arith.constant 0 : i32
      %sign3A_739 = arith.cmpi sgt, %jit3A_729, %sign3A_738 : i32
      %sign3A_740 = arith.extui %sign3A_739 : i1 to i32
      %sign3A_741 = arith.constant 0 : i32
      %sign3A_742 = arith.cmpi slt, %jit3A_729, %sign3A_741 : i32
      %sign3A_743 = arith.extui %sign3A_742 : i1 to i32
      %sign3A_744 = arith.subi %sign3A_740, %sign3A_743 : i32
      %ne3A_745 = arith.cmpi ne, %sign3A_737, %sign3A_744 : i32
      %rem3A_746 = arith.remsi %scan3A_727, %jit3A_729 : i32
      %ne3A_747 = arith.constant 0 : i32
      %ne3A_748 = arith.cmpi ne, %rem3A_746, %ne3A_747 : i32
      %and3A_749 = arith.andi %ne3A_745, %ne3A_748 : i1
      %sub3A_750 = arith.constant 1 : i32
      %sub3A_751 = arith.subi %div3A_730, %sub3A_750 : i32
      %select_n3A_752 = arith.select %and3A_749, %sub3A_751, %div3A_730 : i32
      %jit3A_753 = arith.constant 8 : i32
      %eq3A_754 = arith.constant 0 : i32
      %eq3A_755 = arith.cmpi eq, %jit3A_753, %eq3A_754 : i32
      %jit3A_756 = arith.constant 1 : i32
      %select_n3A_757 = arith.select %eq3A_755, %jit3A_756, %jit3A_753 : i32
      %rem3A_758 = arith.remsi %scan3A_727, %select_n3A_757 : i32
      %ne3A_759 = arith.constant 0 : i32
      %ne3A_760 = arith.cmpi ne, %rem3A_758, %ne3A_759 : i32
      %lt3A_761 = arith.constant 0 : i32
      %lt3A_762 = arith.cmpi slt, %rem3A_758, %lt3A_761 : i32
      %lt3A_763 = arith.constant 0 : i32
      %lt3A_764 = arith.cmpi slt, %select_n3A_757, %lt3A_763 : i32
      %ne3A_765 = arith.xori %lt3A_762, %lt3A_764 : i1
      %and3A_766 = arith.andi %ne3A_765, %ne3A_760 : i1
      %add3A_767 = arith.addi %rem3A_758, %select_n3A_757 : i32
      %select_n3A_768 = arith.select %and3A_766, %add3A_767, %rem3A_758 : i32
      %mul3A_769 = arith.constant 16 : i32
      %mul3A_770 = arith.muli %select_n3A_768, %mul3A_769 : i32
      %broadcast_in_dim3A_771 = arith.constant 0.000000e+00 : f32
      %broadcast_in_dim3A_772 = vector.broadcast %broadcast_in_dim3A_771 : f32 to vector<16xf32>
      %swap3A_773 = arith.index_cast %select_n3A_752 : i32 to index
      %swap3A_774 = arith.index_cast %mul3A_770 : i32 to index
      %swap3A_775 = tpu.vector_load %arg37[%swap3A_773, %swap3A_774] {strides = array<i32>} : memref<16x128xf32, #tpu.memory_space<vmem>>, vector<16xf32>,
      tpu.vector_store %arg37[%swap3A_773, %swap3A_774], %broadcast_in_dim3A_772 {strides = array<i32>} : memref<16x128xf32, #tpu.memory_space<vmem>>, vector<16xf32>,
      %scan3A_776 = arith.constant 0 : i32
      scf.yield %scan3A_776 : i32
    }
    %scan3A_6 = arith.constant 128 : i32
    %scan3A_7 = arith.constant 0 : i32
    %scan3A_8 = arith.constant 0 : i32
    %scan3A_9 = arith.constant 16 : i32
    %scan3A_10 = arith.addi %scan3A_8, %scan3A_9 : i32
    %scan3A_11 = arith.constant 1 : i32
    %scan3A_12 = scf.for %scan3A_727 = %scan3A_8 to %scan3A_10 step %scan3A_11 iter_args(%scan3A_728 = %scan3A_7) -> (i32)  : i32 {
      %broadcast_in_dim3A_729 = arith.constant 0.000000e+00 : f32
      %broadcast_in_dim3A_730 = vector.broadcast %broadcast_in_dim3A_729 : f32 to vector<16xf32>
      %mul3A_731 = arith.constant 16 : i32
      %mul3A_732 = arith.muli %scan3A_727, %mul3A_731 : i32
      %swap3A_733 = arith.index_cast %mul3A_732 : i32 to index
      %swap3A_734 = tpu.vector_load %arg38[%swap3A_733] {strides = array<i32>} : memref<256xf32, #tpu.memory_space<vmem>>, vector<16xf32>,
      tpu.vector_store %arg38[%swap3A_733], %broadcast_in_dim3A_730 {strides = array<i32>} : memref<256xf32, #tpu.memory_space<vmem>>, vector<16xf32>,
      %scan3A_735 = arith.constant 0 : i32
      scf.yield %scan3A_735 : i32
    }
    %scan3A_13 = arith.constant 16 : i32
    %dma_start3A = tpu.memref_slice %arg39[%mul3A_0] : memref<4096xf32, #tpu.memory_space<vmem_shared>> -> memref<256xf32, #tpu.memory_space<vmem_shared>>
    %dma_start3A_14 = tpu.memref_slice %arg39[%mul3A_0] : memref<4096xf32, #tpu.memory_space<vmem_shared>> -> memref<256xf32, #tpu.memory_space<vmem_shared>>
    tpu.enqueue_dma source(%arg38 : memref<256xf32, #tpu.memory_space<vmem>>) target(%dma_start3A_14 : memref<256xf32, #tpu.memory_space<vmem_shared>>) target_semaphore(%arg44 : memref<!tpu.dma_semaphore, #tpu.memory_space<semaphore_mem>>)
    %add3A = arith.constant 0 : i32
    %add3A_15 = arith.addi %mul3A_0, %add3A : i32
    %dma_start3A_16 = arith.constant 0 : i32
    %dma_start3A_17 = tpu.memref_slice %arg40[%add3A_15, %dma_start3A_16] : memref<4096x128xf32, #tpu.memory_space<vmem_shared>> -> memref<16x128xf32, #tpu.memory_space<vmem_shared>>
    %dma_start3A_18 = arith.constant 0 : i32
    %dma_start3A_19 = tpu.memref_slice %arg40[%add3A_15, %dma_start3A_18] : memref<4096x128xf32, #tpu.memory_space<vmem_shared>> -> memref<16x128xf32, #tpu.memory_space<vmem_shared>>
    tpu.enqueue_dma source(%arg37 : memref<16x128xf32, #tpu.memory_space<vmem>>) target(%dma_start3A_19 : memref<16x128xf32, #tpu.memory_space<vmem_shared>>) target_semaphore(%arg44 : memref<!tpu.dma_semaphore, #tpu.memory_space<semaphore_mem>>)
    %add3A_20 = arith.constant 0 : i32
    %add3A_21 = arith.addi %mul3A_0, %add3A_20 : i32
    %dma_start3A_22 = arith.constant 0 : i32
    %dma_start3A_23 = tpu.memref_slice %arg41[%add3A_21, %dma_start3A_22] : memref<4096x128xf32, #tpu.memory_space<vmem_shared>> -> memref<16x128xf32, #tpu.memory_space<vmem_shared>>
    %dma_start3A_24 = arith.constant 0 : i32
    %dma_start3A_25 = tpu.memref_slice %arg41[%add3A_21, %dma_start3A_24] : memref<4096x128xf32, #tpu.memory_space<vmem_shared>> -> memref<16x128xf32, #tpu.memory_space<vmem_shared>>
    tpu.enqueue_dma source(%arg37 : memref<16x128xf32, #tpu.memory_space<vmem>>) target(%dma_start3A_25 : memref<16x128xf32, #tpu.memory_space<vmem_shared>>) target_semaphore(%arg44 : memref<!tpu.dma_semaphore, #tpu.memory_space<semaphore_mem>>)
    %add3A_26 = arith.constant 16 : i32
    %add3A_27 = arith.addi %mul3A_0, %add3A_26 : i32
    %dma_start3A_28 = arith.constant 0 : i32
    %dma_start3A_29 = tpu.memref_slice %arg40[%add3A_27, %dma_start3A_28] : memref<4096x128xf32, #tpu.memory_space<vmem_shared>> -> memref<16x128xf32, #tpu.memory_space<vmem_shared>>
    %dma_start3A_30 = arith.constant 0 : i32
    %dma_start3A_31 = tpu.memref_slice %arg40[%add3A_27, %dma_start3A_30] : memref<4096x128xf32, #tpu.memory_space<vmem_shared>> -> memref<16x128xf32, #tpu.memory_space<vmem_shared>>
    tpu.enqueue_dma source(%arg37 : memref<16x128xf32, #tpu.memory_space<vmem>>) target(%dma_start3A_31 : memref<16x128xf32, #tpu.memory_space<vmem_shared>>) target_semaphore(%arg44 : memref<!tpu.dma_semaphore, #tpu.memory_space<semaphore_mem>>)
    %add3A_32 = arith.constant 16 : i32
    %add3A_33 = arith.addi %mul3A_0, %add3A_32 : i32
    %dma_start3A_34 = arith.constant 0 : i32
    %dma_start3A_35 = tpu.memref_slice %arg41[%add3A_33, %dma_start3A_34] : memref<4096x128xf32, #tpu.memory_space<vmem_shared>> -> memref<16x128xf32, #tpu.memory_space<vmem_shared>>
    %dma_start3A_36 = arith.constant 0 : i32
    %dma_start3A_37 = tpu.memref_slice %arg41[%add3A_33, %dma_start3A_36] : memref<4096x128xf32, #tpu.memory_space<vmem_shared>> -> memref<16x128xf32, #tpu.memory_space<vmem_shared>>
    tpu.enqueue_dma source(%arg37 : memref<16x128xf32, #tpu.memory_space<vmem>>) target(%dma_start3A_37 : memref<16x128xf32, #tpu.memory_space<vmem_shared>>) target_semaphore(%arg44 : memref<!tpu.dma_semaphore, #tpu.memory_space<semaphore_mem>>)
    %add3A_38 = arith.constant 32 : i32
    %add3A_39 = arith.addi %mul3A_0, %add3A_38 : i32
    %dma_start3A_40 = arith.constant 0 : i32
    %dma_start3A_41 = tpu.memref_slice %arg40[%add3A_39, %dma_start3A_40] : memref<4096x128xf32, #tpu.memory_space<vmem_shared>> -> memref<16x128xf32, #tpu.memory_space<vmem_shared>>
    %dma_start3A_42 = arith.constant 0 : i32
    %dma_start3A_43 = tpu.memref_slice %arg40[%add3A_39, %dma_start3A_42] : memref<4096x128xf32, #tpu.memory_space<vmem_shared>> -> memref<16x128xf32, #tpu.memory_space<vmem_shared>>
    tpu.enqueue_dma source(%arg37 : memref<16x128xf32, #tpu.memory_space<vmem>>) target(%dma_start3A_43 : memref<16x128xf32, #tpu.memory_space<vmem_shared>>) target_semaphore(%arg44 : memref<!tpu.dma_semaphore, #tpu.memory_space<semaphore_mem>>)
    %add3A_44 = arith.constant 32 : i32
    %add3A_45 = arith.addi %mul3A_0, %add3A_44 : i32
    %dma_start3A_46 = arith.constant 0 : i32
    %dma_start3A_47 = tpu.memref_slice %arg41[%add3A_45, %dma_start3A_46] : memref<4096x128xf32, #tpu.memory_space<vmem_shared>> -> memref<16x128xf32, #tpu.memory_space<vmem_shared>>
    %dma_start3A_48 = arith.constant 0 : i32
    %dma_start3A_49 = tpu.memref_slice %arg41[%add3A_45, %dma_start3A_48] : memref<4096x128xf32, #tpu.memory_space<vmem_shared>> -> memref<16x128xf32, #tpu.memory_space<vmem_shared>>
    tpu.enqueue_dma source(%arg37 : memref<16x128xf32, #tpu.memory_space<vmem>>) target(%dma_start3A_49 : memref<16x128xf32, #tpu.memory_space<vmem_shared>>) target_semaphore(%arg44 : memref<!tpu.dma_semaphore, #tpu.memory_space<semaphore_mem>>)
    %add3A_50 = arith.constant 48 : i32
    %add3A_51 = arith.addi %mul3A_0, %add3A_50 : i32
    %dma_start3A_52 = arith.constant 0 : i32
    %dma_start3A_53 = tpu.memref_slice %arg40[%add3A_51, %dma_start3A_52] : memref<4096x128xf32, #tpu.memory_space<vmem_shared>> -> memref<16x128xf32, #tpu.memory_space<vmem_shared>>
    %dma_start3A_54 = arith.constant 0 : i32
    %dma_start3A_55 = tpu.memref_slice %arg40[%add3A_51, %dma_start3A_54] : memref<4096x128xf32, #tpu.memory_space<vmem_shared>> -> memref<16x128xf32, #tpu.memory_space<vmem_shared>>
    tpu.enqueue_dma source(%arg37 : memref<16x128xf32, #tpu.memory_space<vmem>>) target(%dma_start3A_55 : memref<16x128xf32, #tpu.memory_space<vmem_shared>>) target_semaphore(%arg44 : memref<!tpu.dma_semaphore, #tpu.memory_space<semaphore_mem>>)
    %add3A_56 = arith.constant 48 : i32
    %add3A_57 = arith.addi %mul3A_0, %add3A_56 : i32
    %dma_start3A_58 = arith.constant 0 : i32
    %dma_start3A_59 = tpu.memref_slice %arg41[%add3A_57, %dma_start3A_58] : memref<4096x128xf32, #tpu.memory_space<vmem_shared>> -> memref<16x128xf32, #tpu.memory_space<vmem_shared>>
    %dma_start3A_60 = arith.constant 0 : i32
    %dma_start3A_61 = tpu.memref_slice %arg41[%add3A_57, %dma_start3A_60] : memref<4096x128xf32, #tpu.memory_space<vmem_shared>> -> memref<16x128xf32, #tpu.memory_space<vmem_shared>>
    tpu.enqueue_dma source(%arg37 : memref<16x128xf32, #tpu.memory_space<vmem>>) target(%dma_start3A_61 : memref<16x128xf32, #tpu.memory_space<vmem_shared>>) target_semaphore(%arg44 : memref<!tpu.dma_semaphore, #tpu.memory_space<semaphore_mem>>)
    %add3A_62 = arith.constant 64 : i32
    %add3A_63 = arith.addi %mul3A_0, %add3A_62 : i32
    %dma_start3A_64 = arith.constant 0 : i32
    %dma_start3A_65 = tpu.memref_slice %arg40[%add3A_63, %dma_start3A_64] : memref<4096x128xf32, #tpu.memory_space<vmem_shared>> -> memref<16x128xf32, #tpu.memory_space<vmem_shared>>
    %dma_start3A_66 = arith.constant 0 : i32
    %dma_start3A_67 = tpu.memref_slice %arg40[%add3A_63, %dma_start3A_66] : memref<4096x128xf32, #tpu.memory_space<vmem_shared>> -> memref<16x128xf32, #tpu.memory_space<vmem_shared>>
    tpu.enqueue_dma source(%arg37 : memref<16x128xf32, #tpu.memory_space<vmem>>) target(%dma_start3A_67 : memref<16x128xf32, #tpu.memory_space<vmem_shared>>) target_semaphore(%arg44 : memref<!tpu.dma_semaphore, #tpu.memory_space<semaphore_mem>>)
    %add3A_68 = arith.constant 64 : i32
    %add3A_69 = arith.addi %mul3A_0, %add3A_68 : i32
    %dma_start3A_70 = arith.constant 0 : i32
    %dma_start3A_71 = tpu.memref_slice %arg41[%add3A_69, %dma_start3A_70] : memref<4096x128xf32, #tpu.memory_space<vmem_shared>> -> memref<16x128xf32, #tpu.memory_space<vmem_shared>>
    %dma_start3A_72 = arith.constant 0 : i32
    %dma_start3A_73 = tpu.memref_slice %arg41[%add3A_69, %dma_start3A_72] : memref<4096x128xf32, #tpu.memory_space<vmem_shared>> -> memref<16x128xf32, #tpu.memory_space<vmem_shared>>
    tpu.enqueue_dma source(%arg37 : memref<16x128xf32, #tpu.memory_space<vmem>>) target(%dma_start3A_73 : memref<16x128xf32, #tpu.memory_space<vmem_shared>>) target_semaphore(%arg44 : memref<!tpu.dma_semaphore, #tpu.memory_space<semaphore_mem>>)
    %add3A_74 = arith.constant 80 : i32
    %add3A_75 = arith.addi %mul3A_0, %add3A_74 : i32
    %dma_start3A_76 = arith.constant 0 : i32
    %dma_start3A_77 = tpu.memref_slice %arg40[%add3A_75, %dma_start3A_76] : memref<4096x128xf32, #tpu.memory_space<vmem_shared>> -> memref<16x128xf32, #tpu.memory_space<vmem_shared>>
    %dma_start3A_78 = arith.constant 0 : i32
    %dma_start3A_79 = tpu.memref_slice %arg40[%add3A_75, %dma_start3A_78] : memref<4096x128xf32, #tpu.memory_space<vmem_shared>> -> memref<16x128xf32, #tpu.memory_space<vmem_shared>>
    tpu.enqueue_dma source(%arg37 : memref<16x128xf32, #tpu.memory_space<vmem>>) target(%dma_start3A_79 : memref<16x128xf32, #tpu.memory_space<vmem_shared>>) target_semaphore(%arg44 : memref<!tpu.dma_semaphore, #tpu.memory_space<semaphore_mem>>)
    %add3A_80 = arith.constant 80 : i32
    %add3A_81 = arith.addi %mul3A_0, %add3A_80 : i32
    %dma_start3A_82 = arith.constant 0 : i32
    %dma_start3A_83 = tpu.memref_slice %arg41[%add3A_81, %dma_start3A_82] : memref<4096x128xf32, #tpu.memory_space<vmem_shared>> -> memref<16x128xf32, #tpu.memory_space<vmem_shared>>
    %dma_start3A_84 = arith.constant 0 : i32
    %dma_start3A_85 = tpu.memref_slice %arg41[%add3A_81, %dma_start3A_84] : memref<4096x128xf32, #tpu.memory_space<vmem_shared>> -> memref<16x128xf32, #tpu.memory_space<vmem_shared>>
    tpu.enqueue_dma source(%arg37 : memref<16x128xf32, #tpu.memory_space<vmem>>) target(%dma_start3A_85 : memref<16x128xf32, #tpu.memory_space<vmem_shared>>) target_semaphore(%arg44 : memref<!tpu.dma_semaphore, #tpu.memory_space<semaphore_mem>>)
    %add3A_86 = arith.constant 96 : i32
    %add3A_87 = arith.addi %mul3A_0, %add3A_86 : i32
    %dma_start3A_88 = arith.constant 0 : i32
    %dma_start3A_89 = tpu.memref_slice %arg40[%add3A_87, %dma_start3A_88] : memref<4096x128xf32, #tpu.memory_space<vmem_shared>> -> memref<16x128xf32, #tpu.memory_space<vmem_shared>>
    %dma_start3A_90 = arith.constant 0 : i32
    %dma_start3A_91 = tpu.memref_slice %arg40[%add3A_87, %dma_start3A_90] : memref<4096x128xf32, #tpu.memory_space<vmem_shared>> -> memref<16x128xf32, #tpu.memory_space<vmem_shared>>
    tpu.enqueue_dma source(%arg37 : memref<16x128xf32, #tpu.memory_space<vmem>>) target(%dma_start3A_91 : memref<16x128xf32, #tpu.memory_space<vmem_shared>>) target_semaphore(%arg44 : memref<!tpu.dma_semaphore, #tpu.memory_space<semaphore_mem>>)
    %add3A_92 = arith.constant 96 : i32
    %add3A_93 = arith.addi %mul3A_0, %add3A_92 : i32
    %dma_start3A_94 = arith.constant 0 : i32
    %dma_start3A_95 = tpu.memref_slice %arg41[%add3A_93, %dma_start3A_94] : memref<4096x128xf32, #tpu.memory_space<vmem_shared>> -> memref<16x128xf32, #tpu.memory_space<vmem_shared>>
    %dma_start3A_96 = arith.constant 0 : i32
    %dma_start3A_97 = tpu.memref_slice %arg41[%add3A_93, %dma_start3A_96] : memref<4096x128xf32, #tpu.memory_space<vmem_shared>> -> memref<16x128xf32, #tpu.memory_space<vmem_shared>>
    tpu.enqueue_dma source(%arg37 : memref<16x128xf32, #tpu.memory_space<vmem>>) target(%dma_start3A_97 : memref<16x128xf32, #tpu.memory_space<vmem_shared>>) target_semaphore(%arg44 : memref<!tpu.dma_semaphore, #tpu.memory_space<semaphore_mem>>)
    %add3A_98 = arith.constant 112 : i32
    %add3A_99 = arith.addi %mul3A_0, %add3A_98 : i32
    %dma_start3A_100 = arith.constant 0 : i32
    %dma_start3A_101 = tpu.memref_slice %arg40[%add3A_99, %dma_start3A_100] : memref<4096x128xf32, #tpu.memory_space<vmem_shared>> -> memref<16x128xf32, #tpu.memory_space<vmem_shared>>
    %dma_start3A_102 = arith.constant 0 : i32
    %dma_start3A_103 = tpu.memref_slice %arg40[%add3A_99, %dma_start3A_102] : memref<4096x128xf32, #tpu.memory_space<vmem_shared>> -> memref<16x128xf32, #tpu.memory_space<vmem_shared>>
    tpu.enqueue_dma source(%arg37 : memref<16x128xf32, #tpu.memory_space<vmem>>) target(%dma_start3A_103 : memref<16x128xf32, #tpu.memory_space<vmem_shared>>) target_semaphore(%arg44 : memref<!tpu.dma_semaphore, #tpu.memory_space<semaphore_mem>>)
    %add3A_104 = arith.constant 112 : i32
    %add3A_105 = arith.addi %mul3A_0, %add3A_104 : i32
    %dma_start3A_106 = arith.constant 0 : i32
    %dma_start3A_107 = tpu.memref_slice %arg41[%add3A_105, %dma_start3A_106] : memref<4096x128xf32, #tpu.memory_space<vmem_shared>> -> memref<16x128xf32, #tpu.memory_space<vmem_shared>>
    %dma_start3A_108 = arith.constant 0 : i32
    %dma_start3A_109 = tpu.memref_slice %arg41[%add3A_105, %dma_start3A_108] : memref<4096x128xf32, #tpu.memory_space<vmem_shared>> -> memref<16x128xf32, #tpu.memory_space<vmem_shared>>
    tpu.enqueue_dma source(%arg37 : memref<16x128xf32, #tpu.memory_space<vmem>>) target(%dma_start3A_109 : memref<16x128xf32, #tpu.memory_space<vmem_shared>>) target_semaphore(%arg44 : memref<!tpu.dma_semaphore, #tpu.memory_space<semaphore_mem>>)
    %add3A_110 = arith.constant 128 : i32
    %add3A_111 = arith.addi %mul3A_0, %add3A_110 : i32
    %dma_start3A_112 = arith.constant 0 : i32
    %dma_start3A_113 = tpu.memref_slice %arg40[%add3A_111, %dma_start3A_112] : memref<4096x128xf32, #tpu.memory_space<vmem_shared>> -> memref<16x128xf32, #tpu.memory_space<vmem_shared>>
    %dma_start3A_114 = arith.constant 0 : i32
    %dma_start3A_115 = tpu.memref_slice %arg40[%add3A_111, %dma_start3A_114] : memref<4096x128xf32, #tpu.memory_space<vmem_shared>> -> memref<16x128xf32, #tpu.memory_space<vmem_shared>>
    tpu.enqueue_dma source(%arg37 : memref<16x128xf32, #tpu.memory_space<vmem>>) target(%dma_start3A_115 : memref<16x128xf32, #tpu.memory_space<vmem_shared>>) target_semaphore(%arg44 : memref<!tpu.dma_semaphore, #tpu.memory_space<semaphore_mem>>)
    %add3A_116 = arith.constant 128 : i32
    %add3A_117 = arith.addi %mul3A_0, %add3A_116 : i32
    %dma_start3A_118 = arith.constant 0 : i32
    %dma_start3A_119 = tpu.memref_slice %arg41[%add3A_117, %dma_start3A_118] : memref<4096x128xf32, #tpu.memory_space<vmem_shared>> -> memref<16x128xf32, #tpu.memory_space<vmem_shared>>
    %dma_start3A_120 = arith.constant 0 : i32
    %dma_start3A_121 = tpu.memref_slice %arg41[%add3A_117, %dma_start3A_120] : memref<4096x128xf32, #tpu.memory_space<vmem_shared>> -> memref<16x128xf32, #tpu.memory_space<vmem_shared>>
    tpu.enqueue_dma source(%arg37 : memref<16x128xf32, #tpu.memory_space<vmem>>) target(%dma_start3A_121 : memref<16x128xf32, #tpu.memory_space<vmem_shared>>) target_semaphore(%arg44 : memref<!tpu.dma_semaphore, #tpu.memory_space<semaphore_mem>>)
    %add3A_122 = arith.constant 144 : i32
    %add3A_123 = arith.addi %mul3A_0, %add3A_122 : i32
    %dma_start3A_124 = arith.constant 0 : i32
    %dma_start3A_125 = tpu.memref_slice %arg40[%add3A_123, %dma_start3A_124] : memref<4096x128xf32, #tpu.memory_space<vmem_shared>> -> memref<16x128xf32, #tpu.memory_space<vmem_shared>>
    %dma_start3A_126 = arith.constant 0 : i32
    %dma_start3A_127 = tpu.memref_slice %arg40[%add3A_123, %dma_start3A_126] : memref<4096x128xf32, #tpu.memory_space<vmem_shared>> -> memref<16x128xf32, #tpu.memory_space<vmem_shared>>
    tpu.enqueue_dma source(%arg37 : memref<16x128xf32, #tpu.memory_space<vmem>>) target(%dma_start3A_127 : memref<16x128xf32, #tpu.memory_space<vmem_shared>>) target_semaphore(%arg44 : memref<!tpu.dma_semaphore, #tpu.memory_space<semaphore_mem>>)
    %add3A_128 = arith.constant 144 : i32
    %add3A_129 = arith.addi %mul3A_0, %add3A_128 : i32
    %dma_start3A_130 = arith.constant 0 : i32
    %dma_start3A_131 = tpu.memref_slice %arg41[%add3A_129, %dma_start3A_130] : memref<4096x128xf32, #tpu.memory_space<vmem_shared>> -> memref<16x128xf32, #tpu.memory_space<vmem_shared>>
    %dma_start3A_132 = arith.constant 0 : i32
    %dma_start3A_133 = tpu.memref_slice %arg41[%add3A_129, %dma_start3A_132] : memref<4096x128xf32, #tpu.memory_space<vmem_shared>> -> memref<16x128xf32, #tpu.memory_space<vmem_shared>>
    tpu.enqueue_dma source(%arg37 : memref<16x128xf32, #tpu.memory_space<vmem>>) target(%dma_start3A_133 : memref<16x128xf32, #tpu.memory_space<vmem_shared>>) target_semaphore(%arg44 : memref<!tpu.dma_semaphore, #tpu.memory_space<semaphore_mem>>)
    %add3A_134 = arith.constant 160 : i32
    %add3A_135 = arith.addi %mul3A_0, %add3A_134 : i32
    %dma_start3A_136 = arith.constant 0 : i32
    %dma_start3A_137 = tpu.memref_slice %arg40[%add3A_135, %dma_start3A_136] : memref<4096x128xf32, #tpu.memory_space<vmem_shared>> -> memref<16x128xf32, #tpu.memory_space<vmem_shared>>
    %dma_start3A_138 = arith.constant 0 : i32
    %dma_start3A_139 = tpu.memref_slice %arg40[%add3A_135, %dma_start3A_138] : memref<4096x128xf32, #tpu.memory_space<vmem_shared>> -> memref<16x128xf32, #tpu.memory_space<vmem_shared>>
    tpu.enqueue_dma source(%arg37 : memref<16x128xf32, #tpu.memory_space<vmem>>) target(%dma_start3A_139 : memref<16x128xf32, #tpu.memory_space<vmem_shared>>) target_semaphore(%arg44 : memref<!tpu.dma_semaphore, #tpu.memory_space<semaphore_mem>>)
    %add3A_140 = arith.constant 160 : i32
    %add3A_141 = arith.addi %mul3A_0, %add3A_140 : i32
    %dma_start3A_142 = arith.constant 0 : i32
    %dma_start3A_143 = tpu.memref_slice %arg41[%add3A_141, %dma_start3A_142] : memref<4096x128xf32, #tpu.memory_space<vmem_shared>> -> memref<16x128xf32, #tpu.memory_space<vmem_shared>>
    %dma_start3A_144 = arith.constant 0 : i32
    %dma_start3A_145 = tpu.memref_slice %arg41[%add3A_141, %dma_start3A_144] : memref<4096x128xf32, #tpu.memory_space<vmem_shared>> -> memref<16x128xf32, #tpu.memory_space<vmem_shared>>
    tpu.enqueue_dma source(%arg37 : memref<16x128xf32, #tpu.memory_space<vmem>>) target(%dma_start3A_145 : memref<16x128xf32, #tpu.memory_space<vmem_shared>>) target_semaphore(%arg44 : memref<!tpu.dma_semaphore, #tpu.memory_space<semaphore_mem>>)
    %add3A_146 = arith.constant 176 : i32
    %add3A_147 = arith.addi %mul3A_0, %add3A_146 : i32
    %dma_start3A_148 = arith.constant 0 : i32
    %dma_start3A_149 = tpu.memref_slice %arg40[%add3A_147, %dma_start3A_148] : memref<4096x128xf32, #tpu.memory_space<vmem_shared>> -> memref<16x128xf32, #tpu.memory_space<vmem_shared>>
    %dma_start3A_150 = arith.constant 0 : i32
    %dma_start3A_151 = tpu.memref_slice %arg40[%add3A_147, %dma_start3A_150] : memref<4096x128xf32, #tpu.memory_space<vmem_shared>> -> memref<16x128xf32, #tpu.memory_space<vmem_shared>>
    tpu.enqueue_dma source(%arg37 : memref<16x128xf32, #tpu.memory_space<vmem>>) target(%dma_start3A_151 : memref<16x128xf32, #tpu.memory_space<vmem_shared>>) target_semaphore(%arg44 : memref<!tpu.dma_semaphore, #tpu.memory_space<semaphore_mem>>)
    %add3A_152 = arith.constant 176 : i32
    %add3A_153 = arith.addi %mul3A_0, %add3A_152 : i32
    %dma_start3A_154 = arith.constant 0 : i32
    %dma_start3A_155 = tpu.memref_slice %arg41[%add3A_153, %dma_start3A_154] : memref<4096x128xf32, #tpu.memory_space<vmem_shared>> -> memref<16x128xf32, #tpu.memory_space<vmem_shared>>
    %dma_start3A_156 = arith.constant 0 : i32
    %dma_start3A_157 = tpu.memref_slice %arg41[%add3A_153, %dma_start3A_156] : memref<4096x128xf32, #tpu.memory_space<vmem_shared>> -> memref<16x128xf32, #tpu.memory_space<vmem_shared>>
    tpu.enqueue_dma source(%arg37 : memref<16x128xf32, #tpu.memory_space<vmem>>) target(%dma_start3A_157 : memref<16x128xf32, #tpu.memory_space<vmem_shared>>) target_semaphore(%arg44 : memref<!tpu.dma_semaphore, #tpu.memory_space<semaphore_mem>>)
    %add3A_158 = arith.constant 192 : i32
    %add3A_159 = arith.addi %mul3A_0, %add3A_158 : i32
    %dma_start3A_160 = arith.constant 0 : i32
    %dma_start3A_161 = tpu.memref_slice %arg40[%add3A_159, %dma_start3A_160] : memref<4096x128xf32, #tpu.memory_space<vmem_shared>> -> memref<16x128xf32, #tpu.memory_space<vmem_shared>>
    %dma_start3A_162 = arith.constant 0 : i32
    %dma_start3A_163 = tpu.memref_slice %arg40[%add3A_159, %dma_start3A_162] : memref<4096x128xf32, #tpu.memory_space<vmem_shared>> -> memref<16x128xf32, #tpu.memory_space<vmem_shared>>
    tpu.enqueue_dma source(%arg37 : memref<16x128xf32, #tpu.memory_space<vmem>>) target(%dma_start3A_163 : memref<16x128xf32, #tpu.memory_space<vmem_shared>>) target_semaphore(%arg44 : memref<!tpu.dma_semaphore, #tpu.memory_space<semaphore_mem>>)
    %add3A_164 = arith.constant 192 : i32
    %add3A_165 = arith.addi %mul3A_0, %add3A_164 : i32
    %dma_start3A_166 = arith.constant 0 : i32
    %dma_start3A_167 = tpu.memref_slice %arg41[%add3A_165, %dma_start3A_166] : memref<4096x128xf32, #tpu.memory_space<vmem_shared>> -> memref<16x128xf32, #tpu.memory_space<vmem_shared>>
    %dma_start3A_168 = arith.constant 0 : i32
    %dma_start3A_169 = tpu.memref_slice %arg41[%add3A_165, %dma_start3A_168] : memref<4096x128xf32, #tpu.memory_space<vmem_shared>> -> memref<16x128xf32, #tpu.memory_space<vmem_shared>>
    tpu.enqueue_dma source(%arg37 : memref<16x128xf32, #tpu.memory_space<vmem>>) target(%dma_start3A_169 : memref<16x128xf32, #tpu.memory_space<vmem_shared>>) target_semaphore(%arg44 : memref<!tpu.dma_semaphore, #tpu.memory_space<semaphore_mem>>)
    %add3A_170 = arith.constant 208 : i32
    %add3A_171 = arith.addi %mul3A_0, %add3A_170 : i32
    %dma_start3A_172 = arith.constant 0 : i32
    %dma_start3A_173 = tpu.memref_slice %arg40[%add3A_171, %dma_start3A_172] : memref<4096x128xf32, #tpu.memory_space<vmem_shared>> -> memref<16x128xf32, #tpu.memory_space<vmem_shared>>
    %dma_start3A_174 = arith.constant 0 : i32
    %dma_start3A_175 = tpu.memref_slice %arg40[%add3A_171, %dma_start3A_174] : memref<4096x128xf32, #tpu.memory_space<vmem_shared>> -> memref<16x128xf32, #tpu.memory_space<vmem_shared>>
    tpu.enqueue_dma source(%arg37 : memref<16x128xf32, #tpu.memory_space<vmem>>) target(%dma_start3A_175 : memref<16x128xf32, #tpu.memory_space<vmem_shared>>) target_semaphore(%arg44 : memref<!tpu.dma_semaphore, #tpu.memory_space<semaphore_mem>>)
    %add3A_176 = arith.constant 208 : i32
    %add3A_177 = arith.addi %mul3A_0, %add3A_176 : i32
    %dma_start3A_178 = arith.constant 0 : i32
    %dma_start3A_179 = tpu.memref_slice %arg41[%add3A_177, %dma_start3A_178] : memref<4096x128xf32, #tpu.memory_space<vmem_shared>> -> memref<16x128xf32, #tpu.memory_space<vmem_shared>>
    %dma_start3A_180 = arith.constant 0 : i32
    %dma_start3A_181 = tpu.memref_slice %arg41[%add3A_177, %dma_start3A_180] : memref<4096x128xf32, #tpu.memory_space<vmem_shared>> -> memref<16x128xf32, #tpu.memory_space<vmem_shared>>
    tpu.enqueue_dma source(%arg37 : memref<16x128xf32, #tpu.memory_space<vmem>>) target(%dma_start3A_181 : memref<16x128xf32, #tpu.memory_space<vmem_shared>>) target_semaphore(%arg44 : memref<!tpu.dma_semaphore, #tpu.memory_space<semaphore_mem>>)
    %add3A_182 = arith.constant 224 : i32
    %add3A_183 = arith.addi %mul3A_0, %add3A_182 : i32
    %dma_start3A_184 = arith.constant 0 : i32
    %dma_start3A_185 = tpu.memref_slice %arg40[%add3A_183, %dma_start3A_184] : memref<4096x128xf32, #tpu.memory_space<vmem_shared>> -> memref<16x128xf32, #tpu.memory_space<vmem_shared>>
    %dma_start3A_186 = arith.constant 0 : i32
    %dma_start3A_187 = tpu.memref_slice %arg40[%add3A_183, %dma_start3A_186] : memref<4096x128xf32, #tpu.memory_space<vmem_shared>> -> memref<16x128xf32, #tpu.memory_space<vmem_shared>>
    tpu.enqueue_dma source(%arg37 : memref<16x128xf32, #tpu.memory_space<vmem>>) target(%dma_start3A_187 : memref<16x128xf32, #tpu.memory_space<vmem_shared>>) target_semaphore(%arg44 : memref<!tpu.dma_semaphore, #tpu.memory_space<semaphore_mem>>)
    %add3A_188 = arith.constant 224 : i32
    %add3A_189 = arith.addi %mul3A_0, %add3A_188 : i32
    %dma_start3A_190 = arith.constant 0 : i32
    %dma_start3A_191 = tpu.memref_slice %arg41[%add3A_189, %dma_start3A_190] : memref<4096x128xf32, #tpu.memory_space<vmem_shared>> -> memref<16x128xf32, #tpu.memory_space<vmem_shared>>
    %dma_start3A_192 = arith.constant 0 : i32
    %dma_start3A_193 = tpu.memref_slice %arg41[%add3A_189, %dma_start3A_192] : memref<4096x128xf32, #tpu.memory_space<vmem_shared>> -> memref<16x128xf32, #tpu.memory_space<vmem_shared>>
    tpu.enqueue_dma source(%arg37 : memref<16x128xf32, #tpu.memory_space<vmem>>) target(%dma_start3A_193 : memref<16x128xf32, #tpu.memory_space<vmem_shared>>) target_semaphore(%arg44 : memref<!tpu.dma_semaphore, #tpu.memory_space<semaphore_mem>>)
    %add3A_194 = arith.constant 240 : i32
    %add3A_195 = arith.addi %mul3A_0, %add3A_194 : i32
    %dma_start3A_196 = arith.constant 0 : i32
    %dma_start3A_197 = tpu.memref_slice %arg40[%add3A_195, %dma_start3A_196] : memref<4096x128xf32, #tpu.memory_space<vmem_shared>> -> memref<16x128xf32, #tpu.memory_space<vmem_shared>>
    %dma_start3A_198 = arith.constant 0 : i32
    %dma_start3A_199 = tpu.memref_slice %arg40[%add3A_195, %dma_start3A_198] : memref<4096x128xf32, #tpu.memory_space<vmem_shared>> -> memref<16x128xf32, #tpu.memory_space<vmem_shared>>
    tpu.enqueue_dma source(%arg37 : memref<16x128xf32, #tpu.memory_space<vmem>>) target(%dma_start3A_199 : memref<16x128xf32, #tpu.memory_space<vmem_shared>>) target_semaphore(%arg44 : memref<!tpu.dma_semaphore, #tpu.memory_space<semaphore_mem>>)
    %add3A_200 = arith.constant 240 : i32
    %add3A_201 = arith.addi %mul3A_0, %add3A_200 : i32
    %dma_start3A_202 = arith.constant 0 : i32
    %dma_start3A_203 = tpu.memref_slice %arg41[%add3A_201, %dma_start3A_202] : memref<4096x128xf32, #tpu.memory_space<vmem_shared>> -> memref<16x128xf32, #tpu.memory_space<vmem_shared>>
    %dma_start3A_204 = arith.constant 0 : i32
    %dma_start3A_205 = tpu.memref_slice %arg41[%add3A_201, %dma_start3A_204] : memref<4096x128xf32, #tpu.memory_space<vmem_shared>> -> memref<16x128xf32, #tpu.memory_space<vmem_shared>>
    tpu.enqueue_dma source(%arg37 : memref<16x128xf32, #tpu.memory_space<vmem>>) target(%dma_start3A_205 : memref<16x128xf32, #tpu.memory_space<vmem_shared>>) target_semaphore(%arg44 : memref<!tpu.dma_semaphore, #tpu.memory_space<semaphore_mem>>)
    %dma_wait3A = tpu.memref_slice %arg39[%mul3A_0] : memref<4096xf32, #tpu.memory_space<vmem_shared>> -> memref<256xf32, #tpu.memory_space<vmem_shared>>
    %dma_wait3A_206 = tpu.memref_slice %arg39[%mul3A_0] : memref<4096xf32, #tpu.memory_space<vmem_shared>> -> memref<256xf32, #tpu.memory_space<vmem_shared>>
    tpu.wait_dma2 semaphore(%arg44 : memref<!tpu.dma_semaphore, #tpu.memory_space<semaphore_mem>>) src(%arg38 : memref<256xf32, #tpu.memory_space<vmem>>) dst(%dma_wait3A_206 : memref<256xf32, #tpu.memory_space<vmem_shared>>)
    %dma_wait3A_207 = arith.constant 0 : i32
    %dma_wait3A_208 = tpu.memref_slice %arg40[%add3A_15, %dma_wait3A_207] : memref<4096x128xf32, #tpu.memory_space<vmem_shared>> -> memref<16x128xf32, #tpu.memory_space<vmem_shared>>
    %dma_wait3A_209 = arith.constant 0 : i32
    %dma_wait3A_210 = tpu.memref_slice %arg40[%add3A_15, %dma_wait3A_209] : memref<4096x128xf32, #tpu.memory_space<vmem_shared>> -> memref<16x128xf32, #tpu.memory_space<vmem_shared>>
    tpu.wait_dma2 semaphore(%arg44 : memref<!tpu.dma_semaphore, #tpu.memory_space<semaphore_mem>>) src(%arg37 : memref<16x128xf32, #tpu.memory_space<vmem>>) dst(%dma_wait3A_210 : memref<16x128xf32, #tpu.memory_space<vmem_shared>>)
    %dma_wait3A_211 = arith.constant 0 : i32
    %dma_wait3A_212 = tpu.memref_slice %arg41[%add3A_21, %dma_wait3A_211] : memref<4096x128xf32, #tpu.memory_space<vmem_shared>> -> memref<16x128xf32, #tpu.memory_space<vmem_shared>>
    %dma_wait3A_213 = arith.constant 0 : i32
    %dma_wait3A_214 = tpu.memref_slice %arg41[%add3A_21, %dma_wait3A_213] : memref<4096x128xf32, #tpu.memory_space<vmem_shared>> -> memref<16x128xf32, #tpu.memory_space<vmem_shared>>
    tpu.wait_dma2 semaphore(%arg44 : memref<!tpu.dma_semaphore, #tpu.memory_space<semaphore_mem>>) src(%arg37 : memref<16x128xf32, #tpu.memory_space<vmem>>) dst(%dma_wait3A_214 : memref<16x128xf32, #tpu.memory_space<vmem_shared>>)
    %dma_wait3A_215 = arith.constant 0 : i32
    %dma_wait3A_216 = tpu.memref_slice %arg40[%add3A_27, %dma_wait3A_215] : memref<4096x128xf32, #tpu.memory_space<vmem_shared>> -> memref<16x128xf32, #tpu.memory_space<vmem_shared>>
    %dma_wait3A_217 = arith.constant 0 : i32
    %dma_wait3A_218 = tpu.memref_slice %arg40[%add3A_27, %dma_wait3A_217] : memref<4096x128xf32, #tpu.memory_space<vmem_shared>> -> memref<16x128xf32, #tpu.memory_space<vmem_shared>>
    tpu.wait_dma2 semaphore(%arg44 : memref<!tpu.dma_semaphore, #tpu.memory_space<semaphore_mem>>) src(%arg37 : memref<16x128xf32, #tpu.memory_space<vmem>>) dst(%dma_wait3A_218 : memref<16x128xf32, #tpu.memory_space<vmem_shared>>)
    %dma_wait3A_219 = arith.constant 0 : i32
    %dma_wait3A_220 = tpu.memref_slice %arg41[%add3A_33, %dma_wait3A_219] : memref<4096x128xf32, #tpu.memory_space<vmem_shared>> -> memref<16x128xf32, #tpu.memory_space<vmem_shared>>
    %dma_wait3A_221 = arith.constant 0 : i32
    %dma_wait3A_222 = tpu.memref_slice %arg41[%add3A_33, %dma_wait3A_221] : memref<4096x128xf32, #tpu.memory_space<vmem_shared>> -> memref<16x128xf32, #tpu.memory_space<vmem_shared>>
    tpu.wait_dma2 semaphore(%arg44 : memref<!tpu.dma_semaphore, #tpu.memory_space<semaphore_mem>>) src(%arg37 : memref<16x128xf32, #tpu.memory_space<vmem>>) dst(%dma_wait3A_222 : memref<16x128xf32, #tpu.memory_space<vmem_shared>>)
    %dma_wait3A_223 = arith.constant 0 : i32
    %dma_wait3A_224 = tpu.memref_slice %arg40[%add3A_39, %dma_wait3A_223] : memref<4096x128xf32, #tpu.memory_space<vmem_shared>> -> memref<16x128xf32, #tpu.memory_space<vmem_shared>>
    %dma_wait3A_225 = arith.constant 0 : i32
    %dma_wait3A_226 = tpu.memref_slice %arg40[%add3A_39, %dma_wait3A_225] : memref<4096x128xf32, #tpu.memory_space<vmem_shared>> -> memref<16x128xf32, #tpu.memory_space<vmem_shared>>
    tpu.wait_dma2 semaphore(%arg44 : memref<!tpu.dma_semaphore, #tpu.memory_space<semaphore_mem>>) src(%arg37 : memref<16x128xf32, #tpu.memory_space<vmem>>) dst(%dma_wait3A_226 : memref<16x128xf32, #tpu.memory_space<vmem_shared>>)
    %dma_wait3A_227 = arith.constant 0 : i32
    %dma_wait3A_228 = tpu.memref_slice %arg41[%add3A_45, %dma_wait3A_227] : memref<4096x128xf32, #tpu.memory_space<vmem_shared>> -> memref<16x128xf32, #tpu.memory_space<vmem_shared>>
    %dma_wait3A_229 = arith.constant 0 : i32
    %dma_wait3A_230 = tpu.memref_slice %arg41[%add3A_45, %dma_wait3A_229] : memref<4096x128xf32, #tpu.memory_space<vmem_shared>> -> memref<16x128xf32, #tpu.memory_space<vmem_shared>>
    tpu.wait_dma2 semaphore(%arg44 : memref<!tpu.dma_semaphore, #tpu.memory_space<semaphore_mem>>) src(%arg37 : memref<16x128xf32, #tpu.memory_space<vmem>>) dst(%dma_wait3A_230 : memref<16x128xf32, #tpu.memory_space<vmem_shared>>)
    %dma_wait3A_231 = arith.constant 0 : i32
    %dma_wait3A_232 = tpu.memref_slice %arg40[%add3A_51, %dma_wait3A_231] : memref<4096x128xf32, #tpu.memory_space<vmem_shared>> -> memref<16x128xf32, #tpu.memory_space<vmem_shared>>
    %dma_wait3A_233 = arith.constant 0 : i32
    %dma_wait3A_234 = tpu.memref_slice %arg40[%add3A_51, %dma_wait3A_233] : memref<4096x128xf32, #tpu.memory_space<vmem_shared>> -> memref<16x128xf32, #tpu.memory_space<vmem_shared>>
    tpu.wait_dma2 semaphore(%arg44 : memref<!tpu.dma_semaphore, #tpu.memory_space<semaphore_mem>>) src(%arg37 : memref<16x128xf32, #tpu.memory_space<vmem>>) dst(%dma_wait3A_234 : memref<16x128xf32, #tpu.memory_space<vmem_shared>>)
    %dma_wait3A_235 = arith.constant 0 : i32
    %dma_wait3A_236 = tpu.memref_slice %arg41[%add3A_57, %dma_wait3A_235] : memref<4096x128xf32, #tpu.memory_space<vmem_shared>> -> memref<16x128xf32, #tpu.memory_space<vmem_shared>>
    %dma_wait3A_237 = arith.constant 0 : i32
    %dma_wait3A_238 = tpu.memref_slice %arg41[%add3A_57, %dma_wait3A_237] : memref<4096x128xf32, #tpu.memory_space<vmem_shared>> -> memref<16x128xf32, #tpu.memory_space<vmem_shared>>
    tpu.wait_dma2 semaphore(%arg44 : memref<!tpu.dma_semaphore, #tpu.memory_space<semaphore_mem>>) src(%arg37 : memref<16x128xf32, #tpu.memory_space<vmem>>) dst(%dma_wait3A_238 : memref<16x128xf32, #tpu.memory_space<vmem_shared>>)
    %dma_wait3A_239 = arith.constant 0 : i32
    %dma_wait3A_240 = tpu.memref_slice %arg40[%add3A_63, %dma_wait3A_239] : memref<4096x128xf32, #tpu.memory_space<vmem_shared>> -> memref<16x128xf32, #tpu.memory_space<vmem_shared>>
    %dma_wait3A_241 = arith.constant 0 : i32
    %dma_wait3A_242 = tpu.memref_slice %arg40[%add3A_63, %dma_wait3A_241] : memref<4096x128xf32, #tpu.memory_space<vmem_shared>> -> memref<16x128xf32, #tpu.memory_space<vmem_shared>>
    tpu.wait_dma2 semaphore(%arg44 : memref<!tpu.dma_semaphore, #tpu.memory_space<semaphore_mem>>) src(%arg37 : memref<16x128xf32, #tpu.memory_space<vmem>>) dst(%dma_wait3A_242 : memref<16x128xf32, #tpu.memory_space<vmem_shared>>)
    %dma_wait3A_243 = arith.constant 0 : i32
    %dma_wait3A_244 = tpu.memref_slice %arg41[%add3A_69, %dma_wait3A_243] : memref<4096x128xf32, #tpu.memory_space<vmem_shared>> -> memref<16x128xf32, #tpu.memory_space<vmem_shared>>
    %dma_wait3A_245 = arith.constant 0 : i32
    %dma_wait3A_246 = tpu.memref_slice %arg41[%add3A_69, %dma_wait3A_245] : memref<4096x128xf32, #tpu.memory_space<vmem_shared>> -> memref<16x128xf32, #tpu.memory_space<vmem_shared>>
    tpu.wait_dma2 semaphore(%arg44 : memref<!tpu.dma_semaphore, #tpu.memory_space<semaphore_mem>>) src(%arg37 : memref<16x128xf32, #tpu.memory_space<vmem>>) dst(%dma_wait3A_246 : memref<16x128xf32, #tpu.memory_space<vmem_shared>>)
    %dma_wait3A_247 = arith.constant 0 : i32
    %dma_wait3A_248 = tpu.memref_slice %arg40[%add3A_75, %dma_wait3A_247] : memref<4096x128xf32, #tpu.memory_space<vmem_shared>> -> memref<16x128xf32, #tpu.memory_space<vmem_shared>>
    %dma_wait3A_249 = arith.constant 0 : i32
    %dma_wait3A_250 = tpu.memref_slice %arg40[%add3A_75, %dma_wait3A_249] : memref<4096x128xf32, #tpu.memory_space<vmem_shared>> -> memref<16x128xf32, #tpu.memory_space<vmem_shared>>
    tpu.wait_dma2 semaphore(%arg44 : memref<!tpu.dma_semaphore, #tpu.memory_space<semaphore_mem>>) src(%arg37 : memref<16x128xf32, #tpu.memory_space<vmem>>) dst(%dma_wait3A_250 : memref<16x128xf32, #tpu.memory_space<vmem_shared>>)
    %dma_wait3A_251 = arith.constant 0 : i32
    %dma_wait3A_252 = tpu.memref_slice %arg41[%add3A_81, %dma_wait3A_251] : memref<4096x128xf32, #tpu.memory_space<vmem_shared>> -> memref<16x128xf32, #tpu.memory_space<vmem_shared>>
    %dma_wait3A_253 = arith.constant 0 : i32
    %dma_wait3A_254 = tpu.memref_slice %arg41[%add3A_81, %dma_wait3A_253] : memref<4096x128xf32, #tpu.memory_space<vmem_shared>> -> memref<16x128xf32, #tpu.memory_space<vmem_shared>>
    tpu.wait_dma2 semaphore(%arg44 : memref<!tpu.dma_semaphore, #tpu.memory_space<semaphore_mem>>) src(%arg37 : memref<16x128xf32, #tpu.memory_space<vmem>>) dst(%dma_wait3A_254 : memref<16x128xf32, #tpu.memory_space<vmem_shared>>)
    %dma_wait3A_255 = arith.constant 0 : i32
    %dma_wait3A_256 = tpu.memref_slice %arg40[%add3A_87, %dma_wait3A_255] : memref<4096x128xf32, #tpu.memory_space<vmem_shared>> -> memref<16x128xf32, #tpu.memory_space<vmem_shared>>
    %dma_wait3A_257 = arith.constant 0 : i32
    %dma_wait3A_258 = tpu.memref_slice %arg40[%add3A_87, %dma_wait3A_257] : memref<4096x128xf32, #tpu.memory_space<vmem_shared>> -> memref<16x128xf32, #tpu.memory_space<vmem_shared>>
    tpu.wait_dma2 semaphore(%arg44 : memref<!tpu.dma_semaphore, #tpu.memory_space<semaphore_mem>>) src(%arg37 : memref<16x128xf32, #tpu.memory_space<vmem>>) dst(%dma_wait3A_258 : memref<16x128xf32, #tpu.memory_space<vmem_shared>>)
    %dma_wait3A_259 = arith.constant 0 : i32
    %dma_wait3A_260 = tpu.memref_slice %arg41[%add3A_93, %dma_wait3A_259] : memref<4096x128xf32, #tpu.memory_space<vmem_shared>> -> memref<16x128xf32, #tpu.memory_space<vmem_shared>>
    %dma_wait3A_261 = arith.constant 0 : i32
    %dma_wait3A_262 = tpu.memref_slice %arg41[%add3A_93, %dma_wait3A_261] : memref<4096x128xf32, #tpu.memory_space<vmem_shared>> -> memref<16x128xf32, #tpu.memory_space<vmem_shared>>
    tpu.wait_dma2 semaphore(%arg44 : memref<!tpu.dma_semaphore, #tpu.memory_space<semaphore_mem>>) src(%arg37 : memref<16x128xf32, #tpu.memory_space<vmem>>) dst(%dma_wait3A_262 : memref<16x128xf32, #tpu.memory_space<vmem_shared>>)
    %dma_wait3A_263 = arith.constant 0 : i32
    %dma_wait3A_264 = tpu.memref_slice %arg40[%add3A_99, %dma_wait3A_263] : memref<4096x128xf32, #tpu.memory_space<vmem_shared>> -> memref<16x128xf32, #tpu.memory_space<vmem_shared>>
    %dma_wait3A_265 = arith.constant 0 : i32
    %dma_wait3A_266 = tpu.memref_slice %arg40[%add3A_99, %dma_wait3A_265] : memref<4096x128xf32, #tpu.memory_space<vmem_shared>> -> memref<16x128xf32, #tpu.memory_space<vmem_shared>>
    tpu.wait_dma2 semaphore(%arg44 : memref<!tpu.dma_semaphore, #tpu.memory_space<semaphore_mem>>) src(%arg37 : memref<16x128xf32, #tpu.memory_space<vmem>>) dst(%dma_wait3A_266 : memref<16x128xf32, #tpu.memory_space<vmem_shared>>)
    %dma_wait3A_267 = arith.constant 0 : i32
    %dma_wait3A_268 = tpu.memref_slice %arg41[%add3A_105, %dma_wait3A_267] : memref<4096x128xf32, #tpu.memory_space<vmem_shared>> -> memref<16x128xf32, #tpu.memory_space<vmem_shared>>
    %dma_wait3A_269 = arith.constant 0 : i32
    %dma_wait3A_270 = tpu.memref_slice %arg41[%add3A_105, %dma_wait3A_269] : memref<4096x128xf32, #tpu.memory_space<vmem_shared>> -> memref<16x128xf32, #tpu.memory_space<vmem_shared>>
    tpu.wait_dma2 semaphore(%arg44 : memref<!tpu.dma_semaphore, #tpu.memory_space<semaphore_mem>>) src(%arg37 : memref<16x128xf32, #tpu.memory_space<vmem>>) dst(%dma_wait3A_270 : memref<16x128xf32, #tpu.memory_space<vmem_shared>>)
    %dma_wait3A_271 = arith.constant 0 : i32
    %dma_wait3A_272 = tpu.memref_slice %arg40[%add3A_111, %dma_wait3A_271] : memref<4096x128xf32, #tpu.memory_space<vmem_shared>> -> memref<16x128xf32, #tpu.memory_space<vmem_shared>>
    %dma_wait3A_273 = arith.constant 0 : i32
    %dma_wait3A_274 = tpu.memref_slice %arg40[%add3A_111, %dma_wait3A_273] : memref<4096x128xf32, #tpu.memory_space<vmem_shared>> -> memref<16x128xf32, #tpu.memory_space<vmem_shared>>
    tpu.wait_dma2 semaphore(%arg44 : memref<!tpu.dma_semaphore, #tpu.memory_space<semaphore_mem>>) src(%arg37 : memref<16x128xf32, #tpu.memory_space<vmem>>) dst(%dma_wait3A_274 : memref<16x128xf32, #tpu.memory_space<vmem_shared>>)
    %dma_wait3A_275 = arith.constant 0 : i32
    %dma_wait3A_276 = tpu.memref_slice %arg41[%add3A_117, %dma_wait3A_275] : memref<4096x128xf32, #tpu.memory_space<vmem_shared>> -> memref<16x128xf32, #tpu.memory_space<vmem_shared>>
    %dma_wait3A_277 = arith.constant 0 : i32
    %dma_wait3A_278 = tpu.memref_slice %arg41[%add3A_117, %dma_wait3A_277] : memref<4096x128xf32, #tpu.memory_space<vmem_shared>> -> memref<16x128xf32, #tpu.memory_space<vmem_shared>>
    tpu.wait_dma2 semaphore(%arg44 : memref<!tpu.dma_semaphore, #tpu.memory_space<semaphore_mem>>) src(%arg37 : memref<16x128xf32, #tpu.memory_space<vmem>>) dst(%dma_wait3A_278 : memref<16x128xf32, #tpu.memory_space<vmem_shared>>)
    %dma_wait3A_279 = arith.constant 0 : i32
    %dma_wait3A_280 = tpu.memref_slice %arg40[%add3A_123, %dma_wait3A_279] : memref<4096x128xf32, #tpu.memory_space<vmem_shared>> -> memref<16x128xf32, #tpu.memory_space<vmem_shared>>
    %dma_wait3A_281 = arith.constant 0 : i32
    %dma_wait3A_282 = tpu.memref_slice %arg40[%add3A_123, %dma_wait3A_281] : memref<4096x128xf32, #tpu.memory_space<vmem_shared>> -> memref<16x128xf32, #tpu.memory_space<vmem_shared>>
    tpu.wait_dma2 semaphore(%arg44 : memref<!tpu.dma_semaphore, #tpu.memory_space<semaphore_mem>>) src(%arg37 : memref<16x128xf32, #tpu.memory_space<vmem>>) dst(%dma_wait3A_282 : memref<16x128xf32, #tpu.memory_space<vmem_shared>>)
    %dma_wait3A_283 = arith.constant 0 : i32
    %dma_wait3A_284 = tpu.memref_slice %arg41[%add3A_129, %dma_wait3A_283] : memref<4096x128xf32, #tpu.memory_space<vmem_shared>> -> memref<16x128xf32, #tpu.memory_space<vmem_shared>>
    %dma_wait3A_285 = arith.constant 0 : i32
    %dma_wait3A_286 = tpu.memref_slice %arg41[%add3A_129, %dma_wait3A_285] : memref<4096x128xf32, #tpu.memory_space<vmem_shared>> -> memref<16x128xf32, #tpu.memory_space<vmem_shared>>
    tpu.wait_dma2 semaphore(%arg44 : memref<!tpu.dma_semaphore, #tpu.memory_space<semaphore_mem>>) src(%arg37 : memref<16x128xf32, #tpu.memory_space<vmem>>) dst(%dma_wait3A_286 : memref<16x128xf32, #tpu.memory_space<vmem_shared>>)
    %dma_wait3A_287 = arith.constant 0 : i32
    %dma_wait3A_288 = tpu.memref_slice %arg40[%add3A_135, %dma_wait3A_287] : memref<4096x128xf32, #tpu.memory_space<vmem_shared>> -> memref<16x128xf32, #tpu.memory_space<vmem_shared>>
    %dma_wait3A_289 = arith.constant 0 : i32
    %dma_wait3A_290 = tpu.memref_slice %arg40[%add3A_135, %dma_wait3A_289] : memref<4096x128xf32, #tpu.memory_space<vmem_shared>> -> memref<16x128xf32, #tpu.memory_space<vmem_shared>>
    tpu.wait_dma2 semaphore(%arg44 : memref<!tpu.dma_semaphore, #tpu.memory_space<semaphore_mem>>) src(%arg37 : memref<16x128xf32, #tpu.memory_space<vmem>>) dst(%dma_wait3A_290 : memref<16x128xf32, #tpu.memory_space<vmem_shared>>)
    %dma_wait3A_291 = arith.constant 0 : i32
    %dma_wait3A_292 = tpu.memref_slice %arg41[%add3A_141, %dma_wait3A_291] : memref<4096x128xf32, #tpu.memory_space<vmem_shared>> -> memref<16x128xf32, #tpu.memory_space<vmem_shared>>
    %dma_wait3A_293 = arith.constant 0 : i32
    %dma_wait3A_294 = tpu.memref_slice %arg41[%add3A_141, %dma_wait3A_293] : memref<4096x128xf32, #tpu.memory_space<vmem_shared>> -> memref<16x128xf32, #tpu.memory_space<vmem_shared>>
    tpu.wait_dma2 semaphore(%arg44 : memref<!tpu.dma_semaphore, #tpu.memory_space<semaphore_mem>>) src(%arg37 : memref<16x128xf32, #tpu.memory_space<vmem>>) dst(%dma_wait3A_294 : memref<16x128xf32, #tpu.memory_space<vmem_shared>>)
    %dma_wait3A_295 = arith.constant 0 : i32
    %dma_wait3A_296 = tpu.memref_slice %arg40[%add3A_147, %dma_wait3A_295] : memref<4096x128xf32, #tpu.memory_space<vmem_shared>> -> memref<16x128xf32, #tpu.memory_space<vmem_shared>>
    %dma_wait3A_297 = arith.constant 0 : i32
    %dma_wait3A_298 = tpu.memref_slice %arg40[%add3A_147, %dma_wait3A_297] : memref<4096x128xf32, #tpu.memory_space<vmem_shared>> -> memref<16x128xf32, #tpu.memory_space<vmem_shared>>
    tpu.wait_dma2 semaphore(%arg44 : memref<!tpu.dma_semaphore, #tpu.memory_space<semaphore_mem>>) src(%arg37 : memref<16x128xf32, #tpu.memory_space<vmem>>) dst(%dma_wait3A_298 : memref<16x128xf32, #tpu.memory_space<vmem_shared>>)
    %dma_wait3A_299 = arith.constant 0 : i32
    %dma_wait3A_300 = tpu.memref_slice %arg41[%add3A_153, %dma_wait3A_299] : memref<4096x128xf32, #tpu.memory_space<vmem_shared>> -> memref<16x128xf32, #tpu.memory_space<vmem_shared>>
    %dma_wait3A_301 = arith.constant 0 : i32
    %dma_wait3A_302 = tpu.memref_slice %arg41[%add3A_153, %dma_wait3A_301] : memref<4096x128xf32, #tpu.memory_space<vmem_shared>> -> memref<16x128xf32, #tpu.memory_space<vmem_shared>>
    tpu.wait_dma2 semaphore(%arg44 : memref<!tpu.dma_semaphore, #tpu.memory_space<semaphore_mem>>) src(%arg37 : memref<16x128xf32, #tpu.memory_space<vmem>>) dst(%dma_wait3A_302 : memref<16x128xf32, #tpu.memory_space<vmem_shared>>)
    %dma_wait3A_303 = arith.constant 0 : i32
    %dma_wait3A_304 = tpu.memref_slice %arg40[%add3A_159, %dma_wait3A_303] : memref<4096x128xf32, #tpu.memory_space<vmem_shared>> -> memref<16x128xf32, #tpu.memory_space<vmem_shared>>
    %dma_wait3A_305 = arith.constant 0 : i32
    %dma_wait3A_306 = tpu.memref_slice %arg40[%add3A_159, %dma_wait3A_305] : memref<4096x128xf32, #tpu.memory_space<vmem_shared>> -> memref<16x128xf32, #tpu.memory_space<vmem_shared>>
    tpu.wait_dma2 semaphore(%arg44 : memref<!tpu.dma_semaphore, #tpu.memory_space<semaphore_mem>>) src(%arg37 : memref<16x128xf32, #tpu.memory_space<vmem>>) dst(%dma_wait3A_306 : memref<16x128xf32, #tpu.memory_space<vmem_shared>>)
    %dma_wait3A_307 = arith.constant 0 : i32
    %dma_wait3A_308 = tpu.memref_slice %arg41[%add3A_165, %dma_wait3A_307] : memref<4096x128xf32, #tpu.memory_space<vmem_shared>> -> memref<16x128xf32, #tpu.memory_space<vmem_shared>>
    %dma_wait3A_309 = arith.constant 0 : i32
    %dma_wait3A_310 = tpu.memref_slice %arg41[%add3A_165, %dma_wait3A_309] : memref<4096x128xf32, #tpu.memory_space<vmem_shared>> -> memref<16x128xf32, #tpu.memory_space<vmem_shared>>
    tpu.wait_dma2 semaphore(%arg44 : memref<!tpu.dma_semaphore, #tpu.memory_space<semaphore_mem>>) src(%arg37 : memref<16x128xf32, #tpu.memory_space<vmem>>) dst(%dma_wait3A_310 : memref<16x128xf32, #tpu.memory_space<vmem_shared>>)
    %dma_wait3A_311 = arith.constant 0 : i32
    %dma_wait3A_312 = tpu.memref_slice %arg40[%add3A_171, %dma_wait3A_311] : memref<4096x128xf32, #tpu.memory_space<vmem_shared>> -> memref<16x128xf32, #tpu.memory_space<vmem_shared>>
    %dma_wait3A_313 = arith.constant 0 : i32
    %dma_wait3A_314 = tpu.memref_slice %arg40[%add3A_171, %dma_wait3A_313] : memref<4096x128xf32, #tpu.memory_space<vmem_shared>> -> memref<16x128xf32, #tpu.memory_space<vmem_shared>>
    tpu.wait_dma2 semaphore(%arg44 : memref<!tpu.dma_semaphore, #tpu.memory_space<semaphore_mem>>) src(%arg37 : memref<16x128xf32, #tpu.memory_space<vmem>>) dst(%dma_wait3A_314 : memref<16x128xf32, #tpu.memory_space<vmem_shared>>)
    %dma_wait3A_315 = arith.constant 0 : i32
    %dma_wait3A_316 = tpu.memref_slice %arg41[%add3A_177, %dma_wait3A_315] : memref<4096x128xf32, #tpu.memory_space<vmem_shared>> -> memref<16x128xf32, #tpu.memory_space<vmem_shared>>
    %dma_wait3A_317 = arith.constant 0 : i32
    %dma_wait3A_318 = tpu.memref_slice %arg41[%add3A_177, %dma_wait3A_317] : memref<4096x128xf32, #tpu.memory_space<vmem_shared>> -> memref<16x128xf32, #tpu.memory_space<vmem_shared>>
    tpu.wait_dma2 semaphore(%arg44 : memref<!tpu.dma_semaphore, #tpu.memory_space<semaphore_mem>>) src(%arg37 : memref<16x128xf32, #tpu.memory_space<vmem>>) dst(%dma_wait3A_318 : memref<16x128xf32, #tpu.memory_space<vmem_shared>>)
    %dma_wait3A_319 = arith.constant 0 : i32
    %dma_wait3A_320 = tpu.memref_slice %arg40[%add3A_183, %dma_wait3A_319] : memref<4096x128xf32, #tpu.memory_space<vmem_shared>> -> memref<16x128xf32, #tpu.memory_space<vmem_shared>>
    %dma_wait3A_321 = arith.constant 0 : i32
    %dma_wait3A_322 = tpu.memref_slice %arg40[%add3A_183, %dma_wait3A_321] : memref<4096x128xf32, #tpu.memory_space<vmem_shared>> -> memref<16x128xf32, #tpu.memory_space<vmem_shared>>
    tpu.wait_dma2 semaphore(%arg44 : memref<!tpu.dma_semaphore, #tpu.memory_space<semaphore_mem>>) src(%arg37 : memref<16x128xf32, #tpu.memory_space<vmem>>) dst(%dma_wait3A_322 : memref<16x128xf32, #tpu.memory_space<vmem_shared>>)
    %dma_wait3A_323 = arith.constant 0 : i32
    %dma_wait3A_324 = tpu.memref_slice %arg41[%add3A_189, %dma_wait3A_323] : memref<4096x128xf32, #tpu.memory_space<vmem_shared>> -> memref<16x128xf32, #tpu.memory_space<vmem_shared>>
    %dma_wait3A_325 = arith.constant 0 : i32
    %dma_wait3A_326 = tpu.memref_slice %arg41[%add3A_189, %dma_wait3A_325] : memref<4096x128xf32, #tpu.memory_space<vmem_shared>> -> memref<16x128xf32, #tpu.memory_space<vmem_shared>>
    tpu.wait_dma2 semaphore(%arg44 : memref<!tpu.dma_semaphore, #tpu.memory_space<semaphore_mem>>) src(%arg37 : memref<16x128xf32, #tpu.memory_space<vmem>>) dst(%dma_wait3A_326 : memref<16x128xf32, #tpu.memory_space<vmem_shared>>)
    %dma_wait3A_327 = arith.constant 0 : i32
    %dma_wait3A_328 = tpu.memref_slice %arg40[%add3A_195, %dma_wait3A_327] : memref<4096x128xf32, #tpu.memory_space<vmem_shared>> -> memref<16x128xf32, #tpu.memory_space<vmem_shared>>
    %dma_wait3A_329 = arith.constant 0 : i32
    %dma_wait3A_330 = tpu.memref_slice %arg40[%add3A_195, %dma_wait3A_329] : memref<4096x128xf32, #tpu.memory_space<vmem_shared>> -> memref<16x128xf32, #tpu.memory_space<vmem_shared>>
    tpu.wait_dma2 semaphore(%arg44 : memref<!tpu.dma_semaphore, #tpu.memory_space<semaphore_mem>>) src(%arg37 : memref<16x128xf32, #tpu.memory_space<vmem>>) dst(%dma_wait3A_330 : memref<16x128xf32, #tpu.memory_space<vmem_shared>>)
    %dma_wait3A_331 = arith.constant 0 : i32
    %dma_wait3A_332 = tpu.memref_slice %arg41[%add3A_201, %dma_wait3A_331] : memref<4096x128xf32, #tpu.memory_space<vmem_shared>> -> memref<16x128xf32, #tpu.memory_space<vmem_shared>>
    %dma_wait3A_333 = arith.constant 0 : i32
    %dma_wait3A_334 = tpu.memref_slice %arg41[%add3A_201, %dma_wait3A_333] : memref<4096x128xf32, #tpu.memory_space<vmem_shared>> -> memref<16x128xf32, #tpu.memory_space<vmem_shared>>
    tpu.wait_dma2 semaphore(%arg44 : memref<!tpu.dma_semaphore, #tpu.memory_space<semaphore_mem>>) src(%arg37 : memref<16x128xf32, #tpu.memory_space<vmem>>) dst(%dma_wait3A_334 : memref<16x128xf32, #tpu.memory_space<vmem_shared>>)
    "tpu.region"() ({
      %run_scoped3A = tpu.sem_alloc : memref<!tpu.dma_semaphore, #tpu.memory_space<semaphore_mem>>
      tpu.enqueue_dma source(%arg9 : memref<272xf32, #tpu.memory_space<hbm>>) target(%arg19 : memref<272xf32, #tpu.memory_space<vmem>>) target_semaphore(%run_scoped3A : memref<!tpu.dma_semaphore, #tpu.memory_space<semaphore_mem>>)
      tpu.wait_dma2 semaphore(%run_scoped3A : memref<!tpu.dma_semaphore, #tpu.memory_space<semaphore_mem>>) src(%arg9 : memref<272xf32, #tpu.memory_space<hbm>>) dst(%arg19 : memref<272xf32, #tpu.memory_space<vmem>>)
      tpu.yield
    }) : () -> ()
    %mul3A_335 = arith.constant 8192 : i32
    %mul3A_336 = arith.muli %arg1, %mul3A_335 : i32
    "tpu.region"() ({
      %run_scoped3A = tpu.sem_alloc : memref<!tpu.dma_semaphore, #tpu.memory_space<semaphore_mem>>
      %dma_start3A_727 = tpu.memref_slice %arg2[%mul3A_336] : memref<131072xi32, #tpu.memory_space<hbm>> -> memref<8192xi32, #tpu.memory_space<hbm>>
      %dma_start3A_728 = tpu.memref_slice %arg2[%mul3A_336] : memref<131072xi32, #tpu.memory_space<hbm>> -> memref<8192xi32, #tpu.memory_space<hbm>>
      tpu.enqueue_dma source(%dma_start3A_728 : memref<8192xi32, #tpu.memory_space<hbm>>) target(%arg15 : memref<8192xi32, #tpu.memory_space<vmem>>) target_semaphore(%run_scoped3A : memref<!tpu.dma_semaphore, #tpu.memory_space<semaphore_mem>>)
      %dma_wait3A_729 = tpu.memref_slice %arg2[%mul3A_336] : memref<131072xi32, #tpu.memory_space<hbm>> -> memref<8192xi32, #tpu.memory_space<hbm>>
      %dma_wait3A_730 = tpu.memref_slice %arg2[%mul3A_336] : memref<131072xi32, #tpu.memory_space<hbm>> -> memref<8192xi32, #tpu.memory_space<hbm>>
      tpu.wait_dma2 semaphore(%run_scoped3A : memref<!tpu.dma_semaphore, #tpu.memory_space<semaphore_mem>>) src(%dma_wait3A_730 : memref<8192xi32, #tpu.memory_space<hbm>>) dst(%arg15 : memref<8192xi32, #tpu.memory_space<vmem>>)
      tpu.yield
    }) : () -> ()
    %scan3A_337 = arith.constant 0 : i32
    %scan3A_338 = arith.constant 0 : i32
    %scan3A_339 = arith.constant 128 : i32
    %scan3A_340 = arith.addi %scan3A_338, %scan3A_339 : i32
    %scan3A_341 = arith.constant 1 : i32
    %scan3A_342 = scf.for %scan3A_727 = %scan3A_338 to %scan3A_340 step %scan3A_341 iter_args(%scan3A_728 = %scan3A_337) -> (i32)  : i32 {
      %mul3A_729 = arith.constant 4 : i32
      %mul3A_730 = arith.muli %scan3A_727, %mul3A_729 : i32
      %add3A_731 = arith.constant 0 : i32
      %add3A_732 = arith.addi %mul3A_730, %add3A_731 : i32
      %mul3A_733 = arith.constant 16 : i32
      %mul3A_734 = arith.muli %add3A_732, %mul3A_733 : i32
      %get3A_735 = arith.index_cast %mul3A_734 : i32 to index
      %get3A_736 = tpu.vector_load %arg15[%get3A_735] {strides = array<i32>} : memref<8192xi32, #tpu.memory_space<vmem>>, vector<16xi32>,
      %eq3A_737 = arith.constant 0 : i32
      %eq3A_738 = vector.broadcast %eq3A_737 : i32 to vector<16xi32>
      %eq3A_739 = arith.cmpi eq, %get3A_736, %eq3A_738 : vector<16xi32>
      %mul3A_740 = arith.constant 4 : i32
      %mul3A_741 = arith.muli %scan3A_727, %mul3A_740 : i32
      %add3A_742 = arith.constant 1 : i32
      %add3A_743 = arith.addi %mul3A_741, %add3A_742 : i32
      %mul3A_744 = arith.constant 16 : i32
      %mul3A_745 = arith.muli %add3A_743, %mul3A_744 : i32
      %get3A_746 = arith.index_cast %mul3A_745 : i32 to index
      %get3A_747 = tpu.vector_load %arg15[%get3A_746] {strides = array<i32>} : memref<8192xi32, #tpu.memory_space<vmem>>, vector<16xi32>,
      %eq3A_748 = arith.constant 0 : i32
      %eq3A_749 = vector.broadcast %eq3A_748 : i32 to vector<16xi32>
      %eq3A_750 = arith.cmpi eq, %get3A_747, %eq3A_749 : vector<16xi32>
      %mul3A_751 = arith.constant 4 : i32
      %mul3A_752 = arith.muli %scan3A_727, %mul3A_751 : i32
      %add3A_753 = arith.constant 2 : i32
      %add3A_754 = arith.addi %mul3A_752, %add3A_753 : i32
      %mul3A_755 = arith.constant 16 : i32
      %mul3A_756 = arith.muli %add3A_754, %mul3A_755 : i32
      %get3A_757 = arith.index_cast %mul3A_756 : i32 to index
      %get3A_758 = tpu.vector_load %arg15[%get3A_757] {strides = array<i32>} : memref<8192xi32, #tpu.memory_space<vmem>>, vector<16xi32>,
      %eq3A_759 = arith.constant 0 : i32
      %eq3A_760 = vector.broadcast %eq3A_759 : i32 to vector<16xi32>
      %eq3A_761 = arith.cmpi eq, %get3A_758, %eq3A_760 : vector<16xi32>
      %mul3A_762 = arith.constant 4 : i32
      %mul3A_763 = arith.muli %scan3A_727, %mul3A_762 : i32
      %add3A_764 = arith.constant 3 : i32
      %add3A_765 = arith.addi %mul3A_763, %add3A_764 : i32
      %mul3A_766 = arith.constant 16 : i32
      %mul3A_767 = arith.muli %add3A_765, %mul3A_766 : i32
      %get3A_768 = arith.index_cast %mul3A_767 : i32 to index
      %get3A_769 = tpu.vector_load %arg15[%get3A_768] {strides = array<i32>} : memref<8192xi32, #tpu.memory_space<vmem>>, vector<16xi32>,
      %eq3A_770 = arith.constant 0 : i32
      %eq3A_771 = vector.broadcast %eq3A_770 : i32 to vector<16xi32>
      %eq3A_772 = arith.cmpi eq, %get3A_769, %eq3A_771 : vector<16xi32>
      %all_reduce_population_count3A = tpu.all_reduce %eq3A_739 {dim = 0 : i64, kind = #tpu.reduction_kind<sum>} : vector<16xi1> -> vector<16xi32>
      %slice3A_773 = vector.extract_strided_slice %all_reduce_population_count3A {offsets = [0], sizes = [1], strides = [1]} : vector<16xi32> to vector<1xi32>
      %squeeze3A_774 = vector.extract %slice3A_773[0] : i32 from vector<1xi32>
      %all_reduce_population_count3A_775 = tpu.all_reduce %eq3A_750 {dim = 0 : i64, kind = #tpu.reduction_kind<sum>} : vector<16xi1> -> vector<16xi32>
      %slice3A_776 = vector.extract_strided_slice %all_reduce_population_count3A_775 {offsets = [0], sizes = [1], strides = [1]} : vector<16xi32> to vector<1xi32>
      %squeeze3A_777 = vector.extract %slice3A_776[0] : i32 from vector<1xi32>
      %all_reduce_population_count3A_778 = tpu.all_reduce %eq3A_761 {dim = 0 : i64, kind = #tpu.reduction_kind<sum>} : vector<16xi1> -> vector<16xi32>
      %slice3A_779 = vector.extract_strided_slice %all_reduce_population_count3A_778 {offsets = [0], sizes = [1], strides = [1]} : vector<16xi32> to vector<1xi32>
      %squeeze3A_780 = vector.extract %slice3A_779[0] : i32 from vector<1xi32>
      %all_reduce_population_count3A_781 = tpu.all_reduce %eq3A_772 {dim = 0 : i64, kind = #tpu.reduction_kind<sum>} : vector<16xi1> -> vector<16xi32>
      %slice3A_782 = vector.extract_strided_slice %all_reduce_population_count3A_781 {offsets = [0], sizes = [1], strides = [1]} : vector<16xi32> to vector<1xi32>
      %squeeze3A_783 = vector.extract %slice3A_782[0] : i32 from vector<1xi32>
      %add3A_784 = arith.addi %squeeze3A_774, %squeeze3A_777 : i32
      %add3A_785 = arith.addi %add3A_784, %squeeze3A_780 : i32
      %add3A_786 = arith.addi %add3A_785, %squeeze3A_783 : i32
      %gt3A = arith.constant 0 : i32
      %gt3A_787 = arith.cmpi sgt, %add3A_786, %gt3A : i32
      %convert_element_type3A = arith.extui %gt3A_787 : i1 to i32
      %cond3A = arith.constant 0 : i32
      %cond3A_788 = arith.cmpi ne, %convert_element_type3A, %cond3A : i32
      scf.if %cond3A_788 {
        %gt3A_790 = arith.constant 0 : i32
        %gt3A_791 = arith.cmpi sgt, %squeeze3A_774, %gt3A_790 : i32
        %convert_element_type3A_792 = arith.extui %gt3A_791 : i1 to i32
        %cond3A_793 = arith.constant 0 : i32
        %cond3A_794 = arith.cmpi ne, %convert_element_type3A_792, %cond3A_793 : i32
        scf.if %cond3A_794 {
          %convert_element_type3A_814 = arith.extui %eq3A_739 : vector<16xi1> to vector<16xi32>
          %broadcast_in_dim3A_815 = arith.constant true
          %broadcast_in_dim3A_816 = vector.broadcast %broadcast_in_dim3A_815 : i1 to vector<16xi1>
          %masked_cumsum3A = tpu.scan <sum>, %convert_element_type3A_814 masked %broadcast_in_dim3A_816 : vector<16xi32>, vector<16xi1> -> vector<16xi32>
          %add3A_817 = vector.broadcast %scan3A_728 : i32 to vector<16xi32>
          %add3A_818 = arith.addi %add3A_817, %masked_cumsum3A : vector<16xi32>
          %sub3A_819 = arith.constant 1 : i32
          %sub3A_820 = vector.broadcast %sub3A_819 : i32 to vector<16xi32>
          %sub3A_821 = arith.subi %add3A_818, %sub3A_820 : vector<16xi32>
          %mul3A_822 = arith.constant 4 : i32
          %mul3A_823 = arith.muli %scan3A_727, %mul3A_822 : i32
          %add3A_824 = arith.constant 0 : i32
          %add3A_825 = arith.addi %mul3A_823, %add3A_824 : i32
          %mul3A_826 = arith.constant 16 : i32
          %mul3A_827 = arith.muli %add3A_825, %mul3A_826 : i32
          %add3A_828 = arith.addi %mul3A_336, %mul3A_827 : i32
          %add3A_829 = vector.broadcast %add3A_828 : i32 to vector<16xi32>
          %add3A_830 = arith.addi %add3A_829, %iota3A : vector<16xi32>
          tpu.vector_store_idx %arg16[%sub3A_821], %add3A_830 masked %eq3A_739 : memref<8192xi32, #tpu.memory_space<vmem>>[vector<16xi32>], vector<16xi32>, vector<16xi1>
        } else {
        }
        %add3A_795 = arith.addi %scan3A_728, %squeeze3A_774 : i32
        %gt3A_796 = arith.constant 0 : i32
        %gt3A_797 = arith.cmpi sgt, %squeeze3A_777, %gt3A_796 : i32
        %convert_element_type3A_798 = arith.extui %gt3A_797 : i1 to i32
        %cond3A_799 = arith.constant 0 : i32
        %cond3A_800 = arith.cmpi ne, %convert_element_type3A_798, %cond3A_799 : i32
        scf.if %cond3A_800 {
          %convert_element_type3A_814 = arith.extui %eq3A_750 : vector<16xi1> to vector<16xi32>
          %broadcast_in_dim3A_815 = arith.constant true
          %broadcast_in_dim3A_816 = vector.broadcast %broadcast_in_dim3A_815 : i1 to vector<16xi1>
          %masked_cumsum3A = tpu.scan <sum>, %convert_element_type3A_814 masked %broadcast_in_dim3A_816 : vector<16xi32>, vector<16xi1> -> vector<16xi32>
          %add3A_817 = vector.broadcast %add3A_795 : i32 to vector<16xi32>
          %add3A_818 = arith.addi %add3A_817, %masked_cumsum3A : vector<16xi32>
          %sub3A_819 = arith.constant 1 : i32
          %sub3A_820 = vector.broadcast %sub3A_819 : i32 to vector<16xi32>
          %sub3A_821 = arith.subi %add3A_818, %sub3A_820 : vector<16xi32>
          %mul3A_822 = arith.constant 4 : i32
          %mul3A_823 = arith.muli %scan3A_727, %mul3A_822 : i32
          %add3A_824 = arith.constant 1 : i32
          %add3A_825 = arith.addi %mul3A_823, %add3A_824 : i32
          %mul3A_826 = arith.constant 16 : i32
          %mul3A_827 = arith.muli %add3A_825, %mul3A_826 : i32
          %add3A_828 = arith.addi %mul3A_336, %mul3A_827 : i32
          %add3A_829 = vector.broadcast %add3A_828 : i32 to vector<16xi32>
          %add3A_830 = arith.addi %add3A_829, %iota3A : vector<16xi32>
          tpu.vector_store_idx %arg16[%sub3A_821], %add3A_830 masked %eq3A_750 : memref<8192xi32, #tpu.memory_space<vmem>>[vector<16xi32>], vector<16xi32>, vector<16xi1>
        } else {
        }
        %add3A_801 = arith.addi %add3A_795, %squeeze3A_777 : i32
        %gt3A_802 = arith.constant 0 : i32
        %gt3A_803 = arith.cmpi sgt, %squeeze3A_780, %gt3A_802 : i32
        %convert_element_type3A_804 = arith.extui %gt3A_803 : i1 to i32
        %cond3A_805 = arith.constant 0 : i32
        %cond3A_806 = arith.cmpi ne, %convert_element_type3A_804, %cond3A_805 : i32
        scf.if %cond3A_806 {
          %convert_element_type3A_814 = arith.extui %eq3A_761 : vector<16xi1> to vector<16xi32>
          %broadcast_in_dim3A_815 = arith.constant true
          %broadcast_in_dim3A_816 = vector.broadcast %broadcast_in_dim3A_815 : i1 to vector<16xi1>
          %masked_cumsum3A = tpu.scan <sum>, %convert_element_type3A_814 masked %broadcast_in_dim3A_816 : vector<16xi32>, vector<16xi1> -> vector<16xi32>
          %add3A_817 = vector.broadcast %add3A_801 : i32 to vector<16xi32>
          %add3A_818 = arith.addi %add3A_817, %masked_cumsum3A : vector<16xi32>
          %sub3A_819 = arith.constant 1 : i32
          %sub3A_820 = vector.broadcast %sub3A_819 : i32 to vector<16xi32>
          %sub3A_821 = arith.subi %add3A_818, %sub3A_820 : vector<16xi32>
          %mul3A_822 = arith.constant 4 : i32
          %mul3A_823 = arith.muli %scan3A_727, %mul3A_822 : i32
          %add3A_824 = arith.constant 2 : i32
          %add3A_825 = arith.addi %mul3A_823, %add3A_824 : i32
          %mul3A_826 = arith.constant 16 : i32
          %mul3A_827 = arith.muli %add3A_825, %mul3A_826 : i32
          %add3A_828 = arith.addi %mul3A_336, %mul3A_827 : i32
          %add3A_829 = vector.broadcast %add3A_828 : i32 to vector<16xi32>
          %add3A_830 = arith.addi %add3A_829, %iota3A : vector<16xi32>
          tpu.vector_store_idx %arg16[%sub3A_821], %add3A_830 masked %eq3A_761 : memref<8192xi32, #tpu.memory_space<vmem>>[vector<16xi32>], vector<16xi32>, vector<16xi1>
        } else {
        }
        %add3A_807 = arith.addi %add3A_801, %squeeze3A_780 : i32
        %gt3A_808 = arith.constant 0 : i32
        %gt3A_809 = arith.cmpi sgt, %squeeze3A_783, %gt3A_808 : i32
        %convert_element_type3A_810 = arith.extui %gt3A_809 : i1 to i32
        %cond3A_811 = arith.constant 0 : i32
        %cond3A_812 = arith.cmpi ne, %convert_element_type3A_810, %cond3A_811 : i32
        scf.if %cond3A_812 {
          %convert_element_type3A_814 = arith.extui %eq3A_772 : vector<16xi1> to vector<16xi32>
          %broadcast_in_dim3A_815 = arith.constant true
          %broadcast_in_dim3A_816 = vector.broadcast %broadcast_in_dim3A_815 : i1 to vector<16xi1>
          %masked_cumsum3A = tpu.scan <sum>, %convert_element_type3A_814 masked %broadcast_in_dim3A_816 : vector<16xi32>, vector<16xi1> -> vector<16xi32>
          %add3A_817 = vector.broadcast %add3A_807 : i32 to vector<16xi32>
          %add3A_818 = arith.addi %add3A_817, %masked_cumsum3A : vector<16xi32>
          %sub3A_819 = arith.constant 1 : i32
          %sub3A_820 = vector.broadcast %sub3A_819 : i32 to vector<16xi32>
          %sub3A_821 = arith.subi %add3A_818, %sub3A_820 : vector<16xi32>
          %mul3A_822 = arith.constant 4 : i32
          %mul3A_823 = arith.muli %scan3A_727, %mul3A_822 : i32
          %add3A_824 = arith.constant 3 : i32
          %add3A_825 = arith.addi %mul3A_823, %add3A_824 : i32
          %mul3A_826 = arith.constant 16 : i32
          %mul3A_827 = arith.muli %add3A_825, %mul3A_826 : i32
          %add3A_828 = arith.addi %mul3A_336, %mul3A_827 : i32
          %add3A_829 = vector.broadcast %add3A_828 : i32 to vector<16xi32>
          %add3A_830 = arith.addi %add3A_829, %iota3A : vector<16xi32>
          tpu.vector_store_idx %arg16[%sub3A_821], %add3A_830 masked %eq3A_772 : memref<8192xi32, #tpu.memory_space<vmem>>[vector<16xi32>], vector<16xi32>, vector<16xi1>
        } else {
        }
        %add3A_813 = arith.addi %add3A_807, %squeeze3A_783 : i32
      } else {
      }
      %add3A_789 = arith.addi %scan3A_728, %add3A_786 : i32
      scf.yield %add3A_789 : i32
    }
    %scan3A_343 = arith.constant 128 : i32
    %add3A_344 = arith.constant 15 : i32
    %add3A_345 = arith.addi %scan3A_342, %add3A_344 : i32
    %jit3A = arith.constant 16 : i32
    %div3A = arith.divsi %add3A_345, %jit3A : i32
    %sign3A = arith.constant 0 : i32
    %sign3A_346 = arith.cmpi sgt, %add3A_345, %sign3A : i32
    %sign3A_347 = arith.extui %sign3A_346 : i1 to i32
    %sign3A_348 = arith.constant 0 : i32
    %sign3A_349 = arith.cmpi slt, %add3A_345, %sign3A_348 : i32
    %sign3A_350 = arith.extui %sign3A_349 : i1 to i32
    %sign3A_351 = arith.subi %sign3A_347, %sign3A_350 : i32
    %sign3A_352 = arith.constant 0 : i32
    %sign3A_353 = arith.cmpi sgt, %jit3A, %sign3A_352 : i32
    %sign3A_354 = arith.extui %sign3A_353 : i1 to i32
    %sign3A_355 = arith.constant 0 : i32
    %sign3A_356 = arith.cmpi slt, %jit3A, %sign3A_355 : i32
    %sign3A_357 = arith.extui %sign3A_356 : i1 to i32
    %sign3A_358 = arith.subi %sign3A_354, %sign3A_357 : i32
    %ne3A = arith.cmpi ne, %sign3A_351, %sign3A_358 : i32
    %rem3A = arith.remsi %add3A_345, %jit3A : i32
    %ne3A_359 = arith.constant 0 : i32
    %ne3A_360 = arith.cmpi ne, %rem3A, %ne3A_359 : i32
    %and3A = arith.andi %ne3A, %ne3A_360 : i1
    %sub3A = arith.constant 1 : i32
    %sub3A_361 = arith.subi %div3A, %sub3A : i32
    %select_n3A = arith.select %and3A, %sub3A_361, %div3A : i32
    %broadcast_in_dim3A = arith.constant 4096 : i32
    %broadcast_in_dim3A_362 = vector.broadcast %broadcast_in_dim3A : i32 to vector<16xi32>
    %while3A = arith.constant 0 : i32
    %while3A_363 = arith.subi %select_n3A, %while3A : i32
    %while3A_364 = arith.addi %while3A, %while3A_363 : i32
    %while3A_365 = arith.constant 1 : i32
    %while3A_366 = arith.divsi %while3A_363, %while3A_365 : i32
    %while3A_367 = arith.muli %while3A_366, %while3A_365 : i32
    %while3A_368 = arith.addi %while3A, %while3A_367 : i32
    %while3A_369 = arith.constant 1 : i32
    %while3A_370 = scf.for %while3A_727 = %while3A to %while3A_368 step %while3A_369 iter_args(%while3A_728 = %broadcast_in_dim3A_362) -> (vector<16xi32>)  : i32 {
      %mul3A_729 = arith.constant 16 : i32
      %mul3A_730 = arith.muli %while3A_727, %mul3A_729 : i32
      %add3A_731 = vector.broadcast %mul3A_730 : i32 to vector<16xi32>
      %add3A_732 = arith.addi %add3A_731, %iota3A : vector<16xi32>
      %lt3A_733 = vector.broadcast %scan3A_342 : i32 to vector<16xi32>
      %lt3A_734 = arith.cmpi slt, %add3A_732, %lt3A_733 : vector<16xi32>
      %get3A_735 = arith.index_cast %mul3A_730 : i32 to index
      %get3A_736 = tpu.vector_load %arg16[%get3A_735] {strides = array<i32>} : memref<8192xi32, #tpu.memory_space<vmem>>, vector<16xi32>,
      %jit3A_737 = arith.constant 0 : i32
      %broadcast_in_dim3A_738 = vector.broadcast %jit3A_737 : i32 to vector<16xi32>
      %select_n3A_739 = arith.select %lt3A_734, %get3A_736, %broadcast_in_dim3A_738 : vector<16xi1>, vector<16xi32>
      %swap3A_740 = arith.constant 0 : index
      %swap3A_741 = tpu.vector_load %arg22[%swap3A_740] {strides = array<i32>} : memref<16xi32, #tpu.memory_space<vmem>>, vector<16xi32>,
      tpu.vector_store %arg22[%swap3A_740], %select_n3A_739 {strides = array<i32>} : memref<16xi32, #tpu.memory_space<vmem>>, vector<16xi32>,
      %dma_start3A_742 = arith.constant 0 : i32
      %dma_start3A_743 = arith.constant 0 : i32
      %dma_start3A_744 = tpu.memref_slice %arg7[%dma_start3A_742, %dma_start3A_743] : memref<131072x256xf32, #tpu.memory_space<hbm>> -> memref<131072x256xf32, #tpu.memory_space<hbm>>
      tpu.enqueue_indirect_dma source(%dma_start3A_744 : memref<131072x256xf32, #tpu.memory_space<hbm>>) target(%arg27 : memref<16x256xf32, #tpu.memory_space<vmem>>) offsets(%arg22 : memref<16xi32, #tpu.memory_space<vmem>>) semaphore(%arg44 : memref<!tpu.dma_semaphore, #tpu.memory_space<semaphore_mem>>)
      %dma_start3A_745 = arith.constant 0 : i32
      %dma_start3A_746 = tpu.memref_slice %arg3[%dma_start3A_745] : memref<131072xi32, #tpu.memory_space<hbm>> -> memref<131072xi32, #tpu.memory_space<hbm>>
      tpu.enqueue_indirect_dma source(%dma_start3A_746 : memref<131072xi32, #tpu.memory_space<hbm>>) target(%arg23 : memref<16xi32, #tpu.memory_space<vmem>>) offsets(%arg22 : memref<16xi32, #tpu.memory_space<vmem>>) semaphore(%arg45 : memref<!tpu.dma_semaphore, #tpu.memory_space<semaphore_mem>>)
      %dma_start3A_747 = arith.constant 0 : i32
      %dma_start3A_748 = tpu.memref_slice %arg4[%dma_start3A_747] : memref<131072xi32, #tpu.memory_space<hbm>> -> memref<131072xi32, #tpu.memory_space<hbm>>
      tpu.enqueue_indirect_dma source(%dma_start3A_748 : memref<131072xi32, #tpu.memory_space<hbm>>) target(%arg24 : memref<16xi32, #tpu.memory_space<vmem>>) offsets(%arg22 : memref<16xi32, #tpu.memory_space<vmem>>) semaphore(%arg46 : memref<!tpu.dma_semaphore, #tpu.memory_space<semaphore_mem>>)
      %dma_wait3A_749 = arith.constant 0 : i32
      %dma_wait3A_750 = arith.constant 0 : i32
      %dma_wait3A_751 = tpu.memref_slice %arg7[%dma_wait3A_749, %dma_wait3A_750] : memref<131072x256xf32, #tpu.memory_space<hbm>> -> memref<131072x256xf32, #tpu.memory_space<hbm>>
      tpu.wait_indirect_dma semaphore(%arg44 : memref<!tpu.dma_semaphore, #tpu.memory_space<semaphore_mem>>) src(%dma_wait3A_751 : memref<131072x256xf32, #tpu.memory_space<hbm>>) dst(%arg27 : memref<16x256xf32, #tpu.memory_space<vmem>>)
      %dma_wait3A_752 = arith.constant 0 : i32
      %dma_wait3A_753 = tpu.memref_slice %arg3[%dma_wait3A_752] : memref<131072xi32, #tpu.memory_space<hbm>> -> memref<131072xi32, #tpu.memory_space<hbm>>
      tpu.wait_indirect_dma semaphore(%arg45 : memref<!tpu.dma_semaphore, #tpu.memory_space<semaphore_mem>>) src(%dma_wait3A_753 : memref<131072xi32, #tpu.memory_space<hbm>>) dst(%arg23 : memref<16xi32, #tpu.memory_space<vmem>>)
      %dma_wait3A_754 = arith.constant 0 : i32
      %dma_wait3A_755 = tpu.memref_slice %arg4[%dma_wait3A_754] : memref<131072xi32, #tpu.memory_space<hbm>> -> memref<131072xi32, #tpu.memory_space<hbm>>
      tpu.wait_indirect_dma semaphore(%arg46 : memref<!tpu.dma_semaphore, #tpu.memory_space<semaphore_mem>>) src(%dma_wait3A_755 : memref<131072xi32, #tpu.memory_space<hbm>>) dst(%arg24 : memref<16xi32, #tpu.memory_space<vmem>>)
      %dma_start3A_756 = arith.constant 0 : i32
      %dma_start3A_757 = arith.constant 0 : i32
      %dma_start3A_758 = tpu.memref_slice %arg5[%dma_start3A_756, %dma_start3A_757] : memref<4096x256xf32, #tpu.memory_space<hbm>> -> memref<4096x256xf32, #tpu.memory_space<hbm>>
      tpu.enqueue_indirect_dma source(%dma_start3A_758 : memref<4096x256xf32, #tpu.memory_space<hbm>>) target(%arg25 : memref<16x256xf32, #tpu.memory_space<vmem>>) offsets(%arg23 : memref<16xi32, #tpu.memory_space<vmem>>) semaphore(%arg45 : memref<!tpu.dma_semaphore, #tpu.memory_space<semaphore_mem>>)
      %dma_start3A_759 = arith.constant 0 : i32
      %dma_start3A_760 = arith.constant 0 : i32
      %dma_start3A_761 = tpu.memref_slice %arg6[%dma_start3A_759, %dma_start3A_760] : memref<4096x256xf32, #tpu.memory_space<hbm>> -> memref<4096x256xf32, #tpu.memory_space<hbm>>
      tpu.enqueue_indirect_dma source(%dma_start3A_761 : memref<4096x256xf32, #tpu.memory_space<hbm>>) target(%arg26 : memref<16x256xf32, #tpu.memory_space<vmem>>) offsets(%arg24 : memref<16xi32, #tpu.memory_space<vmem>>) semaphore(%arg46 : memref<!tpu.dma_semaphore, #tpu.memory_space<semaphore_mem>>)
      %dma_wait3A_762 = arith.constant 0 : i32
      %dma_wait3A_763 = arith.constant 0 : i32
      %dma_wait3A_764 = tpu.memref_slice %arg5[%dma_wait3A_762, %dma_wait3A_763] : memref<4096x256xf32, #tpu.memory_space<hbm>> -> memref<4096x256xf32, #tpu.memory_space<hbm>>
      tpu.wait_indirect_dma semaphore(%arg45 : memref<!tpu.dma_semaphore, #tpu.memory_space<semaphore_mem>>) src(%dma_wait3A_764 : memref<4096x256xf32, #tpu.memory_space<hbm>>) dst(%arg25 : memref<16x256xf32, #tpu.memory_space<vmem>>)
      %dma_wait3A_765 = arith.constant 0 : i32
      %dma_wait3A_766 = arith.constant 0 : i32
      %dma_wait3A_767 = tpu.memref_slice %arg6[%dma_wait3A_765, %dma_wait3A_766] : memref<4096x256xf32, #tpu.memory_space<hbm>> -> memref<4096x256xf32, #tpu.memory_space<hbm>>
      tpu.wait_indirect_dma semaphore(%arg46 : memref<!tpu.dma_semaphore, #tpu.memory_space<semaphore_mem>>) src(%dma_wait3A_767 : memref<4096x256xf32, #tpu.memory_space<hbm>>) dst(%arg26 : memref<16x256xf32, #tpu.memory_space<vmem>>)
      %get3A_768 = arith.constant 0 : index
      %get3A_769 = tpu.vector_load %arg23[%get3A_768] {strides = array<i32>} : memref<16xi32, #tpu.memory_space<vmem>>, vector<16xi32>,
      %get3A_770 = arith.constant 0 : index
      %get3A_771 = tpu.vector_load %arg24[%get3A_770] {strides = array<i32>} : memref<16xi32, #tpu.memory_space<vmem>>, vector<16xi32>,
      %broadcast_in_dim3A_772 = arith.constant 0.000000e+00 : f32
      %broadcast_in_dim3A_773 = vector.broadcast %broadcast_in_dim3A_772 : f32 to vector<16xf32>
      %scan3A_774 = arith.constant 0 : i32
      %scan3A_775 = arith.constant 16 : i32
      %scan3A_776 = arith.addi %scan3A_774, %scan3A_775 : i32
      %scan3A_777 = arith.constant 1 : i32
      %scan3A_778 = scf.for %scan3A_797 = %scan3A_774 to %scan3A_776 step %scan3A_777 iter_args(%scan3A_798 = %broadcast_in_dim3A_773) -> (vector<16xf32>)  : i32 {
        %broadcast_in_dim3A_799 = arith.constant 0.000000e+00 : f32
        %broadcast_in_dim3A_800 = vector.broadcast %broadcast_in_dim3A_799 : f32 to vector<16xf32>
        %get3A_801 = arith.index_cast %scan3A_797 : i32 to index
        %get3A_802 = arith.constant 0 : index
        %get3A_803 = tpu.vector_load %arg25[%get3A_801, %get3A_802] {strides = array<i32>} : memref<16x256xf32, #tpu.memory_space<vmem>>, vector<16xf32>,
        %get3A_804 = arith.index_cast %scan3A_797 : i32 to index
        %get3A_805 = arith.constant 0 : index
        %get3A_806 = tpu.vector_load %arg26[%get3A_804, %get3A_805] {strides = array<i32>} : memref<16x256xf32, #tpu.memory_space<vmem>>, vector<16xf32>,
        %mul3A_807 = arith.mulf %get3A_803, %get3A_806 : vector<16xf32>
        %get3A_808 = arith.index_cast %scan3A_797 : i32 to index
        %get3A_809 = arith.constant 0 : index
        %get3A_810 = tpu.vector_load %arg27[%get3A_808, %get3A_809] {strides = array<i32>} : memref<16x256xf32, #tpu.memory_space<vmem>>, vector<16xf32>,
        %mul3A_811 = arith.mulf %mul3A_807, %get3A_810 : vector<16xf32>
        %get3A_812 = arith.constant 0 : index
        %get3A_813 = tpu.vector_load %arg19[%get3A_812] {strides = array<i32>} : memref<272xf32, #tpu.memory_space<vmem>>, vector<16xf32>,
        %mul3A_814 = arith.mulf %mul3A_811, %get3A_813 : vector<16xf32>
        %add3A_815 = arith.addf %broadcast_in_dim3A_800, %mul3A_814 : vector<16xf32>
        %get3A_816 = arith.index_cast %scan3A_797 : i32 to index
        %get3A_817 = arith.constant 16 : index
        %get3A_818 = tpu.vector_load %arg25[%get3A_816, %get3A_817] {strides = array<i32>} : memref<16x256xf32, #tpu.memory_space<vmem>>, vector<16xf32>,
        %get3A_819 = arith.index_cast %scan3A_797 : i32 to index
        %get3A_820 = arith.constant 16 : index
        %get3A_821 = tpu.vector_load %arg26[%get3A_819, %get3A_820] {strides = array<i32>} : memref<16x256xf32, #tpu.memory_space<vmem>>, vector<16xf32>,
        %mul3A_822 = arith.mulf %get3A_818, %get3A_821 : vector<16xf32>
        %get3A_823 = arith.index_cast %scan3A_797 : i32 to index
        %get3A_824 = arith.constant 16 : index
        %get3A_825 = tpu.vector_load %arg27[%get3A_823, %get3A_824] {strides = array<i32>} : memref<16x256xf32, #tpu.memory_space<vmem>>, vector<16xf32>,
        %mul3A_826 = arith.mulf %mul3A_822, %get3A_825 : vector<16xf32>
        %get3A_827 = arith.constant 16 : index
        %get3A_828 = tpu.vector_load %arg19[%get3A_827] {strides = array<i32>} : memref<272xf32, #tpu.memory_space<vmem>>, vector<16xf32>,
        %mul3A_829 = arith.mulf %mul3A_826, %get3A_828 : vector<16xf32>
        %add3A_830 = arith.addf %add3A_815, %mul3A_829 : vector<16xf32>
        %get3A_831 = arith.index_cast %scan3A_797 : i32 to index
        %get3A_832 = arith.constant 32 : index
        %get3A_833 = tpu.vector_load %arg25[%get3A_831, %get3A_832] {strides = array<i32>} : memref<16x256xf32, #tpu.memory_space<vmem>>, vector<16xf32>,
        %get3A_834 = arith.index_cast %scan3A_797 : i32 to index
        %get3A_835 = arith.constant 32 : index
        %get3A_836 = tpu.vector_load %arg26[%get3A_834, %get3A_835] {strides = array<i32>} : memref<16x256xf32, #tpu.memory_space<vmem>>, vector<16xf32>,
        %mul3A_837 = arith.mulf %get3A_833, %get3A_836 : vector<16xf32>
        %get3A_838 = arith.index_cast %scan3A_797 : i32 to index
        %get3A_839 = arith.constant 32 : index
        %get3A_840 = tpu.vector_load %arg27[%get3A_838, %get3A_839] {strides = array<i32>} : memref<16x256xf32, #tpu.memory_space<vmem>>, vector<16xf32>,
        %mul3A_841 = arith.mulf %mul3A_837, %get3A_840 : vector<16xf32>
        %get3A_842 = arith.constant 32 : index
        %get3A_843 = tpu.vector_load %arg19[%get3A_842] {strides = array<i32>} : memref<272xf32, #tpu.memory_space<vmem>>, vector<16xf32>,
        %mul3A_844 = arith.mulf %mul3A_841, %get3A_843 : vector<16xf32>
        %add3A_845 = arith.addf %add3A_830, %mul3A_844 : vector<16xf32>
        %get3A_846 = arith.index_cast %scan3A_797 : i32 to index
        %get3A_847 = arith.constant 48 : index
        %get3A_848 = tpu.vector_load %arg25[%get3A_846, %get3A_847] {strides = array<i32>} : memref<16x256xf32, #tpu.memory_space<vmem>>, vector<16xf32>,
        %get3A_849 = arith.index_cast %scan3A_797 : i32 to index
        %get3A_850 = arith.constant 48 : index
        %get3A_851 = tpu.vector_load %arg26[%get3A_849, %get3A_850] {strides = array<i32>} : memref<16x256xf32, #tpu.memory_space<vmem>>, vector<16xf32>,
        %mul3A_852 = arith.mulf %get3A_848, %get3A_851 : vector<16xf32>
        %get3A_853 = arith.index_cast %scan3A_797 : i32 to index
        %get3A_854 = arith.constant 48 : index
        %get3A_855 = tpu.vector_load %arg27[%get3A_853, %get3A_854] {strides = array<i32>} : memref<16x256xf32, #tpu.memory_space<vmem>>, vector<16xf32>,
        %mul3A_856 = arith.mulf %mul3A_852, %get3A_855 : vector<16xf32>
        %get3A_857 = arith.constant 48 : index
        %get3A_858 = tpu.vector_load %arg19[%get3A_857] {strides = array<i32>} : memref<272xf32, #tpu.memory_space<vmem>>, vector<16xf32>,
        %mul3A_859 = arith.mulf %mul3A_856, %get3A_858 : vector<16xf32>
        %add3A_860 = arith.addf %add3A_845, %mul3A_859 : vector<16xf32>
        %get3A_861 = arith.index_cast %scan3A_797 : i32 to index
        %get3A_862 = arith.constant 64 : index
        %get3A_863 = tpu.vector_load %arg25[%get3A_861, %get3A_862] {strides = array<i32>} : memref<16x256xf32, #tpu.memory_space<vmem>>, vector<16xf32>,
        %get3A_864 = arith.index_cast %scan3A_797 : i32 to index
        %get3A_865 = arith.constant 64 : index
        %get3A_866 = tpu.vector_load %arg26[%get3A_864, %get3A_865] {strides = array<i32>} : memref<16x256xf32, #tpu.memory_space<vmem>>, vector<16xf32>,
        %mul3A_867 = arith.mulf %get3A_863, %get3A_866 : vector<16xf32>
        %get3A_868 = arith.index_cast %scan3A_797 : i32 to index
        %get3A_869 = arith.constant 64 : index
        %get3A_870 = tpu.vector_load %arg27[%get3A_868, %get3A_869] {strides = array<i32>} : memref<16x256xf32, #tpu.memory_space<vmem>>, vector<16xf32>,
        %mul3A_871 = arith.mulf %mul3A_867, %get3A_870 : vector<16xf32>
        %get3A_872 = arith.constant 64 : index
        %get3A_873 = tpu.vector_load %arg19[%get3A_872] {strides = array<i32>} : memref<272xf32, #tpu.memory_space<vmem>>, vector<16xf32>,
        %mul3A_874 = arith.mulf %mul3A_871, %get3A_873 : vector<16xf32>
        %add3A_875 = arith.addf %add3A_860, %mul3A_874 : vector<16xf32>
        %get3A_876 = arith.index_cast %scan3A_797 : i32 to index
        %get3A_877 = arith.constant 80 : index
        %get3A_878 = tpu.vector_load %arg25[%get3A_876, %get3A_877] {strides = array<i32>} : memref<16x256xf32, #tpu.memory_space<vmem>>, vector<16xf32>,
        %get3A_879 = arith.index_cast %scan3A_797 : i32 to index
        %get3A_880 = arith.constant 80 : index
        %get3A_881 = tpu.vector_load %arg26[%get3A_879, %get3A_880] {strides = array<i32>} : memref<16x256xf32, #tpu.memory_space<vmem>>, vector<16xf32>,
        %mul3A_882 = arith.mulf %get3A_878, %get3A_881 : vector<16xf32>
        %get3A_883 = arith.index_cast %scan3A_797 : i32 to index
        %get3A_884 = arith.constant 80 : index
        %get3A_885 = tpu.vector_load %arg27[%get3A_883, %get3A_884] {strides = array<i32>} : memref<16x256xf32, #tpu.memory_space<vmem>>, vector<16xf32>,
        %mul3A_886 = arith.mulf %mul3A_882, %get3A_885 : vector<16xf32>
        %get3A_887 = arith.constant 80 : index
        %get3A_888 = tpu.vector_load %arg19[%get3A_887] {strides = array<i32>} : memref<272xf32, #tpu.memory_space<vmem>>, vector<16xf32>,
        %mul3A_889 = arith.mulf %mul3A_886, %get3A_888 : vector<16xf32>
        %add3A_890 = arith.addf %add3A_875, %mul3A_889 : vector<16xf32>
        %get3A_891 = arith.index_cast %scan3A_797 : i32 to index
        %get3A_892 = arith.constant 96 : index
        %get3A_893 = tpu.vector_load %arg25[%get3A_891, %get3A_892] {strides = array<i32>} : memref<16x256xf32, #tpu.memory_space<vmem>>, vector<16xf32>,
        %get3A_894 = arith.index_cast %scan3A_797 : i32 to index
        %get3A_895 = arith.constant 96 : index
        %get3A_896 = tpu.vector_load %arg26[%get3A_894, %get3A_895] {strides = array<i32>} : memref<16x256xf32, #tpu.memory_space<vmem>>, vector<16xf32>,
        %mul3A_897 = arith.mulf %get3A_893, %get3A_896 : vector<16xf32>
        %get3A_898 = arith.index_cast %scan3A_797 : i32 to index
        %get3A_899 = arith.constant 96 : index
        %get3A_900 = tpu.vector_load %arg27[%get3A_898, %get3A_899] {strides = array<i32>} : memref<16x256xf32, #tpu.memory_space<vmem>>, vector<16xf32>,
        %mul3A_901 = arith.mulf %mul3A_897, %get3A_900 : vector<16xf32>
        %get3A_902 = arith.constant 96 : index
        %get3A_903 = tpu.vector_load %arg19[%get3A_902] {strides = array<i32>} : memref<272xf32, #tpu.memory_space<vmem>>, vector<16xf32>,
        %mul3A_904 = arith.mulf %mul3A_901, %get3A_903 : vector<16xf32>
        %add3A_905 = arith.addf %add3A_890, %mul3A_904 : vector<16xf32>
        %get3A_906 = arith.index_cast %scan3A_797 : i32 to index
        %get3A_907 = arith.constant 112 : index
        %get3A_908 = tpu.vector_load %arg25[%get3A_906, %get3A_907] {strides = array<i32>} : memref<16x256xf32, #tpu.memory_space<vmem>>, vector<16xf32>,
        %get3A_909 = arith.index_cast %scan3A_797 : i32 to index
        %get3A_910 = arith.constant 112 : index
        %get3A_911 = tpu.vector_load %arg26[%get3A_909, %get3A_910] {strides = array<i32>} : memref<16x256xf32, #tpu.memory_space<vmem>>, vector<16xf32>,
        %mul3A_912 = arith.mulf %get3A_908, %get3A_911 : vector<16xf32>
        %get3A_913 = arith.index_cast %scan3A_797 : i32 to index
        %get3A_914 = arith.constant 112 : index
        %get3A_915 = tpu.vector_load %arg27[%get3A_913, %get3A_914] {strides = array<i32>} : memref<16x256xf32, #tpu.memory_space<vmem>>, vector<16xf32>,
        %mul3A_916 = arith.mulf %mul3A_912, %get3A_915 : vector<16xf32>
        %get3A_917 = arith.constant 112 : index
        %get3A_918 = tpu.vector_load %arg19[%get3A_917] {strides = array<i32>} : memref<272xf32, #tpu.memory_space<vmem>>, vector<16xf32>,
        %mul3A_919 = arith.mulf %mul3A_916, %get3A_918 : vector<16xf32>
        %add3A_920 = arith.addf %add3A_905, %mul3A_919 : vector<16xf32>
        %get3A_921 = arith.index_cast %scan3A_797 : i32 to index
        %get3A_922 = arith.constant 128 : index
        %get3A_923 = tpu.vector_load %arg25[%get3A_921, %get3A_922] {strides = array<i32>} : memref<16x256xf32, #tpu.memory_space<vmem>>, vector<16xf32>,
        %get3A_924 = arith.index_cast %scan3A_797 : i32 to index
        %get3A_925 = arith.constant 128 : index
        %get3A_926 = tpu.vector_load %arg26[%get3A_924, %get3A_925] {strides = array<i32>} : memref<16x256xf32, #tpu.memory_space<vmem>>, vector<16xf32>,
        %mul3A_927 = arith.mulf %get3A_923, %get3A_926 : vector<16xf32>
        %get3A_928 = arith.index_cast %scan3A_797 : i32 to index
        %get3A_929 = arith.constant 128 : index
        %get3A_930 = tpu.vector_load %arg27[%get3A_928, %get3A_929] {strides = array<i32>} : memref<16x256xf32, #tpu.memory_space<vmem>>, vector<16xf32>,
        %mul3A_931 = arith.mulf %mul3A_927, %get3A_930 : vector<16xf32>
        %get3A_932 = arith.constant 128 : index
        %get3A_933 = tpu.vector_load %arg19[%get3A_932] {strides = array<i32>} : memref<272xf32, #tpu.memory_space<vmem>>, vector<16xf32>,
        %mul3A_934 = arith.mulf %mul3A_931, %get3A_933 : vector<16xf32>
        %add3A_935 = arith.addf %add3A_920, %mul3A_934 : vector<16xf32>
        %get3A_936 = arith.index_cast %scan3A_797 : i32 to index
        %get3A_937 = arith.constant 144 : index
        %get3A_938 = tpu.vector_load %arg25[%get3A_936, %get3A_937] {strides = array<i32>} : memref<16x256xf32, #tpu.memory_space<vmem>>, vector<16xf32>,
        %get3A_939 = arith.index_cast %scan3A_797 : i32 to index
        %get3A_940 = arith.constant 144 : index
        %get3A_941 = tpu.vector_load %arg26[%get3A_939, %get3A_940] {strides = array<i32>} : memref<16x256xf32, #tpu.memory_space<vmem>>, vector<16xf32>,
        %mul3A_942 = arith.mulf %get3A_938, %get3A_941 : vector<16xf32>
        %get3A_943 = arith.index_cast %scan3A_797 : i32 to index
        %get3A_944 = arith.constant 144 : index
        %get3A_945 = tpu.vector_load %arg27[%get3A_943, %get3A_944] {strides = array<i32>} : memref<16x256xf32, #tpu.memory_space<vmem>>, vector<16xf32>,
        %mul3A_946 = arith.mulf %mul3A_942, %get3A_945 : vector<16xf32>
        %get3A_947 = arith.constant 144 : index
        %get3A_948 = tpu.vector_load %arg19[%get3A_947] {strides = array<i32>} : memref<272xf32, #tpu.memory_space<vmem>>, vector<16xf32>,
        %mul3A_949 = arith.mulf %mul3A_946, %get3A_948 : vector<16xf32>
        %add3A_950 = arith.addf %add3A_935, %mul3A_949 : vector<16xf32>
        %get3A_951 = arith.index_cast %scan3A_797 : i32 to index
        %get3A_952 = arith.constant 160 : index
        %get3A_953 = tpu.vector_load %arg25[%get3A_951, %get3A_952] {strides = array<i32>} : memref<16x256xf32, #tpu.memory_space<vmem>>, vector<16xf32>,
        %get3A_954 = arith.index_cast %scan3A_797 : i32 to index
        %get3A_955 = arith.constant 160 : index
        %get3A_956 = tpu.vector_load %arg26[%get3A_954, %get3A_955] {strides = array<i32>} : memref<16x256xf32, #tpu.memory_space<vmem>>, vector<16xf32>,
        %mul3A_957 = arith.mulf %get3A_953, %get3A_956 : vector<16xf32>
        %get3A_958 = arith.index_cast %scan3A_797 : i32 to index
        %get3A_959 = arith.constant 160 : index
        %get3A_960 = tpu.vector_load %arg27[%get3A_958, %get3A_959] {strides = array<i32>} : memref<16x256xf32, #tpu.memory_space<vmem>>, vector<16xf32>,
        %mul3A_961 = arith.mulf %mul3A_957, %get3A_960 : vector<16xf32>
        %get3A_962 = arith.constant 160 : index
        %get3A_963 = tpu.vector_load %arg19[%get3A_962] {strides = array<i32>} : memref<272xf32, #tpu.memory_space<vmem>>, vector<16xf32>,
        %mul3A_964 = arith.mulf %mul3A_961, %get3A_963 : vector<16xf32>
        %add3A_965 = arith.addf %add3A_950, %mul3A_964 : vector<16xf32>
        %get3A_966 = arith.index_cast %scan3A_797 : i32 to index
        %get3A_967 = arith.constant 176 : index
        %get3A_968 = tpu.vector_load %arg25[%get3A_966, %get3A_967] {strides = array<i32>} : memref<16x256xf32, #tpu.memory_space<vmem>>, vector<16xf32>,
        %get3A_969 = arith.index_cast %scan3A_797 : i32 to index
        %get3A_970 = arith.constant 176 : index
        %get3A_971 = tpu.vector_load %arg26[%get3A_969, %get3A_970] {strides = array<i32>} : memref<16x256xf32, #tpu.memory_space<vmem>>, vector<16xf32>,
        %mul3A_972 = arith.mulf %get3A_968, %get3A_971 : vector<16xf32>
        %get3A_973 = arith.index_cast %scan3A_797 : i32 to index
        %get3A_974 = arith.constant 176 : index
        %get3A_975 = tpu.vector_load %arg27[%get3A_973, %get3A_974] {strides = array<i32>} : memref<16x256xf32, #tpu.memory_space<vmem>>, vector<16xf32>,
        %mul3A_976 = arith.mulf %mul3A_972, %get3A_975 : vector<16xf32>
        %get3A_977 = arith.constant 176 : index
        %get3A_978 = tpu.vector_load %arg19[%get3A_977] {strides = array<i32>} : memref<272xf32, #tpu.memory_space<vmem>>, vector<16xf32>,
        %mul3A_979 = arith.mulf %mul3A_976, %get3A_978 : vector<16xf32>
        %add3A_980 = arith.addf %add3A_965, %mul3A_979 : vector<16xf32>
        %get3A_981 = arith.index_cast %scan3A_797 : i32 to index
        %get3A_982 = arith.constant 192 : index
        %get3A_983 = tpu.vector_load %arg25[%get3A_981, %get3A_982] {strides = array<i32>} : memref<16x256xf32, #tpu.memory_space<vmem>>, vector<16xf32>,
        %get3A_984 = arith.index_cast %scan3A_797 : i32 to index
        %get3A_985 = arith.constant 192 : index
        %get3A_986 = tpu.vector_load %arg26[%get3A_984, %get3A_985] {strides = array<i32>} : memref<16x256xf32, #tpu.memory_space<vmem>>, vector<16xf32>,
        %mul3A_987 = arith.mulf %get3A_983, %get3A_986 : vector<16xf32>
        %get3A_988 = arith.index_cast %scan3A_797 : i32 to index
        %get3A_989 = arith.constant 192 : index
        %get3A_990 = tpu.vector_load %arg27[%get3A_988, %get3A_989] {strides = array<i32>} : memref<16x256xf32, #tpu.memory_space<vmem>>, vector<16xf32>,
        %mul3A_991 = arith.mulf %mul3A_987, %get3A_990 : vector<16xf32>
        %get3A_992 = arith.constant 192 : index
        %get3A_993 = tpu.vector_load %arg19[%get3A_992] {strides = array<i32>} : memref<272xf32, #tpu.memory_space<vmem>>, vector<16xf32>,
        %mul3A_994 = arith.mulf %mul3A_991, %get3A_993 : vector<16xf32>
        %add3A_995 = arith.addf %add3A_980, %mul3A_994 : vector<16xf32>
        %get3A_996 = arith.index_cast %scan3A_797 : i32 to index
        %get3A_997 = arith.constant 208 : index
        %get3A_998 = tpu.vector_load %arg25[%get3A_996, %get3A_997] {strides = array<i32>} : memref<16x256xf32, #tpu.memory_space<vmem>>, vector<16xf32>,
        %get3A_999 = arith.index_cast %scan3A_797 : i32 to index
        %get3A_1000 = arith.constant 208 : index
        %get3A_1001 = tpu.vector_load %arg26[%get3A_999, %get3A_1000] {strides = array<i32>} : memref<16x256xf32, #tpu.memory_space<vmem>>, vector<16xf32>,
        %mul3A_1002 = arith.mulf %get3A_998, %get3A_1001 : vector<16xf32>
        %get3A_1003 = arith.index_cast %scan3A_797 : i32 to index
        %get3A_1004 = arith.constant 208 : index
        %get3A_1005 = tpu.vector_load %arg27[%get3A_1003, %get3A_1004] {strides = array<i32>} : memref<16x256xf32, #tpu.memory_space<vmem>>, vector<16xf32>,
        %mul3A_1006 = arith.mulf %mul3A_1002, %get3A_1005 : vector<16xf32>
        %get3A_1007 = arith.constant 208 : index
        %get3A_1008 = tpu.vector_load %arg19[%get3A_1007] {strides = array<i32>} : memref<272xf32, #tpu.memory_space<vmem>>, vector<16xf32>,
        %mul3A_1009 = arith.mulf %mul3A_1006, %get3A_1008 : vector<16xf32>
        %add3A_1010 = arith.addf %add3A_995, %mul3A_1009 : vector<16xf32>
        %get3A_1011 = arith.index_cast %scan3A_797 : i32 to index
        %get3A_1012 = arith.constant 224 : index
        %get3A_1013 = tpu.vector_load %arg25[%get3A_1011, %get3A_1012] {strides = array<i32>} : memref<16x256xf32, #tpu.memory_space<vmem>>, vector<16xf32>,
        %get3A_1014 = arith.index_cast %scan3A_797 : i32 to index
        %get3A_1015 = arith.constant 224 : index
        %get3A_1016 = tpu.vector_load %arg26[%get3A_1014, %get3A_1015] {strides = array<i32>} : memref<16x256xf32, #tpu.memory_space<vmem>>, vector<16xf32>,
        %mul3A_1017 = arith.mulf %get3A_1013, %get3A_1016 : vector<16xf32>
        %get3A_1018 = arith.index_cast %scan3A_797 : i32 to index
        %get3A_1019 = arith.constant 224 : index
        %get3A_1020 = tpu.vector_load %arg27[%get3A_1018, %get3A_1019] {strides = array<i32>} : memref<16x256xf32, #tpu.memory_space<vmem>>, vector<16xf32>,
        %mul3A_1021 = arith.mulf %mul3A_1017, %get3A_1020 : vector<16xf32>
        %get3A_1022 = arith.constant 224 : index
        %get3A_1023 = tpu.vector_load %arg19[%get3A_1022] {strides = array<i32>} : memref<272xf32, #tpu.memory_space<vmem>>, vector<16xf32>,
        %mul3A_1024 = arith.mulf %mul3A_1021, %get3A_1023 : vector<16xf32>
        %add3A_1025 = arith.addf %add3A_1010, %mul3A_1024 : vector<16xf32>
        %get3A_1026 = arith.index_cast %scan3A_797 : i32 to index
        %get3A_1027 = arith.constant 240 : index
        %get3A_1028 = tpu.vector_load %arg25[%get3A_1026, %get3A_1027] {strides = array<i32>} : memref<16x256xf32, #tpu.memory_space<vmem>>, vector<16xf32>,
        %get3A_1029 = arith.index_cast %scan3A_797 : i32 to index
        %get3A_1030 = arith.constant 240 : index
        %get3A_1031 = tpu.vector_load %arg26[%get3A_1029, %get3A_1030] {strides = array<i32>} : memref<16x256xf32, #tpu.memory_space<vmem>>, vector<16xf32>,
        %mul3A_1032 = arith.mulf %get3A_1028, %get3A_1031 : vector<16xf32>
        %get3A_1033 = arith.index_cast %scan3A_797 : i32 to index
        %get3A_1034 = arith.constant 240 : index
        %get3A_1035 = tpu.vector_load %arg27[%get3A_1033, %get3A_1034] {strides = array<i32>} : memref<16x256xf32, #tpu.memory_space<vmem>>, vector<16xf32>,
        %mul3A_1036 = arith.mulf %mul3A_1032, %get3A_1035 : vector<16xf32>
        %get3A_1037 = arith.constant 240 : index
        %get3A_1038 = tpu.vector_load %arg19[%get3A_1037] {strides = array<i32>} : memref<272xf32, #tpu.memory_space<vmem>>, vector<16xf32>,
        %mul3A_1039 = arith.mulf %mul3A_1036, %get3A_1038 : vector<16xf32>
        %add3A_1040 = arith.addf %add3A_1025, %mul3A_1039 : vector<16xf32>
        %eq3A_1041 = vector.broadcast %scan3A_797 : i32 to vector<16xi32>
        %eq3A_1042 = arith.cmpi eq, %iota3A, %eq3A_1041 : vector<16xi32>
        %reduce_sum3A = arith.constant true
        %reduce_sum3A_1043 = vector.broadcast %reduce_sum3A : i1 to vector<16xi1>
        %reduce_sum3A_1044 = tpu.scan <sum>, %add3A_1040 masked %reduce_sum3A_1043 : vector<16xf32>, vector<16xi1> -> vector<16xf32>
        %reduce_sum3A_1045 = vector.extract %reduce_sum3A_1044[15] : f32 from vector<16xf32>
        %broadcast_in_dim3A_1046 = vector.broadcast %reduce_sum3A_1045 : f32 to vector<16xf32>
        %select_n3A_1047 = arith.select %eq3A_1042, %broadcast_in_dim3A_1046, %scan3A_798 : vector<16xi1>, vector<16xf32>
        scf.yield %select_n3A_1047 : vector<16xf32>
      }
      %scan3A_779 = arith.constant 16 : i32
      %get3A_780 = arith.constant 256 : index
      %get3A_781 = tpu.vector_load %arg19[%get3A_780] {strides = array<i32>} : memref<272xf32, #tpu.memory_space<vmem>>, vector<16xf32>,
      %slice3A_782 = vector.extract_strided_slice %get3A_781 {offsets = [0], sizes = [1], strides = [1]} : vector<16xf32> to vector<1xf32>
      %squeeze3A_783 = vector.extract %slice3A_782[0] : f32 from vector<1xf32>
      %add3A_784 = vector.broadcast %squeeze3A_783 : f32 to vector<16xf32>
      %add3A_785 = arith.addf %scan3A_778, %add3A_784 : vector<16xf32>
      %min3A_786 = arith.minsi %get3A_769, %get3A_771 : vector<16xi32>
      %jit3A_787 = arith.constant 4096 : i32
      %broadcast_in_dim3A_788 = vector.broadcast %jit3A_787 : i32 to vector<16xi32>
      %select_n3A_789 = arith.select %lt3A_734, %min3A_786, %broadcast_in_dim3A_788 : vector<16xi1>, vector<16xi32>
      %min3A_790 = arith.minsi %while3A_728, %select_n3A_789 : vector<16xi32>
      %swap3A_791 = arith.index_cast %mul3A_730 : i32 to index
      %swap3A_792 = tpu.vector_load %arg16[%swap3A_791] {strides = array<i32>} : memref<8192xi32, #tpu.memory_space<vmem>>, vector<16xi32>,
      tpu.vector_store %arg16[%swap3A_791], %get3A_769 {strides = array<i32>} : memref<8192xi32, #tpu.memory_space<vmem>>, vector<16xi32>,
      %swap3A_793 = arith.index_cast %mul3A_730 : i32 to index
      %swap3A_794 = tpu.vector_load %arg17[%swap3A_793] {strides = array<i32>} : memref<8192xi32, #tpu.memory_space<vmem>>, vector<16xi32>,
      tpu.vector_store %arg17[%swap3A_793], %get3A_771 {strides = array<i32>} : memref<8192xi32, #tpu.memory_space<vmem>>, vector<16xi32>,
      %swap3A_795 = arith.index_cast %mul3A_730 : i32 to index
      %swap3A_796 = tpu.vector_load %arg18[%swap3A_795] {strides = array<i32>} : memref<8208xf32, #tpu.memory_space<vmem>>, vector<16xf32>,
      tpu.vector_store %arg18[%swap3A_795], %add3A_785 {strides = array<i32>} : memref<8208xf32, #tpu.memory_space<vmem>>, vector<16xf32>,
      scf.yield %min3A_790 : vector<16xi32>
    }
    %while3A_371 = arith.constant 1 : i32
    %while3A_372 = scf.for %while3A_727 = %while3A_368 to %while3A_364 step %while3A_371 iter_args(%while3A_728 = %while3A_370) -> (vector<16xi32>)  : i32 {
      %mul3A_729 = arith.constant 16 : i32
      %mul3A_730 = arith.muli %while3A_727, %mul3A_729 : i32
      %add3A_731 = vector.broadcast %mul3A_730 : i32 to vector<16xi32>
      %add3A_732 = arith.addi %add3A_731, %iota3A : vector<16xi32>
      %lt3A_733 = vector.broadcast %scan3A_342 : i32 to vector<16xi32>
      %lt3A_734 = arith.cmpi slt, %add3A_732, %lt3A_733 : vector<16xi32>
      %get3A_735 = arith.index_cast %mul3A_730 : i32 to index
      %get3A_736 = tpu.vector_load %arg16[%get3A_735] {strides = array<i32>} : memref<8192xi32, #tpu.memory_space<vmem>>, vector<16xi32>,
      %jit3A_737 = arith.constant 0 : i32
      %broadcast_in_dim3A_738 = vector.broadcast %jit3A_737 : i32 to vector<16xi32>
      %select_n3A_739 = arith.select %lt3A_734, %get3A_736, %broadcast_in_dim3A_738 : vector<16xi1>, vector<16xi32>
      %swap3A_740 = arith.constant 0 : index
      %swap3A_741 = tpu.vector_load %arg22[%swap3A_740] {strides = array<i32>} : memref<16xi32, #tpu.memory_space<vmem>>, vector<16xi32>,
      tpu.vector_store %arg22[%swap3A_740], %select_n3A_739 {strides = array<i32>} : memref<16xi32, #tpu.memory_space<vmem>>, vector<16xi32>,
      %dma_start3A_742 = arith.constant 0 : i32
      %dma_start3A_743 = arith.constant 0 : i32
      %dma_start3A_744 = tpu.memref_slice %arg7[%dma_start3A_742, %dma_start3A_743] : memref<131072x256xf32, #tpu.memory_space<hbm>> -> memref<131072x256xf32, #tpu.memory_space<hbm>>
      tpu.enqueue_indirect_dma source(%dma_start3A_744 : memref<131072x256xf32, #tpu.memory_space<hbm>>) target(%arg27 : memref<16x256xf32, #tpu.memory_space<vmem>>) offsets(%arg22 : memref<16xi32, #tpu.memory_space<vmem>>) semaphore(%arg44 : memref<!tpu.dma_semaphore, #tpu.memory_space<semaphore_mem>>)
      %dma_start3A_745 = arith.constant 0 : i32
      %dma_start3A_746 = tpu.memref_slice %arg3[%dma_start3A_745] : memref<131072xi32, #tpu.memory_space<hbm>> -> memref<131072xi32, #tpu.memory_space<hbm>>
      tpu.enqueue_indirect_dma source(%dma_start3A_746 : memref<131072xi32, #tpu.memory_space<hbm>>) target(%arg23 : memref<16xi32, #tpu.memory_space<vmem>>) offsets(%arg22 : memref<16xi32, #tpu.memory_space<vmem>>) semaphore(%arg45 : memref<!tpu.dma_semaphore, #tpu.memory_space<semaphore_mem>>)
      %dma_start3A_747 = arith.constant 0 : i32
      %dma_start3A_748 = tpu.memref_slice %arg4[%dma_start3A_747] : memref<131072xi32, #tpu.memory_space<hbm>> -> memref<131072xi32, #tpu.memory_space<hbm>>
      tpu.enqueue_indirect_dma source(%dma_start3A_748 : memref<131072xi32, #tpu.memory_space<hbm>>) target(%arg24 : memref<16xi32, #tpu.memory_space<vmem>>) offsets(%arg22 : memref<16xi32, #tpu.memory_space<vmem>>) semaphore(%arg46 : memref<!tpu.dma_semaphore, #tpu.memory_space<semaphore_mem>>)
      %dma_wait3A_749 = arith.constant 0 : i32
      %dma_wait3A_750 = arith.constant 0 : i32
      %dma_wait3A_751 = tpu.memref_slice %arg7[%dma_wait3A_749, %dma_wait3A_750] : memref<131072x256xf32, #tpu.memory_space<hbm>> -> memref<131072x256xf32, #tpu.memory_space<hbm>>
      tpu.wait_indirect_dma semaphore(%arg44 : memref<!tpu.dma_semaphore, #tpu.memory_space<semaphore_mem>>) src(%dma_wait3A_751 : memref<131072x256xf32, #tpu.memory_space<hbm>>) dst(%arg27 : memref<16x256xf32, #tpu.memory_space<vmem>>)
      %dma_wait3A_752 = arith.constant 0 : i32
      %dma_wait3A_753 = tpu.memref_slice %arg3[%dma_wait3A_752] : memref<131072xi32, #tpu.memory_space<hbm>> -> memref<131072xi32, #tpu.memory_space<hbm>>
      tpu.wait_indirect_dma semaphore(%arg45 : memref<!tpu.dma_semaphore, #tpu.memory_space<semaphore_mem>>) src(%dma_wait3A_753 : memref<131072xi32, #tpu.memory_space<hbm>>) dst(%arg23 : memref<16xi32, #tpu.memory_space<vmem>>)
      %dma_wait3A_754 = arith.constant 0 : i32
      %dma_wait3A_755 = tpu.memref_slice %arg4[%dma_wait3A_754] : memref<131072xi32, #tpu.memory_space<hbm>> -> memref<131072xi32, #tpu.memory_space<hbm>>
      tpu.wait_indirect_dma semaphore(%arg46 : memref<!tpu.dma_semaphore, #tpu.memory_space<semaphore_mem>>) src(%dma_wait3A_755 : memref<131072xi32, #tpu.memory_space<hbm>>) dst(%arg24 : memref<16xi32, #tpu.memory_space<vmem>>)
      %dma_start3A_756 = arith.constant 0 : i32
      %dma_start3A_757 = arith.constant 0 : i32
      %dma_start3A_758 = tpu.memref_slice %arg5[%dma_start3A_756, %dma_start3A_757] : memref<4096x256xf32, #tpu.memory_space<hbm>> -> memref<4096x256xf32, #tpu.memory_space<hbm>>
      tpu.enqueue_indirect_dma source(%dma_start3A_758 : memref<4096x256xf32, #tpu.memory_space<hbm>>) target(%arg25 : memref<16x256xf32, #tpu.memory_space<vmem>>) offsets(%arg23 : memref<16xi32, #tpu.memory_space<vmem>>) semaphore(%arg45 : memref<!tpu.dma_semaphore, #tpu.memory_space<semaphore_mem>>)
      %dma_start3A_759 = arith.constant 0 : i32
      %dma_start3A_760 = arith.constant 0 : i32
      %dma_start3A_761 = tpu.memref_slice %arg6[%dma_start3A_759, %dma_start3A_760] : memref<4096x256xf32, #tpu.memory_space<hbm>> -> memref<4096x256xf32, #tpu.memory_space<hbm>>
      tpu.enqueue_indirect_dma source(%dma_start3A_761 : memref<4096x256xf32, #tpu.memory_space<hbm>>) target(%arg26 : memref<16x256xf32, #tpu.memory_space<vmem>>) offsets(%arg24 : memref<16xi32, #tpu.memory_space<vmem>>) semaphore(%arg46 : memref<!tpu.dma_semaphore, #tpu.memory_space<semaphore_mem>>)
      %dma_wait3A_762 = arith.constant 0 : i32
      %dma_wait3A_763 = arith.constant 0 : i32
      %dma_wait3A_764 = tpu.memref_slice %arg5[%dma_wait3A_762, %dma_wait3A_763] : memref<4096x256xf32, #tpu.memory_space<hbm>> -> memref<4096x256xf32, #tpu.memory_space<hbm>>
      tpu.wait_indirect_dma semaphore(%arg45 : memref<!tpu.dma_semaphore, #tpu.memory_space<semaphore_mem>>) src(%dma_wait3A_764 : memref<4096x256xf32, #tpu.memory_space<hbm>>) dst(%arg25 : memref<16x256xf32, #tpu.memory_space<vmem>>)
      %dma_wait3A_765 = arith.constant 0 : i32
      %dma_wait3A_766 = arith.constant 0 : i32
      %dma_wait3A_767 = tpu.memref_slice %arg6[%dma_wait3A_765, %dma_wait3A_766] : memref<4096x256xf32, #tpu.memory_space<hbm>> -> memref<4096x256xf32, #tpu.memory_space<hbm>>
      tpu.wait_indirect_dma semaphore(%arg46 : memref<!tpu.dma_semaphore, #tpu.memory_space<semaphore_mem>>) src(%dma_wait3A_767 : memref<4096x256xf32, #tpu.memory_space<hbm>>) dst(%arg26 : memref<16x256xf32, #tpu.memory_space<vmem>>)
      %get3A_768 = arith.constant 0 : index
      %get3A_769 = tpu.vector_load %arg23[%get3A_768] {strides = array<i32>} : memref<16xi32, #tpu.memory_space<vmem>>, vector<16xi32>,
      %get3A_770 = arith.constant 0 : index
      %get3A_771 = tpu.vector_load %arg24[%get3A_770] {strides = array<i32>} : memref<16xi32, #tpu.memory_space<vmem>>, vector<16xi32>,
      %broadcast_in_dim3A_772 = arith.constant 0.000000e+00 : f32
      %broadcast_in_dim3A_773 = vector.broadcast %broadcast_in_dim3A_772 : f32 to vector<16xf32>
      %scan3A_774 = arith.constant 0 : i32
      %scan3A_775 = arith.constant 16 : i32
      %scan3A_776 = arith.addi %scan3A_774, %scan3A_775 : i32
      %scan3A_777 = arith.constant 1 : i32
      %scan3A_778 = scf.for %scan3A_797 = %scan3A_774 to %scan3A_776 step %scan3A_777 iter_args(%scan3A_798 = %broadcast_in_dim3A_773) -> (vector<16xf32>)  : i32 {
        %broadcast_in_dim3A_799 = arith.constant 0.000000e+00 : f32
        %broadcast_in_dim3A_800 = vector.broadcast %broadcast_in_dim3A_799 : f32 to vector<16xf32>
        %get3A_801 = arith.index_cast %scan3A_797 : i32 to index
        %get3A_802 = arith.constant 0 : index
        %get3A_803 = tpu.vector_load %arg25[%get3A_801, %get3A_802] {strides = array<i32>} : memref<16x256xf32, #tpu.memory_space<vmem>>, vector<16xf32>,
        %get3A_804 = arith.index_cast %scan3A_797 : i32 to index
        %get3A_805 = arith.constant 0 : index
        %get3A_806 = tpu.vector_load %arg26[%get3A_804, %get3A_805] {strides = array<i32>} : memref<16x256xf32, #tpu.memory_space<vmem>>, vector<16xf32>,
        %mul3A_807 = arith.mulf %get3A_803, %get3A_806 : vector<16xf32>
        %get3A_808 = arith.index_cast %scan3A_797 : i32 to index
        %get3A_809 = arith.constant 0 : index
        %get3A_810 = tpu.vector_load %arg27[%get3A_808, %get3A_809] {strides = array<i32>} : memref<16x256xf32, #tpu.memory_space<vmem>>, vector<16xf32>,
        %mul3A_811 = arith.mulf %mul3A_807, %get3A_810 : vector<16xf32>
        %get3A_812 = arith.constant 0 : index
        %get3A_813 = tpu.vector_load %arg19[%get3A_812] {strides = array<i32>} : memref<272xf32, #tpu.memory_space<vmem>>, vector<16xf32>,
        %mul3A_814 = arith.mulf %mul3A_811, %get3A_813 : vector<16xf32>
        %add3A_815 = arith.addf %broadcast_in_dim3A_800, %mul3A_814 : vector<16xf32>
        %get3A_816 = arith.index_cast %scan3A_797 : i32 to index
        %get3A_817 = arith.constant 16 : index
        %get3A_818 = tpu.vector_load %arg25[%get3A_816, %get3A_817] {strides = array<i32>} : memref<16x256xf32, #tpu.memory_space<vmem>>, vector<16xf32>,
        %get3A_819 = arith.index_cast %scan3A_797 : i32 to index
        %get3A_820 = arith.constant 16 : index
        %get3A_821 = tpu.vector_load %arg26[%get3A_819, %get3A_820] {strides = array<i32>} : memref<16x256xf32, #tpu.memory_space<vmem>>, vector<16xf32>,
        %mul3A_822 = arith.mulf %get3A_818, %get3A_821 : vector<16xf32>
        %get3A_823 = arith.index_cast %scan3A_797 : i32 to index
        %get3A_824 = arith.constant 16 : index
        %get3A_825 = tpu.vector_load %arg27[%get3A_823, %get3A_824] {strides = array<i32>} : memref<16x256xf32, #tpu.memory_space<vmem>>, vector<16xf32>,
        %mul3A_826 = arith.mulf %mul3A_822, %get3A_825 : vector<16xf32>
        %get3A_827 = arith.constant 16 : index
        %get3A_828 = tpu.vector_load %arg19[%get3A_827] {strides = array<i32>} : memref<272xf32, #tpu.memory_space<vmem>>, vector<16xf32>,
        %mul3A_829 = arith.mulf %mul3A_826, %get3A_828 : vector<16xf32>
        %add3A_830 = arith.addf %add3A_815, %mul3A_829 : vector<16xf32>
        %get3A_831 = arith.index_cast %scan3A_797 : i32 to index
        %get3A_832 = arith.constant 32 : index
        %get3A_833 = tpu.vector_load %arg25[%get3A_831, %get3A_832] {strides = array<i32>} : memref<16x256xf32, #tpu.memory_space<vmem>>, vector<16xf32>,
        %get3A_834 = arith.index_cast %scan3A_797 : i32 to index
        %get3A_835 = arith.constant 32 : index
        %get3A_836 = tpu.vector_load %arg26[%get3A_834, %get3A_835] {strides = array<i32>} : memref<16x256xf32, #tpu.memory_space<vmem>>, vector<16xf32>,
        %mul3A_837 = arith.mulf %get3A_833, %get3A_836 : vector<16xf32>
        %get3A_838 = arith.index_cast %scan3A_797 : i32 to index
        %get3A_839 = arith.constant 32 : index
        %get3A_840 = tpu.vector_load %arg27[%get3A_838, %get3A_839] {strides = array<i32>} : memref<16x256xf32, #tpu.memory_space<vmem>>, vector<16xf32>,
        %mul3A_841 = arith.mulf %mul3A_837, %get3A_840 : vector<16xf32>
        %get3A_842 = arith.constant 32 : index
        %get3A_843 = tpu.vector_load %arg19[%get3A_842] {strides = array<i32>} : memref<272xf32, #tpu.memory_space<vmem>>, vector<16xf32>,
        %mul3A_844 = arith.mulf %mul3A_841, %get3A_843 : vector<16xf32>
        %add3A_845 = arith.addf %add3A_830, %mul3A_844 : vector<16xf32>
        %get3A_846 = arith.index_cast %scan3A_797 : i32 to index
        %get3A_847 = arith.constant 48 : index
        %get3A_848 = tpu.vector_load %arg25[%get3A_846, %get3A_847] {strides = array<i32>} : memref<16x256xf32, #tpu.memory_space<vmem>>, vector<16xf32>,
        %get3A_849 = arith.index_cast %scan3A_797 : i32 to index
        %get3A_850 = arith.constant 48 : index
        %get3A_851 = tpu.vector_load %arg26[%get3A_849, %get3A_850] {strides = array<i32>} : memref<16x256xf32, #tpu.memory_space<vmem>>, vector<16xf32>,
        %mul3A_852 = arith.mulf %get3A_848, %get3A_851 : vector<16xf32>
        %get3A_853 = arith.index_cast %scan3A_797 : i32 to index
        %get3A_854 = arith.constant 48 : index
        %get3A_855 = tpu.vector_load %arg27[%get3A_853, %get3A_854] {strides = array<i32>} : memref<16x256xf32, #tpu.memory_space<vmem>>, vector<16xf32>,
        %mul3A_856 = arith.mulf %mul3A_852, %get3A_855 : vector<16xf32>
        %get3A_857 = arith.constant 48 : index
        %get3A_858 = tpu.vector_load %arg19[%get3A_857] {strides = array<i32>} : memref<272xf32, #tpu.memory_space<vmem>>, vector<16xf32>,
        %mul3A_859 = arith.mulf %mul3A_856, %get3A_858 : vector<16xf32>
        %add3A_860 = arith.addf %add3A_845, %mul3A_859 : vector<16xf32>
        %get3A_861 = arith.index_cast %scan3A_797 : i32 to index
        %get3A_862 = arith.constant 64 : index
        %get3A_863 = tpu.vector_load %arg25[%get3A_861, %get3A_862] {strides = array<i32>} : memref<16x256xf32, #tpu.memory_space<vmem>>, vector<16xf32>,
        %get3A_864 = arith.index_cast %scan3A_797 : i32 to index
        %get3A_865 = arith.constant 64 : index
        %get3A_866 = tpu.vector_load %arg26[%get3A_864, %get3A_865] {strides = array<i32>} : memref<16x256xf32, #tpu.memory_space<vmem>>, vector<16xf32>,
        %mul3A_867 = arith.mulf %get3A_863, %get3A_866 : vector<16xf32>
        %get3A_868 = arith.index_cast %scan3A_797 : i32 to index
        %get3A_869 = arith.constant 64 : index
        %get3A_870 = tpu.vector_load %arg27[%get3A_868, %get3A_869] {strides = array<i32>} : memref<16x256xf32, #tpu.memory_space<vmem>>, vector<16xf32>,
        %mul3A_871 = arith.mulf %mul3A_867, %get3A_870 : vector<16xf32>
        %get3A_872 = arith.constant 64 : index
        %get3A_873 = tpu.vector_load %arg19[%get3A_872] {strides = array<i32>} : memref<272xf32, #tpu.memory_space<vmem>>, vector<16xf32>,
        %mul3A_874 = arith.mulf %mul3A_871, %get3A_873 : vector<16xf32>
        %add3A_875 = arith.addf %add3A_860, %mul3A_874 : vector<16xf32>
        %get3A_876 = arith.index_cast %scan3A_797 : i32 to index
        %get3A_877 = arith.constant 80 : index
        %get3A_878 = tpu.vector_load %arg25[%get3A_876, %get3A_877] {strides = array<i32>} : memref<16x256xf32, #tpu.memory_space<vmem>>, vector<16xf32>,
        %get3A_879 = arith.index_cast %scan3A_797 : i32 to index
        %get3A_880 = arith.constant 80 : index
        %get3A_881 = tpu.vector_load %arg26[%get3A_879, %get3A_880] {strides = array<i32>} : memref<16x256xf32, #tpu.memory_space<vmem>>, vector<16xf32>,
        %mul3A_882 = arith.mulf %get3A_878, %get3A_881 : vector<16xf32>
        %get3A_883 = arith.index_cast %scan3A_797 : i32 to index
        %get3A_884 = arith.constant 80 : index
        %get3A_885 = tpu.vector_load %arg27[%get3A_883, %get3A_884] {strides = array<i32>} : memref<16x256xf32, #tpu.memory_space<vmem>>, vector<16xf32>,
        %mul3A_886 = arith.mulf %mul3A_882, %get3A_885 : vector<16xf32>
        %get3A_887 = arith.constant 80 : index
        %get3A_888 = tpu.vector_load %arg19[%get3A_887] {strides = array<i32>} : memref<272xf32, #tpu.memory_space<vmem>>, vector<16xf32>,
        %mul3A_889 = arith.mulf %mul3A_886, %get3A_888 : vector<16xf32>
        %add3A_890 = arith.addf %add3A_875, %mul3A_889 : vector<16xf32>
        %get3A_891 = arith.index_cast %scan3A_797 : i32 to index
        %get3A_892 = arith.constant 96 : index
        %get3A_893 = tpu.vector_load %arg25[%get3A_891, %get3A_892] {strides = array<i32>} : memref<16x256xf32, #tpu.memory_space<vmem>>, vector<16xf32>,
        %get3A_894 = arith.index_cast %scan3A_797 : i32 to index
        %get3A_895 = arith.constant 96 : index
        %get3A_896 = tpu.vector_load %arg26[%get3A_894, %get3A_895] {strides = array<i32>} : memref<16x256xf32, #tpu.memory_space<vmem>>, vector<16xf32>,
        %mul3A_897 = arith.mulf %get3A_893, %get3A_896 : vector<16xf32>
        %get3A_898 = arith.index_cast %scan3A_797 : i32 to index
        %get3A_899 = arith.constant 96 : index
        %get3A_900 = tpu.vector_load %arg27[%get3A_898, %get3A_899] {strides = array<i32>} : memref<16x256xf32, #tpu.memory_space<vmem>>, vector<16xf32>,
        %mul3A_901 = arith.mulf %mul3A_897, %get3A_900 : vector<16xf32>
        %get3A_902 = arith.constant 96 : index
        %get3A_903 = tpu.vector_load %arg19[%get3A_902] {strides = array<i32>} : memref<272xf32, #tpu.memory_space<vmem>>, vector<16xf32>,
        %mul3A_904 = arith.mulf %mul3A_901, %get3A_903 : vector<16xf32>
        %add3A_905 = arith.addf %add3A_890, %mul3A_904 : vector<16xf32>
        %get3A_906 = arith.index_cast %scan3A_797 : i32 to index
        %get3A_907 = arith.constant 112 : index
        %get3A_908 = tpu.vector_load %arg25[%get3A_906, %get3A_907] {strides = array<i32>} : memref<16x256xf32, #tpu.memory_space<vmem>>, vector<16xf32>,
        %get3A_909 = arith.index_cast %scan3A_797 : i32 to index
        %get3A_910 = arith.constant 112 : index
        %get3A_911 = tpu.vector_load %arg26[%get3A_909, %get3A_910] {strides = array<i32>} : memref<16x256xf32, #tpu.memory_space<vmem>>, vector<16xf32>,
        %mul3A_912 = arith.mulf %get3A_908, %get3A_911 : vector<16xf32>
        %get3A_913 = arith.index_cast %scan3A_797 : i32 to index
        %get3A_914 = arith.constant 112 : index
        %get3A_915 = tpu.vector_load %arg27[%get3A_913, %get3A_914] {strides = array<i32>} : memref<16x256xf32, #tpu.memory_space<vmem>>, vector<16xf32>,
        %mul3A_916 = arith.mulf %mul3A_912, %get3A_915 : vector<16xf32>
        %get3A_917 = arith.constant 112 : index
        %get3A_918 = tpu.vector_load %arg19[%get3A_917] {strides = array<i32>} : memref<272xf32, #tpu.memory_space<vmem>>, vector<16xf32>,
        %mul3A_919 = arith.mulf %mul3A_916, %get3A_918 : vector<16xf32>
        %add3A_920 = arith.addf %add3A_905, %mul3A_919 : vector<16xf32>
        %get3A_921 = arith.index_cast %scan3A_797 : i32 to index
        %get3A_922 = arith.constant 128 : index
        %get3A_923 = tpu.vector_load %arg25[%get3A_921, %get3A_922] {strides = array<i32>} : memref<16x256xf32, #tpu.memory_space<vmem>>, vector<16xf32>,
        %get3A_924 = arith.index_cast %scan3A_797 : i32 to index
        %get3A_925 = arith.constant 128 : index
        %get3A_926 = tpu.vector_load %arg26[%get3A_924, %get3A_925] {strides = array<i32>} : memref<16x256xf32, #tpu.memory_space<vmem>>, vector<16xf32>,
        %mul3A_927 = arith.mulf %get3A_923, %get3A_926 : vector<16xf32>
        %get3A_928 = arith.index_cast %scan3A_797 : i32 to index
        %get3A_929 = arith.constant 128 : index
        %get3A_930 = tpu.vector_load %arg27[%get3A_928, %get3A_929] {strides = array<i32>} : memref<16x256xf32, #tpu.memory_space<vmem>>, vector<16xf32>,
        %mul3A_931 = arith.mulf %mul3A_927, %get3A_930 : vector<16xf32>
        %get3A_932 = arith.constant 128 : index
        %get3A_933 = tpu.vector_load %arg19[%get3A_932] {strides = array<i32>} : memref<272xf32, #tpu.memory_space<vmem>>, vector<16xf32>,
        %mul3A_934 = arith.mulf %mul3A_931, %get3A_933 : vector<16xf32>
        %add3A_935 = arith.addf %add3A_920, %mul3A_934 : vector<16xf32>
        %get3A_936 = arith.index_cast %scan3A_797 : i32 to index
        %get3A_937 = arith.constant 144 : index
        %get3A_938 = tpu.vector_load %arg25[%get3A_936, %get3A_937] {strides = array<i32>} : memref<16x256xf32, #tpu.memory_space<vmem>>, vector<16xf32>,
        %get3A_939 = arith.index_cast %scan3A_797 : i32 to index
        %get3A_940 = arith.constant 144 : index
        %get3A_941 = tpu.vector_load %arg26[%get3A_939, %get3A_940] {strides = array<i32>} : memref<16x256xf32, #tpu.memory_space<vmem>>, vector<16xf32>,
        %mul3A_942 = arith.mulf %get3A_938, %get3A_941 : vector<16xf32>
        %get3A_943 = arith.index_cast %scan3A_797 : i32 to index
        %get3A_944 = arith.constant 144 : index
        %get3A_945 = tpu.vector_load %arg27[%get3A_943, %get3A_944] {strides = array<i32>} : memref<16x256xf32, #tpu.memory_space<vmem>>, vector<16xf32>,
        %mul3A_946 = arith.mulf %mul3A_942, %get3A_945 : vector<16xf32>
        %get3A_947 = arith.constant 144 : index
        %get3A_948 = tpu.vector_load %arg19[%get3A_947] {strides = array<i32>} : memref<272xf32, #tpu.memory_space<vmem>>, vector<16xf32>,
        %mul3A_949 = arith.mulf %mul3A_946, %get3A_948 : vector<16xf32>
        %add3A_950 = arith.addf %add3A_935, %mul3A_949 : vector<16xf32>
        %get3A_951 = arith.index_cast %scan3A_797 : i32 to index
        %get3A_952 = arith.constant 160 : index
        %get3A_953 = tpu.vector_load %arg25[%get3A_951, %get3A_952] {strides = array<i32>} : memref<16x256xf32, #tpu.memory_space<vmem>>, vector<16xf32>,
        %get3A_954 = arith.index_cast %scan3A_797 : i32 to index
        %get3A_955 = arith.constant 160 : index
        %get3A_956 = tpu.vector_load %arg26[%get3A_954, %get3A_955] {strides = array<i32>} : memref<16x256xf32, #tpu.memory_space<vmem>>, vector<16xf32>,
        %mul3A_957 = arith.mulf %get3A_953, %get3A_956 : vector<16xf32>
        %get3A_958 = arith.index_cast %scan3A_797 : i32 to index
        %get3A_959 = arith.constant 160 : index
        %get3A_960 = tpu.vector_load %arg27[%get3A_958, %get3A_959] {strides = array<i32>} : memref<16x256xf32, #tpu.memory_space<vmem>>, vector<16xf32>,
        %mul3A_961 = arith.mulf %mul3A_957, %get3A_960 : vector<16xf32>
        %get3A_962 = arith.constant 160 : index
        %get3A_963 = tpu.vector_load %arg19[%get3A_962] {strides = array<i32>} : memref<272xf32, #tpu.memory_space<vmem>>, vector<16xf32>,
        %mul3A_964 = arith.mulf %mul3A_961, %get3A_963 : vector<16xf32>
        %add3A_965 = arith.addf %add3A_950, %mul3A_964 : vector<16xf32>
        %get3A_966 = arith.index_cast %scan3A_797 : i32 to index
        %get3A_967 = arith.constant 176 : index
        %get3A_968 = tpu.vector_load %arg25[%get3A_966, %get3A_967] {strides = array<i32>} : memref<16x256xf32, #tpu.memory_space<vmem>>, vector<16xf32>,
        %get3A_969 = arith.index_cast %scan3A_797 : i32 to index
        %get3A_970 = arith.constant 176 : index
        %get3A_971 = tpu.vector_load %arg26[%get3A_969, %get3A_970] {strides = array<i32>} : memref<16x256xf32, #tpu.memory_space<vmem>>, vector<16xf32>,
        %mul3A_972 = arith.mulf %get3A_968, %get3A_971 : vector<16xf32>
        %get3A_973 = arith.index_cast %scan3A_797 : i32 to index
        %get3A_974 = arith.constant 176 : index
        %get3A_975 = tpu.vector_load %arg27[%get3A_973, %get3A_974] {strides = array<i32>} : memref<16x256xf32, #tpu.memory_space<vmem>>, vector<16xf32>,
        %mul3A_976 = arith.mulf %mul3A_972, %get3A_975 : vector<16xf32>
        %get3A_977 = arith.constant 176 : index
        %get3A_978 = tpu.vector_load %arg19[%get3A_977] {strides = array<i32>} : memref<272xf32, #tpu.memory_space<vmem>>, vector<16xf32>,
        %mul3A_979 = arith.mulf %mul3A_976, %get3A_978 : vector<16xf32>
        %add3A_980 = arith.addf %add3A_965, %mul3A_979 : vector<16xf32>
        %get3A_981 = arith.index_cast %scan3A_797 : i32 to index
        %get3A_982 = arith.constant 192 : index
        %get3A_983 = tpu.vector_load %arg25[%get3A_981, %get3A_982] {strides = array<i32>} : memref<16x256xf32, #tpu.memory_space<vmem>>, vector<16xf32>,
        %get3A_984 = arith.index_cast %scan3A_797 : i32 to index
        %get3A_985 = arith.constant 192 : index
        %get3A_986 = tpu.vector_load %arg26[%get3A_984, %get3A_985] {strides = array<i32>} : memref<16x256xf32, #tpu.memory_space<vmem>>, vector<16xf32>,
        %mul3A_987 = arith.mulf %get3A_983, %get3A_986 : vector<16xf32>
        %get3A_988 = arith.index_cast %scan3A_797 : i32 to index
        %get3A_989 = arith.constant 192 : index
        %get3A_990 = tpu.vector_load %arg27[%get3A_988, %get3A_989] {strides = array<i32>} : memref<16x256xf32, #tpu.memory_space<vmem>>, vector<16xf32>,
        %mul3A_991 = arith.mulf %mul3A_987, %get3A_990 : vector<16xf32>
        %get3A_992 = arith.constant 192 : index
        %get3A_993 = tpu.vector_load %arg19[%get3A_992] {strides = array<i32>} : memref<272xf32, #tpu.memory_space<vmem>>, vector<16xf32>,
        %mul3A_994 = arith.mulf %mul3A_991, %get3A_993 : vector<16xf32>
        %add3A_995 = arith.addf %add3A_980, %mul3A_994 : vector<16xf32>
        %get3A_996 = arith.index_cast %scan3A_797 : i32 to index
        %get3A_997 = arith.constant 208 : index
        %get3A_998 = tpu.vector_load %arg25[%get3A_996, %get3A_997] {strides = array<i32>} : memref<16x256xf32, #tpu.memory_space<vmem>>, vector<16xf32>,
        %get3A_999 = arith.index_cast %scan3A_797 : i32 to index
        %get3A_1000 = arith.constant 208 : index
        %get3A_1001 = tpu.vector_load %arg26[%get3A_999, %get3A_1000] {strides = array<i32>} : memref<16x256xf32, #tpu.memory_space<vmem>>, vector<16xf32>,
        %mul3A_1002 = arith.mulf %get3A_998, %get3A_1001 : vector<16xf32>
        %get3A_1003 = arith.index_cast %scan3A_797 : i32 to index
        %get3A_1004 = arith.constant 208 : index
        %get3A_1005 = tpu.vector_load %arg27[%get3A_1003, %get3A_1004] {strides = array<i32>} : memref<16x256xf32, #tpu.memory_space<vmem>>, vector<16xf32>,
        %mul3A_1006 = arith.mulf %mul3A_1002, %get3A_1005 : vector<16xf32>
        %get3A_1007 = arith.constant 208 : index
        %get3A_1008 = tpu.vector_load %arg19[%get3A_1007] {strides = array<i32>} : memref<272xf32, #tpu.memory_space<vmem>>, vector<16xf32>,
        %mul3A_1009 = arith.mulf %mul3A_1006, %get3A_1008 : vector<16xf32>
        %add3A_1010 = arith.addf %add3A_995, %mul3A_1009 : vector<16xf32>
        %get3A_1011 = arith.index_cast %scan3A_797 : i32 to index
        %get3A_1012 = arith.constant 224 : index
        %get3A_1013 = tpu.vector_load %arg25[%get3A_1011, %get3A_1012] {strides = array<i32>} : memref<16x256xf32, #tpu.memory_space<vmem>>, vector<16xf32>,
        %get3A_1014 = arith.index_cast %scan3A_797 : i32 to index
        %get3A_1015 = arith.constant 224 : index
        %get3A_1016 = tpu.vector_load %arg26[%get3A_1014, %get3A_1015] {strides = array<i32>} : memref<16x256xf32, #tpu.memory_space<vmem>>, vector<16xf32>,
        %mul3A_1017 = arith.mulf %get3A_1013, %get3A_1016 : vector<16xf32>
        %get3A_1018 = arith.index_cast %scan3A_797 : i32 to index
        %get3A_1019 = arith.constant 224 : index
        %get3A_1020 = tpu.vector_load %arg27[%get3A_1018, %get3A_1019] {strides = array<i32>} : memref<16x256xf32, #tpu.memory_space<vmem>>, vector<16xf32>,
        %mul3A_1021 = arith.mulf %mul3A_1017, %get3A_1020 : vector<16xf32>
        %get3A_1022 = arith.constant 224 : index
        %get3A_1023 = tpu.vector_load %arg19[%get3A_1022] {strides = array<i32>} : memref<272xf32, #tpu.memory_space<vmem>>, vector<16xf32>,
        %mul3A_1024 = arith.mulf %mul3A_1021, %get3A_1023 : vector<16xf32>
        %add3A_1025 = arith.addf %add3A_1010, %mul3A_1024 : vector<16xf32>
        %get3A_1026 = arith.index_cast %scan3A_797 : i32 to index
        %get3A_1027 = arith.constant 240 : index
        %get3A_1028 = tpu.vector_load %arg25[%get3A_1026, %get3A_1027] {strides = array<i32>} : memref<16x256xf32, #tpu.memory_space<vmem>>, vector<16xf32>,
        %get3A_1029 = arith.index_cast %scan3A_797 : i32 to index
        %get3A_1030 = arith.constant 240 : index
        %get3A_1031 = tpu.vector_load %arg26[%get3A_1029, %get3A_1030] {strides = array<i32>} : memref<16x256xf32, #tpu.memory_space<vmem>>, vector<16xf32>,
        %mul3A_1032 = arith.mulf %get3A_1028, %get3A_1031 : vector<16xf32>
        %get3A_1033 = arith.index_cast %scan3A_797 : i32 to index
        %get3A_1034 = arith.constant 240 : index
        %get3A_1035 = tpu.vector_load %arg27[%get3A_1033, %get3A_1034] {strides = array<i32>} : memref<16x256xf32, #tpu.memory_space<vmem>>, vector<16xf32>,
        %mul3A_1036 = arith.mulf %mul3A_1032, %get3A_1035 : vector<16xf32>
        %get3A_1037 = arith.constant 240 : index
        %get3A_1038 = tpu.vector_load %arg19[%get3A_1037] {strides = array<i32>} : memref<272xf32, #tpu.memory_space<vmem>>, vector<16xf32>,
        %mul3A_1039 = arith.mulf %mul3A_1036, %get3A_1038 : vector<16xf32>
        %add3A_1040 = arith.addf %add3A_1025, %mul3A_1039 : vector<16xf32>
        %eq3A_1041 = vector.broadcast %scan3A_797 : i32 to vector<16xi32>
        %eq3A_1042 = arith.cmpi eq, %iota3A, %eq3A_1041 : vector<16xi32>
        %reduce_sum3A = arith.constant true
        %reduce_sum3A_1043 = vector.broadcast %reduce_sum3A : i1 to vector<16xi1>
        %reduce_sum3A_1044 = tpu.scan <sum>, %add3A_1040 masked %reduce_sum3A_1043 : vector<16xf32>, vector<16xi1> -> vector<16xf32>
        %reduce_sum3A_1045 = vector.extract %reduce_sum3A_1044[15] : f32 from vector<16xf32>
        %broadcast_in_dim3A_1046 = vector.broadcast %reduce_sum3A_1045 : f32 to vector<16xf32>
        %select_n3A_1047 = arith.select %eq3A_1042, %broadcast_in_dim3A_1046, %scan3A_798 : vector<16xi1>, vector<16xf32>
        scf.yield %select_n3A_1047 : vector<16xf32>
      }
      %scan3A_779 = arith.constant 16 : i32
      %get3A_780 = arith.constant 256 : index
      %get3A_781 = tpu.vector_load %arg19[%get3A_780] {strides = array<i32>} : memref<272xf32, #tpu.memory_space<vmem>>, vector<16xf32>,
      %slice3A_782 = vector.extract_strided_slice %get3A_781 {offsets = [0], sizes = [1], strides = [1]} : vector<16xf32> to vector<1xf32>
      %squeeze3A_783 = vector.extract %slice3A_782[0] : f32 from vector<1xf32>
      %add3A_784 = vector.broadcast %squeeze3A_783 : f32 to vector<16xf32>
      %add3A_785 = arith.addf %scan3A_778, %add3A_784 : vector<16xf32>
      %min3A_786 = arith.minsi %get3A_769, %get3A_771 : vector<16xi32>
      %jit3A_787 = arith.constant 4096 : i32
      %broadcast_in_dim3A_788 = vector.broadcast %jit3A_787 : i32 to vector<16xi32>
      %select_n3A_789 = arith.select %lt3A_734, %min3A_786, %broadcast_in_dim3A_788 : vector<16xi1>, vector<16xi32>
      %min3A_790 = arith.minsi %while3A_728, %select_n3A_789 : vector<16xi32>
      %swap3A_791 = arith.index_cast %mul3A_730 : i32 to index
      %swap3A_792 = tpu.vector_load %arg16[%swap3A_791] {strides = array<i32>} : memref<8192xi32, #tpu.memory_space<vmem>>, vector<16xi32>,
      tpu.vector_store %arg16[%swap3A_791], %get3A_769 {strides = array<i32>} : memref<8192xi32, #tpu.memory_space<vmem>>, vector<16xi32>,
      %swap3A_793 = arith.index_cast %mul3A_730 : i32 to index
      %swap3A_794 = tpu.vector_load %arg17[%swap3A_793] {strides = array<i32>} : memref<8192xi32, #tpu.memory_space<vmem>>, vector<16xi32>,
      tpu.vector_store %arg17[%swap3A_793], %get3A_771 {strides = array<i32>} : memref<8192xi32, #tpu.memory_space<vmem>>, vector<16xi32>,
      %swap3A_795 = arith.index_cast %mul3A_730 : i32 to index
      %swap3A_796 = tpu.vector_load %arg18[%swap3A_795] {strides = array<i32>} : memref<8208xf32, #tpu.memory_space<vmem>>, vector<16xf32>,
      tpu.vector_store %arg18[%swap3A_795], %add3A_785 {strides = array<i32>} : memref<8208xf32, #tpu.memory_space<vmem>>, vector<16xf32>,
      scf.yield %min3A_790 : vector<16xi32>
    }
    %reduce_min3A = arith.constant true
    %reduce_min3A_373 = vector.broadcast %reduce_min3A : i1 to vector<16xi1>
    %reduce_min3A_374 = arith.constant -2147483648 : i32
    %reduce_min3A_375 = vector.broadcast %reduce_min3A_374 : i32 to vector<16xi32>
    %reduce_min3A_376 = arith.xori %while3A_372, %reduce_min3A_375 : vector<16xi32>
    %reduce_min3A_377 = tpu.scan <min>, %reduce_min3A_376 masked %reduce_min3A_373 : vector<16xi32>, vector<16xi1> -> vector<16xi32>
    %reduce_min3A_378 = arith.xori %reduce_min3A_377, %reduce_min3A_375 : vector<16xi32>
    %reduce_min3A_379 = vector.extract %reduce_min3A_378[15] : i32 from vector<16xi32>
    %eq3A = arith.constant 0 : i32
    %eq3A_380 = vector.broadcast %eq3A : i32 to vector<16xi32>
    %eq3A_381 = arith.cmpi eq, %iota3A, %eq3A_380 : vector<16xi32>
    %eq3A_382 = arith.constant 1 : i32
    %eq3A_383 = vector.broadcast %eq3A_382 : i32 to vector<16xi32>
    %eq3A_384 = arith.cmpi eq, %iota3A, %eq3A_383 : vector<16xi32>
    %jit3A_385 = arith.constant 0 : i32
    %broadcast_in_dim3A_386 = vector.broadcast %scan3A_342 : i32 to vector<16xi32>
    %broadcast_in_dim3A_387 = vector.broadcast %jit3A_385 : i32 to vector<16xi32>
    %select_n3A_388 = arith.select %eq3A_384, %broadcast_in_dim3A_386, %broadcast_in_dim3A_387 : vector<16xi1>, vector<16xi32>
    %broadcast_in_dim3A_389 = vector.broadcast %reduce_min3A_379 : i32 to vector<16xi32>
    %select_n3A_390 = arith.select %eq3A_381, %broadcast_in_dim3A_389, %select_n3A_388 : vector<16xi1>, vector<16xi32>
    %swap3A = arith.constant 0 : index
    %swap3A_391 = tpu.vector_load %arg20[%swap3A] {strides = array<i32>} : memref<16xi32, #tpu.memory_space<vmem>>, vector<16xi32>,
    tpu.vector_store %arg20[%swap3A], %select_n3A_390 {strides = array<i32>} : memref<16xi32, #tpu.memory_space<vmem>>, vector<16xi32>,
    "tpu.region"() ({
      %run_scoped3A = tpu.sem_alloc : memref<!tpu.dma_semaphore, #tpu.memory_space<semaphore_mem>>
      %dma_start3A_727 = arith.constant 0 : i32
      %dma_start3A_728 = tpu.memref_slice %arg42[%arg1, %dma_start3A_727] : memref<16x16xi32, #tpu.memory_space<vmem_shared>> -> memref<1x16xi32, #tpu.memory_space<vmem_shared>>
      %dma_start3A_729 = tpu.memref_squeeze %dma_start3A_728 : memref<1x16xi32, #tpu.memory_space<vmem_shared>> -> memref<16xi32, #tpu.memory_space<vmem_shared>>
      %dma_start3A_730 = arith.constant 0 : i32
      %dma_start3A_731 = tpu.memref_slice %arg42[%arg1, %dma_start3A_730] : memref<16x16xi32, #tpu.memory_space<vmem_shared>> -> memref<1x16xi32, #tpu.memory_space<vmem_shared>>
      %dma_start3A_732 = tpu.memref_squeeze %dma_start3A_731 : memref<1x16xi32, #tpu.memory_space<vmem_shared>> -> memref<16xi32, #tpu.memory_space<vmem_shared>>
      tpu.enqueue_dma source(%arg20 : memref<16xi32, #tpu.memory_space<vmem>>) target(%dma_start3A_732 : memref<16xi32, #tpu.memory_space<vmem_shared>>) target_semaphore(%run_scoped3A : memref<!tpu.dma_semaphore, #tpu.memory_space<semaphore_mem>>)
      %dma_wait3A_733 = arith.constant 0 : i32
      %dma_wait3A_734 = tpu.memref_slice %arg42[%arg1, %dma_wait3A_733] : memref<16x16xi32, #tpu.memory_space<vmem_shared>> -> memref<1x16xi32, #tpu.memory_space<vmem_shared>>
      %dma_wait3A_735 = tpu.memref_squeeze %dma_wait3A_734 : memref<1x16xi32, #tpu.memory_space<vmem_shared>> -> memref<16xi32, #tpu.memory_space<vmem_shared>>
      %dma_wait3A_736 = arith.constant 0 : i32
      %dma_wait3A_737 = tpu.memref_slice %arg42[%arg1, %dma_wait3A_736] : memref<16x16xi32, #tpu.memory_space<vmem_shared>> -> memref<1x16xi32, #tpu.memory_space<vmem_shared>>
      %dma_wait3A_738 = tpu.memref_squeeze %dma_wait3A_737 : memref<1x16xi32, #tpu.memory_space<vmem_shared>> -> memref<16xi32, #tpu.memory_space<vmem_shared>>
      tpu.wait_dma2 semaphore(%run_scoped3A : memref<!tpu.dma_semaphore, #tpu.memory_space<semaphore_mem>>) src(%arg20 : memref<16xi32, #tpu.memory_space<vmem>>) dst(%dma_wait3A_738 : memref<16xi32, #tpu.memory_space<vmem_shared>>)
      tpu.yield
    }) : () -> ()
    %barrier3A = arith.constant 0 : index
    tpu.barrier barrier_id(%barrier3A)
    "tpu.region"() ({
      %run_scoped3A = tpu.sem_alloc : memref<!tpu.dma_semaphore, #tpu.memory_space<semaphore_mem>>
      tpu.enqueue_dma source(%arg42 : memref<16x16xi32, #tpu.memory_space<vmem_shared>>) target(%arg21 : memref<16x16xi32, #tpu.memory_space<vmem>>) target_semaphore(%run_scoped3A : memref<!tpu.dma_semaphore, #tpu.memory_space<semaphore_mem>>)
      tpu.wait_dma2 semaphore(%run_scoped3A : memref<!tpu.dma_semaphore, #tpu.memory_space<semaphore_mem>>) src(%arg42 : memref<16x16xi32, #tpu.memory_space<vmem_shared>>) dst(%arg21 : memref<16x16xi32, #tpu.memory_space<vmem>>)
      tpu.yield
    }) : () -> ()
    %get3A = arith.constant 0 : i32
    %get3A_392 = arith.index_cast %get3A : i32 to index
    %get3A_393 = arith.constant 0 : index
    %get3A_394 = tpu.vector_load %arg21[%get3A_392, %get3A_393] {strides = array<i32>} : memref<16x16xi32, #tpu.memory_space<vmem>>, vector<16xi32>,
    %slice3A = vector.extract_strided_slice %get3A_394 {offsets = [0], sizes = [1], strides = [1]} : vector<16xi32> to vector<1xi32>
    %squeeze3A = vector.extract %slice3A[0] : i32 from vector<1xi32>
    %min3A = arith.constant 4096 : i32
    %min3A_395 = arith.minsi %min3A, %squeeze3A : i32
    %slice3A_396 = vector.extract_strided_slice %get3A_394 {offsets = [1], sizes = [1], strides = [1]} : vector<16xi32> to vector<1xi32>
    %squeeze3A_397 = vector.extract %slice3A_396[0] : i32 from vector<1xi32>
    %add3A_398 = arith.constant 0 : i32
    %add3A_399 = arith.addi %add3A_398, %squeeze3A_397 : i32
    %lt3A = arith.constant 0 : i32
    %lt3A_400 = arith.cmpi slt, %lt3A, %arg1 : i32
    %jit3A_401 = arith.constant 0 : i32
    %select_n3A_402 = arith.select %lt3A_400, %squeeze3A_397, %jit3A_401 : i32
    %add3A_403 = arith.constant 0 : i32
    %add3A_404 = arith.addi %add3A_403, %select_n3A_402 : i32
    %get3A_405 = arith.constant 1 : i32
    %get3A_406 = arith.index_cast %get3A_405 : i32 to index
    %get3A_407 = arith.constant 0 : index
    %get3A_408 = tpu.vector_load %arg21[%get3A_406, %get3A_407] {strides = array<i32>} : memref<16x16xi32, #tpu.memory_space<vmem>>, vector<16xi32>,
    %slice3A_409 = vector.extract_strided_slice %get3A_408 {offsets = [0], sizes = [1], strides = [1]} : vector<16xi32> to vector<1xi32>
    %squeeze3A_410 = vector.extract %slice3A_409[0] : i32 from vector<1xi32>
    %min3A_411 = arith.minsi %min3A_395, %squeeze3A_410 : i32
    %slice3A_412 = vector.extract_strided_slice %get3A_408 {offsets = [1], sizes = [1], strides = [1]} : vector<16xi32> to vector<1xi32>
    %squeeze3A_413 = vector.extract %slice3A_412[0] : i32 from vector<1xi32>
    %add3A_414 = arith.addi %add3A_399, %squeeze3A_413 : i32
    %lt3A_415 = arith.constant 1 : i32
    %lt3A_416 = arith.cmpi slt, %lt3A_415, %arg1 : i32
    %jit3A_417 = arith.constant 0 : i32
    %select_n3A_418 = arith.select %lt3A_416, %squeeze3A_413, %jit3A_417 : i32
    %add3A_419 = arith.addi %add3A_404, %select_n3A_418 : i32
    %get3A_420 = arith.constant 2 : i32
    %get3A_421 = arith.index_cast %get3A_420 : i32 to index
    %get3A_422 = arith.constant 0 : index
    %get3A_423 = tpu.vector_load %arg21[%get3A_421, %get3A_422] {strides = array<i32>} : memref<16x16xi32, #tpu.memory_space<vmem>>, vector<16xi32>,
    %slice3A_424 = vector.extract_strided_slice %get3A_423 {offsets = [0], sizes = [1], strides = [1]} : vector<16xi32> to vector<1xi32>
    %squeeze3A_425 = vector.extract %slice3A_424[0] : i32 from vector<1xi32>
    %min3A_426 = arith.minsi %min3A_411, %squeeze3A_425 : i32
    %slice3A_427 = vector.extract_strided_slice %get3A_423 {offsets = [1], sizes = [1], strides = [1]} : vector<16xi32> to vector<1xi32>
    %squeeze3A_428 = vector.extract %slice3A_427[0] : i32 from vector<1xi32>
    %add3A_429 = arith.addi %add3A_414, %squeeze3A_428 : i32
    %lt3A_430 = arith.constant 2 : i32
    %lt3A_431 = arith.cmpi slt, %lt3A_430, %arg1 : i32
    %jit3A_432 = arith.constant 0 : i32
    %select_n3A_433 = arith.select %lt3A_431, %squeeze3A_428, %jit3A_432 : i32
    %add3A_434 = arith.addi %add3A_419, %select_n3A_433 : i32
    %get3A_435 = arith.constant 3 : i32
    %get3A_436 = arith.index_cast %get3A_435 : i32 to index
    %get3A_437 = arith.constant 0 : index
    %get3A_438 = tpu.vector_load %arg21[%get3A_436, %get3A_437] {strides = array<i32>} : memref<16x16xi32, #tpu.memory_space<vmem>>, vector<16xi32>,
    %slice3A_439 = vector.extract_strided_slice %get3A_438 {offsets = [0], sizes = [1], strides = [1]} : vector<16xi32> to vector<1xi32>
    %squeeze3A_440 = vector.extract %slice3A_439[0] : i32 from vector<1xi32>
    %min3A_441 = arith.minsi %min3A_426, %squeeze3A_440 : i32
    %slice3A_442 = vector.extract_strided_slice %get3A_438 {offsets = [1], sizes = [1], strides = [1]} : vector<16xi32> to vector<1xi32>
    %squeeze3A_443 = vector.extract %slice3A_442[0] : i32 from vector<1xi32>
    %add3A_444 = arith.addi %add3A_429, %squeeze3A_443 : i32
    %lt3A_445 = arith.constant 3 : i32
    %lt3A_446 = arith.cmpi slt, %lt3A_445, %arg1 : i32
    %jit3A_447 = arith.constant 0 : i32
    %select_n3A_448 = arith.select %lt3A_446, %squeeze3A_443, %jit3A_447 : i32
    %add3A_449 = arith.addi %add3A_434, %select_n3A_448 : i32
    %get3A_450 = arith.constant 4 : i32
    %get3A_451 = arith.index_cast %get3A_450 : i32 to index
    %get3A_452 = arith.constant 0 : index
    %get3A_453 = tpu.vector_load %arg21[%get3A_451, %get3A_452] {strides = array<i32>} : memref<16x16xi32, #tpu.memory_space<vmem>>, vector<16xi32>,
    %slice3A_454 = vector.extract_strided_slice %get3A_453 {offsets = [0], sizes = [1], strides = [1]} : vector<16xi32> to vector<1xi32>
    %squeeze3A_455 = vector.extract %slice3A_454[0] : i32 from vector<1xi32>
    %min3A_456 = arith.minsi %min3A_441, %squeeze3A_455 : i32
    %slice3A_457 = vector.extract_strided_slice %get3A_453 {offsets = [1], sizes = [1], strides = [1]} : vector<16xi32> to vector<1xi32>
    %squeeze3A_458 = vector.extract %slice3A_457[0] : i32 from vector<1xi32>
    %add3A_459 = arith.addi %add3A_444, %squeeze3A_458 : i32
    %lt3A_460 = arith.constant 4 : i32
    %lt3A_461 = arith.cmpi slt, %lt3A_460, %arg1 : i32
    %jit3A_462 = arith.constant 0 : i32
    %select_n3A_463 = arith.select %lt3A_461, %squeeze3A_458, %jit3A_462 : i32
    %add3A_464 = arith.addi %add3A_449, %select_n3A_463 : i32
    %get3A_465 = arith.constant 5 : i32
    %get3A_466 = arith.index_cast %get3A_465 : i32 to index
    %get3A_467 = arith.constant 0 : index
    %get3A_468 = tpu.vector_load %arg21[%get3A_466, %get3A_467] {strides = array<i32>} : memref<16x16xi32, #tpu.memory_space<vmem>>, vector<16xi32>,
    %slice3A_469 = vector.extract_strided_slice %get3A_468 {offsets = [0], sizes = [1], strides = [1]} : vector<16xi32> to vector<1xi32>
    %squeeze3A_470 = vector.extract %slice3A_469[0] : i32 from vector<1xi32>
    %min3A_471 = arith.minsi %min3A_456, %squeeze3A_470 : i32
    %slice3A_472 = vector.extract_strided_slice %get3A_468 {offsets = [1], sizes = [1], strides = [1]} : vector<16xi32> to vector<1xi32>
    %squeeze3A_473 = vector.extract %slice3A_472[0] : i32 from vector<1xi32>
    %add3A_474 = arith.addi %add3A_459, %squeeze3A_473 : i32
    %lt3A_475 = arith.constant 5 : i32
    %lt3A_476 = arith.cmpi slt, %lt3A_475, %arg1 : i32
    %jit3A_477 = arith.constant 0 : i32
    %select_n3A_478 = arith.select %lt3A_476, %squeeze3A_473, %jit3A_477 : i32
    %add3A_479 = arith.addi %add3A_464, %select_n3A_478 : i32
    %get3A_480 = arith.constant 6 : i32
    %get3A_481 = arith.index_cast %get3A_480 : i32 to index
    %get3A_482 = arith.constant 0 : index
    %get3A_483 = tpu.vector_load %arg21[%get3A_481, %get3A_482] {strides = array<i32>} : memref<16x16xi32, #tpu.memory_space<vmem>>, vector<16xi32>,
    %slice3A_484 = vector.extract_strided_slice %get3A_483 {offsets = [0], sizes = [1], strides = [1]} : vector<16xi32> to vector<1xi32>
    %squeeze3A_485 = vector.extract %slice3A_484[0] : i32 from vector<1xi32>
    %min3A_486 = arith.minsi %min3A_471, %squeeze3A_485 : i32
    %slice3A_487 = vector.extract_strided_slice %get3A_483 {offsets = [1], sizes = [1], strides = [1]} : vector<16xi32> to vector<1xi32>
    %squeeze3A_488 = vector.extract %slice3A_487[0] : i32 from vector<1xi32>
    %add3A_489 = arith.addi %add3A_474, %squeeze3A_488 : i32
    %lt3A_490 = arith.constant 6 : i32
    %lt3A_491 = arith.cmpi slt, %lt3A_490, %arg1 : i32
    %jit3A_492 = arith.constant 0 : i32
    %select_n3A_493 = arith.select %lt3A_491, %squeeze3A_488, %jit3A_492 : i32
    %add3A_494 = arith.addi %add3A_479, %select_n3A_493 : i32
    %get3A_495 = arith.constant 7 : i32
    %get3A_496 = arith.index_cast %get3A_495 : i32 to index
    %get3A_497 = arith.constant 0 : index
    %get3A_498 = tpu.vector_load %arg21[%get3A_496, %get3A_497] {strides = array<i32>} : memref<16x16xi32, #tpu.memory_space<vmem>>, vector<16xi32>,
    %slice3A_499 = vector.extract_strided_slice %get3A_498 {offsets = [0], sizes = [1], strides = [1]} : vector<16xi32> to vector<1xi32>
    %squeeze3A_500 = vector.extract %slice3A_499[0] : i32 from vector<1xi32>
    %min3A_501 = arith.minsi %min3A_486, %squeeze3A_500 : i32
    %slice3A_502 = vector.extract_strided_slice %get3A_498 {offsets = [1], sizes = [1], strides = [1]} : vector<16xi32> to vector<1xi32>
    %squeeze3A_503 = vector.extract %slice3A_502[0] : i32 from vector<1xi32>
    %add3A_504 = arith.addi %add3A_489, %squeeze3A_503 : i32
    %lt3A_505 = arith.constant 7 : i32
    %lt3A_506 = arith.cmpi slt, %lt3A_505, %arg1 : i32
    %jit3A_507 = arith.constant 0 : i32
    %select_n3A_508 = arith.select %lt3A_506, %squeeze3A_503, %jit3A_507 : i32
    %add3A_509 = arith.addi %add3A_494, %select_n3A_508 : i32
    %get3A_510 = arith.constant 8 : i32
    %get3A_511 = arith.index_cast %get3A_510 : i32 to index
    %get3A_512 = arith.constant 0 : index
    %get3A_513 = tpu.vector_load %arg21[%get3A_511, %get3A_512] {strides = array<i32>} : memref<16x16xi32, #tpu.memory_space<vmem>>, vector<16xi32>,
    %slice3A_514 = vector.extract_strided_slice %get3A_513 {offsets = [0], sizes = [1], strides = [1]} : vector<16xi32> to vector<1xi32>
    %squeeze3A_515 = vector.extract %slice3A_514[0] : i32 from vector<1xi32>
    %min3A_516 = arith.minsi %min3A_501, %squeeze3A_515 : i32
    %slice3A_517 = vector.extract_strided_slice %get3A_513 {offsets = [1], sizes = [1], strides = [1]} : vector<16xi32> to vector<1xi32>
    %squeeze3A_518 = vector.extract %slice3A_517[0] : i32 from vector<1xi32>
    %add3A_519 = arith.addi %add3A_504, %squeeze3A_518 : i32
    %lt3A_520 = arith.constant 8 : i32
    %lt3A_521 = arith.cmpi slt, %lt3A_520, %arg1 : i32
    %jit3A_522 = arith.constant 0 : i32
    %select_n3A_523 = arith.select %lt3A_521, %squeeze3A_518, %jit3A_522 : i32
    %add3A_524 = arith.addi %add3A_509, %select_n3A_523 : i32
    %get3A_525 = arith.constant 9 : i32
    %get3A_526 = arith.index_cast %get3A_525 : i32 to index
    %get3A_527 = arith.constant 0 : index
    %get3A_528 = tpu.vector_load %arg21[%get3A_526, %get3A_527] {strides = array<i32>} : memref<16x16xi32, #tpu.memory_space<vmem>>, vector<16xi32>,
    %slice3A_529 = vector.extract_strided_slice %get3A_528 {offsets = [0], sizes = [1], strides = [1]} : vector<16xi32> to vector<1xi32>
    %squeeze3A_530 = vector.extract %slice3A_529[0] : i32 from vector<1xi32>
    %min3A_531 = arith.minsi %min3A_516, %squeeze3A_530 : i32
    %slice3A_532 = vector.extract_strided_slice %get3A_528 {offsets = [1], sizes = [1], strides = [1]} : vector<16xi32> to vector<1xi32>
    %squeeze3A_533 = vector.extract %slice3A_532[0] : i32 from vector<1xi32>
    %add3A_534 = arith.addi %add3A_519, %squeeze3A_533 : i32
    %lt3A_535 = arith.constant 9 : i32
    %lt3A_536 = arith.cmpi slt, %lt3A_535, %arg1 : i32
    %jit3A_537 = arith.constant 0 : i32
    %select_n3A_538 = arith.select %lt3A_536, %squeeze3A_533, %jit3A_537 : i32
    %add3A_539 = arith.addi %add3A_524, %select_n3A_538 : i32
    %get3A_540 = arith.constant 10 : i32
    %get3A_541 = arith.index_cast %get3A_540 : i32 to index
    %get3A_542 = arith.constant 0 : index
    %get3A_543 = tpu.vector_load %arg21[%get3A_541, %get3A_542] {strides = array<i32>} : memref<16x16xi32, #tpu.memory_space<vmem>>, vector<16xi32>,
    %slice3A_544 = vector.extract_strided_slice %get3A_543 {offsets = [0], sizes = [1], strides = [1]} : vector<16xi32> to vector<1xi32>
    %squeeze3A_545 = vector.extract %slice3A_544[0] : i32 from vector<1xi32>
    %min3A_546 = arith.minsi %min3A_531, %squeeze3A_545 : i32
    %slice3A_547 = vector.extract_strided_slice %get3A_543 {offsets = [1], sizes = [1], strides = [1]} : vector<16xi32> to vector<1xi32>
    %squeeze3A_548 = vector.extract %slice3A_547[0] : i32 from vector<1xi32>
    %add3A_549 = arith.addi %add3A_534, %squeeze3A_548 : i32
    %lt3A_550 = arith.constant 10 : i32
    %lt3A_551 = arith.cmpi slt, %lt3A_550, %arg1 : i32
    %jit3A_552 = arith.constant 0 : i32
    %select_n3A_553 = arith.select %lt3A_551, %squeeze3A_548, %jit3A_552 : i32
    %add3A_554 = arith.addi %add3A_539, %select_n3A_553 : i32
    %get3A_555 = arith.constant 11 : i32
    %get3A_556 = arith.index_cast %get3A_555 : i32 to index
    %get3A_557 = arith.constant 0 : index
    %get3A_558 = tpu.vector_load %arg21[%get3A_556, %get3A_557] {strides = array<i32>} : memref<16x16xi32, #tpu.memory_space<vmem>>, vector<16xi32>,
    %slice3A_559 = vector.extract_strided_slice %get3A_558 {offsets = [0], sizes = [1], strides = [1]} : vector<16xi32> to vector<1xi32>
    %squeeze3A_560 = vector.extract %slice3A_559[0] : i32 from vector<1xi32>
    %min3A_561 = arith.minsi %min3A_546, %squeeze3A_560 : i32
    %slice3A_562 = vector.extract_strided_slice %get3A_558 {offsets = [1], sizes = [1], strides = [1]} : vector<16xi32> to vector<1xi32>
    %squeeze3A_563 = vector.extract %slice3A_562[0] : i32 from vector<1xi32>
    %add3A_564 = arith.addi %add3A_549, %squeeze3A_563 : i32
    %lt3A_565 = arith.constant 11 : i32
    %lt3A_566 = arith.cmpi slt, %lt3A_565, %arg1 : i32
    %jit3A_567 = arith.constant 0 : i32
    %select_n3A_568 = arith.select %lt3A_566, %squeeze3A_563, %jit3A_567 : i32
    %add3A_569 = arith.addi %add3A_554, %select_n3A_568 : i32
    %get3A_570 = arith.constant 12 : i32
    %get3A_571 = arith.index_cast %get3A_570 : i32 to index
    %get3A_572 = arith.constant 0 : index
    %get3A_573 = tpu.vector_load %arg21[%get3A_571, %get3A_572] {strides = array<i32>} : memref<16x16xi32, #tpu.memory_space<vmem>>, vector<16xi32>,
    %slice3A_574 = vector.extract_strided_slice %get3A_573 {offsets = [0], sizes = [1], strides = [1]} : vector<16xi32> to vector<1xi32>
    %squeeze3A_575 = vector.extract %slice3A_574[0] : i32 from vector<1xi32>
    %min3A_576 = arith.minsi %min3A_561, %squeeze3A_575 : i32
    %slice3A_577 = vector.extract_strided_slice %get3A_573 {offsets = [1], sizes = [1], strides = [1]} : vector<16xi32> to vector<1xi32>
    %squeeze3A_578 = vector.extract %slice3A_577[0] : i32 from vector<1xi32>
    %add3A_579 = arith.addi %add3A_564, %squeeze3A_578 : i32
    %lt3A_580 = arith.constant 12 : i32
    %lt3A_581 = arith.cmpi slt, %lt3A_580, %arg1 : i32
    %jit3A_582 = arith.constant 0 : i32
    %select_n3A_583 = arith.select %lt3A_581, %squeeze3A_578, %jit3A_582 : i32
    %add3A_584 = arith.addi %add3A_569, %select_n3A_583 : i32
    %get3A_585 = arith.constant 13 : i32
    %get3A_586 = arith.index_cast %get3A_585 : i32 to index
    %get3A_587 = arith.constant 0 : index
    %get3A_588 = tpu.vector_load %arg21[%get3A_586, %get3A_587] {strides = array<i32>} : memref<16x16xi32, #tpu.memory_space<vmem>>, vector<16xi32>,
    %slice3A_589 = vector.extract_strided_slice %get3A_588 {offsets = [0], sizes = [1], strides = [1]} : vector<16xi32> to vector<1xi32>
    %squeeze3A_590 = vector.extract %slice3A_589[0] : i32 from vector<1xi32>
    %min3A_591 = arith.minsi %min3A_576, %squeeze3A_590 : i32
    %slice3A_592 = vector.extract_strided_slice %get3A_588 {offsets = [1], sizes = [1], strides = [1]} : vector<16xi32> to vector<1xi32>
    %squeeze3A_593 = vector.extract %slice3A_592[0] : i32 from vector<1xi32>
    %add3A_594 = arith.addi %add3A_579, %squeeze3A_593 : i32
    %lt3A_595 = arith.constant 13 : i32
    %lt3A_596 = arith.cmpi slt, %lt3A_595, %arg1 : i32
    %jit3A_597 = arith.constant 0 : i32
    %select_n3A_598 = arith.select %lt3A_596, %squeeze3A_593, %jit3A_597 : i32
    %add3A_599 = arith.addi %add3A_584, %select_n3A_598 : i32
    %get3A_600 = arith.constant 14 : i32
    %get3A_601 = arith.index_cast %get3A_600 : i32 to index
    %get3A_602 = arith.constant 0 : index
    %get3A_603 = tpu.vector_load %arg21[%get3A_601, %get3A_602] {strides = array<i32>} : memref<16x16xi32, #tpu.memory_space<vmem>>, vector<16xi32>,
    %slice3A_604 = vector.extract_strided_slice %get3A_603 {offsets = [0], sizes = [1], strides = [1]} : vector<16xi32> to vector<1xi32>
    %squeeze3A_605 = vector.extract %slice3A_604[0] : i32 from vector<1xi32>
    %min3A_606 = arith.minsi %min3A_591, %squeeze3A_605 : i32
    %slice3A_607 = vector.extract_strided_slice %get3A_603 {offsets = [1], sizes = [1], strides = [1]} : vector<16xi32> to vector<1xi32>
    %squeeze3A_608 = vector.extract %slice3A_607[0] : i32 from vector<1xi32>
    %add3A_609 = arith.addi %add3A_594, %squeeze3A_608 : i32
    %lt3A_610 = arith.constant 14 : i32
    %lt3A_611 = arith.cmpi slt, %lt3A_610, %arg1 : i32
    %jit3A_612 = arith.constant 0 : i32
    %select_n3A_613 = arith.select %lt3A_611, %squeeze3A_608, %jit3A_612 : i32
    %add3A_614 = arith.addi %add3A_599, %select_n3A_613 : i32
    %get3A_615 = arith.constant 15 : i32
    %get3A_616 = arith.index_cast %get3A_615 : i32 to index
    %get3A_617 = arith.constant 0 : index
    %get3A_618 = tpu.vector_load %arg21[%get3A_616, %get3A_617] {strides = array<i32>} : memref<16x16xi32, #tpu.memory_space<vmem>>, vector<16xi32>,
    %slice3A_619 = vector.extract_strided_slice %get3A_618 {offsets = [0], sizes = [1], strides = [1]} : vector<16xi32> to vector<1xi32>
    %squeeze3A_620 = vector.extract %slice3A_619[0] : i32 from vector<1xi32>
    %min3A_621 = arith.minsi %min3A_606, %squeeze3A_620 : i32
    %slice3A_622 = vector.extract_strided_slice %get3A_618 {offsets = [1], sizes = [1], strides = [1]} : vector<16xi32> to vector<1xi32>
    %squeeze3A_623 = vector.extract %slice3A_622[0] : i32 from vector<1xi32>
    %add3A_624 = arith.addi %add3A_609, %squeeze3A_623 : i32
    %lt3A_625 = arith.constant 15 : i32
    %lt3A_626 = arith.cmpi slt, %lt3A_625, %arg1 : i32
    %jit3A_627 = arith.constant 0 : i32
    %select_n3A_628 = arith.select %lt3A_626, %squeeze3A_623, %jit3A_627 : i32
    %add3A_629 = arith.addi %add3A_614, %select_n3A_628 : i32
    %while3A_630 = arith.constant 0 : i32
    %while3A_631 = arith.constant 0 : i32
    %while3A_632 = arith.subi %select_n3A, %while3A_630 : i32
    %while3A_633 = arith.addi %while3A_630, %while3A_632 : i32
    %while3A_634 = arith.constant 1 : i32
    %while3A_635 = arith.divsi %while3A_632, %while3A_634 : i32
    %while3A_636 = arith.muli %while3A_635, %while3A_634 : i32
    %while3A_637 = arith.addi %while3A_630, %while3A_636 : i32
    %while3A_638 = arith.constant 1 : i32
    %while3A_639 = scf.for %while3A_727 = %while3A_630 to %while3A_637 step %while3A_638 iter_args(%while3A_728 = %while3A_631) -> (i32)  : i32 {
      %mul3A_729 = arith.constant 16 : i32
      %mul3A_730 = arith.muli %while3A_727, %mul3A_729 : i32
      %add3A_731 = vector.broadcast %mul3A_730 : i32 to vector<16xi32>
      %add3A_732 = arith.addi %add3A_731, %iota3A : vector<16xi32>
      %lt3A_733 = vector.broadcast %scan3A_342 : i32 to vector<16xi32>
      %lt3A_734 = arith.cmpi slt, %add3A_732, %lt3A_733 : vector<16xi32>
      %get3A_735 = arith.index_cast %mul3A_730 : i32 to index
      %get3A_736 = tpu.vector_load %arg16[%get3A_735] {strides = array<i32>} : memref<8192xi32, #tpu.memory_space<vmem>>, vector<16xi32>,
      %get3A_737 = arith.index_cast %mul3A_730 : i32 to index
      %get3A_738 = tpu.vector_load %arg17[%get3A_737] {strides = array<i32>} : memref<8192xi32, #tpu.memory_space<vmem>>, vector<16xi32>,
      %mul3A_739 = arith.constant 4096 : i32
      %mul3A_740 = vector.broadcast %mul3A_739 : i32 to vector<16xi32>
      %mul3A_741 = arith.muli %get3A_736, %mul3A_740 : vector<16xi32>
      %add3A_742 = arith.addi %mul3A_741, %get3A_738 : vector<16xi32>
      %jit3A_743 = arith.constant 0 : i32
      %broadcast_in_dim3A_744 = vector.broadcast %jit3A_743 : i32 to vector<16xi32>
      %select_n3A_745 = arith.select %lt3A_734, %add3A_742, %broadcast_in_dim3A_744 : vector<16xi1>, vector<16xi32>
      %swap3A_746 = arith.constant 0 : index
      %swap3A_747 = tpu.vector_load %arg28[%swap3A_746] {strides = array<i32>} : memref<16xi32, #tpu.memory_space<vmem>>, vector<16xi32>,
      tpu.vector_store %arg28[%swap3A_746], %select_n3A_745 {strides = array<i32>} : memref<16xi32, #tpu.memory_space<vmem>>, vector<16xi32>,
      %add3A_748 = arith.addi %add3A_629, %mul3A_730 : i32
      %add3A_749 = vector.broadcast %add3A_748 : i32 to vector<16xi32>
      %add3A_750 = arith.addi %add3A_749, %iota3A : vector<16xi32>
      %jit3A_751 = arith.constant 131071 : i32
      %broadcast_in_dim3A_752 = vector.broadcast %jit3A_751 : i32 to vector<16xi32>
      %select_n3A_753 = arith.select %lt3A_734, %add3A_750, %broadcast_in_dim3A_752 : vector<16xi1>, vector<16xi32>
      %swap3A_754 = arith.constant 0 : index
      %swap3A_755 = tpu.vector_load %arg29[%swap3A_754] {strides = array<i32>} : memref<16xi32, #tpu.memory_space<vmem>>, vector<16xi32>,
      tpu.vector_store %arg29[%swap3A_754], %select_n3A_753 {strides = array<i32>} : memref<16xi32, #tpu.memory_space<vmem>>, vector<16xi32>,
      "tpu.region"() ({
        %run_scoped3A = tpu.sem_alloc : memref<!tpu.dma_semaphore, #tpu.memory_space<semaphore_mem>>
        %dma_start3A_757 = arith.constant 0 : i32
        %dma_start3A_758 = tpu.memref_slice %arg13[%dma_start3A_757] : memref<16777216xi32, #tpu.memory_space<hbm>> -> memref<16777216xi32, #tpu.memory_space<hbm>>
        tpu.enqueue_indirect_dma source(%arg29 : memref<16xi32, #tpu.memory_space<vmem>>) target(%dma_start3A_758 : memref<16777216xi32, #tpu.memory_space<hbm>>) offsets(%arg28 : memref<16xi32, #tpu.memory_space<vmem>>) semaphore(%run_scoped3A : memref<!tpu.dma_semaphore, #tpu.memory_space<semaphore_mem>>)
        %dma_wait3A_759 = arith.constant 0 : i32
        %dma_wait3A_760 = tpu.memref_slice %arg13[%dma_wait3A_759] : memref<16777216xi32, #tpu.memory_space<hbm>> -> memref<16777216xi32, #tpu.memory_space<hbm>>
        tpu.wait_indirect_dma semaphore(%run_scoped3A : memref<!tpu.dma_semaphore, #tpu.memory_space<semaphore_mem>>) src(%arg29 : memref<16xi32, #tpu.memory_space<vmem>>) dst(%dma_wait3A_760 : memref<16777216xi32, #tpu.memory_space<hbm>>)
        tpu.yield
      }) : () -> ()
      %while3A_756 = arith.constant 0 : i32
      scf.yield %while3A_756 : i32
    }
    %while3A_640 = arith.constant 1 : i32
    %while3A_641 = scf.for %while3A_727 = %while3A_637 to %while3A_633 step %while3A_640 iter_args(%while3A_728 = %while3A_639) -> (i32)  : i32 {
      %mul3A_729 = arith.constant 16 : i32
      %mul3A_730 = arith.muli %while3A_727, %mul3A_729 : i32
      %add3A_731 = vector.broadcast %mul3A_730 : i32 to vector<16xi32>
      %add3A_732 = arith.addi %add3A_731, %iota3A : vector<16xi32>
      %lt3A_733 = vector.broadcast %scan3A_342 : i32 to vector<16xi32>
      %lt3A_734 = arith.cmpi slt, %add3A_732, %lt3A_733 : vector<16xi32>
      %get3A_735 = arith.index_cast %mul3A_730 : i32 to index
      %get3A_736 = tpu.vector_load %arg16[%get3A_735] {strides = array<i32>} : memref<8192xi32, #tpu.memory_space<vmem>>, vector<16xi32>,
      %get3A_737 = arith.index_cast %mul3A_730 : i32 to index
      %get3A_738 = tpu.vector_load %arg17[%get3A_737] {strides = array<i32>} : memref<8192xi32, #tpu.memory_space<vmem>>, vector<16xi32>,
      %mul3A_739 = arith.constant 4096 : i32
      %mul3A_740 = vector.broadcast %mul3A_739 : i32 to vector<16xi32>
      %mul3A_741 = arith.muli %get3A_736, %mul3A_740 : vector<16xi32>
      %add3A_742 = arith.addi %mul3A_741, %get3A_738 : vector<16xi32>
      %jit3A_743 = arith.constant 0 : i32
      %broadcast_in_dim3A_744 = vector.broadcast %jit3A_743 : i32 to vector<16xi32>
      %select_n3A_745 = arith.select %lt3A_734, %add3A_742, %broadcast_in_dim3A_744 : vector<16xi1>, vector<16xi32>
      %swap3A_746 = arith.constant 0 : index
      %swap3A_747 = tpu.vector_load %arg28[%swap3A_746] {strides = array<i32>} : memref<16xi32, #tpu.memory_space<vmem>>, vector<16xi32>,
      tpu.vector_store %arg28[%swap3A_746], %select_n3A_745 {strides = array<i32>} : memref<16xi32, #tpu.memory_space<vmem>>, vector<16xi32>,
      %add3A_748 = arith.addi %add3A_629, %mul3A_730 : i32
      %add3A_749 = vector.broadcast %add3A_748 : i32 to vector<16xi32>
      %add3A_750 = arith.addi %add3A_749, %iota3A : vector<16xi32>
      %jit3A_751 = arith.constant 131071 : i32
      %broadcast_in_dim3A_752 = vector.broadcast %jit3A_751 : i32 to vector<16xi32>
      %select_n3A_753 = arith.select %lt3A_734, %add3A_750, %broadcast_in_dim3A_752 : vector<16xi1>, vector<16xi32>
      %swap3A_754 = arith.constant 0 : index
      %swap3A_755 = tpu.vector_load %arg29[%swap3A_754] {strides = array<i32>} : memref<16xi32, #tpu.memory_space<vmem>>, vector<16xi32>,
      tpu.vector_store %arg29[%swap3A_754], %select_n3A_753 {strides = array<i32>} : memref<16xi32, #tpu.memory_space<vmem>>, vector<16xi32>,
      "tpu.region"() ({
        %run_scoped3A = tpu.sem_alloc : memref<!tpu.dma_semaphore, #tpu.memory_space<semaphore_mem>>
        %dma_start3A_757 = arith.constant 0 : i32
        %dma_start3A_758 = tpu.memref_slice %arg13[%dma_start3A_757] : memref<16777216xi32, #tpu.memory_space<hbm>> -> memref<16777216xi32, #tpu.memory_space<hbm>>
        tpu.enqueue_indirect_dma source(%arg29 : memref<16xi32, #tpu.memory_space<vmem>>) target(%dma_start3A_758 : memref<16777216xi32, #tpu.memory_space<hbm>>) offsets(%arg28 : memref<16xi32, #tpu.memory_space<vmem>>) semaphore(%run_scoped3A : memref<!tpu.dma_semaphore, #tpu.memory_space<semaphore_mem>>)
        %dma_wait3A_759 = arith.constant 0 : i32
        %dma_wait3A_760 = tpu.memref_slice %arg13[%dma_wait3A_759] : memref<16777216xi32, #tpu.memory_space<hbm>> -> memref<16777216xi32, #tpu.memory_space<hbm>>
        tpu.wait_indirect_dma semaphore(%run_scoped3A : memref<!tpu.dma_semaphore, #tpu.memory_space<semaphore_mem>>) src(%arg29 : memref<16xi32, #tpu.memory_space<vmem>>) dst(%dma_wait3A_760 : memref<16777216xi32, #tpu.memory_space<hbm>>)
        tpu.yield
      }) : () -> ()
      %while3A_756 = arith.constant 0 : i32
      scf.yield %while3A_756 : i32
    }
    %barrier3A_642 = arith.constant 0 : index
    tpu.barrier barrier_id(%barrier3A_642)
    %mul3A_643 = arith.constant 1024 : i32
    %mul3A_644 = arith.muli %arg1, %mul3A_643 : i32
    %add3A_645 = arith.constant 16383 : i32
    %add3A_646 = arith.addi %add3A_624, %add3A_645 : i32
    %jit3A_647 = arith.constant 16384 : i32
    %div3A_648 = arith.divsi %add3A_646, %jit3A_647 : i32
    %sign3A_649 = arith.constant 0 : i32
    %sign3A_650 = arith.cmpi sgt, %add3A_646, %sign3A_649 : i32
    %sign3A_651 = arith.extui %sign3A_650 : i1 to i32
    %sign3A_652 = arith.constant 0 : i32
    %sign3A_653 = arith.cmpi slt, %add3A_646, %sign3A_652 : i32
    %sign3A_654 = arith.extui %sign3A_653 : i1 to i32
    %sign3A_655 = arith.subi %sign3A_651, %sign3A_654 : i32
    %sign3A_656 = arith.constant 0 : i32
    %sign3A_657 = arith.cmpi sgt, %jit3A_647, %sign3A_656 : i32
    %sign3A_658 = arith.extui %sign3A_657 : i1 to i32
    %sign3A_659 = arith.constant 0 : i32
    %sign3A_660 = arith.cmpi slt, %jit3A_647, %sign3A_659 : i32
    %sign3A_661 = arith.extui %sign3A_660 : i1 to i32
    %sign3A_662 = arith.subi %sign3A_658, %sign3A_661 : i32
    %ne3A_663 = arith.cmpi ne, %sign3A_655, %sign3A_662 : i32
    %rem3A_664 = arith.remsi %add3A_646, %jit3A_647 : i32
    %ne3A_665 = arith.constant 0 : i32
    %ne3A_666 = arith.cmpi ne, %rem3A_664, %ne3A_665 : i32
    %and3A_667 = arith.andi %ne3A_663, %ne3A_666 : i1
    %sub3A_668 = arith.constant 1 : i32
    %sub3A_669 = arith.subi %div3A_648, %sub3A_668 : i32
    %select_n3A_670 = arith.select %and3A_667, %sub3A_669, %div3A_648 : i32
    %while3A_671 = arith.constant 0 : i32
    %while3A_672 = arith.constant 0 : i32
    %while3A_673 = arith.subi %select_n3A_670, %while3A_671 : i32
    %while3A_674 = arith.addi %while3A_671, %while3A_673 : i32
    %while3A_675 = arith.constant 1 : i32
    %while3A_676 = arith.divsi %while3A_673, %while3A_675 : i32
    %while3A_677 = arith.muli %while3A_676, %while3A_675 : i32
    %while3A_678 = arith.addi %while3A_671, %while3A_677 : i32
    %while3A_679 = arith.constant 1 : i32
    %while3A_680 = scf.for %while3A_727 = %while3A_671 to %while3A_678 step %while3A_679 iter_args(%while3A_728 = %while3A_672) -> (i32)  : i32 {
      %add3A_729 = arith.constant 0 : i32
      %add3A_730 = arith.addi %mul3A_644, %add3A_729 : i32
      "tpu.region"() ({
        %run_scoped3A = tpu.sem_alloc : memref<!tpu.dma_semaphore, #tpu.memory_space<semaphore_mem>>
        %dma_start3A_755 = tpu.memref_slice %arg43[%add3A_730] : memref<16384xf32, #tpu.memory_space<vmem_shared>> -> memref<256xf32, #tpu.memory_space<vmem_shared>>
        %dma_start3A_756 = tpu.memref_slice %arg43[%add3A_730] : memref<16384xf32, #tpu.memory_space<vmem_shared>> -> memref<256xf32, #tpu.memory_space<vmem_shared>>
        tpu.enqueue_dma source(%arg38 : memref<256xf32, #tpu.memory_space<vmem>>) target(%dma_start3A_756 : memref<256xf32, #tpu.memory_space<vmem_shared>>) target_semaphore(%run_scoped3A : memref<!tpu.dma_semaphore, #tpu.memory_space<semaphore_mem>>)
        %dma_wait3A_757 = tpu.memref_slice %arg43[%add3A_730] : memref<16384xf32, #tpu.memory_space<vmem_shared>> -> memref<256xf32, #tpu.memory_space<vmem_shared>>
        %dma_wait3A_758 = tpu.memref_slice %arg43[%add3A_730] : memref<16384xf32, #tpu.memory_space<vmem_shared>> -> memref<256xf32, #tpu.memory_space<vmem_shared>>
        tpu.wait_dma2 semaphore(%run_scoped3A : memref<!tpu.dma_semaphore, #tpu.memory_space<semaphore_mem>>) src(%arg38 : memref<256xf32, #tpu.memory_space<vmem>>) dst(%dma_wait3A_758 : memref<256xf32, #tpu.memory_space<vmem_shared>>)
        tpu.yield
      }) : () -> ()
      %add3A_731 = arith.constant 256 : i32
      %add3A_732 = arith.addi %mul3A_644, %add3A_731 : i32
      "tpu.region"() ({
        %run_scoped3A = tpu.sem_alloc : memref<!tpu.dma_semaphore, #tpu.memory_space<semaphore_mem>>
        %dma_start3A_755 = tpu.memref_slice %arg43[%add3A_732] : memref<16384xf32, #tpu.memory_space<vmem_shared>> -> memref<256xf32, #tpu.memory_space<vmem_shared>>
        %dma_start3A_756 = tpu.memref_slice %arg43[%add3A_732] : memref<16384xf32, #tpu.memory_space<vmem_shared>> -> memref<256xf32, #tpu.memory_space<vmem_shared>>
        tpu.enqueue_dma source(%arg38 : memref<256xf32, #tpu.memory_space<vmem>>) target(%dma_start3A_756 : memref<256xf32, #tpu.memory_space<vmem_shared>>) target_semaphore(%run_scoped3A : memref<!tpu.dma_semaphore, #tpu.memory_space<semaphore_mem>>)
        %dma_wait3A_757 = tpu.memref_slice %arg43[%add3A_732] : memref<16384xf32, #tpu.memory_space<vmem_shared>> -> memref<256xf32, #tpu.memory_space<vmem_shared>>
        %dma_wait3A_758 = tpu.memref_slice %arg43[%add3A_732] : memref<16384xf32, #tpu.memory_space<vmem_shared>> -> memref<256xf32, #tpu.memory_space<vmem_shared>>
        tpu.wait_dma2 semaphore(%run_scoped3A : memref<!tpu.dma_semaphore, #tpu.memory_space<semaphore_mem>>) src(%arg38 : memref<256xf32, #tpu.memory_space<vmem>>) dst(%dma_wait3A_758 : memref<256xf32, #tpu.memory_space<vmem_shared>>)
        tpu.yield
      }) : () -> ()
      %add3A_733 = arith.constant 512 : i32
      %add3A_734 = arith.addi %mul3A_644, %add3A_733 : i32
      "tpu.region"() ({
        %run_scoped3A = tpu.sem_alloc : memref<!tpu.dma_semaphore, #tpu.memory_space<semaphore_mem>>
        %dma_start3A_755 = tpu.memref_slice %arg43[%add3A_734] : memref<16384xf32, #tpu.memory_space<vmem_shared>> -> memref<256xf32, #tpu.memory_space<vmem_shared>>
        %dma_start3A_756 = tpu.memref_slice %arg43[%add3A_734] : memref<16384xf32, #tpu.memory_space<vmem_shared>> -> memref<256xf32, #tpu.memory_space<vmem_shared>>
        tpu.enqueue_dma source(%arg38 : memref<256xf32, #tpu.memory_space<vmem>>) target(%dma_start3A_756 : memref<256xf32, #tpu.memory_space<vmem_shared>>) target_semaphore(%run_scoped3A : memref<!tpu.dma_semaphore, #tpu.memory_space<semaphore_mem>>)
        %dma_wait3A_757 = tpu.memref_slice %arg43[%add3A_734] : memref<16384xf32, #tpu.memory_space<vmem_shared>> -> memref<256xf32, #tpu.memory_space<vmem_shared>>
        %dma_wait3A_758 = tpu.memref_slice %arg43[%add3A_734] : memref<16384xf32, #tpu.memory_space<vmem_shared>> -> memref<256xf32, #tpu.memory_space<vmem_shared>>
        tpu.wait_dma2 semaphore(%run_scoped3A : memref<!tpu.dma_semaphore, #tpu.memory_space<semaphore_mem>>) src(%arg38 : memref<256xf32, #tpu.memory_space<vmem>>) dst(%dma_wait3A_758 : memref<256xf32, #tpu.memory_space<vmem_shared>>)
        tpu.yield
      }) : () -> ()
      %add3A_735 = arith.constant 768 : i32
      %add3A_736 = arith.addi %mul3A_644, %add3A_735 : i32
      "tpu.region"() ({
        %run_scoped3A = tpu.sem_alloc : memref<!tpu.dma_semaphore, #tpu.memory_space<semaphore_mem>>
        %dma_start3A_755 = tpu.memref_slice %arg43[%add3A_736] : memref<16384xf32, #tpu.memory_space<vmem_shared>> -> memref<256xf32, #tpu.memory_space<vmem_shared>>
        %dma_start3A_756 = tpu.memref_slice %arg43[%add3A_736] : memref<16384xf32, #tpu.memory_space<vmem_shared>> -> memref<256xf32, #tpu.memory_space<vmem_shared>>
        tpu.enqueue_dma source(%arg38 : memref<256xf32, #tpu.memory_space<vmem>>) target(%dma_start3A_756 : memref<256xf32, #tpu.memory_space<vmem_shared>>) target_semaphore(%run_scoped3A : memref<!tpu.dma_semaphore, #tpu.memory_space<semaphore_mem>>)
        %dma_wait3A_757 = tpu.memref_slice %arg43[%add3A_736] : memref<16384xf32, #tpu.memory_space<vmem_shared>> -> memref<256xf32, #tpu.memory_space<vmem_shared>>
        %dma_wait3A_758 = tpu.memref_slice %arg43[%add3A_736] : memref<16384xf32, #tpu.memory_space<vmem_shared>> -> memref<256xf32, #tpu.memory_space<vmem_shared>>
        tpu.wait_dma2 semaphore(%run_scoped3A : memref<!tpu.dma_semaphore, #tpu.memory_space<semaphore_mem>>) src(%arg38 : memref<256xf32, #tpu.memory_space<vmem>>) dst(%dma_wait3A_758 : memref<256xf32, #tpu.memory_space<vmem_shared>>)
        tpu.yield
      }) : () -> ()
      %barrier3A_737 = arith.constant 0 : index
      tpu.barrier barrier_id(%barrier3A_737)
      %while3A_738 = arith.constant 0 : i32
      %while3A_739 = arith.constant 0 : i32
      %while3A_740 = arith.subi %select_n3A, %while3A_738 : i32
      %while3A_741 = arith.addi %while3A_738, %while3A_740 : i32
      %while3A_742 = arith.constant 1 : i32
      %while3A_743 = arith.divsi %while3A_740, %while3A_742 : i32
      %while3A_744 = arith.muli %while3A_743, %while3A_742 : i32
      %while3A_745 = arith.addi %while3A_738, %while3A_744 : i32
      %while3A_746 = arith.constant 1 : i32
      %while3A_747 = scf.for %while3A_755 = %while3A_738 to %while3A_745 step %while3A_746 iter_args(%while3A_756 = %while3A_739) -> (i32)  : i32 {
        %mul3A_757 = arith.constant 16 : i32
        %mul3A_758 = arith.muli %while3A_755, %mul3A_757 : i32
        %add3A_759 = vector.broadcast %mul3A_758 : i32 to vector<16xi32>
        %add3A_760 = arith.addi %add3A_759, %iota3A : vector<16xi32>
        %lt3A_761 = vector.broadcast %scan3A_342 : i32 to vector<16xi32>
        %lt3A_762 = arith.cmpi slt, %add3A_760, %lt3A_761 : vector<16xi32>
        %get3A_763 = arith.index_cast %mul3A_758 : i32 to index
        %get3A_764 = tpu.vector_load %arg16[%get3A_763] {strides = array<i32>} : memref<8192xi32, #tpu.memory_space<vmem>>, vector<16xi32>,
        %get3A_765 = arith.index_cast %mul3A_758 : i32 to index
        %get3A_766 = tpu.vector_load %arg17[%get3A_765] {strides = array<i32>} : memref<8192xi32, #tpu.memory_space<vmem>>, vector<16xi32>,
        %get3A_767 = arith.index_cast %mul3A_758 : i32 to index
        %get3A_768 = tpu.vector_load %arg18[%get3A_767] {strides = array<i32>} : memref<8208xf32, #tpu.memory_space<vmem>>, vector<16xf32>,
        %mul3A_769 = arith.constant 4096 : i32
        %mul3A_770 = vector.broadcast %mul3A_769 : i32 to vector<16xi32>
        %mul3A_771 = arith.muli %get3A_764, %mul3A_770 : vector<16xi32>
        %add3A_772 = arith.addi %mul3A_771, %get3A_766 : vector<16xi32>
        %jit3A_773 = arith.constant 0 : i32
        %broadcast_in_dim3A_774 = vector.broadcast %jit3A_773 : i32 to vector<16xi32>
        %select_n3A_775 = arith.select %lt3A_762, %add3A_772, %broadcast_in_dim3A_774 : vector<16xi1>, vector<16xi32>
        %swap3A_776 = arith.constant 0 : index
        %swap3A_777 = tpu.vector_load %arg28[%swap3A_776] {strides = array<i32>} : memref<16xi32, #tpu.memory_space<vmem>>, vector<16xi32>,
        tpu.vector_store %arg28[%swap3A_776], %select_n3A_775 {strides = array<i32>} : memref<16xi32, #tpu.memory_space<vmem>>, vector<16xi32>,
        %dma_start3A_778 = arith.constant 0 : i32
        %dma_start3A_779 = tpu.memref_slice %arg13[%dma_start3A_778] : memref<16777216xi32, #tpu.memory_space<hbm>> -> memref<16777216xi32, #tpu.memory_space<hbm>>
        tpu.enqueue_indirect_dma source(%dma_start3A_779 : memref<16777216xi32, #tpu.memory_space<hbm>>) target(%arg22 : memref<16xi32, #tpu.memory_space<vmem>>) offsets(%arg28 : memref<16xi32, #tpu.memory_space<vmem>>) semaphore(%arg44 : memref<!tpu.dma_semaphore, #tpu.memory_space<semaphore_mem>>)
        %dma_wait3A_780 = arith.constant 0 : i32
        %dma_wait3A_781 = tpu.memref_slice %arg13[%dma_wait3A_780] : memref<16777216xi32, #tpu.memory_space<hbm>> -> memref<16777216xi32, #tpu.memory_space<hbm>>
        tpu.wait_indirect_dma semaphore(%arg44 : memref<!tpu.dma_semaphore, #tpu.memory_space<semaphore_mem>>) src(%dma_wait3A_781 : memref<16777216xi32, #tpu.memory_space<hbm>>) dst(%arg22 : memref<16xi32, #tpu.memory_space<vmem>>)
        %get3A_782 = arith.constant 0 : index
        %get3A_783 = tpu.vector_load %arg22[%get3A_782] {strides = array<i32>} : memref<16xi32, #tpu.memory_space<vmem>>, vector<16xi32>,
        %jit3A_784 = arith.constant 16384 : i32
        %div3A_785 = vector.broadcast %jit3A_784 : i32 to vector<16xi32>
        %div3A_786 = arith.divsi %get3A_783, %div3A_785 : vector<16xi32>
        %sign3A_787 = arith.constant 0 : i32
        %sign3A_788 = vector.broadcast %sign3A_787 : i32 to vector<16xi32>
        %sign3A_789 = arith.cmpi sgt, %get3A_783, %sign3A_788 : vector<16xi32>
        %sign3A_790 = arith.extui %sign3A_789 : vector<16xi1> to vector<16xi32>
        %sign3A_791 = arith.constant 0 : i32
        %sign3A_792 = vector.broadcast %sign3A_791 : i32 to vector<16xi32>
        %sign3A_793 = arith.cmpi slt, %get3A_783, %sign3A_792 : vector<16xi32>
        %sign3A_794 = arith.extui %sign3A_793 : vector<16xi1> to vector<16xi32>
        %sign3A_795 = arith.subi %sign3A_790, %sign3A_794 : vector<16xi32>
        %sign3A_796 = arith.constant 0 : i32
        %sign3A_797 = arith.cmpi sgt, %jit3A_784, %sign3A_796 : i32
        %sign3A_798 = arith.extui %sign3A_797 : i1 to i32
        %sign3A_799 = arith.constant 0 : i32
        %sign3A_800 = arith.cmpi slt, %jit3A_784, %sign3A_799 : i32
        %sign3A_801 = arith.extui %sign3A_800 : i1 to i32
        %sign3A_802 = arith.subi %sign3A_798, %sign3A_801 : i32
        %ne3A_803 = vector.broadcast %sign3A_802 : i32 to vector<16xi32>
        %ne3A_804 = arith.cmpi ne, %sign3A_795, %ne3A_803 : vector<16xi32>
        %rem3A_805 = vector.broadcast %jit3A_784 : i32 to vector<16xi32>
        %rem3A_806 = arith.remsi %get3A_783, %rem3A_805 : vector<16xi32>
        %ne3A_807 = arith.constant 0 : i32
        %ne3A_808 = vector.broadcast %ne3A_807 : i32 to vector<16xi32>
        %ne3A_809 = arith.cmpi ne, %rem3A_806, %ne3A_808 : vector<16xi32>
        %and3A_810 = arith.andi %ne3A_804, %ne3A_809 : vector<16xi1>
        %sub3A_811 = arith.constant 1 : i32
        %sub3A_812 = vector.broadcast %sub3A_811 : i32 to vector<16xi32>
        %sub3A_813 = arith.subi %div3A_786, %sub3A_812 : vector<16xi32>
        %select_n3A_814 = arith.select %and3A_810, %sub3A_813, %div3A_786 : vector<16xi1>, vector<16xi32>
        %eq3A_815 = vector.broadcast %while3A_727 : i32 to vector<16xi32>
        %eq3A_816 = arith.cmpi eq, %select_n3A_814, %eq3A_815 : vector<16xi32>
        %mul3A_817 = arith.constant 16384 : i32
        %mul3A_818 = arith.muli %while3A_727, %mul3A_817 : i32
        %sub3A_819 = vector.broadcast %mul3A_818 : i32 to vector<16xi32>
        %sub3A_820 = arith.subi %get3A_783, %sub3A_819 : vector<16xi32>
        %jit3A_821 = arith.constant 0 : i32
        %broadcast_in_dim3A_822 = vector.broadcast %jit3A_821 : i32 to vector<16xi32>
        %select_n3A_823 = arith.select %eq3A_816, %sub3A_820, %broadcast_in_dim3A_822 : vector<16xi1>, vector<16xi32>
        %swap3A_824 = arith.constant 0 : index
        %swap3A_825 = tpu.vector_load %arg29[%swap3A_824] {strides = array<i32>} : memref<16xi32, #tpu.memory_space<vmem>>, vector<16xi32>,
        tpu.vector_store %arg29[%swap3A_824], %select_n3A_823 {strides = array<i32>} : memref<16xi32, #tpu.memory_space<vmem>>, vector<16xi32>,
        %and3A_826 = arith.andi %lt3A_762, %eq3A_816 : vector<16xi1>
        %jit3A_827 = arith.constant 0.000000e+00 : f32
        %broadcast_in_dim3A_828 = vector.broadcast %jit3A_827 : f32 to vector<16xf32>
        %select_n3A_829 = arith.select %and3A_826, %get3A_768, %broadcast_in_dim3A_828 : vector<16xi1>, vector<16xf32>
        %swap3A_830 = arith.constant 0 : index
        %swap3A_831 = tpu.vector_load %arg30[%swap3A_830] {strides = array<i32>} : memref<16xf32, #tpu.memory_space<vmem>>, vector<16xf32>,
        tpu.vector_store %arg30[%swap3A_830], %select_n3A_829 {strides = array<i32>} : memref<16xf32, #tpu.memory_space<vmem>>, vector<16xf32>,
        "tpu.region"() ({
          %run_scoped3A = tpu.sem_alloc : memref<!tpu.dma_semaphore, #tpu.memory_space<semaphore_mem>>
          %dma_start3A_833 = arith.constant 0 : i32
          %dma_start3A_834 = tpu.memref_slice %arg43[%dma_start3A_833] : memref<16384xf32, #tpu.memory_space<vmem_shared>> -> memref<16384xf32, #tpu.memory_space<vmem_shared>>
          tpu.enqueue_indirect_dma source(%arg30 : memref<16xf32, #tpu.memory_space<vmem>>) target(%dma_start3A_834 : memref<16384xf32, #tpu.memory_space<vmem_shared>>) offsets(%arg29 : memref<16xi32, #tpu.memory_space<vmem>>) semaphore(%run_scoped3A : memref<!tpu.dma_semaphore, #tpu.memory_space<semaphore_mem>>) {add = true}
          %dma_wait3A_835 = arith.constant 0 : i32
          %dma_wait3A_836 = tpu.memref_slice %arg43[%dma_wait3A_835] : memref<16384xf32, #tpu.memory_space<vmem_shared>> -> memref<16384xf32, #tpu.memory_space<vmem_shared>>
          tpu.wait_indirect_dma semaphore(%run_scoped3A : memref<!tpu.dma_semaphore, #tpu.memory_space<semaphore_mem>>) src(%arg30 : memref<16xf32, #tpu.memory_space<vmem>>) dst(%dma_wait3A_836 : memref<16384xf32, #tpu.memory_space<vmem_shared>>)
          tpu.yield
        }) : () -> ()
        %while3A_832 = arith.constant 0 : i32
        scf.yield %while3A_832 : i32
      }
      %while3A_748 = arith.constant 1 : i32
      %while3A_749 = scf.for %while3A_755 = %while3A_745 to %while3A_741 step %while3A_748 iter_args(%while3A_756 = %while3A_747) -> (i32)  : i32 {
        %mul3A_757 = arith.constant 16 : i32
        %mul3A_758 = arith.muli %while3A_755, %mul3A_757 : i32
        %add3A_759 = vector.broadcast %mul3A_758 : i32 to vector<16xi32>
        %add3A_760 = arith.addi %add3A_759, %iota3A : vector<16xi32>
        %lt3A_761 = vector.broadcast %scan3A_342 : i32 to vector<16xi32>
        %lt3A_762 = arith.cmpi slt, %add3A_760, %lt3A_761 : vector<16xi32>
        %get3A_763 = arith.index_cast %mul3A_758 : i32 to index
        %get3A_764 = tpu.vector_load %arg16[%get3A_763] {strides = array<i32>} : memref<8192xi32, #tpu.memory_space<vmem>>, vector<16xi32>,
        %get3A_765 = arith.index_cast %mul3A_758 : i32 to index
        %get3A_766 = tpu.vector_load %arg17[%get3A_765] {strides = array<i32>} : memref<8192xi32, #tpu.memory_space<vmem>>, vector<16xi32>,
        %get3A_767 = arith.index_cast %mul3A_758 : i32 to index
        %get3A_768 = tpu.vector_load %arg18[%get3A_767] {strides = array<i32>} : memref<8208xf32, #tpu.memory_space<vmem>>, vector<16xf32>,
        %mul3A_769 = arith.constant 4096 : i32
        %mul3A_770 = vector.broadcast %mul3A_769 : i32 to vector<16xi32>
        %mul3A_771 = arith.muli %get3A_764, %mul3A_770 : vector<16xi32>
        %add3A_772 = arith.addi %mul3A_771, %get3A_766 : vector<16xi32>
        %jit3A_773 = arith.constant 0 : i32
        %broadcast_in_dim3A_774 = vector.broadcast %jit3A_773 : i32 to vector<16xi32>
        %select_n3A_775 = arith.select %lt3A_762, %add3A_772, %broadcast_in_dim3A_774 : vector<16xi1>, vector<16xi32>
        %swap3A_776 = arith.constant 0 : index
        %swap3A_777 = tpu.vector_load %arg28[%swap3A_776] {strides = array<i32>} : memref<16xi32, #tpu.memory_space<vmem>>, vector<16xi32>,
        tpu.vector_store %arg28[%swap3A_776], %select_n3A_775 {strides = array<i32>} : memref<16xi32, #tpu.memory_space<vmem>>, vector<16xi32>,
        %dma_start3A_778 = arith.constant 0 : i32
        %dma_start3A_779 = tpu.memref_slice %arg13[%dma_start3A_778] : memref<16777216xi32, #tpu.memory_space<hbm>> -> memref<16777216xi32, #tpu.memory_space<hbm>>
        tpu.enqueue_indirect_dma source(%dma_start3A_779 : memref<16777216xi32, #tpu.memory_space<hbm>>) target(%arg22 : memref<16xi32, #tpu.memory_space<vmem>>) offsets(%arg28 : memref<16xi32, #tpu.memory_space<vmem>>) semaphore(%arg44 : memref<!tpu.dma_semaphore, #tpu.memory_space<semaphore_mem>>)
        %dma_wait3A_780 = arith.constant 0 : i32
        %dma_wait3A_781 = tpu.memref_slice %arg13[%dma_wait3A_780] : memref<16777216xi32, #tpu.memory_space<hbm>> -> memref<16777216xi32, #tpu.memory_space<hbm>>
        tpu.wait_indirect_dma semaphore(%arg44 : memref<!tpu.dma_semaphore, #tpu.memory_space<semaphore_mem>>) src(%dma_wait3A_781 : memref<16777216xi32, #tpu.memory_space<hbm>>) dst(%arg22 : memref<16xi32, #tpu.memory_space<vmem>>)
        %get3A_782 = arith.constant 0 : index
        %get3A_783 = tpu.vector_load %arg22[%get3A_782] {strides = array<i32>} : memref<16xi32, #tpu.memory_space<vmem>>, vector<16xi32>,
        %jit3A_784 = arith.constant 16384 : i32
        %div3A_785 = vector.broadcast %jit3A_784 : i32 to vector<16xi32>
        %div3A_786 = arith.divsi %get3A_783, %div3A_785 : vector<16xi32>
        %sign3A_787 = arith.constant 0 : i32
        %sign3A_788 = vector.broadcast %sign3A_787 : i32 to vector<16xi32>
        %sign3A_789 = arith.cmpi sgt, %get3A_783, %sign3A_788 : vector<16xi32>
        %sign3A_790 = arith.extui %sign3A_789 : vector<16xi1> to vector<16xi32>
        %sign3A_791 = arith.constant 0 : i32
        %sign3A_792 = vector.broadcast %sign3A_791 : i32 to vector<16xi32>
        %sign3A_793 = arith.cmpi slt, %get3A_783, %sign3A_792 : vector<16xi32>
        %sign3A_794 = arith.extui %sign3A_793 : vector<16xi1> to vector<16xi32>
        %sign3A_795 = arith.subi %sign3A_790, %sign3A_794 : vector<16xi32>
        %sign3A_796 = arith.constant 0 : i32
        %sign3A_797 = arith.cmpi sgt, %jit3A_784, %sign3A_796 : i32
        %sign3A_798 = arith.extui %sign3A_797 : i1 to i32
        %sign3A_799 = arith.constant 0 : i32
        %sign3A_800 = arith.cmpi slt, %jit3A_784, %sign3A_799 : i32
        %sign3A_801 = arith.extui %sign3A_800 : i1 to i32
        %sign3A_802 = arith.subi %sign3A_798, %sign3A_801 : i32
        %ne3A_803 = vector.broadcast %sign3A_802 : i32 to vector<16xi32>
        %ne3A_804 = arith.cmpi ne, %sign3A_795, %ne3A_803 : vector<16xi32>
        %rem3A_805 = vector.broadcast %jit3A_784 : i32 to vector<16xi32>
        %rem3A_806 = arith.remsi %get3A_783, %rem3A_805 : vector<16xi32>
        %ne3A_807 = arith.constant 0 : i32
        %ne3A_808 = vector.broadcast %ne3A_807 : i32 to vector<16xi32>
        %ne3A_809 = arith.cmpi ne, %rem3A_806, %ne3A_808 : vector<16xi32>
        %and3A_810 = arith.andi %ne3A_804, %ne3A_809 : vector<16xi1>
        %sub3A_811 = arith.constant 1 : i32
        %sub3A_812 = vector.broadcast %sub3A_811 : i32 to vector<16xi32>
        %sub3A_813 = arith.subi %div3A_786, %sub3A_812 : vector<16xi32>
        %select_n3A_814 = arith.select %and3A_810, %sub3A_813, %div3A_786 : vector<16xi1>, vector<16xi32>
        %eq3A_815 = vector.broadcast %while3A_727 : i32 to vector<16xi32>
        %eq3A_816 = arith.cmpi eq, %select_n3A_814, %eq3A_815 : vector<16xi32>
        %mul3A_817 = arith.constant 16384 : i32
        %mul3A_818 = arith.muli %while3A_727, %mul3A_817 : i32
        %sub3A_819 = vector.broadcast %mul3A_818 : i32 to vector<16xi32>
        %sub3A_820 = arith.subi %get3A_783, %sub3A_819 : vector<16xi32>
        %jit3A_821 = arith.constant 0 : i32
        %broadcast_in_dim3A_822 = vector.broadcast %jit3A_821 : i32 to vector<16xi32>
        %select_n3A_823 = arith.select %eq3A_816, %sub3A_820, %broadcast_in_dim3A_822 : vector<16xi1>, vector<16xi32>
        %swap3A_824 = arith.constant 0 : index
        %swap3A_825 = tpu.vector_load %arg29[%swap3A_824] {strides = array<i32>} : memref<16xi32, #tpu.memory_space<vmem>>, vector<16xi32>,
        tpu.vector_store %arg29[%swap3A_824], %select_n3A_823 {strides = array<i32>} : memref<16xi32, #tpu.memory_space<vmem>>, vector<16xi32>,
        %and3A_826 = arith.andi %lt3A_762, %eq3A_816 : vector<16xi1>
        %jit3A_827 = arith.constant 0.000000e+00 : f32
        %broadcast_in_dim3A_828 = vector.broadcast %jit3A_827 : f32 to vector<16xf32>
        %select_n3A_829 = arith.select %and3A_826, %get3A_768, %broadcast_in_dim3A_828 : vector<16xi1>, vector<16xf32>
        %swap3A_830 = arith.constant 0 : index
        %swap3A_831 = tpu.vector_load %arg30[%swap3A_830] {strides = array<i32>} : memref<16xf32, #tpu.memory_space<vmem>>, vector<16xf32>,
        tpu.vector_store %arg30[%swap3A_830], %select_n3A_829 {strides = array<i32>} : memref<16xf32, #tpu.memory_space<vmem>>, vector<16xf32>,
        "tpu.region"() ({
          %run_scoped3A = tpu.sem_alloc : memref<!tpu.dma_semaphore, #tpu.memory_space<semaphore_mem>>
          %dma_start3A_833 = arith.constant 0 : i32
          %dma_start3A_834 = tpu.memref_slice %arg43[%dma_start3A_833] : memref<16384xf32, #tpu.memory_space<vmem_shared>> -> memref<16384xf32, #tpu.memory_space<vmem_shared>>
          tpu.enqueue_indirect_dma source(%arg30 : memref<16xf32, #tpu.memory_space<vmem>>) target(%dma_start3A_834 : memref<16384xf32, #tpu.memory_space<vmem_shared>>) offsets(%arg29 : memref<16xi32, #tpu.memory_space<vmem>>) semaphore(%run_scoped3A : memref<!tpu.dma_semaphore, #tpu.memory_space<semaphore_mem>>) {add = true}
          %dma_wait3A_835 = arith.constant 0 : i32
          %dma_wait3A_836 = tpu.memref_slice %arg43[%dma_wait3A_835] : memref<16384xf32, #tpu.memory_space<vmem_shared>> -> memref<16384xf32, #tpu.memory_space<vmem_shared>>
          tpu.wait_indirect_dma semaphore(%run_scoped3A : memref<!tpu.dma_semaphore, #tpu.memory_space<semaphore_mem>>) src(%arg30 : memref<16xf32, #tpu.memory_space<vmem>>) dst(%dma_wait3A_836 : memref<16384xf32, #tpu.memory_space<vmem_shared>>)
          tpu.yield
        }) : () -> ()
        %while3A_832 = arith.constant 0 : i32
        scf.yield %while3A_832 : i32
      }
      %barrier3A_750 = arith.constant 0 : index
      tpu.barrier barrier_id(%barrier3A_750)
      %mul3A_751 = arith.constant 16384 : i32
      %mul3A_752 = arith.muli %while3A_727, %mul3A_751 : i32
      %add3A_753 = arith.addi %mul3A_752, %mul3A_644 : i32
      "tpu.region"() ({
        %run_scoped3A = tpu.sem_alloc : memref<!tpu.dma_semaphore, #tpu.memory_space<semaphore_mem>>
        %dma_start3A_755 = tpu.memref_slice %arg14[%add3A_753] : memref<131072xf32, #tpu.memory_space<hbm>> -> memref<1024xf32, #tpu.memory_space<hbm>>
        %dma_start3A_756 = tpu.memref_slice %arg43[%mul3A_644] : memref<16384xf32, #tpu.memory_space<vmem_shared>> -> memref<1024xf32, #tpu.memory_space<vmem_shared>>
        tpu.enqueue_dma source(%dma_start3A_756 : memref<1024xf32, #tpu.memory_space<vmem_shared>>) target(%dma_start3A_755 : memref<1024xf32, #tpu.memory_space<hbm>>) target_semaphore(%run_scoped3A : memref<!tpu.dma_semaphore, #tpu.memory_space<semaphore_mem>>)
        %dma_wait3A_757 = tpu.memref_slice %arg14[%add3A_753] : memref<131072xf32, #tpu.memory_space<hbm>> -> memref<1024xf32, #tpu.memory_space<hbm>>
        %dma_wait3A_758 = tpu.memref_slice %arg43[%mul3A_644] : memref<16384xf32, #tpu.memory_space<vmem_shared>> -> memref<1024xf32, #tpu.memory_space<vmem_shared>>
        tpu.wait_dma2 semaphore(%run_scoped3A : memref<!tpu.dma_semaphore, #tpu.memory_space<semaphore_mem>>) src(%dma_wait3A_758 : memref<1024xf32, #tpu.memory_space<vmem_shared>>) dst(%dma_wait3A_757 : memref<1024xf32, #tpu.memory_space<hbm>>)
        tpu.yield
      }) : () -> ()
      %while3A_754 = arith.constant 0 : i32
      scf.yield %while3A_754 : i32
    }
    %while3A_681 = arith.constant 1 : i32
    %while3A_682 = scf.for %while3A_727 = %while3A_678 to %while3A_674 step %while3A_681 iter_args(%while3A_728 = %while3A_680) -> (i32)  : i32 {
      %add3A_729 = arith.constant 0 : i32
      %add3A_730 = arith.addi %mul3A_644, %add3A_729 : i32
      "tpu.region"() ({
        %run_scoped3A = tpu.sem_alloc : memref<!tpu.dma_semaphore, #tpu.memory_space<semaphore_mem>>
        %dma_start3A_755 = tpu.memref_slice %arg43[%add3A_730] : memref<16384xf32, #tpu.memory_space<vmem_shared>> -> memref<256xf32, #tpu.memory_space<vmem_shared>>
        %dma_start3A_756 = tpu.memref_slice %arg43[%add3A_730] : memref<16384xf32, #tpu.memory_space<vmem_shared>> -> memref<256xf32, #tpu.memory_space<vmem_shared>>
        tpu.enqueue_dma source(%arg38 : memref<256xf32, #tpu.memory_space<vmem>>) target(%dma_start3A_756 : memref<256xf32, #tpu.memory_space<vmem_shared>>) target_semaphore(%run_scoped3A : memref<!tpu.dma_semaphore, #tpu.memory_space<semaphore_mem>>)
        %dma_wait3A_757 = tpu.memref_slice %arg43[%add3A_730] : memref<16384xf32, #tpu.memory_space<vmem_shared>> -> memref<256xf32, #tpu.memory_space<vmem_shared>>
        %dma_wait3A_758 = tpu.memref_slice %arg43[%add3A_730] : memref<16384xf32, #tpu.memory_space<vmem_shared>> -> memref<256xf32, #tpu.memory_space<vmem_shared>>
        tpu.wait_dma2 semaphore(%run_scoped3A : memref<!tpu.dma_semaphore, #tpu.memory_space<semaphore_mem>>) src(%arg38 : memref<256xf32, #tpu.memory_space<vmem>>) dst(%dma_wait3A_758 : memref<256xf32, #tpu.memory_space<vmem_shared>>)
        tpu.yield
      }) : () -> ()
      %add3A_731 = arith.constant 256 : i32
      %add3A_732 = arith.addi %mul3A_644, %add3A_731 : i32
      "tpu.region"() ({
        %run_scoped3A = tpu.sem_alloc : memref<!tpu.dma_semaphore, #tpu.memory_space<semaphore_mem>>
        %dma_start3A_755 = tpu.memref_slice %arg43[%add3A_732] : memref<16384xf32, #tpu.memory_space<vmem_shared>> -> memref<256xf32, #tpu.memory_space<vmem_shared>>
        %dma_start3A_756 = tpu.memref_slice %arg43[%add3A_732] : memref<16384xf32, #tpu.memory_space<vmem_shared>> -> memref<256xf32, #tpu.memory_space<vmem_shared>>
        tpu.enqueue_dma source(%arg38 : memref<256xf32, #tpu.memory_space<vmem>>) target(%dma_start3A_756 : memref<256xf32, #tpu.memory_space<vmem_shared>>) target_semaphore(%run_scoped3A : memref<!tpu.dma_semaphore, #tpu.memory_space<semaphore_mem>>)
        %dma_wait3A_757 = tpu.memref_slice %arg43[%add3A_732] : memref<16384xf32, #tpu.memory_space<vmem_shared>> -> memref<256xf32, #tpu.memory_space<vmem_shared>>
        %dma_wait3A_758 = tpu.memref_slice %arg43[%add3A_732] : memref<16384xf32, #tpu.memory_space<vmem_shared>> -> memref<256xf32, #tpu.memory_space<vmem_shared>>
        tpu.wait_dma2 semaphore(%run_scoped3A : memref<!tpu.dma_semaphore, #tpu.memory_space<semaphore_mem>>) src(%arg38 : memref<256xf32, #tpu.memory_space<vmem>>) dst(%dma_wait3A_758 : memref<256xf32, #tpu.memory_space<vmem_shared>>)
        tpu.yield
      }) : () -> ()
      %add3A_733 = arith.constant 512 : i32
      %add3A_734 = arith.addi %mul3A_644, %add3A_733 : i32
      "tpu.region"() ({
        %run_scoped3A = tpu.sem_alloc : memref<!tpu.dma_semaphore, #tpu.memory_space<semaphore_mem>>
        %dma_start3A_755 = tpu.memref_slice %arg43[%add3A_734] : memref<16384xf32, #tpu.memory_space<vmem_shared>> -> memref<256xf32, #tpu.memory_space<vmem_shared>>
        %dma_start3A_756 = tpu.memref_slice %arg43[%add3A_734] : memref<16384xf32, #tpu.memory_space<vmem_shared>> -> memref<256xf32, #tpu.memory_space<vmem_shared>>
        tpu.enqueue_dma source(%arg38 : memref<256xf32, #tpu.memory_space<vmem>>) target(%dma_start3A_756 : memref<256xf32, #tpu.memory_space<vmem_shared>>) target_semaphore(%run_scoped3A : memref<!tpu.dma_semaphore, #tpu.memory_space<semaphore_mem>>)
        %dma_wait3A_757 = tpu.memref_slice %arg43[%add3A_734] : memref<16384xf32, #tpu.memory_space<vmem_shared>> -> memref<256xf32, #tpu.memory_space<vmem_shared>>
        %dma_wait3A_758 = tpu.memref_slice %arg43[%add3A_734] : memref<16384xf32, #tpu.memory_space<vmem_shared>> -> memref<256xf32, #tpu.memory_space<vmem_shared>>
        tpu.wait_dma2 semaphore(%run_scoped3A : memref<!tpu.dma_semaphore, #tpu.memory_space<semaphore_mem>>) src(%arg38 : memref<256xf32, #tpu.memory_space<vmem>>) dst(%dma_wait3A_758 : memref<256xf32, #tpu.memory_space<vmem_shared>>)
        tpu.yield
      }) : () -> ()
      %add3A_735 = arith.constant 768 : i32
      %add3A_736 = arith.addi %mul3A_644, %add3A_735 : i32
      "tpu.region"() ({
        %run_scoped3A = tpu.sem_alloc : memref<!tpu.dma_semaphore, #tpu.memory_space<semaphore_mem>>
        %dma_start3A_755 = tpu.memref_slice %arg43[%add3A_736] : memref<16384xf32, #tpu.memory_space<vmem_shared>> -> memref<256xf32, #tpu.memory_space<vmem_shared>>
        %dma_start3A_756 = tpu.memref_slice %arg43[%add3A_736] : memref<16384xf32, #tpu.memory_space<vmem_shared>> -> memref<256xf32, #tpu.memory_space<vmem_shared>>
        tpu.enqueue_dma source(%arg38 : memref<256xf32, #tpu.memory_space<vmem>>) target(%dma_start3A_756 : memref<256xf32, #tpu.memory_space<vmem_shared>>) target_semaphore(%run_scoped3A : memref<!tpu.dma_semaphore, #tpu.memory_space<semaphore_mem>>)
        %dma_wait3A_757 = tpu.memref_slice %arg43[%add3A_736] : memref<16384xf32, #tpu.memory_space<vmem_shared>> -> memref<256xf32, #tpu.memory_space<vmem_shared>>
        %dma_wait3A_758 = tpu.memref_slice %arg43[%add3A_736] : memref<16384xf32, #tpu.memory_space<vmem_shared>> -> memref<256xf32, #tpu.memory_space<vmem_shared>>
        tpu.wait_dma2 semaphore(%run_scoped3A : memref<!tpu.dma_semaphore, #tpu.memory_space<semaphore_mem>>) src(%arg38 : memref<256xf32, #tpu.memory_space<vmem>>) dst(%dma_wait3A_758 : memref<256xf32, #tpu.memory_space<vmem_shared>>)
        tpu.yield
      }) : () -> ()
      %barrier3A_737 = arith.constant 0 : index
      tpu.barrier barrier_id(%barrier3A_737)
      %while3A_738 = arith.constant 0 : i32
      %while3A_739 = arith.constant 0 : i32
      %while3A_740 = arith.subi %select_n3A, %while3A_738 : i32
      %while3A_741 = arith.addi %while3A_738, %while3A_740 : i32
      %while3A_742 = arith.constant 1 : i32
      %while3A_743 = arith.divsi %while3A_740, %while3A_742 : i32
      %while3A_744 = arith.muli %while3A_743, %while3A_742 : i32
      %while3A_745 = arith.addi %while3A_738, %while3A_744 : i32
      %while3A_746 = arith.constant 1 : i32
      %while3A_747 = scf.for %while3A_755 = %while3A_738 to %while3A_745 step %while3A_746 iter_args(%while3A_756 = %while3A_739) -> (i32)  : i32 {
        %mul3A_757 = arith.constant 16 : i32
        %mul3A_758 = arith.muli %while3A_755, %mul3A_757 : i32
        %add3A_759 = vector.broadcast %mul3A_758 : i32 to vector<16xi32>
        %add3A_760 = arith.addi %add3A_759, %iota3A : vector<16xi32>
        %lt3A_761 = vector.broadcast %scan3A_342 : i32 to vector<16xi32>
        %lt3A_762 = arith.cmpi slt, %add3A_760, %lt3A_761 : vector<16xi32>
        %get3A_763 = arith.index_cast %mul3A_758 : i32 to index
        %get3A_764 = tpu.vector_load %arg16[%get3A_763] {strides = array<i32>} : memref<8192xi32, #tpu.memory_space<vmem>>, vector<16xi32>,
        %get3A_765 = arith.index_cast %mul3A_758 : i32 to index
        %get3A_766 = tpu.vector_load %arg17[%get3A_765] {strides = array<i32>} : memref<8192xi32, #tpu.memory_space<vmem>>, vector<16xi32>,
        %get3A_767 = arith.index_cast %mul3A_758 : i32 to index
        %get3A_768 = tpu.vector_load %arg18[%get3A_767] {strides = array<i32>} : memref<8208xf32, #tpu.memory_space<vmem>>, vector<16xf32>,
        %mul3A_769 = arith.constant 4096 : i32
        %mul3A_770 = vector.broadcast %mul3A_769 : i32 to vector<16xi32>
        %mul3A_771 = arith.muli %get3A_764, %mul3A_770 : vector<16xi32>
        %add3A_772 = arith.addi %mul3A_771, %get3A_766 : vector<16xi32>
        %jit3A_773 = arith.constant 0 : i32
        %broadcast_in_dim3A_774 = vector.broadcast %jit3A_773 : i32 to vector<16xi32>
        %select_n3A_775 = arith.select %lt3A_762, %add3A_772, %broadcast_in_dim3A_774 : vector<16xi1>, vector<16xi32>
        %swap3A_776 = arith.constant 0 : index
        %swap3A_777 = tpu.vector_load %arg28[%swap3A_776] {strides = array<i32>} : memref<16xi32, #tpu.memory_space<vmem>>, vector<16xi32>,
        tpu.vector_store %arg28[%swap3A_776], %select_n3A_775 {strides = array<i32>} : memref<16xi32, #tpu.memory_space<vmem>>, vector<16xi32>,
        %dma_start3A_778 = arith.constant 0 : i32
        %dma_start3A_779 = tpu.memref_slice %arg13[%dma_start3A_778] : memref<16777216xi32, #tpu.memory_space<hbm>> -> memref<16777216xi32, #tpu.memory_space<hbm>>
        tpu.enqueue_indirect_dma source(%dma_start3A_779 : memref<16777216xi32, #tpu.memory_space<hbm>>) target(%arg22 : memref<16xi32, #tpu.memory_space<vmem>>) offsets(%arg28 : memref<16xi32, #tpu.memory_space<vmem>>) semaphore(%arg44 : memref<!tpu.dma_semaphore, #tpu.memory_space<semaphore_mem>>)
        %dma_wait3A_780 = arith.constant 0 : i32
        %dma_wait3A_781 = tpu.memref_slice %arg13[%dma_wait3A_780] : memref<16777216xi32, #tpu.memory_space<hbm>> -> memref<16777216xi32, #tpu.memory_space<hbm>>
        tpu.wait_indirect_dma semaphore(%arg44 : memref<!tpu.dma_semaphore, #tpu.memory_space<semaphore_mem>>) src(%dma_wait3A_781 : memref<16777216xi32, #tpu.memory_space<hbm>>) dst(%arg22 : memref<16xi32, #tpu.memory_space<vmem>>)
        %get3A_782 = arith.constant 0 : index
        %get3A_783 = tpu.vector_load %arg22[%get3A_782] {strides = array<i32>} : memref<16xi32, #tpu.memory_space<vmem>>, vector<16xi32>,
        %jit3A_784 = arith.constant 16384 : i32
        %div3A_785 = vector.broadcast %jit3A_784 : i32 to vector<16xi32>
        %div3A_786 = arith.divsi %get3A_783, %div3A_785 : vector<16xi32>
        %sign3A_787 = arith.constant 0 : i32
        %sign3A_788 = vector.broadcast %sign3A_787 : i32 to vector<16xi32>
        %sign3A_789 = arith.cmpi sgt, %get3A_783, %sign3A_788 : vector<16xi32>
        %sign3A_790 = arith.extui %sign3A_789 : vector<16xi1> to vector<16xi32>
        %sign3A_791 = arith.constant 0 : i32
        %sign3A_792 = vector.broadcast %sign3A_791 : i32 to vector<16xi32>
        %sign3A_793 = arith.cmpi slt, %get3A_783, %sign3A_792 : vector<16xi32>
        %sign3A_794 = arith.extui %sign3A_793 : vector<16xi1> to vector<16xi32>
        %sign3A_795 = arith.subi %sign3A_790, %sign3A_794 : vector<16xi32>
        %sign3A_796 = arith.constant 0 : i32
        %sign3A_797 = arith.cmpi sgt, %jit3A_784, %sign3A_796 : i32
        %sign3A_798 = arith.extui %sign3A_797 : i1 to i32
        %sign3A_799 = arith.constant 0 : i32
        %sign3A_800 = arith.cmpi slt, %jit3A_784, %sign3A_799 : i32
        %sign3A_801 = arith.extui %sign3A_800 : i1 to i32
        %sign3A_802 = arith.subi %sign3A_798, %sign3A_801 : i32
        %ne3A_803 = vector.broadcast %sign3A_802 : i32 to vector<16xi32>
        %ne3A_804 = arith.cmpi ne, %sign3A_795, %ne3A_803 : vector<16xi32>
        %rem3A_805 = vector.broadcast %jit3A_784 : i32 to vector<16xi32>
        %rem3A_806 = arith.remsi %get3A_783, %rem3A_805 : vector<16xi32>
        %ne3A_807 = arith.constant 0 : i32
        %ne3A_808 = vector.broadcast %ne3A_807 : i32 to vector<16xi32>
        %ne3A_809 = arith.cmpi ne, %rem3A_806, %ne3A_808 : vector<16xi32>
        %and3A_810 = arith.andi %ne3A_804, %ne3A_809 : vector<16xi1>
        %sub3A_811 = arith.constant 1 : i32
        %sub3A_812 = vector.broadcast %sub3A_811 : i32 to vector<16xi32>
        %sub3A_813 = arith.subi %div3A_786, %sub3A_812 : vector<16xi32>
        %select_n3A_814 = arith.select %and3A_810, %sub3A_813, %div3A_786 : vector<16xi1>, vector<16xi32>
        %eq3A_815 = vector.broadcast %while3A_727 : i32 to vector<16xi32>
        %eq3A_816 = arith.cmpi eq, %select_n3A_814, %eq3A_815 : vector<16xi32>
        %mul3A_817 = arith.constant 16384 : i32
        %mul3A_818 = arith.muli %while3A_727, %mul3A_817 : i32
        %sub3A_819 = vector.broadcast %mul3A_818 : i32 to vector<16xi32>
        %sub3A_820 = arith.subi %get3A_783, %sub3A_819 : vector<16xi32>
        %jit3A_821 = arith.constant 0 : i32
        %broadcast_in_dim3A_822 = vector.broadcast %jit3A_821 : i32 to vector<16xi32>
        %select_n3A_823 = arith.select %eq3A_816, %sub3A_820, %broadcast_in_dim3A_822 : vector<16xi1>, vector<16xi32>
        %swap3A_824 = arith.constant 0 : index
        %swap3A_825 = tpu.vector_load %arg29[%swap3A_824] {strides = array<i32>} : memref<16xi32, #tpu.memory_space<vmem>>, vector<16xi32>,
        tpu.vector_store %arg29[%swap3A_824], %select_n3A_823 {strides = array<i32>} : memref<16xi32, #tpu.memory_space<vmem>>, vector<16xi32>,
        %and3A_826 = arith.andi %lt3A_762, %eq3A_816 : vector<16xi1>
        %jit3A_827 = arith.constant 0.000000e+00 : f32
        %broadcast_in_dim3A_828 = vector.broadcast %jit3A_827 : f32 to vector<16xf32>
        %select_n3A_829 = arith.select %and3A_826, %get3A_768, %broadcast_in_dim3A_828 : vector<16xi1>, vector<16xf32>
        %swap3A_830 = arith.constant 0 : index
        %swap3A_831 = tpu.vector_load %arg30[%swap3A_830] {strides = array<i32>} : memref<16xf32, #tpu.memory_space<vmem>>, vector<16xf32>,
        tpu.vector_store %arg30[%swap3A_830], %select_n3A_829 {strides = array<i32>} : memref<16xf32, #tpu.memory_space<vmem>>, vector<16xf32>,
        "tpu.region"() ({
          %run_scoped3A = tpu.sem_alloc : memref<!tpu.dma_semaphore, #tpu.memory_space<semaphore_mem>>
          %dma_start3A_833 = arith.constant 0 : i32
          %dma_start3A_834 = tpu.memref_slice %arg43[%dma_start3A_833] : memref<16384xf32, #tpu.memory_space<vmem_shared>> -> memref<16384xf32, #tpu.memory_space<vmem_shared>>
          tpu.enqueue_indirect_dma source(%arg30 : memref<16xf32, #tpu.memory_space<vmem>>) target(%dma_start3A_834 : memref<16384xf32, #tpu.memory_space<vmem_shared>>) offsets(%arg29 : memref<16xi32, #tpu.memory_space<vmem>>) semaphore(%run_scoped3A : memref<!tpu.dma_semaphore, #tpu.memory_space<semaphore_mem>>) {add = true}
          %dma_wait3A_835 = arith.constant 0 : i32
          %dma_wait3A_836 = tpu.memref_slice %arg43[%dma_wait3A_835] : memref<16384xf32, #tpu.memory_space<vmem_shared>> -> memref<16384xf32, #tpu.memory_space<vmem_shared>>
          tpu.wait_indirect_dma semaphore(%run_scoped3A : memref<!tpu.dma_semaphore, #tpu.memory_space<semaphore_mem>>) src(%arg30 : memref<16xf32, #tpu.memory_space<vmem>>) dst(%dma_wait3A_836 : memref<16384xf32, #tpu.memory_space<vmem_shared>>)
          tpu.yield
        }) : () -> ()
        %while3A_832 = arith.constant 0 : i32
        scf.yield %while3A_832 : i32
      }
      %while3A_748 = arith.constant 1 : i32
      %while3A_749 = scf.for %while3A_755 = %while3A_745 to %while3A_741 step %while3A_748 iter_args(%while3A_756 = %while3A_747) -> (i32)  : i32 {
        %mul3A_757 = arith.constant 16 : i32
        %mul3A_758 = arith.muli %while3A_755, %mul3A_757 : i32
        %add3A_759 = vector.broadcast %mul3A_758 : i32 to vector<16xi32>
        %add3A_760 = arith.addi %add3A_759, %iota3A : vector<16xi32>
        %lt3A_761 = vector.broadcast %scan3A_342 : i32 to vector<16xi32>
        %lt3A_762 = arith.cmpi slt, %add3A_760, %lt3A_761 : vector<16xi32>
        %get3A_763 = arith.index_cast %mul3A_758 : i32 to index
        %get3A_764 = tpu.vector_load %arg16[%get3A_763] {strides = array<i32>} : memref<8192xi32, #tpu.memory_space<vmem>>, vector<16xi32>,
        %get3A_765 = arith.index_cast %mul3A_758 : i32 to index
        %get3A_766 = tpu.vector_load %arg17[%get3A_765] {strides = array<i32>} : memref<8192xi32, #tpu.memory_space<vmem>>, vector<16xi32>,
        %get3A_767 = arith.index_cast %mul3A_758 : i32 to index
        %get3A_768 = tpu.vector_load %arg18[%get3A_767] {strides = array<i32>} : memref<8208xf32, #tpu.memory_space<vmem>>, vector<16xf32>,
        %mul3A_769 = arith.constant 4096 : i32
        %mul3A_770 = vector.broadcast %mul3A_769 : i32 to vector<16xi32>
        %mul3A_771 = arith.muli %get3A_764, %mul3A_770 : vector<16xi32>
        %add3A_772 = arith.addi %mul3A_771, %get3A_766 : vector<16xi32>
        %jit3A_773 = arith.constant 0 : i32
        %broadcast_in_dim3A_774 = vector.broadcast %jit3A_773 : i32 to vector<16xi32>
        %select_n3A_775 = arith.select %lt3A_762, %add3A_772, %broadcast_in_dim3A_774 : vector<16xi1>, vector<16xi32>
        %swap3A_776 = arith.constant 0 : index
        %swap3A_777 = tpu.vector_load %arg28[%swap3A_776] {strides = array<i32>} : memref<16xi32, #tpu.memory_space<vmem>>, vector<16xi32>,
        tpu.vector_store %arg28[%swap3A_776], %select_n3A_775 {strides = array<i32>} : memref<16xi32, #tpu.memory_space<vmem>>, vector<16xi32>,
        %dma_start3A_778 = arith.constant 0 : i32
        %dma_start3A_779 = tpu.memref_slice %arg13[%dma_start3A_778] : memref<16777216xi32, #tpu.memory_space<hbm>> -> memref<16777216xi32, #tpu.memory_space<hbm>>
        tpu.enqueue_indirect_dma source(%dma_start3A_779 : memref<16777216xi32, #tpu.memory_space<hbm>>) target(%arg22 : memref<16xi32, #tpu.memory_space<vmem>>) offsets(%arg28 : memref<16xi32, #tpu.memory_space<vmem>>) semaphore(%arg44 : memref<!tpu.dma_semaphore, #tpu.memory_space<semaphore_mem>>)
        %dma_wait3A_780 = arith.constant 0 : i32
        %dma_wait3A_781 = tpu.memref_slice %arg13[%dma_wait3A_780] : memref<16777216xi32, #tpu.memory_space<hbm>> -> memref<16777216xi32, #tpu.memory_space<hbm>>
        tpu.wait_indirect_dma semaphore(%arg44 : memref<!tpu.dma_semaphore, #tpu.memory_space<semaphore_mem>>) src(%dma_wait3A_781 : memref<16777216xi32, #tpu.memory_space<hbm>>) dst(%arg22 : memref<16xi32, #tpu.memory_space<vmem>>)
        %get3A_782 = arith.constant 0 : index
        %get3A_783 = tpu.vector_load %arg22[%get3A_782] {strides = array<i32>} : memref<16xi32, #tpu.memory_space<vmem>>, vector<16xi32>,
        %jit3A_784 = arith.constant 16384 : i32
        %div3A_785 = vector.broadcast %jit3A_784 : i32 to vector<16xi32>
        %div3A_786 = arith.divsi %get3A_783, %div3A_785 : vector<16xi32>
        %sign3A_787 = arith.constant 0 : i32
        %sign3A_788 = vector.broadcast %sign3A_787 : i32 to vector<16xi32>
        %sign3A_789 = arith.cmpi sgt, %get3A_783, %sign3A_788 : vector<16xi32>
        %sign3A_790 = arith.extui %sign3A_789 : vector<16xi1> to vector<16xi32>
        %sign3A_791 = arith.constant 0 : i32
        %sign3A_792 = vector.broadcast %sign3A_791 : i32 to vector<16xi32>
        %sign3A_793 = arith.cmpi slt, %get3A_783, %sign3A_792 : vector<16xi32>
        %sign3A_794 = arith.extui %sign3A_793 : vector<16xi1> to vector<16xi32>
        %sign3A_795 = arith.subi %sign3A_790, %sign3A_794 : vector<16xi32>
        %sign3A_796 = arith.constant 0 : i32
        %sign3A_797 = arith.cmpi sgt, %jit3A_784, %sign3A_796 : i32
        %sign3A_798 = arith.extui %sign3A_797 : i1 to i32
        %sign3A_799 = arith.constant 0 : i32
        %sign3A_800 = arith.cmpi slt, %jit3A_784, %sign3A_799 : i32
        %sign3A_801 = arith.extui %sign3A_800 : i1 to i32
        %sign3A_802 = arith.subi %sign3A_798, %sign3A_801 : i32
        %ne3A_803 = vector.broadcast %sign3A_802 : i32 to vector<16xi32>
        %ne3A_804 = arith.cmpi ne, %sign3A_795, %ne3A_803 : vector<16xi32>
        %rem3A_805 = vector.broadcast %jit3A_784 : i32 to vector<16xi32>
        %rem3A_806 = arith.remsi %get3A_783, %rem3A_805 : vector<16xi32>
        %ne3A_807 = arith.constant 0 : i32
        %ne3A_808 = vector.broadcast %ne3A_807 : i32 to vector<16xi32>
        %ne3A_809 = arith.cmpi ne, %rem3A_806, %ne3A_808 : vector<16xi32>
        %and3A_810 = arith.andi %ne3A_804, %ne3A_809 : vector<16xi1>
        %sub3A_811 = arith.constant 1 : i32
        %sub3A_812 = vector.broadcast %sub3A_811 : i32 to vector<16xi32>
        %sub3A_813 = arith.subi %div3A_786, %sub3A_812 : vector<16xi32>
        %select_n3A_814 = arith.select %and3A_810, %sub3A_813, %div3A_786 : vector<16xi1>, vector<16xi32>
        %eq3A_815 = vector.broadcast %while3A_727 : i32 to vector<16xi32>
        %eq3A_816 = arith.cmpi eq, %select_n3A_814, %eq3A_815 : vector<16xi32>
        %mul3A_817 = arith.constant 16384 : i32
        %mul3A_818 = arith.muli %while3A_727, %mul3A_817 : i32
        %sub3A_819 = vector.broadcast %mul3A_818 : i32 to vector<16xi32>
        %sub3A_820 = arith.subi %get3A_783, %sub3A_819 : vector<16xi32>
        %jit3A_821 = arith.constant 0 : i32
        %broadcast_in_dim3A_822 = vector.broadcast %jit3A_821 : i32 to vector<16xi32>
        %select_n3A_823 = arith.select %eq3A_816, %sub3A_820, %broadcast_in_dim3A_822 : vector<16xi1>, vector<16xi32>
        %swap3A_824 = arith.constant 0 : index
        %swap3A_825 = tpu.vector_load %arg29[%swap3A_824] {strides = array<i32>} : memref<16xi32, #tpu.memory_space<vmem>>, vector<16xi32>,
        tpu.vector_store %arg29[%swap3A_824], %select_n3A_823 {strides = array<i32>} : memref<16xi32, #tpu.memory_space<vmem>>, vector<16xi32>,
        %and3A_826 = arith.andi %lt3A_762, %eq3A_816 : vector<16xi1>
        %jit3A_827 = arith.constant 0.000000e+00 : f32
        %broadcast_in_dim3A_828 = vector.broadcast %jit3A_827 : f32 to vector<16xf32>
        %select_n3A_829 = arith.select %and3A_826, %get3A_768, %broadcast_in_dim3A_828 : vector<16xi1>, vector<16xf32>
        %swap3A_830 = arith.constant 0 : index
        %swap3A_831 = tpu.vector_load %arg30[%swap3A_830] {strides = array<i32>} : memref<16xf32, #tpu.memory_space<vmem>>, vector<16xf32>,
        tpu.vector_store %arg30[%swap3A_830], %select_n3A_829 {strides = array<i32>} : memref<16xf32, #tpu.memory_space<vmem>>, vector<16xf32>,
        "tpu.region"() ({
          %run_scoped3A = tpu.sem_alloc : memref<!tpu.dma_semaphore, #tpu.memory_space<semaphore_mem>>
          %dma_start3A_833 = arith.constant 0 : i32
          %dma_start3A_834 = tpu.memref_slice %arg43[%dma_start3A_833] : memref<16384xf32, #tpu.memory_space<vmem_shared>> -> memref<16384xf32, #tpu.memory_space<vmem_shared>>
          tpu.enqueue_indirect_dma source(%arg30 : memref<16xf32, #tpu.memory_space<vmem>>) target(%dma_start3A_834 : memref<16384xf32, #tpu.memory_space<vmem_shared>>) offsets(%arg29 : memref<16xi32, #tpu.memory_space<vmem>>) semaphore(%run_scoped3A : memref<!tpu.dma_semaphore, #tpu.memory_space<semaphore_mem>>) {add = true}
          %dma_wait3A_835 = arith.constant 0 : i32
          %dma_wait3A_836 = tpu.memref_slice %arg43[%dma_wait3A_835] : memref<16384xf32, #tpu.memory_space<vmem_shared>> -> memref<16384xf32, #tpu.memory_space<vmem_shared>>
          tpu.wait_indirect_dma semaphore(%run_scoped3A : memref<!tpu.dma_semaphore, #tpu.memory_space<semaphore_mem>>) src(%arg30 : memref<16xf32, #tpu.memory_space<vmem>>) dst(%dma_wait3A_836 : memref<16384xf32, #tpu.memory_space<vmem_shared>>)
          tpu.yield
        }) : () -> ()
        %while3A_832 = arith.constant 0 : i32
        scf.yield %while3A_832 : i32
      }
      %barrier3A_750 = arith.constant 0 : index
      tpu.barrier barrier_id(%barrier3A_750)
      %mul3A_751 = arith.constant 16384 : i32
      %mul3A_752 = arith.muli %while3A_727, %mul3A_751 : i32
      %add3A_753 = arith.addi %mul3A_752, %mul3A_644 : i32
      "tpu.region"() ({
        %run_scoped3A = tpu.sem_alloc : memref<!tpu.dma_semaphore, #tpu.memory_space<semaphore_mem>>
        %dma_start3A_755 = tpu.memref_slice %arg14[%add3A_753] : memref<131072xf32, #tpu.memory_space<hbm>> -> memref<1024xf32, #tpu.memory_space<hbm>>
        %dma_start3A_756 = tpu.memref_slice %arg43[%mul3A_644] : memref<16384xf32, #tpu.memory_space<vmem_shared>> -> memref<1024xf32, #tpu.memory_space<vmem_shared>>
        tpu.enqueue_dma source(%dma_start3A_756 : memref<1024xf32, #tpu.memory_space<vmem_shared>>) target(%dma_start3A_755 : memref<1024xf32, #tpu.memory_space<hbm>>) target_semaphore(%run_scoped3A : memref<!tpu.dma_semaphore, #tpu.memory_space<semaphore_mem>>)
        %dma_wait3A_757 = tpu.memref_slice %arg14[%add3A_753] : memref<131072xf32, #tpu.memory_space<hbm>> -> memref<1024xf32, #tpu.memory_space<hbm>>
        %dma_wait3A_758 = tpu.memref_slice %arg43[%mul3A_644] : memref<16384xf32, #tpu.memory_space<vmem_shared>> -> memref<1024xf32, #tpu.memory_space<vmem_shared>>
        tpu.wait_dma2 semaphore(%run_scoped3A : memref<!tpu.dma_semaphore, #tpu.memory_space<semaphore_mem>>) src(%dma_wait3A_758 : memref<1024xf32, #tpu.memory_space<vmem_shared>>) dst(%dma_wait3A_757 : memref<1024xf32, #tpu.memory_space<hbm>>)
        tpu.yield
      }) : () -> ()
      %while3A_754 = arith.constant 0 : i32
      scf.yield %while3A_754 : i32
    }
    %barrier3A_683 = arith.constant 0 : index
    tpu.barrier barrier_id(%barrier3A_683)
    %while3A_684 = arith.constant 0 : i32
    %while3A_685 = arith.constant 0 : i32
    %while3A_686 = arith.subi %select_n3A, %while3A_684 : i32
    %while3A_687 = arith.addi %while3A_684, %while3A_686 : i32
    %while3A_688 = arith.constant 1 : i32
    %while3A_689 = arith.divsi %while3A_686, %while3A_688 : i32
    %while3A_690 = arith.muli %while3A_689, %while3A_688 : i32
    %while3A_691 = arith.addi %while3A_684, %while3A_690 : i32
    %while3A_692 = arith.constant 1 : i32
    %while3A_693 = scf.for %while3A_727 = %while3A_684 to %while3A_691 step %while3A_692 iter_args(%while3A_728 = %while3A_685) -> (i32)  : i32 {
      %mul3A_729 = arith.constant 16 : i32
      %mul3A_730 = arith.muli %while3A_727, %mul3A_729 : i32
      %add3A_731 = vector.broadcast %mul3A_730 : i32 to vector<16xi32>
      %add3A_732 = arith.addi %add3A_731, %iota3A : vector<16xi32>
      %lt3A_733 = vector.broadcast %scan3A_342 : i32 to vector<16xi32>
      %lt3A_734 = arith.cmpi slt, %add3A_732, %lt3A_733 : vector<16xi32>
      %get3A_735 = arith.index_cast %mul3A_730 : i32 to index
      %get3A_736 = tpu.vector_load %arg16[%get3A_735] {strides = array<i32>} : memref<8192xi32, #tpu.memory_space<vmem>>, vector<16xi32>,
      %get3A_737 = arith.index_cast %mul3A_730 : i32 to index
      %get3A_738 = tpu.vector_load %arg17[%get3A_737] {strides = array<i32>} : memref<8192xi32, #tpu.memory_space<vmem>>, vector<16xi32>,
      %get3A_739 = arith.index_cast %mul3A_730 : i32 to index
      %get3A_740 = tpu.vector_load %arg18[%get3A_739] {strides = array<i32>} : memref<8208xf32, #tpu.memory_space<vmem>>, vector<16xf32>,
      %mul3A_741 = arith.constant 4096 : i32
      %mul3A_742 = vector.broadcast %mul3A_741 : i32 to vector<16xi32>
      %mul3A_743 = arith.muli %get3A_736, %mul3A_742 : vector<16xi32>
      %add3A_744 = arith.addi %mul3A_743, %get3A_738 : vector<16xi32>
      %jit3A_745 = arith.constant 0 : i32
      %broadcast_in_dim3A_746 = vector.broadcast %jit3A_745 : i32 to vector<16xi32>
      %select_n3A_747 = arith.select %lt3A_734, %add3A_744, %broadcast_in_dim3A_746 : vector<16xi1>, vector<16xi32>
      %swap3A_748 = arith.constant 0 : index
      %swap3A_749 = tpu.vector_load %arg28[%swap3A_748] {strides = array<i32>} : memref<16xi32, #tpu.memory_space<vmem>>, vector<16xi32>,
      tpu.vector_store %arg28[%swap3A_748], %select_n3A_747 {strides = array<i32>} : memref<16xi32, #tpu.memory_space<vmem>>, vector<16xi32>,
      %dma_start3A_750 = arith.constant 0 : i32
      %dma_start3A_751 = tpu.memref_slice %arg13[%dma_start3A_750] : memref<16777216xi32, #tpu.memory_space<hbm>> -> memref<16777216xi32, #tpu.memory_space<hbm>>
      tpu.enqueue_indirect_dma source(%dma_start3A_751 : memref<16777216xi32, #tpu.memory_space<hbm>>) target(%arg22 : memref<16xi32, #tpu.memory_space<vmem>>) offsets(%arg28 : memref<16xi32, #tpu.memory_space<vmem>>) semaphore(%arg44 : memref<!tpu.dma_semaphore, #tpu.memory_space<semaphore_mem>>)
      %dma_wait3A_752 = arith.constant 0 : i32
      %dma_wait3A_753 = tpu.memref_slice %arg13[%dma_wait3A_752] : memref<16777216xi32, #tpu.memory_space<hbm>> -> memref<16777216xi32, #tpu.memory_space<hbm>>
      tpu.wait_indirect_dma semaphore(%arg44 : memref<!tpu.dma_semaphore, #tpu.memory_space<semaphore_mem>>) src(%dma_wait3A_753 : memref<16777216xi32, #tpu.memory_space<hbm>>) dst(%arg22 : memref<16xi32, #tpu.memory_space<vmem>>)
      %get3A_754 = arith.constant 0 : index
      %get3A_755 = tpu.vector_load %arg22[%get3A_754] {strides = array<i32>} : memref<16xi32, #tpu.memory_space<vmem>>, vector<16xi32>,
      %add3A_756 = arith.addi %add3A_629, %mul3A_730 : i32
      %add3A_757 = vector.broadcast %add3A_756 : i32 to vector<16xi32>
      %add3A_758 = arith.addi %add3A_757, %iota3A : vector<16xi32>
      %eq3A_759 = arith.cmpi eq, %get3A_755, %add3A_758 : vector<16xi32>
      %and3A_760 = arith.andi %lt3A_734, %eq3A_759 : vector<16xi1>
      %jit3A_761 = arith.constant 0 : i32
      %broadcast_in_dim3A_762 = vector.broadcast %jit3A_761 : i32 to vector<16xi32>
      %select_n3A_763 = arith.select %and3A_760, %add3A_758, %broadcast_in_dim3A_762 : vector<16xi1>, vector<16xi32>
      %swap3A_764 = arith.constant 0 : index
      %swap3A_765 = tpu.vector_load %arg29[%swap3A_764] {strides = array<i32>} : memref<16xi32, #tpu.memory_space<vmem>>, vector<16xi32>,
      tpu.vector_store %arg29[%swap3A_764], %select_n3A_763 {strides = array<i32>} : memref<16xi32, #tpu.memory_space<vmem>>, vector<16xi32>,
      %dma_start3A_766 = arith.constant 0 : i32
      %dma_start3A_767 = tpu.memref_slice %arg14[%dma_start3A_766] : memref<131072xf32, #tpu.memory_space<hbm>> -> memref<131072xf32, #tpu.memory_space<hbm>>
      tpu.enqueue_indirect_dma source(%dma_start3A_767 : memref<131072xf32, #tpu.memory_space<hbm>>) target(%arg36 : memref<16xf32, #tpu.memory_space<vmem>>) offsets(%arg29 : memref<16xi32, #tpu.memory_space<vmem>>) semaphore(%arg45 : memref<!tpu.dma_semaphore, #tpu.memory_space<semaphore_mem>>)
      %dma_wait3A_768 = arith.constant 0 : i32
      %dma_wait3A_769 = tpu.memref_slice %arg14[%dma_wait3A_768] : memref<131072xf32, #tpu.memory_space<hbm>> -> memref<131072xf32, #tpu.memory_space<hbm>>
      tpu.wait_indirect_dma semaphore(%arg45 : memref<!tpu.dma_semaphore, #tpu.memory_space<semaphore_mem>>) src(%dma_wait3A_769 : memref<131072xf32, #tpu.memory_space<hbm>>) dst(%arg36 : memref<16xf32, #tpu.memory_space<vmem>>)
      %get3A_770 = arith.constant 0 : index
      %get3A_771 = tpu.vector_load %arg36[%get3A_770] {strides = array<i32>} : memref<16xf32, #tpu.memory_space<vmem>>, vector<16xf32>,
      %select_n3A_772 = arith.select %and3A_760, %get3A_771, %get3A_740 : vector<16xi1>, vector<16xf32>
      %select_n3A_773 = arith.select %and3A_760, %get3A_738, %get3A_736 : vector<16xi1>, vector<16xi32>
      %sub3A_774 = vector.broadcast %min3A_621 : i32 to vector<16xi32>
      %sub3A_775 = arith.subi %get3A_736, %sub3A_774 : vector<16xi32>
      %sub3A_776 = vector.broadcast %min3A_621 : i32 to vector<16xi32>
      %sub3A_777 = arith.subi %select_n3A_773, %sub3A_776 : vector<16xi32>
      %neg3A = arith.constant 0.000000e+00 : f32
      %neg3A_778 = vector.broadcast %neg3A : f32 to vector<16xf32>
      %neg3A_779 = arith.subf %neg3A_778, %select_n3A_772 : vector<16xf32>
      %exp3A = math.exp %neg3A_779 : vector<16xf32>
      %add3A_780 = arith.constant 1.000000e+00 : f32
      %add3A_781 = vector.broadcast %add3A_780 : f32 to vector<16xf32>
      %add3A_782 = arith.addf %add3A_781, %exp3A : vector<16xf32>
      %div3A_783 = arith.constant 1.000000e+00 : f32
      %div3A_784 = vector.broadcast %div3A_783 : f32 to vector<16xf32>
      %div3A_785 = arith.divf %div3A_784, %add3A_782 : vector<16xf32>
      %sub3A_786 = arith.constant 5.000000e-01 : f32
      %sub3A_787 = vector.broadcast %sub3A_786 : f32 to vector<16xf32>
      %sub3A_788 = arith.subf %div3A_785, %sub3A_787 : vector<16xf32>
      %ne3A_789 = arith.cmpi ne, %sub3A_775, %sub3A_777 : vector<16xi32>
      %and3A_790 = arith.andi %lt3A_734, %ne3A_789 : vector<16xi1>
      %jit3A_791 = arith.constant 0.000000e+00 : f32
      %broadcast_in_dim3A_792 = vector.broadcast %jit3A_791 : f32 to vector<16xf32>
      %select_n3A_793 = arith.select %and3A_790, %sub3A_788, %broadcast_in_dim3A_792 : vector<16xi1>, vector<16xf32>
      %jit3A_794 = arith.constant 0 : i32
      %broadcast_in_dim3A_795 = vector.broadcast %jit3A_794 : i32 to vector<16xi32>
      %select_n3A_796 = arith.select %lt3A_734, %sub3A_775, %broadcast_in_dim3A_795 : vector<16xi1>, vector<16xi32>
      %jit3A_797 = arith.constant 0 : i32
      %broadcast_in_dim3A_798 = vector.broadcast %jit3A_797 : i32 to vector<16xi32>
      %select_n3A_799 = arith.select %lt3A_734, %sub3A_777, %broadcast_in_dim3A_798 : vector<16xi1>, vector<16xi32>
      %swap3A_800 = arith.index_cast %mul3A_730 : i32 to index
      %swap3A_801 = tpu.vector_load %arg16[%swap3A_800] {strides = array<i32>} : memref<8192xi32, #tpu.memory_space<vmem>>, vector<16xi32>,
      tpu.vector_store %arg16[%swap3A_800], %select_n3A_796 {strides = array<i32>} : memref<8192xi32, #tpu.memory_space<vmem>>, vector<16xi32>,
      %swap3A_802 = arith.index_cast %mul3A_730 : i32 to index
      %swap3A_803 = tpu.vector_load %arg17[%swap3A_802] {strides = array<i32>} : memref<8192xi32, #tpu.memory_space<vmem>>, vector<16xi32>,
      tpu.vector_store %arg17[%swap3A_802], %select_n3A_799 {strides = array<i32>} : memref<8192xi32, #tpu.memory_space<vmem>>, vector<16xi32>,
      %swap3A_804 = arith.index_cast %mul3A_730 : i32 to index
      %swap3A_805 = tpu.vector_load %arg18[%swap3A_804] {strides = array<i32>} : memref<8208xf32, #tpu.memory_space<vmem>>, vector<16xf32>,
      tpu.vector_store %arg18[%swap3A_804], %select_n3A_793 {strides = array<i32>} : memref<8208xf32, #tpu.memory_space<vmem>>, vector<16xf32>,
      %swap3A_806 = arith.constant 0 : index
      %swap3A_807 = tpu.vector_load %arg28[%swap3A_806] {strides = array<i32>} : memref<16xi32, #tpu.memory_space<vmem>>, vector<16xi32>,
      tpu.vector_store %arg28[%swap3A_806], %select_n3A_796 {strides = array<i32>} : memref<16xi32, #tpu.memory_space<vmem>>, vector<16xi32>,
      %swap3A_808 = arith.constant 0 : index
      %swap3A_809 = tpu.vector_load %arg30[%swap3A_808] {strides = array<i32>} : memref<16xf32, #tpu.memory_space<vmem>>, vector<16xf32>,
      tpu.vector_store %arg30[%swap3A_808], %select_n3A_793 {strides = array<i32>} : memref<16xf32, #tpu.memory_space<vmem>>, vector<16xf32>,
      "tpu.region"() ({
        %run_scoped3A = tpu.sem_alloc : memref<!tpu.dma_semaphore, #tpu.memory_space<semaphore_mem>>
        %dma_start3A_811 = arith.constant 0 : i32
        %dma_start3A_812 = tpu.memref_slice %arg39[%dma_start3A_811] : memref<4096xf32, #tpu.memory_space<vmem_shared>> -> memref<4096xf32, #tpu.memory_space<vmem_shared>>
        tpu.enqueue_indirect_dma source(%arg30 : memref<16xf32, #tpu.memory_space<vmem>>) target(%dma_start3A_812 : memref<4096xf32, #tpu.memory_space<vmem_shared>>) offsets(%arg28 : memref<16xi32, #tpu.memory_space<vmem>>) semaphore(%run_scoped3A : memref<!tpu.dma_semaphore, #tpu.memory_space<semaphore_mem>>) {add = true}
        %dma_wait3A_813 = arith.constant 0 : i32
        %dma_wait3A_814 = tpu.memref_slice %arg39[%dma_wait3A_813] : memref<4096xf32, #tpu.memory_space<vmem_shared>> -> memref<4096xf32, #tpu.memory_space<vmem_shared>>
        tpu.wait_indirect_dma semaphore(%run_scoped3A : memref<!tpu.dma_semaphore, #tpu.memory_space<semaphore_mem>>) src(%arg30 : memref<16xf32, #tpu.memory_space<vmem>>) dst(%dma_wait3A_814 : memref<4096xf32, #tpu.memory_space<vmem_shared>>)
        tpu.yield
      }) : () -> ()
      %while3A_810 = arith.constant 0 : i32
      scf.yield %while3A_810 : i32
    }
    %while3A_694 = arith.constant 1 : i32
    %while3A_695 = scf.for %while3A_727 = %while3A_691 to %while3A_687 step %while3A_694 iter_args(%while3A_728 = %while3A_693) -> (i32)  : i32 {
      %mul3A_729 = arith.constant 16 : i32
      %mul3A_730 = arith.muli %while3A_727, %mul3A_729 : i32
      %add3A_731 = vector.broadcast %mul3A_730 : i32 to vector<16xi32>
      %add3A_732 = arith.addi %add3A_731, %iota3A : vector<16xi32>
      %lt3A_733 = vector.broadcast %scan3A_342 : i32 to vector<16xi32>
      %lt3A_734 = arith.cmpi slt, %add3A_732, %lt3A_733 : vector<16xi32>
      %get3A_735 = arith.index_cast %mul3A_730 : i32 to index
      %get3A_736 = tpu.vector_load %arg16[%get3A_735] {strides = array<i32>} : memref<8192xi32, #tpu.memory_space<vmem>>, vector<16xi32>,
      %get3A_737 = arith.index_cast %mul3A_730 : i32 to index
      %get3A_738 = tpu.vector_load %arg17[%get3A_737] {strides = array<i32>} : memref<8192xi32, #tpu.memory_space<vmem>>, vector<16xi32>,
      %get3A_739 = arith.index_cast %mul3A_730 : i32 to index
      %get3A_740 = tpu.vector_load %arg18[%get3A_739] {strides = array<i32>} : memref<8208xf32, #tpu.memory_space<vmem>>, vector<16xf32>,
      %mul3A_741 = arith.constant 4096 : i32
      %mul3A_742 = vector.broadcast %mul3A_741 : i32 to vector<16xi32>
      %mul3A_743 = arith.muli %get3A_736, %mul3A_742 : vector<16xi32>
      %add3A_744 = arith.addi %mul3A_743, %get3A_738 : vector<16xi32>
      %jit3A_745 = arith.constant 0 : i32
      %broadcast_in_dim3A_746 = vector.broadcast %jit3A_745 : i32 to vector<16xi32>
      %select_n3A_747 = arith.select %lt3A_734, %add3A_744, %broadcast_in_dim3A_746 : vector<16xi1>, vector<16xi32>
      %swap3A_748 = arith.constant 0 : index
      %swap3A_749 = tpu.vector_load %arg28[%swap3A_748] {strides = array<i32>} : memref<16xi32, #tpu.memory_space<vmem>>, vector<16xi32>,
      tpu.vector_store %arg28[%swap3A_748], %select_n3A_747 {strides = array<i32>} : memref<16xi32, #tpu.memory_space<vmem>>, vector<16xi32>,
      %dma_start3A_750 = arith.constant 0 : i32
      %dma_start3A_751 = tpu.memref_slice %arg13[%dma_start3A_750] : memref<16777216xi32, #tpu.memory_space<hbm>> -> memref<16777216xi32, #tpu.memory_space<hbm>>
      tpu.enqueue_indirect_dma source(%dma_start3A_751 : memref<16777216xi32, #tpu.memory_space<hbm>>) target(%arg22 : memref<16xi32, #tpu.memory_space<vmem>>) offsets(%arg28 : memref<16xi32, #tpu.memory_space<vmem>>) semaphore(%arg44 : memref<!tpu.dma_semaphore, #tpu.memory_space<semaphore_mem>>)
      %dma_wait3A_752 = arith.constant 0 : i32
      %dma_wait3A_753 = tpu.memref_slice %arg13[%dma_wait3A_752] : memref<16777216xi32, #tpu.memory_space<hbm>> -> memref<16777216xi32, #tpu.memory_space<hbm>>
      tpu.wait_indirect_dma semaphore(%arg44 : memref<!tpu.dma_semaphore, #tpu.memory_space<semaphore_mem>>) src(%dma_wait3A_753 : memref<16777216xi32, #tpu.memory_space<hbm>>) dst(%arg22 : memref<16xi32, #tpu.memory_space<vmem>>)
      %get3A_754 = arith.constant 0 : index
      %get3A_755 = tpu.vector_load %arg22[%get3A_754] {strides = array<i32>} : memref<16xi32, #tpu.memory_space<vmem>>, vector<16xi32>,
      %add3A_756 = arith.addi %add3A_629, %mul3A_730 : i32
      %add3A_757 = vector.broadcast %add3A_756 : i32 to vector<16xi32>
      %add3A_758 = arith.addi %add3A_757, %iota3A : vector<16xi32>
      %eq3A_759 = arith.cmpi eq, %get3A_755, %add3A_758 : vector<16xi32>
      %and3A_760 = arith.andi %lt3A_734, %eq3A_759 : vector<16xi1>
      %jit3A_761 = arith.constant 0 : i32
      %broadcast_in_dim3A_762 = vector.broadcast %jit3A_761 : i32 to vector<16xi32>
      %select_n3A_763 = arith.select %and3A_760, %add3A_758, %broadcast_in_dim3A_762 : vector<16xi1>, vector<16xi32>
      %swap3A_764 = arith.constant 0 : index
      %swap3A_765 = tpu.vector_load %arg29[%swap3A_764] {strides = array<i32>} : memref<16xi32, #tpu.memory_space<vmem>>, vector<16xi32>,
      tpu.vector_store %arg29[%swap3A_764], %select_n3A_763 {strides = array<i32>} : memref<16xi32, #tpu.memory_space<vmem>>, vector<16xi32>,
      %dma_start3A_766 = arith.constant 0 : i32
      %dma_start3A_767 = tpu.memref_slice %arg14[%dma_start3A_766] : memref<131072xf32, #tpu.memory_space<hbm>> -> memref<131072xf32, #tpu.memory_space<hbm>>
      tpu.enqueue_indirect_dma source(%dma_start3A_767 : memref<131072xf32, #tpu.memory_space<hbm>>) target(%arg36 : memref<16xf32, #tpu.memory_space<vmem>>) offsets(%arg29 : memref<16xi32, #tpu.memory_space<vmem>>) semaphore(%arg45 : memref<!tpu.dma_semaphore, #tpu.memory_space<semaphore_mem>>)
      %dma_wait3A_768 = arith.constant 0 : i32
      %dma_wait3A_769 = tpu.memref_slice %arg14[%dma_wait3A_768] : memref<131072xf32, #tpu.memory_space<hbm>> -> memref<131072xf32, #tpu.memory_space<hbm>>
      tpu.wait_indirect_dma semaphore(%arg45 : memref<!tpu.dma_semaphore, #tpu.memory_space<semaphore_mem>>) src(%dma_wait3A_769 : memref<131072xf32, #tpu.memory_space<hbm>>) dst(%arg36 : memref<16xf32, #tpu.memory_space<vmem>>)
      %get3A_770 = arith.constant 0 : index
      %get3A_771 = tpu.vector_load %arg36[%get3A_770] {strides = array<i32>} : memref<16xf32, #tpu.memory_space<vmem>>, vector<16xf32>,
      %select_n3A_772 = arith.select %and3A_760, %get3A_771, %get3A_740 : vector<16xi1>, vector<16xf32>
      %select_n3A_773 = arith.select %and3A_760, %get3A_738, %get3A_736 : vector<16xi1>, vector<16xi32>
      %sub3A_774 = vector.broadcast %min3A_621 : i32 to vector<16xi32>
      %sub3A_775 = arith.subi %get3A_736, %sub3A_774 : vector<16xi32>
      %sub3A_776 = vector.broadcast %min3A_621 : i32 to vector<16xi32>
      %sub3A_777 = arith.subi %select_n3A_773, %sub3A_776 : vector<16xi32>
      %neg3A = arith.constant 0.000000e+00 : f32
      %neg3A_778 = vector.broadcast %neg3A : f32 to vector<16xf32>
      %neg3A_779 = arith.subf %neg3A_778, %select_n3A_772 : vector<16xf32>
      %exp3A = math.exp %neg3A_779 : vector<16xf32>
      %add3A_780 = arith.constant 1.000000e+00 : f32
      %add3A_781 = vector.broadcast %add3A_780 : f32 to vector<16xf32>
      %add3A_782 = arith.addf %add3A_781, %exp3A : vector<16xf32>
      %div3A_783 = arith.constant 1.000000e+00 : f32
      %div3A_784 = vector.broadcast %div3A_783 : f32 to vector<16xf32>
      %div3A_785 = arith.divf %div3A_784, %add3A_782 : vector<16xf32>
      %sub3A_786 = arith.constant 5.000000e-01 : f32
      %sub3A_787 = vector.broadcast %sub3A_786 : f32 to vector<16xf32>
      %sub3A_788 = arith.subf %div3A_785, %sub3A_787 : vector<16xf32>
      %ne3A_789 = arith.cmpi ne, %sub3A_775, %sub3A_777 : vector<16xi32>
      %and3A_790 = arith.andi %lt3A_734, %ne3A_789 : vector<16xi1>
      %jit3A_791 = arith.constant 0.000000e+00 : f32
      %broadcast_in_dim3A_792 = vector.broadcast %jit3A_791 : f32 to vector<16xf32>
      %select_n3A_793 = arith.select %and3A_790, %sub3A_788, %broadcast_in_dim3A_792 : vector<16xi1>, vector<16xf32>
      %jit3A_794 = arith.constant 0 : i32
      %broadcast_in_dim3A_795 = vector.broadcast %jit3A_794 : i32 to vector<16xi32>
      %select_n3A_796 = arith.select %lt3A_734, %sub3A_775, %broadcast_in_dim3A_795 : vector<16xi1>, vector<16xi32>
      %jit3A_797 = arith.constant 0 : i32
      %broadcast_in_dim3A_798 = vector.broadcast %jit3A_797 : i32 to vector<16xi32>
      %select_n3A_799 = arith.select %lt3A_734, %sub3A_777, %broadcast_in_dim3A_798 : vector<16xi1>, vector<16xi32>
      %swap3A_800 = arith.index_cast %mul3A_730 : i32 to index
      %swap3A_801 = tpu.vector_load %arg16[%swap3A_800] {strides = array<i32>} : memref<8192xi32, #tpu.memory_space<vmem>>, vector<16xi32>,
      tpu.vector_store %arg16[%swap3A_800], %select_n3A_796 {strides = array<i32>} : memref<8192xi32, #tpu.memory_space<vmem>>, vector<16xi32>,
      %swap3A_802 = arith.index_cast %mul3A_730 : i32 to index
      %swap3A_803 = tpu.vector_load %arg17[%swap3A_802] {strides = array<i32>} : memref<8192xi32, #tpu.memory_space<vmem>>, vector<16xi32>,
      tpu.vector_store %arg17[%swap3A_802], %select_n3A_799 {strides = array<i32>} : memref<8192xi32, #tpu.memory_space<vmem>>, vector<16xi32>,
      %swap3A_804 = arith.index_cast %mul3A_730 : i32 to index
      %swap3A_805 = tpu.vector_load %arg18[%swap3A_804] {strides = array<i32>} : memref<8208xf32, #tpu.memory_space<vmem>>, vector<16xf32>,
      tpu.vector_store %arg18[%swap3A_804], %select_n3A_793 {strides = array<i32>} : memref<8208xf32, #tpu.memory_space<vmem>>, vector<16xf32>,
      %swap3A_806 = arith.constant 0 : index
      %swap3A_807 = tpu.vector_load %arg28[%swap3A_806] {strides = array<i32>} : memref<16xi32, #tpu.memory_space<vmem>>, vector<16xi32>,
      tpu.vector_store %arg28[%swap3A_806], %select_n3A_796 {strides = array<i32>} : memref<16xi32, #tpu.memory_space<vmem>>, vector<16xi32>,
      %swap3A_808 = arith.constant 0 : index
      %swap3A_809 = tpu.vector_load %arg30[%swap3A_808] {strides = array<i32>} : memref<16xf32, #tpu.memory_space<vmem>>, vector<16xf32>,
      tpu.vector_store %arg30[%swap3A_808], %select_n3A_793 {strides = array<i32>} : memref<16xf32, #tpu.memory_space<vmem>>, vector<16xf32>,
      "tpu.region"() ({
        %run_scoped3A = tpu.sem_alloc : memref<!tpu.dma_semaphore, #tpu.memory_space<semaphore_mem>>
        %dma_start3A_811 = arith.constant 0 : i32
        %dma_start3A_812 = tpu.memref_slice %arg39[%dma_start3A_811] : memref<4096xf32, #tpu.memory_space<vmem_shared>> -> memref<4096xf32, #tpu.memory_space<vmem_shared>>
        tpu.enqueue_indirect_dma source(%arg30 : memref<16xf32, #tpu.memory_space<vmem>>) target(%dma_start3A_812 : memref<4096xf32, #tpu.memory_space<vmem_shared>>) offsets(%arg28 : memref<16xi32, #tpu.memory_space<vmem>>) semaphore(%run_scoped3A : memref<!tpu.dma_semaphore, #tpu.memory_space<semaphore_mem>>) {add = true}
        %dma_wait3A_813 = arith.constant 0 : i32
        %dma_wait3A_814 = tpu.memref_slice %arg39[%dma_wait3A_813] : memref<4096xf32, #tpu.memory_space<vmem_shared>> -> memref<4096xf32, #tpu.memory_space<vmem_shared>>
        tpu.wait_indirect_dma semaphore(%run_scoped3A : memref<!tpu.dma_semaphore, #tpu.memory_space<semaphore_mem>>) src(%arg30 : memref<16xf32, #tpu.memory_space<vmem>>) dst(%dma_wait3A_814 : memref<4096xf32, #tpu.memory_space<vmem_shared>>)
        tpu.yield
      }) : () -> ()
      %while3A_810 = arith.constant 0 : i32
      scf.yield %while3A_810 : i32
    }
    %barrier3A_696 = arith.constant 0 : index
    tpu.barrier barrier_id(%barrier3A_696)
    "tpu.region"() ({
      %run_scoped3A = tpu.sem_alloc : memref<!tpu.dma_semaphore, #tpu.memory_space<semaphore_mem>>
      %dma_start3A_727 = tpu.memref_slice %arg10[%mul3A_0] : memref<4096xf32, #tpu.memory_space<hbm>> -> memref<256xf32, #tpu.memory_space<hbm>>
      %dma_start3A_728 = tpu.memref_slice %arg39[%mul3A_0] : memref<4096xf32, #tpu.memory_space<vmem_shared>> -> memref<256xf32, #tpu.memory_space<vmem_shared>>
      tpu.enqueue_dma source(%dma_start3A_728 : memref<256xf32, #tpu.memory_space<vmem_shared>>) target(%dma_start3A_727 : memref<256xf32, #tpu.memory_space<hbm>>) target_semaphore(%run_scoped3A : memref<!tpu.dma_semaphore, #tpu.memory_space<semaphore_mem>>)
      %dma_wait3A_729 = tpu.memref_slice %arg10[%mul3A_0] : memref<4096xf32, #tpu.memory_space<hbm>> -> memref<256xf32, #tpu.memory_space<hbm>>
      %dma_wait3A_730 = tpu.memref_slice %arg39[%mul3A_0] : memref<4096xf32, #tpu.memory_space<vmem_shared>> -> memref<256xf32, #tpu.memory_space<vmem_shared>>
      tpu.wait_dma2 semaphore(%run_scoped3A : memref<!tpu.dma_semaphore, #tpu.memory_space<semaphore_mem>>) src(%dma_wait3A_730 : memref<256xf32, #tpu.memory_space<vmem_shared>>) dst(%dma_wait3A_729 : memref<256xf32, #tpu.memory_space<hbm>>)
      tpu.yield
    }) : () -> ()
    %barrier3A_697 = arith.constant 0 : index
    tpu.barrier barrier_id(%barrier3A_697)
    %while3A_698 = arith.constant 0 : i32
    %while3A_699 = arith.constant 0 : i32
    %while3A_700 = arith.subi %select_n3A, %while3A_698 : i32
    %while3A_701 = arith.addi %while3A_698, %while3A_700 : i32
    %while3A_702 = arith.constant 1 : i32
    %while3A_703 = arith.divsi %while3A_700, %while3A_702 : i32
    %while3A_704 = arith.muli %while3A_703, %while3A_702 : i32
    %while3A_705 = arith.addi %while3A_698, %while3A_704 : i32
    %while3A_706 = arith.constant 1 : i32
    %while3A_707 = scf.for %while3A_727 = %while3A_698 to %while3A_705 step %while3A_706 iter_args(%while3A_728 = %while3A_699) -> (i32)  : i32 {
      %mul3A_729 = arith.constant 16 : i32
      %mul3A_730 = arith.muli %while3A_727, %mul3A_729 : i32
      %get3A_731 = arith.index_cast %mul3A_730 : i32 to index
      %get3A_732 = tpu.vector_load %arg16[%get3A_731] {strides = array<i32>} : memref<8192xi32, #tpu.memory_space<vmem>>, vector<16xi32>,
      %get3A_733 = arith.index_cast %mul3A_730 : i32 to index
      %get3A_734 = tpu.vector_load %arg17[%get3A_733] {strides = array<i32>} : memref<8192xi32, #tpu.memory_space<vmem>>, vector<16xi32>,
      %get3A_735 = arith.index_cast %mul3A_730 : i32 to index
      %get3A_736 = tpu.vector_load %arg18[%get3A_735] {strides = array<i32>} : memref<8208xf32, #tpu.memory_space<vmem>>, vector<16xf32>,
      %swap3A_737 = arith.constant 0 : index
      %swap3A_738 = tpu.vector_load %arg28[%swap3A_737] {strides = array<i32>} : memref<16xi32, #tpu.memory_space<vmem>>, vector<16xi32>,
      tpu.vector_store %arg28[%swap3A_737], %get3A_732 {strides = array<i32>} : memref<16xi32, #tpu.memory_space<vmem>>, vector<16xi32>,
      %swap3A_739 = arith.constant 0 : index
      %swap3A_740 = tpu.vector_load %arg29[%swap3A_739] {strides = array<i32>} : memref<16xi32, #tpu.memory_space<vmem>>, vector<16xi32>,
      tpu.vector_store %arg29[%swap3A_739], %get3A_734 {strides = array<i32>} : memref<16xi32, #tpu.memory_space<vmem>>, vector<16xi32>,
      %dma_start3A_741 = arith.constant 0 : i32
      %dma_start3A_742 = arith.constant 0 : i32
      %dma_start3A_743 = tpu.memref_slice %arg8[%dma_start3A_741, %dma_start3A_742] : memref<4096x128xf32, #tpu.memory_space<hbm>> -> memref<4096x128xf32, #tpu.memory_space<hbm>>
      tpu.enqueue_indirect_dma source(%dma_start3A_743 : memref<4096x128xf32, #tpu.memory_space<hbm>>) target(%arg32 : memref<16x128xf32, #tpu.memory_space<vmem>>) offsets(%arg28 : memref<16xi32, #tpu.memory_space<vmem>>) semaphore(%arg44 : memref<!tpu.dma_semaphore, #tpu.memory_space<semaphore_mem>>)
      %dma_start3A_744 = arith.constant 0 : i32
      %dma_start3A_745 = arith.constant 0 : i32
      %dma_start3A_746 = tpu.memref_slice %arg8[%dma_start3A_744, %dma_start3A_745] : memref<4096x128xf32, #tpu.memory_space<hbm>> -> memref<4096x128xf32, #tpu.memory_space<hbm>>
      tpu.enqueue_indirect_dma source(%dma_start3A_746 : memref<4096x128xf32, #tpu.memory_space<hbm>>) target(%arg33 : memref<16x128xf32, #tpu.memory_space<vmem>>) offsets(%arg29 : memref<16xi32, #tpu.memory_space<vmem>>) semaphore(%arg45 : memref<!tpu.dma_semaphore, #tpu.memory_space<semaphore_mem>>)
      %dma_start3A_747 = arith.constant 0 : i32
      %dma_start3A_748 = tpu.memref_slice %arg10[%dma_start3A_747] : memref<4096xf32, #tpu.memory_space<hbm>> -> memref<4096xf32, #tpu.memory_space<hbm>>
      tpu.enqueue_indirect_dma source(%dma_start3A_748 : memref<4096xf32, #tpu.memory_space<hbm>>) target(%arg36 : memref<16xf32, #tpu.memory_space<vmem>>) offsets(%arg29 : memref<16xi32, #tpu.memory_space<vmem>>) semaphore(%arg46 : memref<!tpu.dma_semaphore, #tpu.memory_space<semaphore_mem>>)
      %dma_wait3A_749 = arith.constant 0 : i32
      %dma_wait3A_750 = arith.constant 0 : i32
      %dma_wait3A_751 = tpu.memref_slice %arg8[%dma_wait3A_749, %dma_wait3A_750] : memref<4096x128xf32, #tpu.memory_space<hbm>> -> memref<4096x128xf32, #tpu.memory_space<hbm>>
      tpu.wait_indirect_dma semaphore(%arg44 : memref<!tpu.dma_semaphore, #tpu.memory_space<semaphore_mem>>) src(%dma_wait3A_751 : memref<4096x128xf32, #tpu.memory_space<hbm>>) dst(%arg32 : memref<16x128xf32, #tpu.memory_space<vmem>>)
      %dma_wait3A_752 = arith.constant 0 : i32
      %dma_wait3A_753 = arith.constant 0 : i32
      %dma_wait3A_754 = tpu.memref_slice %arg8[%dma_wait3A_752, %dma_wait3A_753] : memref<4096x128xf32, #tpu.memory_space<hbm>> -> memref<4096x128xf32, #tpu.memory_space<hbm>>
      tpu.wait_indirect_dma semaphore(%arg45 : memref<!tpu.dma_semaphore, #tpu.memory_space<semaphore_mem>>) src(%dma_wait3A_754 : memref<4096x128xf32, #tpu.memory_space<hbm>>) dst(%arg33 : memref<16x128xf32, #tpu.memory_space<vmem>>)
      %dma_wait3A_755 = arith.constant 0 : i32
      %dma_wait3A_756 = tpu.memref_slice %arg10[%dma_wait3A_755] : memref<4096xf32, #tpu.memory_space<hbm>> -> memref<4096xf32, #tpu.memory_space<hbm>>
      tpu.wait_indirect_dma semaphore(%arg46 : memref<!tpu.dma_semaphore, #tpu.memory_space<semaphore_mem>>) src(%dma_wait3A_756 : memref<4096xf32, #tpu.memory_space<hbm>>) dst(%arg36 : memref<16xf32, #tpu.memory_space<vmem>>)
      %get3A_757 = arith.constant 0 : index
      %get3A_758 = tpu.vector_load %arg36[%get3A_757] {strides = array<i32>} : memref<16xf32, #tpu.memory_space<vmem>>, vector<16xf32>,
      %add3A_759 = arith.constant 2.047500e+03 : f32
      %add3A_760 = vector.broadcast %add3A_759 : f32 to vector<16xf32>
      %add3A_761 = arith.addf %add3A_760, %get3A_758 : vector<16xf32>
      %div3A_762 = arith.divf %get3A_736, %add3A_761 : vector<16xf32>
      %swap3A_763 = arith.constant 0 : index
      %swap3A_764 = tpu.vector_load %arg31[%swap3A_763] {strides = array<i32>} : memref<32xf32, #tpu.memory_space<vmem>>, vector<16xf32>,
      tpu.vector_store %arg31[%swap3A_763], %div3A_762 {strides = array<i32>} : memref<32xf32, #tpu.memory_space<vmem>>, vector<16xf32>,
      %scan3A_765 = arith.constant 0 : i32
      %scan3A_766 = arith.constant 0 : i32
      %scan3A_767 = arith.constant 16 : i32
      %scan3A_768 = arith.addi %scan3A_766, %scan3A_767 : i32
      %scan3A_769 = arith.constant 1 : i32
      %scan3A_770 = scf.for %scan3A_785 = %scan3A_766 to %scan3A_768 step %scan3A_769 iter_args(%scan3A_786 = %scan3A_765) -> (i32)  : i32 {
        %add3A_787 = arith.addi %mul3A_730, %scan3A_785 : i32
        %get3A_788 = arith.index_cast %add3A_787 : i32 to index
        %get3A_789 = tpu.vector_load %arg18[%get3A_788] {strides = array<i32>} : memref<8208xf32, #tpu.memory_space<vmem>>, vector<16xf32>,
        %slice3A_790 = vector.extract_strided_slice %get3A_789 {offsets = [0], sizes = [1], strides = [1]} : vector<16xf32> to vector<1xf32>
        %squeeze3A_791 = vector.extract %slice3A_790[0] : f32 from vector<1xf32>
        %get3A_792 = arith.index_cast %scan3A_785 : i32 to index
        %get3A_793 = tpu.vector_load %arg31[%get3A_792] {strides = array<i32>} : memref<32xf32, #tpu.memory_space<vmem>>, vector<16xf32>,
        %slice3A_794 = vector.extract_strided_slice %get3A_793 {offsets = [0], sizes = [1], strides = [1]} : vector<16xf32> to vector<1xf32>
        %squeeze3A_795 = vector.extract %slice3A_794[0] : f32 from vector<1xf32>
        %get3A_796 = arith.index_cast %scan3A_785 : i32 to index
        %get3A_797 = arith.constant 0 : index
        %get3A_798 = tpu.vector_load %arg33[%get3A_796, %get3A_797] {strides = array<i32>} : memref<16x128xf32, #tpu.memory_space<vmem>>, vector<16xf32>,
        %mul3A_799 = vector.broadcast %squeeze3A_795 : f32 to vector<16xf32>
        %mul3A_800 = arith.mulf %get3A_798, %mul3A_799 : vector<16xf32>
        %swap3A_801 = arith.index_cast %scan3A_785 : i32 to index
        %swap3A_802 = arith.constant 0 : index
        %swap3A_803 = tpu.vector_load %arg34[%swap3A_801, %swap3A_802] {strides = array<i32>} : memref<16x128xf32, #tpu.memory_space<vmem>>, vector<16xf32>,
        tpu.vector_store %arg34[%swap3A_801, %swap3A_802], %mul3A_800 {strides = array<i32>} : memref<16x128xf32, #tpu.memory_space<vmem>>, vector<16xf32>,
        %get3A_804 = arith.index_cast %scan3A_785 : i32 to index
        %get3A_805 = arith.constant 0 : index
        %get3A_806 = tpu.vector_load %arg32[%get3A_804, %get3A_805] {strides = array<i32>} : memref<16x128xf32, #tpu.memory_space<vmem>>, vector<16xf32>,
        %mul3A_807 = vector.broadcast %squeeze3A_791 : f32 to vector<16xf32>
        %mul3A_808 = arith.mulf %get3A_806, %mul3A_807 : vector<16xf32>
        %swap3A_809 = arith.index_cast %scan3A_785 : i32 to index
        %swap3A_810 = arith.constant 0 : index
        %swap3A_811 = tpu.vector_load %arg35[%swap3A_809, %swap3A_810] {strides = array<i32>} : memref<16x128xf32, #tpu.memory_space<vmem>>, vector<16xf32>,
        tpu.vector_store %arg35[%swap3A_809, %swap3A_810], %mul3A_808 {strides = array<i32>} : memref<16x128xf32, #tpu.memory_space<vmem>>, vector<16xf32>,
        %get3A_812 = arith.index_cast %scan3A_785 : i32 to index
        %get3A_813 = arith.constant 16 : index
        %get3A_814 = tpu.vector_load %arg33[%get3A_812, %get3A_813] {strides = array<i32>} : memref<16x128xf32, #tpu.memory_space<vmem>>, vector<16xf32>,
        %mul3A_815 = vector.broadcast %squeeze3A_795 : f32 to vector<16xf32>
        %mul3A_816 = arith.mulf %get3A_814, %mul3A_815 : vector<16xf32>
        %swap3A_817 = arith.index_cast %scan3A_785 : i32 to index
        %swap3A_818 = arith.constant 16 : index
        %swap3A_819 = tpu.vector_load %arg34[%swap3A_817, %swap3A_818] {strides = array<i32>} : memref<16x128xf32, #tpu.memory_space<vmem>>, vector<16xf32>,
        tpu.vector_store %arg34[%swap3A_817, %swap3A_818], %mul3A_816 {strides = array<i32>} : memref<16x128xf32, #tpu.memory_space<vmem>>, vector<16xf32>,
        %get3A_820 = arith.index_cast %scan3A_785 : i32 to index
        %get3A_821 = arith.constant 16 : index
        %get3A_822 = tpu.vector_load %arg32[%get3A_820, %get3A_821] {strides = array<i32>} : memref<16x128xf32, #tpu.memory_space<vmem>>, vector<16xf32>,
        %mul3A_823 = vector.broadcast %squeeze3A_791 : f32 to vector<16xf32>
        %mul3A_824 = arith.mulf %get3A_822, %mul3A_823 : vector<16xf32>
        %swap3A_825 = arith.index_cast %scan3A_785 : i32 to index
        %swap3A_826 = arith.constant 16 : index
        %swap3A_827 = tpu.vector_load %arg35[%swap3A_825, %swap3A_826] {strides = array<i32>} : memref<16x128xf32, #tpu.memory_space<vmem>>, vector<16xf32>,
        tpu.vector_store %arg35[%swap3A_825, %swap3A_826], %mul3A_824 {strides = array<i32>} : memref<16x128xf32, #tpu.memory_space<vmem>>, vector<16xf32>,
        %get3A_828 = arith.index_cast %scan3A_785 : i32 to index
        %get3A_829 = arith.constant 32 : index
        %get3A_830 = tpu.vector_load %arg33[%get3A_828, %get3A_829] {strides = array<i32>} : memref<16x128xf32, #tpu.memory_space<vmem>>, vector<16xf32>,
        %mul3A_831 = vector.broadcast %squeeze3A_795 : f32 to vector<16xf32>
        %mul3A_832 = arith.mulf %get3A_830, %mul3A_831 : vector<16xf32>
        %swap3A_833 = arith.index_cast %scan3A_785 : i32 to index
        %swap3A_834 = arith.constant 32 : index
        %swap3A_835 = tpu.vector_load %arg34[%swap3A_833, %swap3A_834] {strides = array<i32>} : memref<16x128xf32, #tpu.memory_space<vmem>>, vector<16xf32>,
        tpu.vector_store %arg34[%swap3A_833, %swap3A_834], %mul3A_832 {strides = array<i32>} : memref<16x128xf32, #tpu.memory_space<vmem>>, vector<16xf32>,
        %get3A_836 = arith.index_cast %scan3A_785 : i32 to index
        %get3A_837 = arith.constant 32 : index
        %get3A_838 = tpu.vector_load %arg32[%get3A_836, %get3A_837] {strides = array<i32>} : memref<16x128xf32, #tpu.memory_space<vmem>>, vector<16xf32>,
        %mul3A_839 = vector.broadcast %squeeze3A_791 : f32 to vector<16xf32>
        %mul3A_840 = arith.mulf %get3A_838, %mul3A_839 : vector<16xf32>
        %swap3A_841 = arith.index_cast %scan3A_785 : i32 to index
        %swap3A_842 = arith.constant 32 : index
        %swap3A_843 = tpu.vector_load %arg35[%swap3A_841, %swap3A_842] {strides = array<i32>} : memref<16x128xf32, #tpu.memory_space<vmem>>, vector<16xf32>,
        tpu.vector_store %arg35[%swap3A_841, %swap3A_842], %mul3A_840 {strides = array<i32>} : memref<16x128xf32, #tpu.memory_space<vmem>>, vector<16xf32>,
        %get3A_844 = arith.index_cast %scan3A_785 : i32 to index
        %get3A_845 = arith.constant 48 : index
        %get3A_846 = tpu.vector_load %arg33[%get3A_844, %get3A_845] {strides = array<i32>} : memref<16x128xf32, #tpu.memory_space<vmem>>, vector<16xf32>,
        %mul3A_847 = vector.broadcast %squeeze3A_795 : f32 to vector<16xf32>
        %mul3A_848 = arith.mulf %get3A_846, %mul3A_847 : vector<16xf32>
        %swap3A_849 = arith.index_cast %scan3A_785 : i32 to index
        %swap3A_850 = arith.constant 48 : index
        %swap3A_851 = tpu.vector_load %arg34[%swap3A_849, %swap3A_850] {strides = array<i32>} : memref<16x128xf32, #tpu.memory_space<vmem>>, vector<16xf32>,
        tpu.vector_store %arg34[%swap3A_849, %swap3A_850], %mul3A_848 {strides = array<i32>} : memref<16x128xf32, #tpu.memory_space<vmem>>, vector<16xf32>,
        %get3A_852 = arith.index_cast %scan3A_785 : i32 to index
        %get3A_853 = arith.constant 48 : index
        %get3A_854 = tpu.vector_load %arg32[%get3A_852, %get3A_853] {strides = array<i32>} : memref<16x128xf32, #tpu.memory_space<vmem>>, vector<16xf32>,
        %mul3A_855 = vector.broadcast %squeeze3A_791 : f32 to vector<16xf32>
        %mul3A_856 = arith.mulf %get3A_854, %mul3A_855 : vector<16xf32>
        %swap3A_857 = arith.index_cast %scan3A_785 : i32 to index
        %swap3A_858 = arith.constant 48 : index
        %swap3A_859 = tpu.vector_load %arg35[%swap3A_857, %swap3A_858] {strides = array<i32>} : memref<16x128xf32, #tpu.memory_space<vmem>>, vector<16xf32>,
        tpu.vector_store %arg35[%swap3A_857, %swap3A_858], %mul3A_856 {strides = array<i32>} : memref<16x128xf32, #tpu.memory_space<vmem>>, vector<16xf32>,
        %get3A_860 = arith.index_cast %scan3A_785 : i32 to index
        %get3A_861 = arith.constant 64 : index
        %get3A_862 = tpu.vector_load %arg33[%get3A_860, %get3A_861] {strides = array<i32>} : memref<16x128xf32, #tpu.memory_space<vmem>>, vector<16xf32>,
        %mul3A_863 = vector.broadcast %squeeze3A_795 : f32 to vector<16xf32>
        %mul3A_864 = arith.mulf %get3A_862, %mul3A_863 : vector<16xf32>
        %swap3A_865 = arith.index_cast %scan3A_785 : i32 to index
        %swap3A_866 = arith.constant 64 : index
        %swap3A_867 = tpu.vector_load %arg34[%swap3A_865, %swap3A_866] {strides = array<i32>} : memref<16x128xf32, #tpu.memory_space<vmem>>, vector<16xf32>,
        tpu.vector_store %arg34[%swap3A_865, %swap3A_866], %mul3A_864 {strides = array<i32>} : memref<16x128xf32, #tpu.memory_space<vmem>>, vector<16xf32>,
        %get3A_868 = arith.index_cast %scan3A_785 : i32 to index
        %get3A_869 = arith.constant 64 : index
        %get3A_870 = tpu.vector_load %arg32[%get3A_868, %get3A_869] {strides = array<i32>} : memref<16x128xf32, #tpu.memory_space<vmem>>, vector<16xf32>,
        %mul3A_871 = vector.broadcast %squeeze3A_791 : f32 to vector<16xf32>
        %mul3A_872 = arith.mulf %get3A_870, %mul3A_871 : vector<16xf32>
        %swap3A_873 = arith.index_cast %scan3A_785 : i32 to index
        %swap3A_874 = arith.constant 64 : index
        %swap3A_875 = tpu.vector_load %arg35[%swap3A_873, %swap3A_874] {strides = array<i32>} : memref<16x128xf32, #tpu.memory_space<vmem>>, vector<16xf32>,
        tpu.vector_store %arg35[%swap3A_873, %swap3A_874], %mul3A_872 {strides = array<i32>} : memref<16x128xf32, #tpu.memory_space<vmem>>, vector<16xf32>,
        %get3A_876 = arith.index_cast %scan3A_785 : i32 to index
        %get3A_877 = arith.constant 80 : index
        %get3A_878 = tpu.vector_load %arg33[%get3A_876, %get3A_877] {strides = array<i32>} : memref<16x128xf32, #tpu.memory_space<vmem>>, vector<16xf32>,
        %mul3A_879 = vector.broadcast %squeeze3A_795 : f32 to vector<16xf32>
        %mul3A_880 = arith.mulf %get3A_878, %mul3A_879 : vector<16xf32>
        %swap3A_881 = arith.index_cast %scan3A_785 : i32 to index
        %swap3A_882 = arith.constant 80 : index
        %swap3A_883 = tpu.vector_load %arg34[%swap3A_881, %swap3A_882] {strides = array<i32>} : memref<16x128xf32, #tpu.memory_space<vmem>>, vector<16xf32>,
        tpu.vector_store %arg34[%swap3A_881, %swap3A_882], %mul3A_880 {strides = array<i32>} : memref<16x128xf32, #tpu.memory_space<vmem>>, vector<16xf32>,
        %get3A_884 = arith.index_cast %scan3A_785 : i32 to index
        %get3A_885 = arith.constant 80 : index
        %get3A_886 = tpu.vector_load %arg32[%get3A_884, %get3A_885] {strides = array<i32>} : memref<16x128xf32, #tpu.memory_space<vmem>>, vector<16xf32>,
        %mul3A_887 = vector.broadcast %squeeze3A_791 : f32 to vector<16xf32>
        %mul3A_888 = arith.mulf %get3A_886, %mul3A_887 : vector<16xf32>
        %swap3A_889 = arith.index_cast %scan3A_785 : i32 to index
        %swap3A_890 = arith.constant 80 : index
        %swap3A_891 = tpu.vector_load %arg35[%swap3A_889, %swap3A_890] {strides = array<i32>} : memref<16x128xf32, #tpu.memory_space<vmem>>, vector<16xf32>,
        tpu.vector_store %arg35[%swap3A_889, %swap3A_890], %mul3A_888 {strides = array<i32>} : memref<16x128xf32, #tpu.memory_space<vmem>>, vector<16xf32>,
        %get3A_892 = arith.index_cast %scan3A_785 : i32 to index
        %get3A_893 = arith.constant 96 : index
        %get3A_894 = tpu.vector_load %arg33[%get3A_892, %get3A_893] {strides = array<i32>} : memref<16x128xf32, #tpu.memory_space<vmem>>, vector<16xf32>,
        %mul3A_895 = vector.broadcast %squeeze3A_795 : f32 to vector<16xf32>
        %mul3A_896 = arith.mulf %get3A_894, %mul3A_895 : vector<16xf32>
        %swap3A_897 = arith.index_cast %scan3A_785 : i32 to index
        %swap3A_898 = arith.constant 96 : index
        %swap3A_899 = tpu.vector_load %arg34[%swap3A_897, %swap3A_898] {strides = array<i32>} : memref<16x128xf32, #tpu.memory_space<vmem>>, vector<16xf32>,
        tpu.vector_store %arg34[%swap3A_897, %swap3A_898], %mul3A_896 {strides = array<i32>} : memref<16x128xf32, #tpu.memory_space<vmem>>, vector<16xf32>,
        %get3A_900 = arith.index_cast %scan3A_785 : i32 to index
        %get3A_901 = arith.constant 96 : index
        %get3A_902 = tpu.vector_load %arg32[%get3A_900, %get3A_901] {strides = array<i32>} : memref<16x128xf32, #tpu.memory_space<vmem>>, vector<16xf32>,
        %mul3A_903 = vector.broadcast %squeeze3A_791 : f32 to vector<16xf32>
        %mul3A_904 = arith.mulf %get3A_902, %mul3A_903 : vector<16xf32>
        %swap3A_905 = arith.index_cast %scan3A_785 : i32 to index
        %swap3A_906 = arith.constant 96 : index
        %swap3A_907 = tpu.vector_load %arg35[%swap3A_905, %swap3A_906] {strides = array<i32>} : memref<16x128xf32, #tpu.memory_space<vmem>>, vector<16xf32>,
        tpu.vector_store %arg35[%swap3A_905, %swap3A_906], %mul3A_904 {strides = array<i32>} : memref<16x128xf32, #tpu.memory_space<vmem>>, vector<16xf32>,
        %get3A_908 = arith.index_cast %scan3A_785 : i32 to index
        %get3A_909 = arith.constant 112 : index
        %get3A_910 = tpu.vector_load %arg33[%get3A_908, %get3A_909] {strides = array<i32>} : memref<16x128xf32, #tpu.memory_space<vmem>>, vector<16xf32>,
        %mul3A_911 = vector.broadcast %squeeze3A_795 : f32 to vector<16xf32>
        %mul3A_912 = arith.mulf %get3A_910, %mul3A_911 : vector<16xf32>
        %swap3A_913 = arith.index_cast %scan3A_785 : i32 to index
        %swap3A_914 = arith.constant 112 : index
        %swap3A_915 = tpu.vector_load %arg34[%swap3A_913, %swap3A_914] {strides = array<i32>} : memref<16x128xf32, #tpu.memory_space<vmem>>, vector<16xf32>,
        tpu.vector_store %arg34[%swap3A_913, %swap3A_914], %mul3A_912 {strides = array<i32>} : memref<16x128xf32, #tpu.memory_space<vmem>>, vector<16xf32>,
        %get3A_916 = arith.index_cast %scan3A_785 : i32 to index
        %get3A_917 = arith.constant 112 : index
        %get3A_918 = tpu.vector_load %arg32[%get3A_916, %get3A_917] {strides = array<i32>} : memref<16x128xf32, #tpu.memory_space<vmem>>, vector<16xf32>,
        %mul3A_919 = vector.broadcast %squeeze3A_791 : f32 to vector<16xf32>
        %mul3A_920 = arith.mulf %get3A_918, %mul3A_919 : vector<16xf32>
        %swap3A_921 = arith.index_cast %scan3A_785 : i32 to index
        %swap3A_922 = arith.constant 112 : index
        %swap3A_923 = tpu.vector_load %arg35[%swap3A_921, %swap3A_922] {strides = array<i32>} : memref<16x128xf32, #tpu.memory_space<vmem>>, vector<16xf32>,
        tpu.vector_store %arg35[%swap3A_921, %swap3A_922], %mul3A_920 {strides = array<i32>} : memref<16x128xf32, #tpu.memory_space<vmem>>, vector<16xf32>,
        %scan3A_924 = arith.constant 0 : i32
        scf.yield %scan3A_924 : i32
      }
      %scan3A_771 = arith.constant 16 : i32
      %dma_start3A_772 = arith.constant 0 : i32
      %dma_start3A_773 = arith.constant 0 : i32
      %dma_start3A_774 = tpu.memref_slice %arg40[%dma_start3A_772, %dma_start3A_773] : memref<4096x128xf32, #tpu.memory_space<vmem_shared>> -> memref<4096x128xf32, #tpu.memory_space<vmem_shared>>
      tpu.enqueue_indirect_dma source(%arg34 : memref<16x128xf32, #tpu.memory_space<vmem>>) target(%dma_start3A_774 : memref<4096x128xf32, #tpu.memory_space<vmem_shared>>) offsets(%arg28 : memref<16xi32, #tpu.memory_space<vmem>>) semaphore(%arg44 : memref<!tpu.dma_semaphore, #tpu.memory_space<semaphore_mem>>) {add = true}
      %dma_start3A_775 = arith.constant 0 : i32
      %dma_start3A_776 = arith.constant 0 : i32
      %dma_start3A_777 = tpu.memref_slice %arg41[%dma_start3A_775, %dma_start3A_776] : memref<4096x128xf32, #tpu.memory_space<vmem_shared>> -> memref<4096x128xf32, #tpu.memory_space<vmem_shared>>
      tpu.enqueue_indirect_dma source(%arg35 : memref<16x128xf32, #tpu.memory_space<vmem>>) target(%dma_start3A_777 : memref<4096x128xf32, #tpu.memory_space<vmem_shared>>) offsets(%arg29 : memref<16xi32, #tpu.memory_space<vmem>>) semaphore(%arg45 : memref<!tpu.dma_semaphore, #tpu.memory_space<semaphore_mem>>) {add = true}
      %dma_wait3A_778 = arith.constant 0 : i32
      %dma_wait3A_779 = arith.constant 0 : i32
      %dma_wait3A_780 = tpu.memref_slice %arg40[%dma_wait3A_778, %dma_wait3A_779] : memref<4096x128xf32, #tpu.memory_space<vmem_shared>> -> memref<4096x128xf32, #tpu.memory_space<vmem_shared>>
      tpu.wait_indirect_dma semaphore(%arg44 : memref<!tpu.dma_semaphore, #tpu.memory_space<semaphore_mem>>) src(%arg34 : memref<16x128xf32, #tpu.memory_space<vmem>>) dst(%dma_wait3A_780 : memref<4096x128xf32, #tpu.memory_space<vmem_shared>>)
      %dma_wait3A_781 = arith.constant 0 : i32
      %dma_wait3A_782 = arith.constant 0 : i32
      %dma_wait3A_783 = tpu.memref_slice %arg41[%dma_wait3A_781, %dma_wait3A_782] : memref<4096x128xf32, #tpu.memory_space<vmem_shared>> -> memref<4096x128xf32, #tpu.memory_space<vmem_shared>>
      tpu.wait_indirect_dma semaphore(%arg45 : memref<!tpu.dma_semaphore, #tpu.memory_space<semaphore_mem>>) src(%arg35 : memref<16x128xf32, #tpu.memory_space<vmem>>) dst(%dma_wait3A_783 : memref<4096x128xf32, #tpu.memory_space<vmem_shared>>)
      %while3A_784 = arith.constant 0 : i32
      scf.yield %while3A_784 : i32
    }
    %while3A_708 = arith.constant 1 : i32
    %while3A_709 = scf.for %while3A_727 = %while3A_705 to %while3A_701 step %while3A_708 iter_args(%while3A_728 = %while3A_707) -> (i32)  : i32 {
      %mul3A_729 = arith.constant 16 : i32
      %mul3A_730 = arith.muli %while3A_727, %mul3A_729 : i32
      %get3A_731 = arith.index_cast %mul3A_730 : i32 to index
      %get3A_732 = tpu.vector_load %arg16[%get3A_731] {strides = array<i32>} : memref<8192xi32, #tpu.memory_space<vmem>>, vector<16xi32>,
      %get3A_733 = arith.index_cast %mul3A_730 : i32 to index
      %get3A_734 = tpu.vector_load %arg17[%get3A_733] {strides = array<i32>} : memref<8192xi32, #tpu.memory_space<vmem>>, vector<16xi32>,
      %get3A_735 = arith.index_cast %mul3A_730 : i32 to index
      %get3A_736 = tpu.vector_load %arg18[%get3A_735] {strides = array<i32>} : memref<8208xf32, #tpu.memory_space<vmem>>, vector<16xf32>,
      %swap3A_737 = arith.constant 0 : index
      %swap3A_738 = tpu.vector_load %arg28[%swap3A_737] {strides = array<i32>} : memref<16xi32, #tpu.memory_space<vmem>>, vector<16xi32>,
      tpu.vector_store %arg28[%swap3A_737], %get3A_732 {strides = array<i32>} : memref<16xi32, #tpu.memory_space<vmem>>, vector<16xi32>,
      %swap3A_739 = arith.constant 0 : index
      %swap3A_740 = tpu.vector_load %arg29[%swap3A_739] {strides = array<i32>} : memref<16xi32, #tpu.memory_space<vmem>>, vector<16xi32>,
      tpu.vector_store %arg29[%swap3A_739], %get3A_734 {strides = array<i32>} : memref<16xi32, #tpu.memory_space<vmem>>, vector<16xi32>,
      %dma_start3A_741 = arith.constant 0 : i32
      %dma_start3A_742 = arith.constant 0 : i32
      %dma_start3A_743 = tpu.memref_slice %arg8[%dma_start3A_741, %dma_start3A_742] : memref<4096x128xf32, #tpu.memory_space<hbm>> -> memref<4096x128xf32, #tpu.memory_space<hbm>>
      tpu.enqueue_indirect_dma source(%dma_start3A_743 : memref<4096x128xf32, #tpu.memory_space<hbm>>) target(%arg32 : memref<16x128xf32, #tpu.memory_space<vmem>>) offsets(%arg28 : memref<16xi32, #tpu.memory_space<vmem>>) semaphore(%arg44 : memref<!tpu.dma_semaphore, #tpu.memory_space<semaphore_mem>>)
      %dma_start3A_744 = arith.constant 0 : i32
      %dma_start3A_745 = arith.constant 0 : i32
      %dma_start3A_746 = tpu.memref_slice %arg8[%dma_start3A_744, %dma_start3A_745] : memref<4096x128xf32, #tpu.memory_space<hbm>> -> memref<4096x128xf32, #tpu.memory_space<hbm>>
      tpu.enqueue_indirect_dma source(%dma_start3A_746 : memref<4096x128xf32, #tpu.memory_space<hbm>>) target(%arg33 : memref<16x128xf32, #tpu.memory_space<vmem>>) offsets(%arg29 : memref<16xi32, #tpu.memory_space<vmem>>) semaphore(%arg45 : memref<!tpu.dma_semaphore, #tpu.memory_space<semaphore_mem>>)
      %dma_start3A_747 = arith.constant 0 : i32
      %dma_start3A_748 = tpu.memref_slice %arg10[%dma_start3A_747] : memref<4096xf32, #tpu.memory_space<hbm>> -> memref<4096xf32, #tpu.memory_space<hbm>>
      tpu.enqueue_indirect_dma source(%dma_start3A_748 : memref<4096xf32, #tpu.memory_space<hbm>>) target(%arg36 : memref<16xf32, #tpu.memory_space<vmem>>) offsets(%arg29 : memref<16xi32, #tpu.memory_space<vmem>>) semaphore(%arg46 : memref<!tpu.dma_semaphore, #tpu.memory_space<semaphore_mem>>)
      %dma_wait3A_749 = arith.constant 0 : i32
      %dma_wait3A_750 = arith.constant 0 : i32
      %dma_wait3A_751 = tpu.memref_slice %arg8[%dma_wait3A_749, %dma_wait3A_750] : memref<4096x128xf32, #tpu.memory_space<hbm>> -> memref<4096x128xf32, #tpu.memory_space<hbm>>
      tpu.wait_indirect_dma semaphore(%arg44 : memref<!tpu.dma_semaphore, #tpu.memory_space<semaphore_mem>>) src(%dma_wait3A_751 : memref<4096x128xf32, #tpu.memory_space<hbm>>) dst(%arg32 : memref<16x128xf32, #tpu.memory_space<vmem>>)
      %dma_wait3A_752 = arith.constant 0 : i32
      %dma_wait3A_753 = arith.constant 0 : i32
      %dma_wait3A_754 = tpu.memref_slice %arg8[%dma_wait3A_752, %dma_wait3A_753] : memref<4096x128xf32, #tpu.memory_space<hbm>> -> memref<4096x128xf32, #tpu.memory_space<hbm>>
      tpu.wait_indirect_dma semaphore(%arg45 : memref<!tpu.dma_semaphore, #tpu.memory_space<semaphore_mem>>) src(%dma_wait3A_754 : memref<4096x128xf32, #tpu.memory_space<hbm>>) dst(%arg33 : memref<16x128xf32, #tpu.memory_space<vmem>>)
      %dma_wait3A_755 = arith.constant 0 : i32
      %dma_wait3A_756 = tpu.memref_slice %arg10[%dma_wait3A_755] : memref<4096xf32, #tpu.memory_space<hbm>> -> memref<4096xf32, #tpu.memory_space<hbm>>
      tpu.wait_indirect_dma semaphore(%arg46 : memref<!tpu.dma_semaphore, #tpu.memory_space<semaphore_mem>>) src(%dma_wait3A_756 : memref<4096xf32, #tpu.memory_space<hbm>>) dst(%arg36 : memref<16xf32, #tpu.memory_space<vmem>>)
      %get3A_757 = arith.constant 0 : index
      %get3A_758 = tpu.vector_load %arg36[%get3A_757] {strides = array<i32>} : memref<16xf32, #tpu.memory_space<vmem>>, vector<16xf32>,
      %add3A_759 = arith.constant 2.047500e+03 : f32
      %add3A_760 = vector.broadcast %add3A_759 : f32 to vector<16xf32>
      %add3A_761 = arith.addf %add3A_760, %get3A_758 : vector<16xf32>
      %div3A_762 = arith.divf %get3A_736, %add3A_761 : vector<16xf32>
      %swap3A_763 = arith.constant 0 : index
      %swap3A_764 = tpu.vector_load %arg31[%swap3A_763] {strides = array<i32>} : memref<32xf32, #tpu.memory_space<vmem>>, vector<16xf32>,
      tpu.vector_store %arg31[%swap3A_763], %div3A_762 {strides = array<i32>} : memref<32xf32, #tpu.memory_space<vmem>>, vector<16xf32>,
      %scan3A_765 = arith.constant 0 : i32
      %scan3A_766 = arith.constant 0 : i32
      %scan3A_767 = arith.constant 16 : i32
      %scan3A_768 = arith.addi %scan3A_766, %scan3A_767 : i32
      %scan3A_769 = arith.constant 1 : i32
      %scan3A_770 = scf.for %scan3A_785 = %scan3A_766 to %scan3A_768 step %scan3A_769 iter_args(%scan3A_786 = %scan3A_765) -> (i32)  : i32 {
        %add3A_787 = arith.addi %mul3A_730, %scan3A_785 : i32
        %get3A_788 = arith.index_cast %add3A_787 : i32 to index
        %get3A_789 = tpu.vector_load %arg18[%get3A_788] {strides = array<i32>} : memref<8208xf32, #tpu.memory_space<vmem>>, vector<16xf32>,
        %slice3A_790 = vector.extract_strided_slice %get3A_789 {offsets = [0], sizes = [1], strides = [1]} : vector<16xf32> to vector<1xf32>
        %squeeze3A_791 = vector.extract %slice3A_790[0] : f32 from vector<1xf32>
        %get3A_792 = arith.index_cast %scan3A_785 : i32 to index
        %get3A_793 = tpu.vector_load %arg31[%get3A_792] {strides = array<i32>} : memref<32xf32, #tpu.memory_space<vmem>>, vector<16xf32>,
        %slice3A_794 = vector.extract_strided_slice %get3A_793 {offsets = [0], sizes = [1], strides = [1]} : vector<16xf32> to vector<1xf32>
        %squeeze3A_795 = vector.extract %slice3A_794[0] : f32 from vector<1xf32>
        %get3A_796 = arith.index_cast %scan3A_785 : i32 to index
        %get3A_797 = arith.constant 0 : index
        %get3A_798 = tpu.vector_load %arg33[%get3A_796, %get3A_797] {strides = array<i32>} : memref<16x128xf32, #tpu.memory_space<vmem>>, vector<16xf32>,
        %mul3A_799 = vector.broadcast %squeeze3A_795 : f32 to vector<16xf32>
        %mul3A_800 = arith.mulf %get3A_798, %mul3A_799 : vector<16xf32>
        %swap3A_801 = arith.index_cast %scan3A_785 : i32 to index
        %swap3A_802 = arith.constant 0 : index
        %swap3A_803 = tpu.vector_load %arg34[%swap3A_801, %swap3A_802] {strides = array<i32>} : memref<16x128xf32, #tpu.memory_space<vmem>>, vector<16xf32>,
        tpu.vector_store %arg34[%swap3A_801, %swap3A_802], %mul3A_800 {strides = array<i32>} : memref<16x128xf32, #tpu.memory_space<vmem>>, vector<16xf32>,
        %get3A_804 = arith.index_cast %scan3A_785 : i32 to index
        %get3A_805 = arith.constant 0 : index
        %get3A_806 = tpu.vector_load %arg32[%get3A_804, %get3A_805] {strides = array<i32>} : memref<16x128xf32, #tpu.memory_space<vmem>>, vector<16xf32>,
        %mul3A_807 = vector.broadcast %squeeze3A_791 : f32 to vector<16xf32>
        %mul3A_808 = arith.mulf %get3A_806, %mul3A_807 : vector<16xf32>
        %swap3A_809 = arith.index_cast %scan3A_785 : i32 to index
        %swap3A_810 = arith.constant 0 : index
        %swap3A_811 = tpu.vector_load %arg35[%swap3A_809, %swap3A_810] {strides = array<i32>} : memref<16x128xf32, #tpu.memory_space<vmem>>, vector<16xf32>,
        tpu.vector_store %arg35[%swap3A_809, %swap3A_810], %mul3A_808 {strides = array<i32>} : memref<16x128xf32, #tpu.memory_space<vmem>>, vector<16xf32>,
        %get3A_812 = arith.index_cast %scan3A_785 : i32 to index
        %get3A_813 = arith.constant 16 : index
        %get3A_814 = tpu.vector_load %arg33[%get3A_812, %get3A_813] {strides = array<i32>} : memref<16x128xf32, #tpu.memory_space<vmem>>, vector<16xf32>,
        %mul3A_815 = vector.broadcast %squeeze3A_795 : f32 to vector<16xf32>
        %mul3A_816 = arith.mulf %get3A_814, %mul3A_815 : vector<16xf32>
        %swap3A_817 = arith.index_cast %scan3A_785 : i32 to index
        %swap3A_818 = arith.constant 16 : index
        %swap3A_819 = tpu.vector_load %arg34[%swap3A_817, %swap3A_818] {strides = array<i32>} : memref<16x128xf32, #tpu.memory_space<vmem>>, vector<16xf32>,
        tpu.vector_store %arg34[%swap3A_817, %swap3A_818], %mul3A_816 {strides = array<i32>} : memref<16x128xf32, #tpu.memory_space<vmem>>, vector<16xf32>,
        %get3A_820 = arith.index_cast %scan3A_785 : i32 to index
        %get3A_821 = arith.constant 16 : index
        %get3A_822 = tpu.vector_load %arg32[%get3A_820, %get3A_821] {strides = array<i32>} : memref<16x128xf32, #tpu.memory_space<vmem>>, vector<16xf32>,
        %mul3A_823 = vector.broadcast %squeeze3A_791 : f32 to vector<16xf32>
        %mul3A_824 = arith.mulf %get3A_822, %mul3A_823 : vector<16xf32>
        %swap3A_825 = arith.index_cast %scan3A_785 : i32 to index
        %swap3A_826 = arith.constant 16 : index
        %swap3A_827 = tpu.vector_load %arg35[%swap3A_825, %swap3A_826] {strides = array<i32>} : memref<16x128xf32, #tpu.memory_space<vmem>>, vector<16xf32>,
        tpu.vector_store %arg35[%swap3A_825, %swap3A_826], %mul3A_824 {strides = array<i32>} : memref<16x128xf32, #tpu.memory_space<vmem>>, vector<16xf32>,
        %get3A_828 = arith.index_cast %scan3A_785 : i32 to index
        %get3A_829 = arith.constant 32 : index
        %get3A_830 = tpu.vector_load %arg33[%get3A_828, %get3A_829] {strides = array<i32>} : memref<16x128xf32, #tpu.memory_space<vmem>>, vector<16xf32>,
        %mul3A_831 = vector.broadcast %squeeze3A_795 : f32 to vector<16xf32>
        %mul3A_832 = arith.mulf %get3A_830, %mul3A_831 : vector<16xf32>
        %swap3A_833 = arith.index_cast %scan3A_785 : i32 to index
        %swap3A_834 = arith.constant 32 : index
        %swap3A_835 = tpu.vector_load %arg34[%swap3A_833, %swap3A_834] {strides = array<i32>} : memref<16x128xf32, #tpu.memory_space<vmem>>, vector<16xf32>,
        tpu.vector_store %arg34[%swap3A_833, %swap3A_834], %mul3A_832 {strides = array<i32>} : memref<16x128xf32, #tpu.memory_space<vmem>>, vector<16xf32>,
        %get3A_836 = arith.index_cast %scan3A_785 : i32 to index
        %get3A_837 = arith.constant 32 : index
        %get3A_838 = tpu.vector_load %arg32[%get3A_836, %get3A_837] {strides = array<i32>} : memref<16x128xf32, #tpu.memory_space<vmem>>, vector<16xf32>,
        %mul3A_839 = vector.broadcast %squeeze3A_791 : f32 to vector<16xf32>
        %mul3A_840 = arith.mulf %get3A_838, %mul3A_839 : vector<16xf32>
        %swap3A_841 = arith.index_cast %scan3A_785 : i32 to index
        %swap3A_842 = arith.constant 32 : index
        %swap3A_843 = tpu.vector_load %arg35[%swap3A_841, %swap3A_842] {strides = array<i32>} : memref<16x128xf32, #tpu.memory_space<vmem>>, vector<16xf32>,
        tpu.vector_store %arg35[%swap3A_841, %swap3A_842], %mul3A_840 {strides = array<i32>} : memref<16x128xf32, #tpu.memory_space<vmem>>, vector<16xf32>,
        %get3A_844 = arith.index_cast %scan3A_785 : i32 to index
        %get3A_845 = arith.constant 48 : index
        %get3A_846 = tpu.vector_load %arg33[%get3A_844, %get3A_845] {strides = array<i32>} : memref<16x128xf32, #tpu.memory_space<vmem>>, vector<16xf32>,
        %mul3A_847 = vector.broadcast %squeeze3A_795 : f32 to vector<16xf32>
        %mul3A_848 = arith.mulf %get3A_846, %mul3A_847 : vector<16xf32>
        %swap3A_849 = arith.index_cast %scan3A_785 : i32 to index
        %swap3A_850 = arith.constant 48 : index
        %swap3A_851 = tpu.vector_load %arg34[%swap3A_849, %swap3A_850] {strides = array<i32>} : memref<16x128xf32, #tpu.memory_space<vmem>>, vector<16xf32>,
        tpu.vector_store %arg34[%swap3A_849, %swap3A_850], %mul3A_848 {strides = array<i32>} : memref<16x128xf32, #tpu.memory_space<vmem>>, vector<16xf32>,
        %get3A_852 = arith.index_cast %scan3A_785 : i32 to index
        %get3A_853 = arith.constant 48 : index
        %get3A_854 = tpu.vector_load %arg32[%get3A_852, %get3A_853] {strides = array<i32>} : memref<16x128xf32, #tpu.memory_space<vmem>>, vector<16xf32>,
        %mul3A_855 = vector.broadcast %squeeze3A_791 : f32 to vector<16xf32>
        %mul3A_856 = arith.mulf %get3A_854, %mul3A_855 : vector<16xf32>
        %swap3A_857 = arith.index_cast %scan3A_785 : i32 to index
        %swap3A_858 = arith.constant 48 : index
        %swap3A_859 = tpu.vector_load %arg35[%swap3A_857, %swap3A_858] {strides = array<i32>} : memref<16x128xf32, #tpu.memory_space<vmem>>, vector<16xf32>,
        tpu.vector_store %arg35[%swap3A_857, %swap3A_858], %mul3A_856 {strides = array<i32>} : memref<16x128xf32, #tpu.memory_space<vmem>>, vector<16xf32>,
        %get3A_860 = arith.index_cast %scan3A_785 : i32 to index
        %get3A_861 = arith.constant 64 : index
        %get3A_862 = tpu.vector_load %arg33[%get3A_860, %get3A_861] {strides = array<i32>} : memref<16x128xf32, #tpu.memory_space<vmem>>, vector<16xf32>,
        %mul3A_863 = vector.broadcast %squeeze3A_795 : f32 to vector<16xf32>
        %mul3A_864 = arith.mulf %get3A_862, %mul3A_863 : vector<16xf32>
        %swap3A_865 = arith.index_cast %scan3A_785 : i32 to index
        %swap3A_866 = arith.constant 64 : index
        %swap3A_867 = tpu.vector_load %arg34[%swap3A_865, %swap3A_866] {strides = array<i32>} : memref<16x128xf32, #tpu.memory_space<vmem>>, vector<16xf32>,
        tpu.vector_store %arg34[%swap3A_865, %swap3A_866], %mul3A_864 {strides = array<i32>} : memref<16x128xf32, #tpu.memory_space<vmem>>, vector<16xf32>,
        %get3A_868 = arith.index_cast %scan3A_785 : i32 to index
        %get3A_869 = arith.constant 64 : index
        %get3A_870 = tpu.vector_load %arg32[%get3A_868, %get3A_869] {strides = array<i32>} : memref<16x128xf32, #tpu.memory_space<vmem>>, vector<16xf32>,
        %mul3A_871 = vector.broadcast %squeeze3A_791 : f32 to vector<16xf32>
        %mul3A_872 = arith.mulf %get3A_870, %mul3A_871 : vector<16xf32>
        %swap3A_873 = arith.index_cast %scan3A_785 : i32 to index
        %swap3A_874 = arith.constant 64 : index
        %swap3A_875 = tpu.vector_load %arg35[%swap3A_873, %swap3A_874] {strides = array<i32>} : memref<16x128xf32, #tpu.memory_space<vmem>>, vector<16xf32>,
        tpu.vector_store %arg35[%swap3A_873, %swap3A_874], %mul3A_872 {strides = array<i32>} : memref<16x128xf32, #tpu.memory_space<vmem>>, vector<16xf32>,
        %get3A_876 = arith.index_cast %scan3A_785 : i32 to index
        %get3A_877 = arith.constant 80 : index
        %get3A_878 = tpu.vector_load %arg33[%get3A_876, %get3A_877] {strides = array<i32>} : memref<16x128xf32, #tpu.memory_space<vmem>>, vector<16xf32>,
        %mul3A_879 = vector.broadcast %squeeze3A_795 : f32 to vector<16xf32>
        %mul3A_880 = arith.mulf %get3A_878, %mul3A_879 : vector<16xf32>
        %swap3A_881 = arith.index_cast %scan3A_785 : i32 to index
        %swap3A_882 = arith.constant 80 : index
        %swap3A_883 = tpu.vector_load %arg34[%swap3A_881, %swap3A_882] {strides = array<i32>} : memref<16x128xf32, #tpu.memory_space<vmem>>, vector<16xf32>,
        tpu.vector_store %arg34[%swap3A_881, %swap3A_882], %mul3A_880 {strides = array<i32>} : memref<16x128xf32, #tpu.memory_space<vmem>>, vector<16xf32>,
        %get3A_884 = arith.index_cast %scan3A_785 : i32 to index
        %get3A_885 = arith.constant 80 : index
        %get3A_886 = tpu.vector_load %arg32[%get3A_884, %get3A_885] {strides = array<i32>} : memref<16x128xf32, #tpu.memory_space<vmem>>, vector<16xf32>,
        %mul3A_887 = vector.broadcast %squeeze3A_791 : f32 to vector<16xf32>
        %mul3A_888 = arith.mulf %get3A_886, %mul3A_887 : vector<16xf32>
        %swap3A_889 = arith.index_cast %scan3A_785 : i32 to index
        %swap3A_890 = arith.constant 80 : index
        %swap3A_891 = tpu.vector_load %arg35[%swap3A_889, %swap3A_890] {strides = array<i32>} : memref<16x128xf32, #tpu.memory_space<vmem>>, vector<16xf32>,
        tpu.vector_store %arg35[%swap3A_889, %swap3A_890], %mul3A_888 {strides = array<i32>} : memref<16x128xf32, #tpu.memory_space<vmem>>, vector<16xf32>,
        %get3A_892 = arith.index_cast %scan3A_785 : i32 to index
        %get3A_893 = arith.constant 96 : index
        %get3A_894 = tpu.vector_load %arg33[%get3A_892, %get3A_893] {strides = array<i32>} : memref<16x128xf32, #tpu.memory_space<vmem>>, vector<16xf32>,
        %mul3A_895 = vector.broadcast %squeeze3A_795 : f32 to vector<16xf32>
        %mul3A_896 = arith.mulf %get3A_894, %mul3A_895 : vector<16xf32>
        %swap3A_897 = arith.index_cast %scan3A_785 : i32 to index
        %swap3A_898 = arith.constant 96 : index
        %swap3A_899 = tpu.vector_load %arg34[%swap3A_897, %swap3A_898] {strides = array<i32>} : memref<16x128xf32, #tpu.memory_space<vmem>>, vector<16xf32>,
        tpu.vector_store %arg34[%swap3A_897, %swap3A_898], %mul3A_896 {strides = array<i32>} : memref<16x128xf32, #tpu.memory_space<vmem>>, vector<16xf32>,
        %get3A_900 = arith.index_cast %scan3A_785 : i32 to index
        %get3A_901 = arith.constant 96 : index
        %get3A_902 = tpu.vector_load %arg32[%get3A_900, %get3A_901] {strides = array<i32>} : memref<16x128xf32, #tpu.memory_space<vmem>>, vector<16xf32>,
        %mul3A_903 = vector.broadcast %squeeze3A_791 : f32 to vector<16xf32>
        %mul3A_904 = arith.mulf %get3A_902, %mul3A_903 : vector<16xf32>
        %swap3A_905 = arith.index_cast %scan3A_785 : i32 to index
        %swap3A_906 = arith.constant 96 : index
        %swap3A_907 = tpu.vector_load %arg35[%swap3A_905, %swap3A_906] {strides = array<i32>} : memref<16x128xf32, #tpu.memory_space<vmem>>, vector<16xf32>,
        tpu.vector_store %arg35[%swap3A_905, %swap3A_906], %mul3A_904 {strides = array<i32>} : memref<16x128xf32, #tpu.memory_space<vmem>>, vector<16xf32>,
        %get3A_908 = arith.index_cast %scan3A_785 : i32 to index
        %get3A_909 = arith.constant 112 : index
        %get3A_910 = tpu.vector_load %arg33[%get3A_908, %get3A_909] {strides = array<i32>} : memref<16x128xf32, #tpu.memory_space<vmem>>, vector<16xf32>,
        %mul3A_911 = vector.broadcast %squeeze3A_795 : f32 to vector<16xf32>
        %mul3A_912 = arith.mulf %get3A_910, %mul3A_911 : vector<16xf32>
        %swap3A_913 = arith.index_cast %scan3A_785 : i32 to index
        %swap3A_914 = arith.constant 112 : index
        %swap3A_915 = tpu.vector_load %arg34[%swap3A_913, %swap3A_914] {strides = array<i32>} : memref<16x128xf32, #tpu.memory_space<vmem>>, vector<16xf32>,
        tpu.vector_store %arg34[%swap3A_913, %swap3A_914], %mul3A_912 {strides = array<i32>} : memref<16x128xf32, #tpu.memory_space<vmem>>, vector<16xf32>,
        %get3A_916 = arith.index_cast %scan3A_785 : i32 to index
        %get3A_917 = arith.constant 112 : index
        %get3A_918 = tpu.vector_load %arg32[%get3A_916, %get3A_917] {strides = array<i32>} : memref<16x128xf32, #tpu.memory_space<vmem>>, vector<16xf32>,
        %mul3A_919 = vector.broadcast %squeeze3A_791 : f32 to vector<16xf32>
        %mul3A_920 = arith.mulf %get3A_918, %mul3A_919 : vector<16xf32>
        %swap3A_921 = arith.index_cast %scan3A_785 : i32 to index
        %swap3A_922 = arith.constant 112 : index
        %swap3A_923 = tpu.vector_load %arg35[%swap3A_921, %swap3A_922] {strides = array<i32>} : memref<16x128xf32, #tpu.memory_space<vmem>>, vector<16xf32>,
        tpu.vector_store %arg35[%swap3A_921, %swap3A_922], %mul3A_920 {strides = array<i32>} : memref<16x128xf32, #tpu.memory_space<vmem>>, vector<16xf32>,
        %scan3A_924 = arith.constant 0 : i32
        scf.yield %scan3A_924 : i32
      }
      %scan3A_771 = arith.constant 16 : i32
      %dma_start3A_772 = arith.constant 0 : i32
      %dma_start3A_773 = arith.constant 0 : i32
      %dma_start3A_774 = tpu.memref_slice %arg40[%dma_start3A_772, %dma_start3A_773] : memref<4096x128xf32, #tpu.memory_space<vmem_shared>> -> memref<4096x128xf32, #tpu.memory_space<vmem_shared>>
      tpu.enqueue_indirect_dma source(%arg34 : memref<16x128xf32, #tpu.memory_space<vmem>>) target(%dma_start3A_774 : memref<4096x128xf32, #tpu.memory_space<vmem_shared>>) offsets(%arg28 : memref<16xi32, #tpu.memory_space<vmem>>) semaphore(%arg44 : memref<!tpu.dma_semaphore, #tpu.memory_space<semaphore_mem>>) {add = true}
      %dma_start3A_775 = arith.constant 0 : i32
      %dma_start3A_776 = arith.constant 0 : i32
      %dma_start3A_777 = tpu.memref_slice %arg41[%dma_start3A_775, %dma_start3A_776] : memref<4096x128xf32, #tpu.memory_space<vmem_shared>> -> memref<4096x128xf32, #tpu.memory_space<vmem_shared>>
      tpu.enqueue_indirect_dma source(%arg35 : memref<16x128xf32, #tpu.memory_space<vmem>>) target(%dma_start3A_777 : memref<4096x128xf32, #tpu.memory_space<vmem_shared>>) offsets(%arg29 : memref<16xi32, #tpu.memory_space<vmem>>) semaphore(%arg45 : memref<!tpu.dma_semaphore, #tpu.memory_space<semaphore_mem>>) {add = true}
      %dma_wait3A_778 = arith.constant 0 : i32
      %dma_wait3A_779 = arith.constant 0 : i32
      %dma_wait3A_780 = tpu.memref_slice %arg40[%dma_wait3A_778, %dma_wait3A_779] : memref<4096x128xf32, #tpu.memory_space<vmem_shared>> -> memref<4096x128xf32, #tpu.memory_space<vmem_shared>>
      tpu.wait_indirect_dma semaphore(%arg44 : memref<!tpu.dma_semaphore, #tpu.memory_space<semaphore_mem>>) src(%arg34 : memref<16x128xf32, #tpu.memory_space<vmem>>) dst(%dma_wait3A_780 : memref<4096x128xf32, #tpu.memory_space<vmem_shared>>)
      %dma_wait3A_781 = arith.constant 0 : i32
      %dma_wait3A_782 = arith.constant 0 : i32
      %dma_wait3A_783 = tpu.memref_slice %arg41[%dma_wait3A_781, %dma_wait3A_782] : memref<4096x128xf32, #tpu.memory_space<vmem_shared>> -> memref<4096x128xf32, #tpu.memory_space<vmem_shared>>
      tpu.wait_indirect_dma semaphore(%arg45 : memref<!tpu.dma_semaphore, #tpu.memory_space<semaphore_mem>>) src(%arg35 : memref<16x128xf32, #tpu.memory_space<vmem>>) dst(%dma_wait3A_783 : memref<4096x128xf32, #tpu.memory_space<vmem_shared>>)
      %while3A_784 = arith.constant 0 : i32
      scf.yield %while3A_784 : i32
    }
    %barrier3A_710 = arith.constant 0 : index
    tpu.barrier barrier_id(%barrier3A_710)
    %dma_start3A_711 = arith.constant 0 : i32
    %dma_start3A_712 = tpu.memref_slice %arg11[%mul3A_0, %dma_start3A_711] : memref<4096x128xf32, #tpu.memory_space<hbm>> -> memref<256x128xf32, #tpu.memory_space<hbm>>
    %dma_start3A_713 = arith.constant 0 : i32
    %dma_start3A_714 = tpu.memref_slice %arg40[%mul3A_0, %dma_start3A_713] : memref<4096x128xf32, #tpu.memory_space<vmem_shared>> -> memref<256x128xf32, #tpu.memory_space<vmem_shared>>
    tpu.enqueue_dma source(%dma_start3A_714 : memref<256x128xf32, #tpu.memory_space<vmem_shared>>) target(%dma_start3A_712 : memref<256x128xf32, #tpu.memory_space<hbm>>) target_semaphore(%arg44 : memref<!tpu.dma_semaphore, #tpu.memory_space<semaphore_mem>>)
    %dma_start3A_715 = arith.constant 0 : i32
    %dma_start3A_716 = tpu.memref_slice %arg12[%mul3A_0, %dma_start3A_715] : memref<4096x128xf32, #tpu.memory_space<hbm>> -> memref<256x128xf32, #tpu.memory_space<hbm>>
    %dma_start3A_717 = arith.constant 0 : i32
    %dma_start3A_718 = tpu.memref_slice %arg41[%mul3A_0, %dma_start3A_717] : memref<4096x128xf32, #tpu.memory_space<vmem_shared>> -> memref<256x128xf32, #tpu.memory_space<vmem_shared>>
    tpu.enqueue_dma source(%dma_start3A_718 : memref<256x128xf32, #tpu.memory_space<vmem_shared>>) target(%dma_start3A_716 : memref<256x128xf32, #tpu.memory_space<hbm>>) target_semaphore(%arg45 : memref<!tpu.dma_semaphore, #tpu.memory_space<semaphore_mem>>)
    %dma_wait3A_719 = arith.constant 0 : i32
    %dma_wait3A_720 = tpu.memref_slice %arg11[%mul3A_0, %dma_wait3A_719] : memref<4096x128xf32, #tpu.memory_space<hbm>> -> memref<256x128xf32, #tpu.memory_space<hbm>>
    %dma_wait3A_721 = arith.constant 0 : i32
    %dma_wait3A_722 = tpu.memref_slice %arg40[%mul3A_0, %dma_wait3A_721] : memref<4096x128xf32, #tpu.memory_space<vmem_shared>> -> memref<256x128xf32, #tpu.memory_space<vmem_shared>>
    tpu.wait_dma2 semaphore(%arg44 : memref<!tpu.dma_semaphore, #tpu.memory_space<semaphore_mem>>) src(%dma_wait3A_722 : memref<256x128xf32, #tpu.memory_space<vmem_shared>>) dst(%dma_wait3A_720 : memref<256x128xf32, #tpu.memory_space<hbm>>)
    %dma_wait3A_723 = arith.constant 0 : i32
    %dma_wait3A_724 = tpu.memref_slice %arg12[%mul3A_0, %dma_wait3A_723] : memref<4096x128xf32, #tpu.memory_space<hbm>> -> memref<256x128xf32, #tpu.memory_space<hbm>>
    %dma_wait3A_725 = arith.constant 0 : i32
    %dma_wait3A_726 = tpu.memref_slice %arg41[%mul3A_0, %dma_wait3A_725] : memref<4096x128xf32, #tpu.memory_space<vmem_shared>> -> memref<256x128xf32, #tpu.memory_space<vmem_shared>>
    tpu.wait_dma2 semaphore(%arg45 : memref<!tpu.dma_semaphore, #tpu.memory_space<semaphore_mem>>) src(%dma_wait3A_726 : memref<256x128xf32, #tpu.memory_space<vmem_shared>>) dst(%dma_wait3A_724 : memref<256x128xf32, #tpu.memory_space<hbm>>)
    return
  }
}

module attributes {stable_mosaic.version = 14 : i64} {
  func.func @_tc1_body(%arg0: memref<4096x256xf32, #tpu.memory_space<vmem>>, %arg1: memref<256x256xf32, #tpu.memory_space<vmem>>, %arg2: memref<256xf32, #tpu.memory_space<vmem>>, %arg3: memref<256x256xf32, #tpu.memory_space<vmem>>, %arg4: memref<256xf32, #tpu.memory_space<vmem>>, %arg5: memref<256x128xf32, #tpu.memory_space<vmem>>, %arg6: memref<128xf32, #tpu.memory_space<vmem>>, %arg7: memref<4096x256xf32, #tpu.memory_space<vmem>>, %arg8: memref<4096x256xf32, #tpu.memory_space<vmem>>, %arg9: memref<4096x128xf32, #tpu.memory_space<vmem>>) attributes {dimension_semantics = [], scalar_prefetch = 0 : i64, scratch_operands = 0 : i64, tpu.core_type = #tpu.core_type<tc>} {
    %get3A = arith.constant 0 : index
    %get3A_0 = arith.constant 0 : index
    %get3A_1 = vector.load %arg0[%get3A, %get3A_0] : memref<4096x256xf32, #tpu.memory_space<vmem>>, vector<4096x256xf32>
    %get3A_2 = arith.constant 0 : index
    %get3A_3 = arith.constant 0 : index
    %get3A_4 = vector.load %arg1[%get3A_2, %get3A_3] : memref<256x256xf32, #tpu.memory_space<vmem>>, vector<256x256xf32>
    %dot_general3A = arith.constant dense<0.000000e+00> : vector<4096x256xf32>
    %dot_general3A_5 = tpu.matmul %get3A_1, %get3A_4, %dot_general3A {dimension_numbers = #tpu.dot_dimension_numbers<[1], [0], [0], [1], [0, 0, 1, 1], [], []>, transpose_lhs_hint = false} : vector<4096x256xf32>, vector<256x256xf32>, vector<4096x256xf32> -> vector<4096x256xf32>
    %get3A_6 = arith.constant 0 : index
    %get3A_7 = vector.load %arg2[%get3A_6] : memref<256xf32, #tpu.memory_space<vmem>>, vector<256xf32>
    %broadcast_in_dim3A = vector.shape_cast %get3A_7 : vector<256xf32> to vector<1x256xf32>
    %add3A = vector.broadcast %broadcast_in_dim3A : vector<1x256xf32> to vector<4096x256xf32>
    %add3A_8 = arith.addf %dot_general3A_5, %add3A : vector<4096x256xf32>
    %swap3A = arith.constant 0 : index
    %swap3A_9 = arith.constant 0 : index
    %swap3A_10 = vector.load %arg7[%swap3A, %swap3A_9] : memref<4096x256xf32, #tpu.memory_space<vmem>>, vector<4096x256xf32>
    tpu.vector_store %arg7[%swap3A, %swap3A_9], %add3A_8 {strides = array<i32>} : memref<4096x256xf32, #tpu.memory_space<vmem>>, vector<4096x256xf32>,
    %get3A_11 = arith.constant 0 : index
    %get3A_12 = arith.constant 0 : index
    %get3A_13 = vector.load %arg3[%get3A_11, %get3A_12] : memref<256x256xf32, #tpu.memory_space<vmem>>, vector<256x256xf32>
    %dot_general3A_14 = arith.constant dense<0.000000e+00> : vector<4096x256xf32>
    %dot_general3A_15 = tpu.matmul %get3A_1, %get3A_13, %dot_general3A_14 {dimension_numbers = #tpu.dot_dimension_numbers<[1], [0], [0], [1], [0, 0, 1, 1], [], []>, transpose_lhs_hint = false} : vector<4096x256xf32>, vector<256x256xf32>, vector<4096x256xf32> -> vector<4096x256xf32>
    %get3A_16 = arith.constant 0 : index
    %get3A_17 = vector.load %arg4[%get3A_16] : memref<256xf32, #tpu.memory_space<vmem>>, vector<256xf32>
    %broadcast_in_dim3A_18 = vector.shape_cast %get3A_17 : vector<256xf32> to vector<1x256xf32>
    %add3A_19 = vector.broadcast %broadcast_in_dim3A_18 : vector<1x256xf32> to vector<4096x256xf32>
    %add3A_20 = arith.addf %dot_general3A_15, %add3A_19 : vector<4096x256xf32>
    %swap3A_21 = arith.constant 0 : index
    %swap3A_22 = arith.constant 0 : index
    %swap3A_23 = vector.load %arg8[%swap3A_21, %swap3A_22] : memref<4096x256xf32, #tpu.memory_space<vmem>>, vector<4096x256xf32>
    tpu.vector_store %arg8[%swap3A_21, %swap3A_22], %add3A_20 {strides = array<i32>} : memref<4096x256xf32, #tpu.memory_space<vmem>>, vector<4096x256xf32>,
    %get3A_24 = arith.constant 0 : index
    %get3A_25 = arith.constant 0 : index
    %get3A_26 = vector.load %arg5[%get3A_24, %get3A_25] : memref<256x128xf32, #tpu.memory_space<vmem>>, vector<256x128xf32>
    %dot_general3A_27 = arith.constant dense<0.000000e+00> : vector<4096x128xf32>
    %dot_general3A_28 = tpu.matmul %get3A_1, %get3A_26, %dot_general3A_27 {dimension_numbers = #tpu.dot_dimension_numbers<[1], [0], [0], [1], [0, 0, 1, 1], [], []>, transpose_lhs_hint = false} : vector<4096x256xf32>, vector<256x128xf32>, vector<4096x128xf32> -> vector<4096x128xf32>
    %get3A_29 = arith.constant 0 : index
    %get3A_30 = vector.load %arg6[%get3A_29] : memref<128xf32, #tpu.memory_space<vmem>>, vector<128xf32>
    %broadcast_in_dim3A_31 = vector.shape_cast %get3A_30 : vector<128xf32> to vector<1x128xf32>
    %add3A_32 = vector.broadcast %broadcast_in_dim3A_31 : vector<1x128xf32> to vector<4096x128xf32>
    %add3A_33 = arith.addf %dot_general3A_28, %add3A_32 : vector<4096x128xf32>
    %max3A = arith.constant 0.000000e+00 : f32
    %max3A_34 = vector.broadcast %max3A : f32 to vector<4096x128xf32>
    %max3A_35 = arith.maximumf %add3A_33, %max3A_34 : vector<4096x128xf32>
    %swap3A_36 = arith.constant 0 : index
    %swap3A_37 = arith.constant 0 : index
    %swap3A_38 = vector.load %arg9[%swap3A_36, %swap3A_37] : memref<4096x128xf32, #tpu.memory_space<vmem>>, vector<4096x128xf32>
    tpu.vector_store %arg9[%swap3A_36, %swap3A_37], %max3A_35 {strides = array<i32>} : memref<4096x128xf32, #tpu.memory_space<vmem>>, vector<4096x128xf32>,
    return
  }
}

module attributes {stable_mosaic.version = 14 : i64} {
  func.func @_tc2_body(%arg0: memref<4096x256xf32, #tpu.memory_space<vmem>>, %arg1: memref<4096x128xf32, #tpu.memory_space<vmem>>, %arg2: memref<4096xf32, #tpu.memory_space<vmem>>, %arg3: memref<4096x128xf32, #tpu.memory_space<vmem>>, %arg4: memref<4096x128xf32, #tpu.memory_space<vmem>>, %arg5: memref<256x64xf32, #tpu.memory_space<vmem>>, %arg6: memref<64xf32, #tpu.memory_space<vmem>>, %arg7: memref<64xf32, #tpu.memory_space<vmem>>, %arg8: memref<64xf32, #tpu.memory_space<vmem>>, %arg9: memref<64x256xf32, #tpu.memory_space<vmem>>, %arg10: memref<256xf32, #tpu.memory_space<vmem>>, %arg11: memref<4096x256xf32, #tpu.memory_space<vmem>>) attributes {dimension_semantics = [], scalar_prefetch = 0 : i64, scratch_operands = 0 : i64, tpu.core_type = #tpu.core_type<tc>} {
    %get3A = arith.constant 0 : index
    %get3A_0 = vector.load %arg2[%get3A] : memref<4096xf32, #tpu.memory_space<vmem>>, vector<4096xf32>
    %add3A = arith.constant 2.047500e+03 : f32
    %add3A_1 = vector.broadcast %add3A : f32 to vector<4096xf32>
    %add3A_2 = arith.addf %add3A_1, %get3A_0 : vector<4096xf32>
    %get3A_3 = arith.constant 0 : index
    %get3A_4 = arith.constant 0 : index
    %get3A_5 = vector.load %arg1[%get3A_3, %get3A_4] : memref<4096x128xf32, #tpu.memory_space<vmem>>, vector<4096x128xf32>
    %broadcast_in_dim3A = vector.shape_cast %add3A_2 : vector<4096xf32> to vector<4096x1xf32>
    %div3A = vector.broadcast %broadcast_in_dim3A : vector<4096x1xf32> to vector<4096x128xf32>
    %div3A_6 = arith.divf %get3A_5, %div3A : vector<4096x128xf32>
    %reduce_sum3A = arith.constant dense<0.000000e+00> : vector<128xf32>
    %reduce_sum3A_7 = vector.multi_reduction <add>, %div3A_6, %reduce_sum3A [0] : vector<4096x128xf32> to vector<128xf32>
    %reduce_sum3A_8 = arith.constant dense<0.000000e+00> : vector<128xf32>
    %reduce_sum3A_9 = vector.multi_reduction <add>, %get3A_5, %reduce_sum3A_8 [0] : vector<4096x128xf32> to vector<128xf32>
    %broadcast_in_dim3A_10 = vector.shape_cast %reduce_sum3A_7 : vector<128xf32> to vector<1x128xf32>
    %mul3A = arith.constant 5.000000e-01 : f32
    %mul3A_11 = vector.broadcast %mul3A : f32 to vector<1x128xf32>
    %mul3A_12 = arith.mulf %mul3A_11, %broadcast_in_dim3A_10 : vector<1x128xf32>
    %mul3A_13 = arith.constant 5.000000e-01 : f32
    %mul3A_14 = vector.broadcast %mul3A_13 : f32 to vector<4096x128xf32>
    %mul3A_15 = arith.mulf %mul3A_14, %div3A_6 : vector<4096x128xf32>
    %sub3A = vector.broadcast %mul3A_12 : vector<1x128xf32> to vector<4096x128xf32>
    %sub3A_16 = arith.subf %sub3A, %mul3A_15 : vector<4096x128xf32>
    %get3A_17 = arith.constant 0 : index
    %get3A_18 = arith.constant 0 : index
    %get3A_19 = vector.load %arg3[%get3A_17, %get3A_18] : memref<4096x128xf32, #tpu.memory_space<vmem>>, vector<4096x128xf32>
    %add3A_20 = arith.addf %sub3A_16, %get3A_19 : vector<4096x128xf32>
    %broadcast_in_dim3A_21 = vector.shape_cast %reduce_sum3A_9 : vector<128xf32> to vector<1x128xf32>
    %mul3A_22 = arith.constant 5.000000e-01 : f32
    %mul3A_23 = vector.broadcast %mul3A_22 : f32 to vector<1x128xf32>
    %mul3A_24 = arith.mulf %mul3A_23, %broadcast_in_dim3A_21 : vector<1x128xf32>
    %mul3A_25 = arith.constant 5.000000e-01 : f32
    %mul3A_26 = vector.broadcast %mul3A_25 : f32 to vector<4096x128xf32>
    %mul3A_27 = arith.mulf %mul3A_26, %get3A_5 : vector<4096x128xf32>
    %sub3A_28 = vector.broadcast %mul3A_24 : vector<1x128xf32> to vector<4096x128xf32>
    %sub3A_29 = arith.subf %sub3A_28, %mul3A_27 : vector<4096x128xf32>
    %get3A_30 = arith.constant 0 : index
    %get3A_31 = arith.constant 0 : index
    %get3A_32 = vector.load %arg4[%get3A_30, %get3A_31] : memref<4096x128xf32, #tpu.memory_space<vmem>>, vector<4096x128xf32>
    %add3A_33 = arith.addf %sub3A_29, %get3A_32 : vector<4096x128xf32>
    %broadcast_in_dim3A_34 = vector.shape_cast %add3A_2 : vector<4096xf32> to vector<4096x1xf32>
    %div3A_35 = vector.broadcast %broadcast_in_dim3A_34 : vector<4096x1xf32> to vector<4096x128xf32>
    %div3A_36 = arith.divf %add3A_33, %div3A_35 : vector<4096x128xf32>
    %concatenate3A = tpu.concatenate %add3A_20, %div3A_36 in 1 : vector<4096x128xf32>, vector<4096x128xf32> -> vector<4096x256xf32>
    %get3A_37 = arith.constant 0 : index
    %get3A_38 = arith.constant 0 : index
    %get3A_39 = vector.load %arg5[%get3A_37, %get3A_38] : memref<256x64xf32, #tpu.memory_space<vmem>>, vector<256x64xf32>
    %dot_general3A = arith.constant dense<0.000000e+00> : vector<4096x64xf32>
    %dot_general3A_40 = tpu.matmul %concatenate3A, %get3A_39, %dot_general3A {dimension_numbers = #tpu.dot_dimension_numbers<[1], [0], [0], [1], [0, 0, 1, 1], [], []>, transpose_lhs_hint = false} : vector<4096x256xf32>, vector<256x64xf32>, vector<4096x64xf32> -> vector<4096x64xf32>
    %get3A_41 = arith.constant 0 : index
    %get3A_42 = vector.load %arg6[%get3A_41] : memref<64xf32, #tpu.memory_space<vmem>>, vector<64xf32>
    %broadcast_in_dim3A_43 = vector.shape_cast %get3A_42 : vector<64xf32> to vector<1x64xf32>
    %add3A_44 = vector.broadcast %broadcast_in_dim3A_43 : vector<1x64xf32> to vector<4096x64xf32>
    %add3A_45 = arith.addf %dot_general3A_40, %add3A_44 : vector<4096x64xf32>
    %reduce_sum3A_46 = arith.constant dense<0.000000e+00> : vector<4096xf32>
    %reduce_sum3A_47 = vector.multi_reduction <add>, %add3A_45, %reduce_sum3A_46 [1] : vector<4096x64xf32> to vector<4096xf32>
    %broadcast_in_dim3A_48 = vector.shape_cast %reduce_sum3A_47 : vector<4096xf32> to vector<4096x1xf32>
    %div3A_49 = arith.constant 6.400000e+01 : f32
    %div3A_50 = vector.broadcast %div3A_49 : f32 to vector<4096x1xf32>
    %div3A_51 = arith.divf %broadcast_in_dim3A_48, %div3A_50 : vector<4096x1xf32>
    %sub3A_52 = vector.broadcast %div3A_51 : vector<4096x1xf32> to vector<4096x64xf32>
    %sub3A_53 = arith.subf %add3A_45, %sub3A_52 : vector<4096x64xf32>
    %integer_pow3A = arith.mulf %sub3A_53, %sub3A_53 : vector<4096x64xf32>
    %reduce_sum3A_54 = arith.constant dense<0.000000e+00> : vector<4096xf32>
    %reduce_sum3A_55 = vector.multi_reduction <add>, %integer_pow3A, %reduce_sum3A_54 [1] : vector<4096x64xf32> to vector<4096xf32>
    %broadcast_in_dim3A_56 = vector.shape_cast %reduce_sum3A_55 : vector<4096xf32> to vector<4096x1xf32>
    %div3A_57 = arith.constant 6.400000e+01 : f32
    %div3A_58 = vector.broadcast %div3A_57 : f32 to vector<4096x1xf32>
    %div3A_59 = arith.divf %broadcast_in_dim3A_56, %div3A_58 : vector<4096x1xf32>
    %sub3A_60 = vector.broadcast %div3A_51 : vector<4096x1xf32> to vector<4096x64xf32>
    %sub3A_61 = arith.subf %add3A_45, %sub3A_60 : vector<4096x64xf32>
    %add3A_62 = arith.constant 9.99999974E-6 : f32
    %add3A_63 = vector.broadcast %add3A_62 : f32 to vector<4096x1xf32>
    %add3A_64 = arith.addf %div3A_59, %add3A_63 : vector<4096x1xf32>
    %sqrt3A = math.sqrt %add3A_64 : vector<4096x1xf32>
    %div3A_65 = vector.broadcast %sqrt3A : vector<4096x1xf32> to vector<4096x64xf32>
    %div3A_66 = arith.divf %sub3A_61, %div3A_65 : vector<4096x64xf32>
    %get3A_67 = arith.constant 0 : index
    %get3A_68 = vector.load %arg7[%get3A_67] : memref<64xf32, #tpu.memory_space<vmem>>, vector<64xf32>
    %broadcast_in_dim3A_69 = vector.shape_cast %get3A_68 : vector<64xf32> to vector<1x64xf32>
    %mul3A_70 = vector.broadcast %broadcast_in_dim3A_69 : vector<1x64xf32> to vector<4096x64xf32>
    %mul3A_71 = arith.mulf %div3A_66, %mul3A_70 : vector<4096x64xf32>
    %get3A_72 = arith.constant 0 : index
    %get3A_73 = vector.load %arg8[%get3A_72] : memref<64xf32, #tpu.memory_space<vmem>>, vector<64xf32>
    %broadcast_in_dim3A_74 = vector.shape_cast %get3A_73 : vector<64xf32> to vector<1x64xf32>
    %add3A_75 = vector.broadcast %broadcast_in_dim3A_74 : vector<1x64xf32> to vector<4096x64xf32>
    %add3A_76 = arith.addf %mul3A_71, %add3A_75 : vector<4096x64xf32>
    %max3A = arith.constant 0.000000e+00 : f32
    %max3A_77 = vector.broadcast %max3A : f32 to vector<4096x64xf32>
    %max3A_78 = arith.maximumf %add3A_76, %max3A_77 : vector<4096x64xf32>
    %get3A_79 = arith.constant 0 : index
    %get3A_80 = arith.constant 0 : index
    %get3A_81 = vector.load %arg9[%get3A_79, %get3A_80] : memref<64x256xf32, #tpu.memory_space<vmem>>, vector<64x256xf32>
    %dot_general3A_82 = arith.constant dense<0.000000e+00> : vector<4096x256xf32>
    %dot_general3A_83 = tpu.matmul %max3A_78, %get3A_81, %dot_general3A_82 {dimension_numbers = #tpu.dot_dimension_numbers<[1], [0], [0], [1], [0, 0, 1, 1], [], []>, transpose_lhs_hint = false} : vector<4096x64xf32>, vector<64x256xf32>, vector<4096x256xf32> -> vector<4096x256xf32>
    %get3A_84 = arith.constant 0 : index
    %get3A_85 = vector.load %arg10[%get3A_84] : memref<256xf32, #tpu.memory_space<vmem>>, vector<256xf32>
    %broadcast_in_dim3A_86 = vector.shape_cast %get3A_85 : vector<256xf32> to vector<1x256xf32>
    %add3A_87 = vector.broadcast %broadcast_in_dim3A_86 : vector<1x256xf32> to vector<4096x256xf32>
    %add3A_88 = arith.addf %dot_general3A_83, %add3A_87 : vector<4096x256xf32>
    %get3A_89 = arith.constant 0 : index
    %get3A_90 = arith.constant 0 : index
    %get3A_91 = vector.load %arg0[%get3A_89, %get3A_90] : memref<4096x256xf32, #tpu.memory_space<vmem>>, vector<4096x256xf32>
    %add3A_92 = arith.addf %get3A_91, %add3A_88 : vector<4096x256xf32>
    %max3A_93 = arith.constant 0.000000e+00 : f32
    %max3A_94 = vector.broadcast %max3A_93 : f32 to vector<4096x256xf32>
    %max3A_95 = arith.maximumf %add3A_92, %max3A_94 : vector<4096x256xf32>
    %swap3A = arith.constant 0 : index
    %swap3A_96 = arith.constant 0 : index
    %swap3A_97 = vector.load %arg11[%swap3A, %swap3A_96] : memref<4096x256xf32, #tpu.memory_space<vmem>>, vector<4096x256xf32>
    tpu.vector_store %arg11[%swap3A, %swap3A_96], %max3A_95 {strides = array<i32>} : memref<4096x256xf32, #tpu.memory_space<vmem>>, vector<4096x256xf32>,
    return
  }
}

</mosaic_0001>

<sc_bundles>
// kernel: kernel.5.cloned.1.call-start
scs
__scs_entry_jumppad:
0x0: {  	(pc) =	sbr.rel $0x88, $3  }
0x1: {  	(tag) =	ssettag $0x0;
	lr =	simm.s32 $0x1  }
0x2: {  	[smem:$0x3F90] =	sst lr;
	_ =	strace $0xD0000000  }
0x3: {  	_ = 	snop  }
0x4: {  	_ = 	snop  }
0x5: {  	_ = 	snop  }
0x6: {  	_ = 	snop  }
0x7: {  	_ = 	snop  }
__scs_overlays_trampoline_lowered:
0x8: {  	[smem:$0x3F9F] =	sst s0  }
0x9: {  	[smem:$0x3FA0] =	sst s1  }
0xa: {  	[smem:$0x3FA1] =	sst s2  }
0xb: {  	[smem:$0x3FA2] =	sst s3  }
0xc: {  	[smem:$0x3FA3] =	sst s4  }
0xd: {  	[smem:$0x3FA4] =	sst s5  }
0xe: {  	[smem:$0x3FA5] =	sst s6  }
0xf: {  	[smem:$0x3FA6] =	sst s7  }
0x10: {  	[smem:$0x3FA7] =	sst s8  }
0x11: {  	[smem:$0x3FA8] =	sst s9;
	s0 =	simm.s32 @!p0 $0x0  }
0x12: {  	s1 =	sld [smem:$0x3F8E];
	s0 =	simm.s32 @p0 $0x1  }
0x13: {  	[smem:$0x3FA9] =	sst s0;
	s0 =	simm.s32 @!p1 $0x0  }
0x14: {  	s2 =	sld [smem:$0x3F8D];
	s0 =	simm.s32 @p1 $0x1  }
0x15: {  	[smem:$0x3FAA] =	sst s0;
	s0 =	simm.s32 @!p2 $0x0  }
0x16: {  	s3 =	sld [smem:$0x3FDB];
	s0 =	simm.s32 @p2 $0x1  }
0x17: {  	s4 =	simm.s32 $0x1BF5;
	[smem:$0x3FAC] =	sst s0  }
0x18: {  	s0 =	sld [smem:$0x3F8F];
	_ =	swait.ge [sflag:s4], $0x0  }
0x19: {  	s7 =	sld [smem:$0x3F90]  }
0x1a: {  	s8 =	sadd.s32 $0xFFFFE003, lr  }
0x1b: {  	s9 =	sadd.s32 $0xFFFFFEF7, lr;
	s5 =	simm.s32 $0xFFFFFFFF;
	p2 =	slt.u32 s8, $0xFFFFF086  }
0x1c: {  	p1 =	slt.u32 s9, $0xF7A;
	s5 =	simm.s32 @!p2 $0x0  }
0x1d: {  	s5 =	simm.s32 @p1 $0x1;
	p0 =	seq.s32 s7, s2  }
0x1e: {  	s7 =	smul.u32 @!p0 $0xF7A, s2;
	p2 =	seq.s32 @!p0 s5, $0x0  }
0x1f: {  	s9 =	smul.u32 $0xF7A, s1;
	s8 =	simm.s32 @!p0 $0x1BF5;
	p2 =	por !p2, p0  }
0x20: {  	[sflag:s8] =	ssyncset.s32 @!p0 $0xFFFFF086;
	s6 =	sadd.s32 @!p0 s3, s7;
	s7 =	simm.s32 @!p0 $0x108  }
0x21: {  	s3 =	sadd.s32 s3, s9;
	s6 =	sadd.s32 @!p0 $0x88, s6;
	s7 =	simm.s32 @p2 $0x1082  }
0x22: {  	[simem:s7], [sflag:s8] =	dma.local @!p0 [hbm:s6], $0xF7A  }
0x23: {  	s9 =	sor.u32 $0xD0000000, s2;
	s6 =	simm.s32 $0x108;
	_ =	swait.ge @!p0 [sflag:s8], $0x0  }
0x24: {  	s3 =	sadd.s32 $0x88, s3;
	s6 =	simm.s32 @!p1 $0x1082;
	[sflag:s4] =	ssyncset.s32 $0xFFFFF086  }
0x25: {  	[simem:s6], [sflag:s4] =	dma.local [hbm:s3], $0xF7A  }
0x26: {  	[smem:$0x3F90] =	sst s1;
	(tag) =	ssettag s2;
	_ =	strace s9  }
0x27: {  	s1 =	sld [smem:$0x3FA0]  }
0x28: {  	s2 =	sld [smem:$0x3FA1]  }
0x29: {  	s4 =	sld [smem:$0x3FA3]  }
0x2a: {  	p0 =	seq.s32 s5, $0x0;
	s5 =	sld [smem:$0x3FA4]  }
0x2b: {  	s6 =	sld [smem:$0x3FA5]  }
0x2c: {  	s7 =	sld [smem:$0x3FA6]  }
0x2d: {  	s3 =	simm.s32 $0x108;
	s8 =	sld [smem:$0x3FA7]  }
0x2e: {  	s3 =	simm.s32 @!p0 $0x1082;
	s9 =	sld [smem:$0x3FA8]  }
0x2f: {  	lr =	sadd.s32 s0, s3;
	s0 =	sld [smem:$0x3F9F]  }
0x30: {  	s3 =	sld [smem:$0x3FA2]  }
0x31: {  	[smem:$0x3FAB] =	sst s10  }
0x32: {  	s10 =	sld [smem:$0x3FA9];
	_ =	sdelay $0x3  }
0x33: {  	p0 =	seq.s32 s10, $0x1;
	s10 =	sld [smem:$0x3FAB];
	_ =	sdelay $0x3  }
0x34: {  	[smem:$0x3FAB] =	sst s10  }
0x35: {  	s10 =	sld [smem:$0x3FAA];
	_ =	sdelay $0x3  }
0x36: {  	p1 =	seq.s32 s10, $0x1;
	s10 =	sld [smem:$0x3FAB];
	_ =	sdelay $0x3  }
0x37: {  	[smem:$0x3FAB] =	sst s10  }
0x38: {  	s10 =	sld [smem:$0x3FAC]  }
0x39: {  	_ = 	snop;
	(pc) =	sbr.ind lr, $3  }
0x3a: {  	_ = 	snop  }
0x3b: {  	_ = 	snop  }
0x3c: {  	p2 =	seq.s32 s10, $0x1;
	s10 =	sld [smem:$0x3FAB]  }
0x3d: {  	_ =	shalt  }
0x3e: {  	_ =	shalt  }
0x3f: {  	_ =	shalt  }
0x40: {  	_ =	shalt  }
0x41: {  	_ =	shalt  }
0x42: {  	_ =	shalt  }
0x43: {  	_ =	shalt  }
0x44: {  	_ =	shalt  }
0x45: {  	_ =	shalt  }
0x46: {  	_ =	shalt  }
0x47: {  	_ =	shalt  }
0x48: {  	_ =	shalt  }
0x49: {  	_ =	shalt  }
0x4a: {  	_ =	shalt  }
0x4b: {  	_ =	shalt  }
0x4c: {  	_ =	shalt  }
0x4d: {  	_ =	shalt  }
0x4e: {  	_ =	shalt  }
0x4f: {  	_ =	shalt  }
0x50: {  	_ =	shalt  }
0x51: {  	_ =	shalt  }
0x52: {  	_ =	shalt  }
0x53: {  	_ =	shalt  }
0x54: {  	_ =	shalt  }
0x55: {  	_ =	shalt  }
0x56: {  	_ =	shalt  }
0x57: {  	_ =	shalt  }
0x58: {  	_ =	shalt  }
0x59: {  	_ =	shalt  }
0x5a: {  	_ =	shalt  }
0x5b: {  	_ =	shalt  }
0x5c: {  	_ =	shalt  }
0x5d: {  	_ =	shalt  }
0x5e: {  	_ =	shalt  }
0x5f: {  	_ =	shalt  }
0x60: {  	_ =	shalt  }
0x61: {  	_ =	shalt  }
0x62: {  	_ =	shalt  }
0x63: {  	_ =	shalt  }
0x64: {  	_ =	shalt  }
0x65: {  	_ =	shalt  }
0x66: {  	_ =	shalt  }
0x67: {  	_ =	shalt  }
0x68: {  	_ =	shalt  }
0x69: {  	_ =	shalt  }
0x6a: {  	_ =	shalt  }
0x6b: {  	_ =	shalt  }
0x6c: {  	_ =	shalt  }
0x6d: {  	_ =	shalt  }
0x6e: {  	_ =	shalt  }
0x6f: {  	_ =	shalt  }
0x70: {  	_ =	shalt  }
0x71: {  	_ =	shalt  }
0x72: {  	_ =	shalt  }
0x73: {  	_ =	shalt  }
0x74: {  	_ =	shalt  }
0x75: {  	_ =	shalt  }
0x76: {  	_ =	shalt  }
0x77: {  	_ =	shalt  }
0x78: {  	_ =	shalt  }
0x79: {  	_ =	shalt  }
0x7a: {  	_ =	shalt  }
0x7b: {  	_ =	shalt  }
0x7c: {  	_ =	shalt  }
0x7d: {  	_ =	shalt  }
0x7e: {  	_ =	shalt  }
0x7f: {  	_ =	shalt  }
0x80: {  	_ =	shalt  }
0x81: {  	_ =	shalt  }
0x82: {  	_ =	shalt  }
0x83: {  	_ =	shalt  }
0x84: {  	_ =	shalt  }
0x85: {  	_ =	shalt  }
0x86: {  	_ =	shalt  }
0x87: {  	_ =	shalt  }
.Lfunc_end0:
.L_simem_size_0:
called_computation_lowered:
.L_overlay_start_0:
0x88: {  	s0 =	sld [smem:$0x3FD9]  }
0x89: {  	s1 =	sld [smem:$0x3FFE];
	_ =	sdelay $0x3  }
0x8a: {  	s0 =	sadd.s32 s1, s0  }
0x8b: {  	[smem:$0x3FB7] =	sst s0  }
0x8c: {  	_ = 	snop  }
0x8d: {  	s0 =	sld [smem:$0x3FC8]  }
0x8e: {  	s16 =	sld [smem:$0x3FD0];
	(tm) =	ssettm $0x1  }
0x8f: {  	s2 =	sld [smem:$0x3FFB];
	_ =	sdelay $0x3  }
0x90: {  	_ =	strace s2  }
0x91: {  	s2 =	sld [smem:$0x3FFC];
	_ =	sdelay $0x3  }
0x92: {  	_ =	strace s2  }
0x93: {  	s2 =	sld [smem:$0x3FFD];
	_ =	sdelay $0x3  }
0x94: {  	_ =	strace s2  }
0x95: {  	_ =	strace $0x8FFFFFFF  }
0x96: {  	s17 =	sld [smem:$0x3FDB];
	_ =	sdelay $0x1  }
0x97: {  	s3 =	simm.s32 $_scs_section_size  }
0x98: {  	s4 =	simm.s32 $_size__tile_overlayer_lowered;
	s5 =	simm.s32 $_tile_overlayer_lowered  }
0x99: {  	s20 =	simm.s32 $0x1BFF;
	s19 =	sshll.u32 s5, $0x1;
	s2 =	sadd.s32 s3, s17  }
0x9a: {  	s6 =	simm.s32 $0x0;
	s18 =	sshll.u32 s4, $0x1;
	s4 =	sadd.s32 s19, s2  }
0x9b: {  	[timem:s6], [sflag:s20] =	dma.local [hbm:s4], s18  }
0x9c: {  	_ =	swait.ge [sflag:s20], s18  }
0x9d: {  	s3 =	ssub.s32 $0x0, s18;
	[sflag:s20] =	ssyncset.done $0x0  }
0x9e: {  	[sflag:s20] =	ssyncadd.s32 s3;
	_ =	sdelay $0x1  }
0x9f: {  	s21 =	simm.s32 $0x1B8B  }
0xa0: {  	_ =	swait.ge [sflag:s21], $0x1  }
0xa1: {  	[sflag:s21] =	ssyncset.done $0x0  }
0xa2: {  	s23 =	simm.s32 $0x1B8E;
	s22 =	sld [smem:$0x3FFE];
	[sflag:s21] =	ssyncadd.s32 $0xFFFFFFFF  }
0xa3: {  	s24 =	simm.s32 $execute0_lowered;
	[smem:$0x3FD2] =	sst s23  }
0xa4: {  	s4 =	sshll.u32 s24, $0x1;
	_ =	strace $0x80000046;
	[dreg:$0x1] =	wrdreg $0xFFFFFFFF  }
0xa5: {  	s25 =	simm.s32 $_size_execute0_lowered;
	s2 =	sadd.s32 s2, s4;
	[dreg:$0x0] =	wrdreg $0x0  }
0xa6: {  	s4 =	sshll.u32 s25, $0x1;
	[dreg:$0x2] =	wrdreg s2  }
0xa7: {  	[dreg:$0x3] =	wrdreg s4  }
0xa8: {  	[dreg:$0x4] =	wrdreg $0xC0  }
0xa9: {  	_ =	task [dreg:s6], $0x5FFFF  }
0xaa: {  	[dreg:$0x1] =	wrdreg $0xFFFFFFFF  }
0xab: {  	[dreg:$0x0] =	wrdreg $0x60  }
0xac: {  	[dreg:$0x2] =	wrdreg s22  }
0xad: {  	[dreg:$0x3] =	wrdreg s16  }
0xae: {  	[dreg:$0x4] =	wrdreg s0  }
0xaf: {  	[dreg:$0x5] =	wrdreg $0xE8800  }
0xb0: {  	[dreg:$0x6] =	wrdreg $0x168800  }
0xb1: {  	[dreg:$0x7] =	wrdreg $0x1E8800  }
0xb2: {  	[dreg:$0x8] =	wrdreg $0xE7800  }
0xb3: {  	[dreg:$0x9] =	wrdreg $0x1E8900  }
0xb4: {  	[dreg:$0xa] =	wrdreg $0x9  }
0xb5: {  	_ =	task.clear_ibuf [dreg:s6], $0xBFFFF;
	_ =	strace $0x90000046  }
0xb6: {  	s26 =	simm.s32 $0x9;
	_ =	strace $0x80000048  }
0xb7: {  	_ =	swait.ge [sflag:s26], $0x1  }
0xb8: {  	[sflag:s26] =	ssyncadd.s32 $0xFFFFFFFF  }
0xb9: {  	_ =	strace $0x90000048  }
0xba: {  	_ =	sfence  }
0xbb: {  	s28 =	sld [smem:$0x0];
	_ =	sdelay $0x1  }
0xbc: {  	s29 =	srdreg.scid  }
0xbd: {  	s30 =	sshll.u32 s29, $0xD;
	s31 =	sshrl.u32 s29, $0x2  }
0xbe: {  	s1 =	sand.u32 $0x1, s29;
	s2 =	sand.u32 $0x4000, s30;
	s0 =	sadd.s32 s31, s28  }
0xbf: {  	s1 =	sor.u32 s2, s1;
	s0 =	sshll.u32 s0, $0x11  }
0xc0: {  	s0 =	sor.u32 s0, s1  }
0xc1: {  	s0 =	sadd.s32 $0x8F2B, s0  }
0xc2: {  	[sflag:s0] =	ssyncadd.remote.s32 $0x1  }
0xc3: {  	_ =	sfence.sel $0xFFFF  }
0xc4: {  	[dreg:$0x0] =	wrdreg $0xFFFFFFFF;
	(pc) =	sbr.abs _section_cstart, $3  }
0xc5: {  	[dreg:$0x1] =	wrdreg $0xFFFFFFFF  }
0xc6: {  	_ =	task.clear_ibuf [dreg:s6], $0x2FFFF;
	_ =	strace $0x9FFFFFFF  }
0xc7: {  	(tm) =	ssettm $0x7FFFFFFF  }
tec
execute0_lowered:
.L_overlay_start_1:
0x0: {  	(tag) =	ssettag $0x1  }
0x1: {  	s3 =	rddreg [dreg:$0x0]  }
0x2: {  	s18 =	rddreg [dreg:$0x1]  }
0x3: {  	s19 =	rddreg [dreg:$0x2]  }
0x4: {  	s7 =	rddreg [dreg:$0x3]  }
0x5: {  	s11 =	rddreg [dreg:$0x4]  }
0x6: {  	s16 =	rddreg [dreg:$0x5]  }
0x7: {  	s8 =	rddreg [dreg:$0x6]  }
0x8: {  	s13 =	rddreg [dreg:$0x7];
	s2 =	simm.s32 $0x0  }
0x9: {  	[smem:$0x7FF] =	sst s2;
	s0 =	sadd.s32 $0xB600, s3;
	s20 =	sadd.s32 $0x7600, s3  }
0xa: {  	s21 =	sadd.s32 $0x3600, s3;
	s22 =	sadd.s32 $0xF800, s3;
	s4 =	sadd.s32 $0x2F800, s3  }
0xb: {  	s23 =	stileid.u32;
	s14 =	sadd.s32 $0x263800, s3;
	s5 =	sadd.s32 $0x243800, s3  }
0xc: {  	s1 =	sadd.s32 $0xF600, s3;
	s30 =	sadd.s32 $0x253800, s3;
	s9 =	sadd.s32 $0x3F800, s3  }
0xd: {  	s31 =	sand.u32 $0x1E00, s2;
	s10 =	sadd.s32 $0x23F800, s3;
	s6 =	sand.u32 $0x70, s2  }
0xe: {  	_ =	strace $0x80000047;
	[dreg:$0xd] =	wrdreg s5;
	s5 =	sshrl.u32 s31, $0x2  }
0xf: {  	v0 =	vimm.f32 $0.0e+00;
	s3 =	simm.s32 $0x40;
	[dreg:$0xe] =	wrdreg s30;
	s5 =	sor.u32 s6, s5  }
.LBB2_1:
0x10: {  	p0 =	sne.s32 s3, $0x1FC0  }
0x11: {  	[tilespmem:s5+$0xDE80] =	vst v0;
	s2 =	sadd.s32 $0x10, s2;
	s5 =	smov.u32 s3;
	s3 =	sadd.s32 $0x40, s3  }
.Ltmp0:
0x12: {  	(pc) =	sbr.rel @p0 .LBB2_1-.Ltmp0, $4  }
0x13: {  	_ = 	snop  }
0x14: {  	s5 =	sand.u32 $0x1E00, s5  }
0x15: {  	s6 =	sand.u32 $0x70, s2;
	s5 =	sshrl.u32 s5, $0x2  }
0x16: {  	s5 =	sor.u32 s6, s5  }
0x17: {  	[tilespmem:s5+$0xDE80] =	vst v0;
	v63 =	vimm.f32 $0.0e+00  }
0x18: {  	[tilespmem:$0xE680] =	vst v63  }
0x19: {  	[tilespmem:$0xE690] =	vst v63  }
0x1a: {  	[tilespmem:$0xE6A0] =	vst v63  }
0x1b: {  	[tilespmem:$0xE6B0] =	vst v63  }
0x1c: {  	[tilespmem:$0xE6C0] =	vst v63  }
0x1d: {  	[tilespmem:$0xE6D0] =	vst v63  }
0x1e: {  	[tilespmem:$0xE6E0] =	vst v63  }
0x1f: {  	[tilespmem:$0xE6F0] =	vst v63  }
0x20: {  	[tilespmem:$0xE700] =	vst v63  }
0x21: {  	[tilespmem:$0xE710] =	vst v63  }
0x22: {  	[tilespmem:$0xE720] =	vst v63  }
0x23: {  	[tilespmem:$0xE730] =	vst v63  }
0x24: {  	[tilespmem:$0xE740] =	vst v63  }
0x25: {  	s15 =	sshll.u32 s23, $0xA;
	[tilespmem:$0xE750] =	vst v63  }
0x26: {  	[tilespmem:$0xE760] =	vst v63;
	s2 =	sshrl.u32 s15, $0x2  }
0x27: {  	s3 =	sshll.u32 s23, $0xF;
	s31 =	simm.s32 $0xE680;
	[tilespmem:$0xE770] =	vst v63;
	s30 =	sadd.s32 s2, s8  }
0x28: {  	[spmem:s30] =	stream.linear.scatter [tilespmem:s31], [sflag:$0x1], $0x100, $0x38;
	[tilespmem:$0x1EC90] =	vst v63  }
0x29: {  	s6 =	sadd.s32 s3, s7;
	s2 =	simm.s32 $0xDE80  }
0x2a: {  	[spmem:s6] =	stream.linear.scatter [tilespmem:s2], [sflag:$0x1], $0x800, $0x38;
	[tilespmem:$0x1EC90] =	vst v63  }
0x2b: {  	s12 =	sor.u32 $0x800, s3;
	[dreg:$0xa] =	wrdreg s6;
	s6 =	sadd.s32 s3, s11  }
0x2c: {  	[spmem:s6] =	stream.linear.scatter [tilespmem:s2], [sflag:$0x1], $0x800, $0x38;
	[tilespmem:$0x1EC90] =	vst v63  }
0x2d: {  	s17 =	sadd.s32 s12, s7  }
0x2e: {  	[spmem:s17] =	stream.linear.scatter [tilespmem:s2], [sflag:$0x1], $0x800, $0x38;
	[tilespmem:$0x1EC90] =	vst v63  }
0x2f: {  	s24 =	sor.u32 $0x1000, s3;
	s5 =	sadd.s32 s12, s11  }
0x30: {  	[spmem:s5] =	stream.linear.scatter [tilespmem:s2], [sflag:$0x1], $0x800, $0x38;
	[tilespmem:$0x1EC90] =	vst v63  }
0x31: {  	s25 =	sadd.s32 s24, s7  }
0x32: {  	[spmem:s25] =	stream.linear.scatter [tilespmem:s2], [sflag:$0x1], $0x800, $0x38;
	[tilespmem:$0x1EC90] =	vst v63  }
0x33: {  	s28 =	sor.u32 $0x1800, s3;
	s26 =	sadd.s32 s24, s11  }
0x34: {  	[spmem:s26] =	stream.linear.scatter [tilespmem:s2], [sflag:$0x1], $0x800, $0x38;
	[tilespmem:$0x1EC90] =	vst v63  }
0x35: {  	s29 =	sadd.s32 s28, s7  }
0x36: {  	[spmem:s29] =	stream.linear.scatter [tilespmem:s2], [sflag:$0x1], $0x800, $0x38;
	[tilespmem:$0x1EC90] =	vst v63  }
0x37: {  	[dreg:$0xc] =	wrdreg s30;
	s30 =	sadd.s32 s28, s11;
	s31 =	sor.u32 $0x2000, s3  }
0x38: {  	[spmem:s30] =	stream.linear.scatter [tilespmem:s2], [sflag:$0x1], $0x800, $0x38;
	[tilespmem:$0x1EC90] =	vst v63  }
0x39: {  	s12 =	sadd.s32 s31, s7  }
0x3a: {  	[spmem:s12] =	stream.linear.scatter [tilespmem:s2], [sflag:$0x1], $0x800, $0x38;
	[tilespmem:$0x1EC90] =	vst v63  }
0x3b: {  	s24 =	sor.u32 $0x2800, s3;
	s17 =	sadd.s32 s31, s11  }
0x3c: {  	[spmem:s17] =	stream.linear.scatter [tilespmem:s2], [sflag:$0x1], $0x800, $0x38;
	[tilespmem:$0x1EC90] =	vst v63  }
0x3d: {  	s25 =	sadd.s32 s24, s7  }
0x3e: {  	[spmem:s25] =	stream.linear.scatter [tilespmem:s2], [sflag:$0x1], $0x800, $0x38;
	[tilespmem:$0x1EC90] =	vst v63  }
0x3f: {  	s28 =	sor.u32 $0x3000, s3;
	s26 =	sadd.s32 s24, s11  }
0x40: {  	[spmem:s26] =	stream.linear.scatter [tilespmem:s2], [sflag:$0x1], $0x800, $0x38;
	[tilespmem:$0x1EC90] =	vst v63  }
0x41: {  	s29 =	sadd.s32 s28, s7  }
0x42: {  	[spmem:s29] =	stream.linear.scatter [tilespmem:s2], [sflag:$0x1], $0x800, $0x38;
	[tilespmem:$0x1EC90] =	vst v63  }
0x43: {  	s31 =	sor.u32 $0x3800, s3;
	s30 =	sadd.s32 s28, s11  }
0x44: {  	[spmem:s30] =	stream.linear.scatter [tilespmem:s2], [sflag:$0x1], $0x800, $0x38;
	[tilespmem:$0x1EC90] =	vst v63  }
0x45: {  	s12 =	sadd.s32 s31, s7  }
0x46: {  	[spmem:s12] =	stream.linear.scatter [tilespmem:s2], [sflag:$0x1], $0x800, $0x38;
	[tilespmem:$0x1EC90] =	vst v63  }
0x47: {  	s24 =	sor.u32 $0x4000, s3;
	s17 =	sadd.s32 s31, s11  }
0x48: {  	[spmem:s17] =	stream.linear.scatter [tilespmem:s2], [sflag:$0x1], $0x800, $0x38;
	[tilespmem:$0x1EC90] =	vst v63  }
0x49: {  	s25 =	sadd.s32 s24, s7  }
0x4a: {  	[spmem:s25] =	stream.linear.scatter [tilespmem:s2], [sflag:$0x1], $0x800, $0x38;
	[tilespmem:$0x1EC90] =	vst v63  }
0x4b: {  	s28 =	sor.u32 $0x4800, s3;
	s26 =	sadd.s32 s24, s11  }
0x4c: {  	[spmem:s26] =	stream.linear.scatter [tilespmem:s2], [sflag:$0x1], $0x800, $0x38;
	[tilespmem:$0x1EC90] =	vst v63  }
0x4d: {  	s29 =	sadd.s32 s28, s7  }
0x4e: {  	[spmem:s29] =	stream.linear.scatter [tilespmem:s2], [sflag:$0x1], $0x800, $0x38;
	[tilespmem:$0x1EC90] =	vst v63  }
0x4f: {  	s31 =	sor.u32 $0x5000, s3;
	s30 =	sadd.s32 s28, s11  }
0x50: {  	[spmem:s30] =	stream.linear.scatter [tilespmem:s2], [sflag:$0x1], $0x800, $0x38;
	[tilespmem:$0x1EC90] =	vst v63  }
0x51: {  	s12 =	sadd.s32 s31, s7  }
0x52: {  	[spmem:s12] =	stream.linear.scatter [tilespmem:s2], [sflag:$0x1], $0x800, $0x38;
	[tilespmem:$0x1EC90] =	vst v63  }
0x53: {  	s24 =	sor.u32 $0x5800, s3;
	s17 =	sadd.s32 s31, s11  }
0x54: {  	[spmem:s17] =	stream.linear.scatter [tilespmem:s2], [sflag:$0x1], $0x800, $0x38;
	[tilespmem:$0x1EC90] =	vst v63  }
0x55: {  	s25 =	sadd.s32 s24, s7  }
0x56: {  	[spmem:s25] =	stream.linear.scatter [tilespmem:s2], [sflag:$0x1], $0x800, $0x38;
	[tilespmem:$0x1EC90] =	vst v63  }
0x57: {  	s28 =	sor.u32 $0x6000, s3;
	s26 =	sadd.s32 s24, s11  }
0x58: {  	[spmem:s26] =	stream.linear.scatter [tilespmem:s2], [sflag:$0x1], $0x800, $0x38;
	[tilespmem:$0x1EC90] =	vst v63  }
0x59: {  	s29 =	sadd.s32 s28, s7  }
0x5a: {  	[spmem:s29] =	stream.linear.scatter [tilespmem:s2], [sflag:$0x1], $0x800, $0x38;
	[tilespmem:$0x1EC90] =	vst v63  }
0x5b: {  	s31 =	sor.u32 $0x6800, s3;
	s30 =	sadd.s32 s28, s11  }
0x5c: {  	[spmem:s30] =	stream.linear.scatter [tilespmem:s2], [sflag:$0x1], $0x800, $0x38;
	[tilespmem:$0x1EC90] =	vst v63  }
0x5d: {  	s12 =	sadd.s32 s31, s7  }
0x5e: {  	[spmem:s12] =	stream.linear.scatter [tilespmem:s2], [sflag:$0x1], $0x800, $0x38;
	[tilespmem:$0x1EC90] =	vst v63  }
0x5f: {  	s24 =	sor.u32 $0x7000, s3;
	s17 =	sadd.s32 s31, s11  }
0x60: {  	[spmem:s17] =	stream.linear.scatter [tilespmem:s2], [sflag:$0x1], $0x800, $0x38;
	[tilespmem:$0x1EC90] =	vst v63  }
0x61: {  	s25 =	sadd.s32 s24, s7  }
0x62: {  	[spmem:s25] =	stream.linear.scatter [tilespmem:s2], [sflag:$0x1], $0x800, $0x38;
	[tilespmem:$0x1EC90] =	vst v63  }
0x63: {  	s3 =	sor.u32 $0x7800, s3;
	s26 =	sadd.s32 s24, s11  }
0x64: {  	[spmem:s26] =	stream.linear.scatter [tilespmem:s2], [sflag:$0x1], $0x800, $0x38;
	[tilespmem:$0x1EC90] =	vst v63  }
0x65: {  	s28 =	sadd.s32 s3, s7  }
0x66: {  	[spmem:s28] =	stream.linear.scatter [tilespmem:s2], [sflag:$0x1], $0x800, $0x38;
	[tilespmem:$0x1EC90] =	vst v63  }
0x67: {  	[dreg:$0xb] =	wrdreg s6;
	s3 =	sadd.s32 s3, s11;
	s29 =	simm.s32 $0x1  }
0x68: {  	[spmem:s3] =	stream.linear.scatter [tilespmem:s2], [sflag:$0x1], $0x800, $0x38;
	[tilespmem:$0x1EC90] =	vst v63  }
0x69: {  	_ =	swait.ge [sflag:s29], $0x100  }
0x6a: {  	[sflag:s29] =	ssyncset.done $0x0  }
0x6b: {  	[sflag:s29] =	ssyncadd.s32 $0xFFFFFF00  }
0x6c: {  	_ =	swait.ge [sflag:s29], $0x800  }
0x6d: {  	[sflag:s29] =	ssyncset.done $0x0  }
0x6e: {  	[sflag:s29] =	ssyncadd.s32 $0xFFFFF800  }
0x6f: {  	_ =	swait.ge [sflag:s29], $0x800  }
0x70: {  	[sflag:s29] =	ssyncset.done $0x0  }
0x71: {  	[sflag:s29] =	ssyncadd.s32 $0xFFFFF800  }
0x72: {  	_ =	swait.ge [sflag:s29], $0x800  }
0x73: {  	[sflag:s29] =	ssyncset.done $0x0  }
0x74: {  	[sflag:s29] =	ssyncadd.s32 $0xFFFFF800  }
0x75: {  	_ =	swait.ge [sflag:s29], $0x800  }
0x76: {  	[sflag:s29] =	ssyncset.done $0x0  }
0x77: {  	[sflag:s29] =	ssyncadd.s32 $0xFFFFF800  }
0x78: {  	_ =	swait.ge [sflag:s29], $0x800  }
0x79: {  	[sflag:s29] =	ssyncset.done $0x0  }
0x7a: {  	[sflag:s29] =	ssyncadd.s32 $0xFFFFF800  }
0x7b: {  	_ =	swait.ge [sflag:s29], $0x800  }
0x7c: {  	[sflag:s29] =	ssyncset.done $0x0  }
0x7d: {  	[sflag:s29] =	ssyncadd.s32 $0xFFFFF800  }
0x7e: {  	_ =	swait.ge [sflag:s29], $0x800  }
0x7f: {  	[sflag:s29] =	ssyncset.done $0x0  }
0x80: {  	[sflag:s29] =	ssyncadd.s32 $0xFFFFF800  }
0x81: {  	_ =	swait.ge [sflag:s29], $0x800  }
0x82: {  	[sflag:s29] =	ssyncset.done $0x0  }
0x83: {  	[sflag:s29] =	ssyncadd.s32 $0xFFFFF800  }
0x84: {  	_ =	swait.ge [sflag:s29], $0x800  }
0x85: {  	[sflag:s29] =	ssyncset.done $0x0  }
0x86: {  	[sflag:s29] =	ssyncadd.s32 $0xFFFFF800  }
0x87: {  	_ =	swait.ge [sflag:s29], $0x800  }
0x88: {  	[sflag:s29] =	ssyncset.done $0x0  }
0x89: {  	[sflag:s29] =	ssyncadd.s32 $0xFFFFF800  }
0x8a: {  	_ =	swait.ge [sflag:s29], $0x800  }
0x8b: {  	[sflag:s29] =	ssyncset.done $0x0  }
0x8c: {  	[sflag:s29] =	ssyncadd.s32 $0xFFFFF800  }
0x8d: {  	_ =	swait.ge [sflag:s29], $0x800  }
0x8e: {  	[sflag:s29] =	ssyncset.done $0x0  }
0x8f: {  	[sflag:s29] =	ssyncadd.s32 $0xFFFFF800  }
0x90: {  	_ =	swait.ge [sflag:s29], $0x800  }
0x91: {  	[sflag:s29] =	ssyncset.done $0x0  }
0x92: {  	[sflag:s29] =	ssyncadd.s32 $0xFFFFF800  }
0x93: {  	_ =	swait.ge [sflag:s29], $0x800  }
0x94: {  	[sflag:s29] =	ssyncset.done $0x0  }
0x95: {  	[sflag:s29] =	ssyncadd.s32 $0xFFFFF800  }
0x96: {  	_ =	swait.ge [sflag:s29], $0x800  }
0x97: {  	[sflag:s29] =	ssyncset.done $0x0  }
0x98: {  	[sflag:s29] =	ssyncadd.s32 $0xFFFFF800  }
0x99: {  	_ =	swait.ge [sflag:s29], $0x800  }
0x9a: {  	[sflag:s29] =	ssyncset.done $0x0  }
0x9b: {  	[sflag:s29] =	ssyncadd.s32 $0xFFFFF800  }
0x9c: {  	_ =	swait.ge [sflag:s29], $0x800  }
0x9d: {  	[sflag:s29] =	ssyncset.done $0x0  }
0x9e: {  	[sflag:s29] =	ssyncadd.s32 $0xFFFFF800  }
0x9f: {  	_ =	swait.ge [sflag:s29], $0x800  }
0xa0: {  	[sflag:s29] =	ssyncset.done $0x0  }
0xa1: {  	[sflag:s29] =	ssyncadd.s32 $0xFFFFF800  }
0xa2: {  	_ =	swait.ge [sflag:s29], $0x800  }
0xa3: {  	[sflag:s29] =	ssyncset.done $0x0  }
0xa4: {  	[sflag:s29] =	ssyncadd.s32 $0xFFFFF800  }
0xa5: {  	_ =	swait.ge [sflag:s29], $0x800  }
0xa6: {  	[sflag:s29] =	ssyncset.done $0x0  }
0xa7: {  	[sflag:s29] =	ssyncadd.s32 $0xFFFFF800  }
0xa8: {  	_ =	swait.ge [sflag:s29], $0x800  }
0xa9: {  	[sflag:s29] =	ssyncset.done $0x0  }
0xaa: {  	[sflag:s29] =	ssyncadd.s32 $0xFFFFF800  }
0xab: {  	_ =	swait.ge [sflag:s29], $0x800  }
0xac: {  	[sflag:s29] =	ssyncset.done $0x0  }
0xad: {  	[sflag:s29] =	ssyncadd.s32 $0xFFFFF800  }
0xae: {  	_ =	swait.ge [sflag:s29], $0x800  }
0xaf: {  	[sflag:s29] =	ssyncset.done $0x0  }
0xb0: {  	[sflag:s29] =	ssyncadd.s32 $0xFFFFF800  }
0xb1: {  	_ =	swait.ge [sflag:s29], $0x800  }
0xb2: {  	[sflag:s29] =	ssyncset.done $0x0  }
0xb3: {  	[sflag:s29] =	ssyncadd.s32 $0xFFFFF800  }
0xb4: {  	_ =	swait.ge [sflag:s29], $0x800  }
0xb5: {  	[sflag:s29] =	ssyncset.done $0x0  }
0xb6: {  	[sflag:s29] =	ssyncadd.s32 $0xFFFFF800  }
0xb7: {  	_ =	swait.ge [sflag:s29], $0x800  }
0xb8: {  	[sflag:s29] =	ssyncset.done $0x0  }
0xb9: {  	[sflag:s29] =	ssyncadd.s32 $0xFFFFF800  }
0xba: {  	_ =	swait.ge [sflag:s29], $0x800  }
0xbb: {  	[sflag:s29] =	ssyncset.done $0x0  }
0xbc: {  	[sflag:s29] =	ssyncadd.s32 $0xFFFFF800  }
0xbd: {  	_ =	swait.ge [sflag:s29], $0x800  }
0xbe: {  	[sflag:s29] =	ssyncset.done $0x0  }
0xbf: {  	[sflag:s29] =	ssyncadd.s32 $0xFFFFF800  }
0xc0: {  	_ =	swait.ge [sflag:s29], $0x800  }
0xc1: {  	[sflag:s29] =	ssyncset.done $0x0  }
0xc2: {  	[sflag:s29] =	ssyncadd.s32 $0xFFFFF800  }
0xc3: {  	_ =	swait.ge [sflag:s29], $0x800  }
0xc4: {  	[sflag:s29] =	ssyncset.done $0x0  }
0xc5: {  	[sflag:s29] =	ssyncadd.s32 $0xFFFFF800  }
0xc6: {  	_ =	swait.ge [sflag:s29], $0x800  }
0xc7: {  	[sflag:s29] =	ssyncset.done $0x0  }
0xc8: {  	[sflag:s29] =	ssyncadd.s32 $0xFFFFF800  }
0xc9: {  	_ =	swait.ge [sflag:s29], $0x800  }
0xca: {  	s31 =	simm.s32 $0x4;
	[sflag:s29] =	ssyncset.done $0x0  }
0xcb: {  	s30 =	simm.s32 $0x8080;
	s2 =	simm.s32 $0x0;
	[sflag:s29] =	ssyncadd.s32 $0xFFFFF800  }
0xcc: {  	[tilespmem:s30], [sflag:$0x4] =	stream.linear.gather [hbm4b:s1+s2], $0x180, $0x38;
	[tilespmem:$0x1EC90] =	vst v63  }
0xcd: {  	_ =	swait.ge [sflag:s31], $0x180  }
0xce: {  	[sflag:s31] =	ssyncset.done $0x0  }
.Ltmp1:
0xcf: {  	s0 =	sadd.s32 s0, s15;
	[sflag:s31] =	ssyncadd.s32 $0xFFFFFE80;
	(pc) =	sbr.rel .LBB2_3-.Ltmp1, $4  }
0xd0: {  	[tilespmem:s2], [sflag:$0x4] =	stream.linear.gather [hbm4b:s0+s2], $0x2000, $0x38;
	[tilespmem:$0x1EC90] =	vst v63  }
0xd1: {  	_ =	swait.ge [sflag:s31], $0x2000  }
0xd2: {  	s3 =	simm.s32 $0x20;
	[sflag:s31] =	ssyncset.done $0x0  }
0xd3: {  	s1 =	sshll.u32 s23, $0xD;
	s0 =	simm.s32 $0x0;
	[sflag:s31] =	ssyncadd.s32 $0xFFFFE000  }
.LBB2_5:
0xd4: {  	s2 =	sadd.s32 $0x40, s2  }
0xd5: {  	p0 =	sne.s32 s2, $0x2000  }
.Ltmp2:
0xd6: {  	_ = 	snop;
	(pc) =	sbr.rel @!p0 .LBB2_6-.Ltmp2, $2  }
0xd7: {  	_ =	sdelay $0x2  }
0xd8: {  	s0 =	sadd.s32 s0, s5;
	s3 =	sadd.s32 $0x40, s3  }
.LBB2_3:
0xd9: {  	v3 =	vld [tilespmem:s3+$0xFFFFFFE0]  }
0xda: {  	v2 =	vld [tilespmem:s3+$0xFFFFFFF0]  }
0xdb: {  	v1 =	vld [tilespmem:s3+$0x0]  }
0xdc: {  	v0 =	vld [tilespmem:s3+$0x10];
	_ =	sdelay $0x1  }
0xdd: {  	vm0 =	veq.s32 v3, $0x0  }
0xde: {  	vm1 =	veq.s32 v2, $0x0;
	v4 =	vmpcnt.ones.xlane vm0  }
0xdf: {  	vm14 =	veq.s32 v1, $0x0;
	v5 =	vmpcnt.ones.xlane vm1  }
0xe0: {  	vm15 =	veq.s32 v0, $0x0;
	(v2sf) =	vpush v4, $0x0;
	v4 =	vmpcnt.ones.xlane vm14  }
0xe1: {  	(v2sf) =	vpush v5, $0x0;
	v5 =	vmpcnt.ones.xlane vm15  }
0xe2: {  	(v2sf) =	vpush v4, $0x0  }
0xe3: {  	(v2sf) =	vpush v5, $0x0;
	_ =	sdelay $0xb  }
0xe4: {  	s11 =	spop (v2sf)  }
0xe5: {  	s7 =	spop (v2sf)  }
0xe6: {  	s6 =	spop (v2sf);
	s5 =	sadd.s32 s11, s7  }
0xe7: {  	s12 =	spop (v2sf);
	s5 =	sadd.s32 s6, s5  }
0xe8: {  	s5 =	sadd.s32 s12, s5  }
0xe9: {  	p0 =	slt.s32 s5, $0x1  }
.Ltmp3:
0xea: {  	_ = 	snop;
	(pc) =	sbr.rel @p0 .LBB2_5-.Ltmp3, $1  }
0xeb: {  	_ =	sdelay $0x3  }
0xec: {  	p3 =	slt.s32 s11, $0x1  }
0xed: {  	p1 =	slt.s32 s7, $0x1;
	vm2 =	veq.s32 @!p3 v3, $0x0;
	v3 =	vimm.s32 @!p3 $0x0  }
0xee: {  	p0 =	slt.s32 s6, $0x1;
	vm0 =	veq.s32 @!p1 v2, $0x0;
	v2 =	vimm.s32 @!p1 $0x0;
	v3 =	vsel @!p3 vm2, $0x1, v3  }
0xef: {  	p2 =	slt.s32 s12, $0x1;
	vm1 =	veq.s32 @!p0 v1, $0x0;
	v1 =	vimm.s32 @!p0 $0x0;
	v2 =	vsel @!p1 vm0, $0x1, v2;
	(xrf0) =	vadd.scan.msk.s32 @!p3 $0xffff, v3  }
0xf0: {  	s11 =	sadd.s32 s0, s11;
	vm3 =	veq.s32 @!p2 v0, $0x0;
	v0 =	vimm.s32 @!p2 $0x0;
	v1 =	vsel @!p0 vm1, $0x1, v1;
	(xrf0) =	vadd.scan.msk.s32 @!p1 $0xffff, v2  }
0xf1: {  	s7 =	sadd.s32 s7, s11;
	v0 =	vsel @!p2 vm3, $0x1, v0;
	(xrf0) =	vadd.scan.msk.s32 @!p0 $0xffff, v1  }
0xf2: {  	s6 =	sadd.s32 @!p2 s6, s7;
	v1 =	vmov @!p3 s0;
	(xrf0) =	vadd.scan.msk.s32 @!p2 $0xffff, v0  }
0xf3: {  	v4 =	vmov @!p2 s6;
	v0 =	vadd.s32 @!p3 $0xFFFFFFFF, v1;
	v1 =	vmov @!p1 s11  }
0xf4: {  	v2 =	vmov @!p0 s7;
	v0 =	vbroadcast @!p3 v0, $0x0;
	v1 =	vadd.s32 @!p1 $0xFFFFFFFF, v1  }
0xf5: {  	v2 =	vadd.s32 @!p0 $0xFFFFFFFF, v2;
	v1 =	vbroadcast @!p1 v1, $0x0;
	v3, _, _ =	vpop @!p3 (xrf0)  }
0xf6: {  	v2 =	vbroadcast @!p0 v2, $0x0;
	v5, _, _ =	vpop @!p1 (xrf0);
	v0 =	vadd.s32 @!p3 v3, v0;
	v3 =	vadd.s32 @!p2 $0xFFFFFFFF, v4  }
0xf7: {  	v4, _, _ =	vpop @!p0 (xrf0);
	v1 =	vadd.s32 @!p1 v5, v1;
	v3 =	vbroadcast @!p2 v3, $0x0  }
0xf8: {  	s7 =	sadd.s32 @!p1 s2, s1;
	v2 =	vadd.s32 @!p0 v4, v2;
	v4, _, _ =	vpop @!p2 (xrf0)  }
0xf9: {  	s6 =	sadd.s32 @!p3 s2, s1;
	s7 =	sadd.s32 @!p1 $0x10, s7;
	v5 =	vlaneseq.u32 @!p3;
	v3 =	vadd.s32 @!p2 v4, v3  }
.Ltmp4:
0xfa: {  	s11 =	sadd.s32 @!p0 s2, s1;
	v4 =	vor.u32 @!p3 s6, v5;
	s6 =	simm.s32 @!p3 $0x2000;
	v5 =	vlaneseq.u32 @!p1;
	(pc) =	sbr.rel .LBB2_5-.Ltmp4, $4  }
0xfb: {  	[tilespmem:v0+s6+$0x0] =	vst.idx.msk @!p3 vm2, v4;
	v0 =	vor.u32 @!p1 s7, v5;
	s6 =	simm.s32 @!p1 $0x2000;
	s7 =	sadd.s32 @!p0 $0x20, s11;
	v4 =	vlaneseq.u32 @!p0;
	s11 =	sadd.s32 @!p2 s2, s1  }
0xfc: {  	[tilespmem:v1+s6+$0x0] =	vst.idx.msk @!p1 vm0, v0;
	v0 =	vor.u32 @!p0 s7, v4;
	s6 =	simm.s32 @!p0 $0x2000;
	s7 =	sadd.s32 @!p2 $0x30, s11;
	v1 =	vlaneseq.u32 @!p2  }
0xfd: {  	[tilespmem:v2+s6+$0x0] =	vst.idx.msk @!p0 vm1, v0;
	v0 =	vor.u32 @!p2 s7, v1;
	s6 =	simm.s32 @!p2 $0x2000  }
0xfe: {  	[tilespmem:v3+s6+$0x0] =	vst.idx.msk @!p2 vm3, v0  }
.LBB2_6:
0xff: {  	s1 =	sadd.s32 $0xF, s0  }
0x100: {  	s2 =	sand.u32 $0xF, s1  }
0x101: {  	s3 =	sshra.s32 s1, $0x1F;
	p0 =	slt.s32 s1, $0x1;
	p1 =	sne.s32 s2, $0x0  }
0x102: {  	s30 =	sshrl.u32 s3, $0x1C;
	p0 =	por !p0, !p1  }
0x103: {  	s2 =	simm.s32 $0x1;
	s1 =	sadd.s32 s30, s1;
	p0 =	por !p0, !p0  }
0x104: {  	s1 =	sshra.s32 s1, $0x4;
	s2 =	simm.s32 @!p0 $0x0  }
0x105: {  	s12 =	ssub.s32 s1, s2  }
0x106: {  	p0 =	slt.s32 s12, $0x1  }
.Ltmp5:
0x107: {  	_ = 	snop;
	(pc) =	sbr.rel @p0 .LBB2_7-.Ltmp5, $3  }
0x108: {  	_ =	sdelay $0x1  }
0x109: {  	[dreg:$0x9] =	wrdreg s14;
	s31 =	sshll.u32 s23, $0x7  }
0x10a: {  	s24 =	simm.s32 $0x1;
	v0 =	vmov s0;
	[dreg:$0xf] =	wrdreg s15;
	s1 =	sadd.s32 s31, s16  }
0x10b: {  	[dreg:$0x10] =	wrdreg s1;
	s25 =	simm.s32 $0x0  }
0x10c: {  	s29 =	simm.s32 $0x10;
	s30 =	simm.s32 $0x8A80;
	v1 =	vlaneseq.u32;
	s14 =	simm.s32 $0x2  }
0x10d: {  	v2 =	vimm.s32 $0x1000;
	s15 =	simm.s32 $0x3;
	s17 =	simm.s32 $0x8C00;
	s6 =	simm.s32 $0x9400;
	vm0 =	vmmov $0xffff;
	v4 =	vshrl.u32 v1, $0x3  }
0x10e: {  	s7 =	simm.s32 $0x9C00;
	s11 =	simm.s32 $0xA400;
	s23 =	simm.s32 $0x0;
	v3 =	vand.u32 $0x7, v1;
	v5 =	vor.u32 $0x8, v1;
	v4 =	vmul.u32 $0x8, v4  }
.LBB2_9:
0x10f: {  	s2 =	sshll.u32 s23, $0x4  }
0x110: {  	v6 =	vld [tilespmem:s2+$0x2000];
	_ =	sdelay $0x2  }
0x111: {  	v7 =	vor.u32 s2, v1  }
0x112: {  	vm1 =	vlt.s32 v7, v0  }
0x113: {  	v6 =	vnsel vm1, $0x0, v6  }
0x114: {  	v7 =	vshll.u32 v6, $0x1  }
0x115: {  	v8 =	vand.u32 $0x7, v6;
	v7 =	vand.u32 $0xFFFFFFF0, v7  }
0x116: {  	v7 =	vor.u32 v8, v7  }
0x117: {  	v8 =	vperm.xlane v7, v3;
	_ =	sdelay $0x1  }
0x118: {  	v7 =	vperm.xlane v7, v5;
	v8 =	vadd.s32 v4, v8;
	_ =	sdelay $0x1  }
0x119: {  	v7 =	vadd.s32 v4, v7;
	_ =	sdelay $0x1  }
0x11a: {  	s0 =	simm.s32 $0xAC00;
	[tilespmem:$0x8A80] =	vst v6  }
0x11b: {  	[tilespmem:s0], [sflag:$0x1] =	stream.indirect_vreg.gather [hbm4b:s19+s25], $0x80, v8, vm0, $0xb8;
	[tilespmem:$0x1EC90] =	vst v63  }
0x11c: {  	s5 =	simm.s32 $0xB400  }
0x11d: {  	[tilespmem:s5], [sflag:$0x1] =	stream.indirect_vreg.gather [hbm4b:s19+s25], $0x80, v7, vm0, $0xb8;
	[tilespmem:$0x1EC90] =	vst v63  }
0x11e: {  	s16 =	simm.s32 $0x8B00  }
0x11f: {  	[tilespmem:s16], [sflag:$0x2] =	stream.indirect.gather [hbm4b:s20+s29], $0x1, s30, s29, $0xb8;
	[tilespmem:$0x1EC90] =	vst v63  }
0x120: {  	s26 =	simm.s32 $0x8B80  }
0x121: {  	[tilespmem:s26], [sflag:$0x3] =	stream.indirect.gather [hbm4b:s21+s29], $0x1, s30, s29, $0xb8;
	[tilespmem:$0x1EC90] =	vst v63  }
0x122: {  	_ =	swait.ge [sflag:s24], $0x1000  }
0x123: {  	[sflag:s24] =	ssyncset.done $0x0  }
0x124: {  	[sflag:s24] =	ssyncadd.s32 $0xFFFFF000  }
0x125: {  	_ =	swait.ge [sflag:s14], $0x10  }
0x126: {  	[sflag:s14] =	ssyncset.done $0x0  }
0x127: {  	[sflag:s14] =	ssyncadd.s32 $0xFFFFFFF0  }
0x128: {  	_ =	swait.ge [sflag:s15], $0x10  }
0x129: {  	[sflag:s15] =	ssyncset.done $0x0  }
0x12a: {  	[sflag:s15] =	ssyncadd.s32 $0xFFFFFFF0  }
0x12b: {  	v6 =	vld [tilespmem:$0x8B00];
	_ =	sdelay $0x4  }
0x12c: {  	v7 =	vshll.u32 v6, $0x1  }
0x12d: {  	v6 =	vand.u32 $0x7, v6;
	v7 =	vand.u32 $0xFFFFFFF0, v7  }
0x12e: {  	v6 =	vor.u32 v6, v7  }
0x12f: {  	v7 =	vperm.xlane v6, v3;
	_ =	sdelay $0x1  }
0x130: {  	v6 =	vperm.xlane v6, v5;
	v7 =	vadd.s32 v4, v7;
	_ =	sdelay $0x1  }
0x131: {  	v6 =	vadd.s32 v4, v6;
	_ =	sdelay $0x2  }
0x132: {  	[tilespmem:s17], [sflag:$0x2] =	stream.indirect_vreg.gather [hbm4b:s18+s25], $0x80, v7, vm0, $0xb8;
	[tilespmem:$0x1EC90] =	vst v63  }
0x133: {  	_ = 	snop  }
0x134: {  	[tilespmem:s6], [sflag:$0x2] =	stream.indirect_vreg.gather [hbm4b:s18+s25], $0x80, v6, vm0, $0xb8;
	[tilespmem:$0x1EC90] =	vst v63  }
0x135: {  	v6 =	vld [tilespmem:$0x8B80];
	_ =	sdelay $0x4  }
0x136: {  	v7 =	vshll.u32 v6, $0x1  }
0x137: {  	v6 =	vand.u32 $0x7, v6;
	v7 =	vand.u32 $0xFFFFFFF0, v7  }
0x138: {  	v6 =	vor.u32 v6, v7  }
0x139: {  	v7 =	vperm.xlane v6, v3;
	_ =	sdelay $0x1  }
0x13a: {  	v6 =	vperm.xlane v6, v5;
	v7 =	vadd.s32 v4, v7;
	_ =	sdelay $0x1  }
0x13b: {  	v6 =	vadd.s32 v4, v6;
	_ =	sdelay $0x2  }
0x13c: {  	[tilespmem:s7], [sflag:$0x3] =	stream.indirect_vreg.gather [hbm4b:s22+s25], $0x80, v7, vm0, $0xb8;
	[tilespmem:$0x1EC90] =	vst v63  }
0x13d: {  	_ = 	snop  }
0x13e: {  	[tilespmem:s11], [sflag:$0x3] =	stream.indirect_vreg.gather [hbm4b:s22+s25], $0x80, v6, vm0, $0xb8;
	[tilespmem:$0x1EC90] =	vst v63  }
0x13f: {  	_ =	swait.ge [sflag:s14], $0x1000  }
0x140: {  	[sflag:s14] =	ssyncset.done $0x0  }
0x141: {  	[sflag:s14] =	ssyncadd.s32 $0xFFFFF000  }
0x142: {  	_ =	swait.ge [sflag:s15], $0x1000  }
0x143: {  	[sflag:s15] =	ssyncset.done $0x0  }
0x144: {  	[sflag:s15] =	ssyncadd.s32 $0xFFFFF000  }
0x145: {  	v7 =	vld [tilespmem:$0x8B00]  }
0x146: {  	v6 =	vld [tilespmem:$0x8B80]  }
0x147: {  	v23 =	vld [tilespmem:$0x8080]  }
0x148: {  	v22 =	vld [tilespmem:$0x8090]  }
0x149: {  	v21 =	vld [tilespmem:$0x80A0]  }
0x14a: {  	v20 =	vld [tilespmem:$0x80B0]  }
0x14b: {  	v19 =	vld [tilespmem:$0x80C0]  }
0x14c: {  	v18 =	vld [tilespmem:$0x80D0]  }
0x14d: {  	v17 =	vld [tilespmem:$0x80E0]  }
0x14e: {  	v16 =	vld [tilespmem:$0x80F0]  }
0x14f: {  	v15 =	vld [tilespmem:$0x8100]  }
0x150: {  	v14 =	vld [tilespmem:$0x8110]  }
0x151: {  	v13 =	vld [tilespmem:$0x8120]  }
0x152: {  	v12 =	vld [tilespmem:$0x8130]  }
0x153: {  	v11 =	vld [tilespmem:$0x8140]  }
0x154: {  	v10 =	vld [tilespmem:$0x8150]  }
0x155: {  	s1 =	sand.u32 $0x800, s25;
	s3 =	sand.u32 $0x380, s25;
	v8 =	vld [tilespmem:$0x8160]  }
0x156: {  	s1 =	sor.u32 s3, s1;
	v9 =	vld [tilespmem:$0x8170]  }
0x157: {  	v26 =	vld [tilespmem:s1+$0x9070]  }
0x158: {  	v28 =	vld [tilespmem:s1+$0x9060]  }
0x159: {  	v24 =	vld [tilespmem:s1+$0x9050]  }
0x15a: {  	v25 =	vld [tilespmem:s1+$0x9040]  }
0x15b: {  	v27 =	vld [tilespmem:s1+$0x9030]  }
0x15c: {  	v29 =	vld [tilespmem:s1+$0x9020]  }
0x15d: {  	v30 =	vld [tilespmem:s1+$0x9010]  }
0x15e: {  	v31 =	vld [tilespmem:s1+$0x9000]  }
0x15f: {  	v32 =	vld [tilespmem:s1+$0x8C70]  }
0x160: {  	v33 =	vld [tilespmem:s1+$0x8C60]  }
0x161: {  	v34 =	vld [tilespmem:s1+$0x8C50]  }
0x162: {  	v35 =	vld [tilespmem:s1+$0x8C40]  }
0x163: {  	v36 =	vld [tilespmem:s1+$0x8C30]  }
0x164: {  	v37 =	vld [tilespmem:s1+$0x8C20]  }
0x165: {  	v38 =	vld [tilespmem:s1+$0xAC00]  }
0x166: {  	v39 =	vld [tilespmem:s1+$0x8C00]  }
0x167: {  	v40 =	vld [tilespmem:s1+$0x9C00]  }
0x168: {  	v41 =	vld [tilespmem:s1+$0x8C10]  }
0x169: {  	v42 =	vld [tilespmem:s1+$0x9C10]  }
0x16a: {  	v43 =	vld [tilespmem:s1+$0x9C20]  }
0x16b: {  	v44 =	vld [tilespmem:s1+$0xAC10]  }
0x16c: {  	v45 =	vld [tilespmem:s1+$0x9C30];
	v39 =	vmul.f32 v40, v39  }
0x16d: {  	v46 =	vld [tilespmem:s1+$0xAC20]  }
0x16e: {  	v47 =	vld [tilespmem:s1+$0x9C40];
	v51 =	vmul.f32 v42, v41;
	v38 =	vmul.f32 v38, v39  }
0x16f: {  	v63 =	vld [tilespmem:s1+$0xAC30];
	v37 =	vmul.f32 v43, v37  }
0x170: {  	v48 =	vld [tilespmem:s1+$0x9C50];
	v39 =	vmul.f32 v44, v51;
	v38 =	vmul.f32 v23, v38  }
0x171: {  	v52 =	vld [tilespmem:s1+$0xAC40];
	v36 =	vmul.f32 v45, v36  }
0x172: {  	v53 =	vld [tilespmem:s1+$0x9C60];
	v37 =	vmul.f32 v46, v37;
	v39 =	vmul.f32 v22, v39;
	v38 =	vadd.f32 $0.0e+00, v38  }
0x173: {  	v54 =	vld [tilespmem:s1+$0xAC50];
	v35 =	vmul.f32 v47, v35  }
0x174: {  	v55 =	vld [tilespmem:s1+$0x9C70];
	v36 =	vmul.f32 v63, v36;
	v37 =	vmul.f32 v21, v37;
	v38 =	vadd.f32 v39, v38  }
0x175: {  	v56 =	vld [tilespmem:s1+$0xAC60];
	v34 =	vmul.f32 v48, v34  }
0x176: {  	v57 =	vld [tilespmem:s1+$0xA000];
	v35 =	vmul.f32 v52, v35;
	v36 =	vmul.f32 v20, v36;
	v37 =	vadd.f32 v37, v38  }
0x177: {  	v58 =	vld [tilespmem:s1+$0xAC70];
	v33 =	vmul.f32 v53, v33  }
0x178: {  	v59 =	vld [tilespmem:s1+$0xA010];
	v34 =	vmul.f32 v54, v34;
	v35 =	vmul.f32 v19, v35;
	v36 =	vadd.f32 v36, v37  }
0x179: {  	v60 =	vld [tilespmem:s1+$0xB000];
	v32 =	vmul.f32 v55, v32  }
0x17a: {  	v62 =	vld [tilespmem:s1+$0xB010];
	v33 =	vmul.f32 v56, v33;
	v34 =	vmul.f32 v18, v34;
	v35 =	vadd.f32 v35, v36  }
0x17b: {  	v61 =	vld [tilespmem:s1+$0xA020];
	v31 =	vmul.f32 v57, v31  }
0x17c: {  	v47 =	vld [tilespmem:s1+$0xB020];
	v32 =	vmul.f32 v58, v32;
	v33 =	vmul.f32 v17, v33;
	v34 =	vadd.f32 v34, v35  }
0x17d: {  	v30 =	vmul.f32 v59, v30;
	v63 =	vld [tilespmem:s1+$0xA030]  }
0x17e: {  	v48 =	vld [tilespmem:s1+$0xA040];
	v31 =	vmul.f32 v60, v31;
	v32 =	vmul.f32 v16, v32;
	v33 =	vadd.f32 v33, v34  }
0x17f: {  	v49 =	vld [tilespmem:s1+$0xB030];
	v30 =	vmul.f32 v62, v30  }
0x180: {  	v29 =	vmul.f32 v61, v29;
	v51 =	vld [tilespmem:s1+$0xB040];
	v31 =	vmul.f32 v15, v31;
	v32 =	vadd.f32 v32, v33  }
0x181: {  	v50 =	vld [tilespmem:s1+$0xA050];
	v30 =	vmul.f32 v14, v30  }
0x182: {  	v52 =	vld [tilespmem:s1+$0xA060];
	v29 =	vmul.f32 v47, v29;
	v27 =	vmul.f32 v63, v27;
	v31 =	vadd.f32 v31, v32  }
0x183: {  	v53 =	vld [tilespmem:s1+$0xB050];
	v56 =	vmul.f32 v48, v25  }
0x184: {  	s16 =	simm.s32 $0x80;
	s26 =	simm.s32 $0x100;
	v54 =	vld [tilespmem:s1+$0xA070];
	v29 =	vmul.f32 v13, v29;
	v27 =	vmul.f32 v49, v27;
	v30 =	vadd.f32 v30, v31  }
0x185: {  	s5 =	sand.u32 $0x380, s16;
	s31 =	sand.u32 $0x800, s26;
	v55 =	vld [tilespmem:s1+$0xB060];
	v34 =	vmul.f32 v51, v56  }
0x186: {  	s3 =	sor.u32 s5, s31;
	v57 =	vld [tilespmem:s1+$0xB070];
	v31 =	vmul.f32 v50, v24;
	v29 =	vadd.f32 v29, v30;
	v30 =	vmul.f32 v12, v27  }
0x187: {  	v25 =	vld [tilespmem:s3+$0x9070];
	v58 =	vmul.f32 v52, v28  }
0x188: {  	v28 =	vld [tilespmem:s3+$0x9040];
	v34 =	vmul.f32 v11, v34;
	v31 =	vmul.f32 v53, v31;
	v59 =	vadd.f32 v30, v29  }
0x189: {  	v26 =	vmul.f32 v54, v26;
	v39 =	vld [tilespmem:s3+$0xAC00]  }
0x18a: {  	v38 =	vld [tilespmem:s3+$0x8C20];
	v35 =	vmul.f32 v55, v58;
	v61 =	vmul.f32 v10, v31;
	v60 =	vadd.f32 v34, v59  }
0x18b: {  	v37 =	vld [tilespmem:s3+$0x8C30]  }
0x18c: {  	v26 =	vmul.f32 v57, v26;
	v35 =	vmul.f32 v8, v35;
	v33 =	vld [tilespmem:s3+$0x8C70];
	v36 =	vadd.f32 v61, v60  }
0x18d: {  	v32 =	vld [tilespmem:s3+$0x9000]  }
0x18e: {  	v26 =	vmul.f32 v9, v26;
	v24 =	vld [tilespmem:s3+$0x9060];
	v62 =	vadd.f32 v35, v36  }
0x18f: {  	v27 =	vld [tilespmem:s3+$0x9050]  }
0x190: {  	v29 =	vld [tilespmem:s3+$0x9030];
	v63 =	vadd.f32 v26, v62  }
0x191: {  	v30 =	vld [tilespmem:s3+$0x9020]  }
0x192: {  	v31 =	vld [tilespmem:s3+$0x9010];
	(xrf2) =	vadd.scan.msk.f32 $0xffff, v63  }
0x193: {  	v34 =	vld [tilespmem:s3+$0x8C60]  }
0x194: {  	v35 =	vld [tilespmem:s3+$0x8C50]  }
0x195: {  	s28 =	simm.s32 $0x2;
	s5 =	simm.s32 $0x1;
	s1 =	simm.s32 $0x0;
	v36 =	vld [tilespmem:s3+$0x8C40];
	v26 =	vimm.f32 $0.0e+00  }
.LBB2_10:
0x196: {  	p1 =	sne.s32 s28, $0xF;
	v40 =	vld [tilespmem:s3+$0x8C00]  }
0x197: {  	v41 =	vld [tilespmem:s3+$0x9C00]  }
0x198: {  	v42 =	vld [tilespmem:s3+$0x8C10]  }
0x199: {  	v43 =	vld [tilespmem:s3+$0x9C10]  }
0x19a: {  	v44 =	vld [tilespmem:s3+$0x9C20]  }
0x19b: {  	v45 =	vld [tilespmem:s3+$0xAC10]  }
0x19c: {  	v40 =	vmul.f32 v41, v40;
	v41 =	vld [tilespmem:s3+$0x9C30];
	v46, _, _ =	vpop (xrf2)  }
0x19d: {  	v48 =	vmov s1;
	s1 =	smov.u32 s5;
	s5 =	smov.u32 s28;
	v47 =	vld [tilespmem:s3+$0xAC20];
	v46 =	vbroadcast v46, $0xF  }
0x19e: {  	vm2 =	veq.s32 v48, v1;
	v39 =	vmul.f32 v39, v40;
	v40 =	vmul.f32 v43, v42;
	v42 =	vld [tilespmem:s3+$0x9C40]  }
0x19f: {  	v38 =	vmul.f32 v44, v38;
	v43 =	vld [tilespmem:s3+$0xAC30];
	v26 =	vsel vm2, v46, v26  }
0x1a0: {  	v39 =	vmul.f32 v23, v39;
	v40 =	vmul.f32 v45, v40;
	v44 =	vld [tilespmem:s3+$0x9C50]  }
0x1a1: {  	v37 =	vmul.f32 v41, v37;
	v41 =	vld [tilespmem:s3+$0xAC40]  }
0x1a2: {  	v39 =	vadd.f32 $0.0e+00, v39;
	v40 =	vmul.f32 v22, v40;
	v38 =	vmul.f32 v47, v38;
	v45 =	vld [tilespmem:s3+$0x9C60]  }
0x1a3: {  	v36 =	vmul.f32 v42, v36;
	v42 =	vld [tilespmem:s3+$0xAC50]  }
0x1a4: {  	v39 =	vadd.f32 v40, v39;
	v38 =	vmul.f32 v21, v38;
	v37 =	vmul.f32 v43, v37;
	v40 =	vld [tilespmem:s3+$0x9C70]  }
0x1a5: {  	v35 =	vmul.f32 v44, v35;
	v43 =	vld [tilespmem:s3+$0xAC60]  }
0x1a6: {  	v38 =	vadd.f32 v38, v39;
	v37 =	vmul.f32 v20, v37;
	v36 =	vmul.f32 v41, v36;
	v39 =	vld [tilespmem:s3+$0xA000]  }
0x1a7: {  	v34 =	vmul.f32 v45, v34;
	v41 =	vld [tilespmem:s3+$0xAC70]  }
0x1a8: {  	v37 =	vadd.f32 v37, v38;
	v36 =	vmul.f32 v19, v36;
	v35 =	vmul.f32 v42, v35;
	v38 =	vld [tilespmem:s3+$0xA010]  }
0x1a9: {  	v33 =	vmul.f32 v40, v33;
	v40 =	vld [tilespmem:s3+$0xB000]  }
0x1aa: {  	v36 =	vadd.f32 v36, v37;
	v35 =	vmul.f32 v18, v35;
	v34 =	vmul.f32 v43, v34;
	v37 =	vld [tilespmem:s3+$0xA020]  }
0x1ab: {  	v32 =	vmul.f32 v39, v32;
	v39 =	vld [tilespmem:s3+$0xB010]  }
0x1ac: {  	v35 =	vadd.f32 v35, v36;
	v34 =	vmul.f32 v17, v34;
	v33 =	vmul.f32 v41, v33;
	v36 =	vld [tilespmem:s3+$0xA030]  }
0x1ad: {  	v31 =	vmul.f32 v38, v31;
	v38 =	vld [tilespmem:s3+$0xB020]  }
0x1ae: {  	v34 =	vadd.f32 v34, v35;
	v33 =	vmul.f32 v16, v33;
	v32 =	vmul.f32 v40, v32;
	v35 =	vld [tilespmem:s3+$0xA040]  }
0x1af: {  	v30 =	vmul.f32 v37, v30;
	v37 =	vld [tilespmem:s3+$0xB030]  }
0x1b0: {  	v33 =	vadd.f32 v33, v34;
	v32 =	vmul.f32 v15, v32;
	v31 =	vmul.f32 v39, v31;
	v34 =	vld [tilespmem:s3+$0xA050]  }
0x1b1: {  	v29 =	vmul.f32 v36, v29;
	v36 =	vld [tilespmem:s3+$0xB040]  }
0x1b2: {  	v32 =	vadd.f32 v32, v33;
	v31 =	vmul.f32 v14, v31;
	v30 =	vmul.f32 v38, v30;
	v33 =	vld [tilespmem:s3+$0xA060]  }
0x1b3: {  	v28 =	vmul.f32 v35, v28;
	v35 =	vld [tilespmem:s3+$0xB050]  }
0x1b4: {  	s16 =	sadd.s32 $0x80, s16;
	s26 =	sadd.s32 $0x100, s26;
	v31 =	vadd.f32 v31, v32;
	v30 =	vmul.f32 v13, v30;
	v29 =	vmul.f32 v37, v29;
	v32 =	vld [tilespmem:s3+$0xA070]  }
0x1b5: {  	s31 =	sand.u32 $0x800, s26;
	s0 =	sand.u32 $0x380, s16;
	v27 =	vmul.f32 v34, v27;
	v34 =	vld [tilespmem:s3+$0xB060]  }
0x1b6: {  	v30 =	vadd.f32 v30, v31;
	v29 =	vmul.f32 v12, v29;
	v28 =	vmul.f32 v36, v28;
	v31 =	vld [tilespmem:s3+$0xB070];
	s3 =	sor.u32 s0, s31  }
0x1b7: {  	v36 =	vld [tilespmem:s3+$0x9070];
	v33 =	vmul.f32 v33, v24  }
0x1b8: {  	v24 =	vld [tilespmem:s3+$0x9060];
	v29 =	vadd.f32 v29, v30;
	v30 =	vmul.f32 v11, v28;
	v35 =	vmul.f32 v35, v27  }
0x1b9: {  	v27 =	vld [tilespmem:s3+$0x9050];
	v37 =	vmul.f32 v32, v25  }
0x1ba: {  	v28 =	vld [tilespmem:s3+$0x9040];
	v32 =	vadd.f32 v30, v29;
	v35 =	vmul.f32 v10, v35;
	v33 =	vmul.f32 v34, v33  }
0x1bb: {  	v29 =	vld [tilespmem:s3+$0x9030]  }
0x1bc: {  	v30 =	vld [tilespmem:s3+$0x9020];
	v34 =	vadd.f32 v35, v32;
	v33 =	vmul.f32 v8, v33;
	v35 =	vmul.f32 v31, v37;
	v25 =	vmovc v36  }
0x1bd: {  	v31 =	vld [tilespmem:s3+$0x9010]  }
0x1be: {  	v32 =	vld [tilespmem:s3+$0x9000];
	v36 =	vadd.f32 v33, v34;
	v35 =	vmul.f32 v9, v35  }
0x1bf: {  	v33 =	vld [tilespmem:s3+$0x8C70]  }
0x1c0: {  	v34 =	vld [tilespmem:s3+$0x8C60];
	v37 =	vadd.f32 v35, v36  }
.Ltmp6:
0x1c1: {  	v35 =	vld [tilespmem:s3+$0x8C50];
	(pc) =	sbr.rel @p1 .LBB2_10-.Ltmp6, $4  }
0x1c2: {  	v36 =	vld [tilespmem:s3+$0x8C40];
	(xrf2) =	vadd.scan.msk.f32 $0xffff, v37  }
0x1c3: {  	v37 =	vld [tilespmem:s3+$0x8C30]  }
0x1c4: {  	v38 =	vld [tilespmem:s3+$0x8C20]  }
0x1c5: {  	s28 =	sadd.s32 $0x1, s28;
	v39 =	vld [tilespmem:s3+$0xAC00]  }
0x1c6: {  	v40 =	vld [tilespmem:s3+$0x8C00]  }
0x1c7: {  	v41 =	vld [tilespmem:s3+$0x9C00]  }
0x1c8: {  	v42 =	vld [tilespmem:s3+$0x8C10]  }
0x1c9: {  	v43 =	vld [tilespmem:s3+$0x9C10]  }
0x1ca: {  	v44 =	vld [tilespmem:s3+$0x9C20]  }
0x1cb: {  	v45 =	vld [tilespmem:s3+$0xAC10]  }
0x1cc: {  	v60 =	vld [tilespmem:s3+$0x9C30];
	v40 =	vmul.f32 v41, v40  }
0x1cd: {  	v46 =	vld [tilespmem:s3+$0xAC20]  }
0x1ce: {  	v62 =	vld [tilespmem:s3+$0x9C40];
	v61 =	vmul.f32 v43, v42;
	v39 =	vmul.f32 v39, v40  }
0x1cf: {  	v63 =	vld [tilespmem:s3+$0xAC30];
	v38 =	vmul.f32 v44, v38  }
0x1d0: {  	v48 =	vld [tilespmem:s3+$0x9C50];
	v47 =	vmul.f32 v45, v61;
	v23 =	vmul.f32 v23, v39  }
0x1d1: {  	v49 =	vld [tilespmem:s3+$0xAC40];
	v37 =	vmul.f32 v60, v37  }
0x1d2: {  	v50 =	vld [tilespmem:s3+$0x9C60];
	v38 =	vmul.f32 v46, v38;
	v22 =	vmul.f32 v22, v47;
	v23 =	vadd.f32 $0.0e+00, v23  }
0x1d3: {  	v51 =	vld [tilespmem:s3+$0xAC50];
	v36 =	vmul.f32 v62, v36  }
0x1d4: {  	v53 =	vld [tilespmem:s3+$0x9C70];
	v52 =	vmul.f32 v63, v37;
	v21 =	vmul.f32 v21, v38;
	v22 =	vadd.f32 v22, v23  }
0x1d5: {  	v54 =	vld [tilespmem:s3+$0xAC60];
	v35 =	vmul.f32 v48, v35  }
0x1d6: {  	v57 =	vld [tilespmem:s3+$0xAC70];
	v55 =	vmul.f32 v49, v36;
	v20 =	vmul.f32 v20, v52;
	v21 =	vadd.f32 v21, v22  }
0x1d7: {  	v56 =	vld [tilespmem:s3+$0xA000];
	v34 =	vmul.f32 v50, v34  }
0x1d8: {  	v59 =	vld [tilespmem:s3+$0xA010];
	v58 =	vmul.f32 v51, v35;
	v19 =	vmul.f32 v19, v55;
	v20 =	vadd.f32 v20, v21  }
0x1d9: {  	v33 =	vmul.f32 v53, v33;
	v60 =	vld [tilespmem:s3+$0xB000]  }
0x1da: {  	v62 =	vld [tilespmem:s3+$0xA020];
	v61 =	vmul.f32 v54, v34;
	v18 =	vmul.f32 v18, v58;
	v19 =	vadd.f32 v19, v20  }
0x1db: {  	v63 =	vld [tilespmem:s3+$0xB010];
	v36 =	vmul.f32 v57, v33  }
0x1dc: {  	v37 =	vld [tilespmem:s3+$0xA030];
	v17 =	vmul.f32 v17, v61;
	v23 =	vmul.f32 v56, v32;
	v18 =	vadd.f32 v18, v19  }
0x1dd: {  	v38 =	vld [tilespmem:s3+$0xB020];
	v16 =	vmul.f32 v16, v36  }
0x1de: {  	v40 =	vld [tilespmem:s3+$0xA040];
	v22 =	vmul.f32 v59, v31;
	v39 =	vmul.f32 v60, v23;
	v17 =	vadd.f32 v17, v18  }
0x1df: {  	v41 =	vld [tilespmem:s3+$0xB030];
	v21 =	vmul.f32 v62, v30  }
0x1e0: {  	v43 =	vld [tilespmem:s3+$0xA050];
	v15 =	vmul.f32 v15, v39;
	v42 =	vmul.f32 v63, v22;
	v16 =	vadd.f32 v16, v17  }
0x1e1: {  	v44 =	vld [tilespmem:s3+$0xB040];
	v20 =	vmul.f32 v37, v29  }
0x1e2: {  	v46 =	vld [tilespmem:s3+$0xA060];
	v14 =	vmul.f32 v14, v42;
	v45 =	vmul.f32 v38, v21;
	v15 =	vadd.f32 v15, v16  }
0x1e3: {  	v47 =	vld [tilespmem:s3+$0xB050];
	v19 =	vmul.f32 v40, v28  }
0x1e4: {  	v49 =	vld [tilespmem:s3+$0xA070];
	v13 =	vmul.f32 v13, v45;
	v48 =	vmul.f32 v41, v20;
	v14 =	vadd.f32 v14, v15  }
0x1e5: {  	v50 =	vld [tilespmem:s3+$0xB060];
	v18 =	vmul.f32 v43, v27  }
0x1e6: {  	v12 =	vmul.f32 v12, v48;
	v51 =	vmul.f32 v44, v19;
	v13 =	vadd.f32 v13, v14  }
0x1e7: {  	v52 =	vld [tilespmem:s3+$0xB070];
	v17 =	vmul.f32 v46, v24  }
0x1e8: {  	v11 =	vmul.f32 v11, v51;
	v53 =	vmul.f32 v47, v18;
	v12 =	vadd.f32 v12, v13  }
0x1e9: {  	v54 =	vmul.f32 v49, v25  }
0x1ea: {  	v10 =	vmul.f32 v10, v53;
	v55 =	vmul.f32 v50, v17;
	v11 =	vadd.f32 v11, v12;
	_ =	sdelay $0x1  }
0x1eb: {  	v56 =	vmul.f32 v52, v54;
	v8 =	vmul.f32 v8, v55;
	v10 =	vadd.f32 v10, v11;
	_ =	sdelay $0x1  }
0x1ec: {  	v9 =	vmul.f32 v9, v56;
	v8 =	vadd.f32 v8, v10;
	_ =	sdelay $0x1  }
0x1ed: {  	v8 =	vadd.f32 v9, v8;
	_ =	sdelay $0x1  }
0x1ee: {  	(xrf2) =	vadd.scan.msk.f32 $0xffff, v8;
	_ =	sdelay $0x8  }
0x1ef: {  	v57, _, _ =	vpop (xrf2);
	v58 =	vld.msk [tilespmem:$0x8180 ss:$0x0], $0xffff  }
0x1f0: {  	s23 =	sadd.s32 $0x1, s23;
	v59 =	vmov s1;
	v8 =	vbroadcast v57, $0xF;
	v60, _, _ =	vpop (xrf2)  }
0x1f1: {  	p1 =	sne.s32 s23, s12;
	v61 =	vmov s5;
	vm2 =	veq.s32 v59, v1;
	v11 =	vbroadcast v60, $0xF  }
.Ltmp7:
0x1f2: {  	vm3 =	vlt.s32 v7, v6;
	v8 =	vsel vm2, v8, v26;
	vm2 =	veq.s32 v61, v1;
	(pc) =	sbr.rel @p1 .LBB2_9-.Ltmp7, $4  }
0x1f3: {  	v62 =	vsel vm3, v7, v6;
	v8 =	vsel vm2, v11, v8  }
0x1f4: {  	[tilespmem:s2+$0x2000] =	vst v7;
	v63 =	vnsel vm1, $0x1000, v62;
	v8 =	vadd.f32 v58, v8  }
0x1f5: {  	[tilespmem:s2+$0x4000] =	vst v6;
	vm1 =	vlt.s32 v2, v63  }
0x1f6: {  	v2 =	vsel vm1, v2, v63;
	[tilespmem:s2+$0x6000] =	vst v8  }
.Ltmp8:
0x1f7: {  	(pc) =	sbr.rel .LBB2_13-.Ltmp8, $3  }
0x1f8: {  	_ =	sdelay $0x1  }
0x1f9: {  	s16 =	rddreg [dreg:$0x5]  }
0x1fa: {  	v1 =	vxor.u32 $0x80000000, v2;
	s23 =	stileid.u32;
	s1 =	rddreg [dreg:$0x10]  }
.LBB2_7:
0x1fb: {  	v1 =	vimm.s32 $0x80001000  }
.LBB2_13:
0x1fc: {  	(xrf0) =	vmin.scan.msk.u32 $0xffff, v1;
	_ =	sdelay $0x5  }
0x1fd: {  	v1, _, _ =	vpop (xrf0)  }
0x1fe: {  	(v2sf) =	vpush v1, $0xF;
	_ =	sdelay $0xe  }
0x1ff: {  	vm0 =	vcmask $0x3F08;
	v1 =	vlaneseq.u32;
	s0 =	spop (v2sf)  }
0x200: {  	v2 =	vsel vm0, $0x0, v0;
	vm15 =	veq.s32 v1, $0x0;
	s0 =	sxor.u32 $0x80000000, s0  }
0x201: {  	v2 =	vsel vm15, s0, v2  }
0x202: {  	s14 =	simm.s32 $0x8200;
	[tilespmem:$0x8200] =	vst v2  }
0x203: {  	[spmem:s1] =	stream.linear.scatter [tilespmem:s14], [sflag:$0x4], $0x80, $0x38;
	[tilespmem:$0x1EC90] =	vst v63  }
0x204: {  	s1 =	simm.s32 $0x4  }
0x205: {  	_ =	swait.ge [sflag:s1], $0x80  }
0x206: {  	[sflag:s1] =	ssyncset.done $0x0  }
0x207: {  	[sflag:s1] =	ssyncadd.s32 $0xFFFFFF80  }
0x208: {  	s15 =	simm.s32 $0x8280;
	[bflag:$0x0] =	sbarrier.arrive $0xFFFF  }
0x209: {  	[tilespmem:s15], [sflag:$0x4] =	stream.linear.gather [spmem:s16], $0x800, $0x38;
	[tilespmem:$0x1EC90] =	vst v63  }
0x20a: {  	_ =	swait.ge [sflag:s1], $0x800  }
0x20b: {  	[sflag:s1] =	ssyncset.done $0x0  }
0x20c: {  	[sflag:s1] =	ssyncadd.s32 $0xFFFFF800  }
0x20d: {  	v2 =	vld [tilespmem:$0x8280];
	_ =	sdelay $0x1  }
0x20e: {  	v3 =	vld [tilespmem:$0x8300];
	_ =	sdelay $0x1  }
0x20f: {  	v4 =	vld [tilespmem:$0x8380]  }
0x210: {  	(v2sf) =	vpush v2, $0x0  }
0x211: {  	(v2sf) =	vpush v2, $0x1;
	v2 =	vld [tilespmem:$0x8400]  }
0x212: {  	(v2sf) =	vpush v3, $0x0  }
0x213: {  	(v2sf) =	vpush v3, $0x1;
	v3 =	vld [tilespmem:$0x8480]  }
0x214: {  	(v2sf) =	vpush v4, $0x0  }
0x215: {  	v60 =	vld [tilespmem:$0x8500];
	(v2sf) =	vpush v4, $0x1  }
0x216: {  	(v2sf) =	vpush v2, $0x0  }
0x217: {  	(v2sf) =	vpush v2, $0x1;
	v2 =	vld [tilespmem:$0x8580]  }
0x218: {  	(v2sf) =	vpush v3, $0x0  }
0x219: {  	(v2sf) =	vpush v3, $0x1  }
0x21a: {  	v3 =	vld [tilespmem:$0x8600];
	(v2sf) =	vpush v60, $0x0  }
0x21b: {  	(v2sf) =	vpush v60, $0x1  }
0x21c: {  	(v2sf) =	vpush v2, $0x0  }
0x21d: {  	v61 =	vld [tilespmem:$0x8680]  }
0x21e: {  	(v2sf) =	vpush v2, $0x1  }
0x21f: {  	v2 =	vld [tilespmem:$0x8700];
	(v2sf) =	vpush v3, $0x0;
	s20 =	spop (v2sf)  }
0x220: {  	s18 =	spop (v2sf)  }
0x221: {  	(v2sf) =	vpush v3, $0x1;
	s21 =	spop (v2sf)  }
0x222: {  	p1 =	seq.s32 s23, $0x0;
	v3 =	vld [tilespmem:$0x8780];
	(v2sf) =	vpush v61, $0x0;
	s7 =	smov.u32 s18;
	s5 =	spop (v2sf)  }
0x223: {  	(v2sf) =	vpush v61, $0x1;
	s7 =	simm.s32 @p1 $0x0;
	s17 =	spop (v2sf)  }
0x224: {  	v62 =	vld [tilespmem:$0x8800];
	(v2sf) =	vpush v2, $0x0;
	[smem:$0x7F0] =	sst s7;
	s16 =	spop (v2sf)  }
0x225: {  	p1 =	sgt.u32 s23, $0x2;
	[dreg:$0x13] =	wrdreg s17;
	s19 =	spop (v2sf)  }
0x226: {  	(v2sf) =	vpush v2, $0x1;
	s7 =	smov.u32 s16;
	[dreg:$0x14] =	wrdreg s19;
	s0 =	spop (v2sf)  }
0x227: {  	v2 =	vld [tilespmem:$0x8880];
	(v2sf) =	vpush v3, $0x0;
	s7 =	simm.s32 @!p1 $0x0;
	p1 =	sgt.u32 s23, $0x3;
	s2 =	spop (v2sf)  }
0x228: {  	(v2sf) =	vpush v3, $0x1;
	s11 =	smov.u32 s0;
	[dreg:$0x15] =	wrdreg s2;
	s2 =	spop (v2sf)  }
0x229: {  	v3 =	vld [tilespmem:$0x8900];
	(v2sf) =	vpush v62, $0x0;
	s11 =	simm.s32 @!p1 $0x0;
	p1 =	sgt.u32 s23, $0x1;
	s3 =	spop (v2sf)  }
0x22a: {  	s11 =	sadd.s32 s11, s7;
	s15 =	smov.u32 s2;
	s6 =	spop (v2sf)  }
0x22b: {  	v63 =	vld [tilespmem:$0x8980];
	(v2sf) =	vpush v62, $0x1;
	[dreg:$0x16] =	wrdreg s3;
	s3 =	smov.u32 s5;
	s22 =	spop (v2sf)  }
0x22c: {  	(v2sf) =	vpush v2, $0x0;
	s3 =	simm.s32 @!p1 $0x0;
	p1 =	sgt.u32 s23, $0x4;
	[dreg:$0x17] =	wrdreg s22  }
0x22d: {  	(v2sf) =	vpush v2, $0x1;
	s22 =	spop (v2sf);
	[smem:$0x7F1] =	sst s3;
	s15 =	simm.s32 @!p1 $0x0  }
0x22e: {  	(v2sf) =	vpush v3, $0x0;
	p1 =	sgt.u32 s23, $0x5;
	s3 =	smov.u32 s6;
	s24 =	spop (v2sf)  }
0x22f: {  	v2 =	vld [tilespmem:$0x8A00];
	(v2sf) =	vpush v3, $0x1;
	s3 =	simm.s32 @!p1 $0x0;
	p1 =	sgt.u32 s23, $0x6;
	[dreg:$0x18] =	wrdreg s24  }
0x230: {  	(v2sf) =	vpush v63, $0x0;
	s24 =	spop (v2sf);
	[smem:$0x7F2] =	sst s3;
	s3 =	smov.u32 s22  }
0x231: {  	s11 =	sadd.s32 s15, s11;
	s25 =	spop (v2sf);
	s3 =	simm.s32 @!p1 $0x0  }
0x232: {  	p1 =	sgt.u32 s23, $0x7;
	[dreg:$0x19] =	wrdreg s25;
	s25 =	spop (v2sf)  }
0x233: {  	(v2sf) =	vpush v63, $0x1;
	[smem:$0x7F3] =	sst s3;
	s3 =	smov.u32 s24;
	s26 =	spop (v2sf)  }
0x234: {  	(v2sf) =	vpush v2, $0x0;
	s3 =	simm.s32 @!p1 $0x0;
	p1 =	sgt.u32 s23, $0x8;
	[dreg:$0x1a] =	wrdreg s26  }
0x235: {  	s26 =	spop (v2sf);
	[smem:$0x7F4] =	sst s3;
	s3 =	smov.u32 s25  }
0x236: {  	[smem:$0x7FC] =	sst s11;
	(v2sf) =	vpush v2, $0x1;
	s31 =	spop (v2sf);
	s3 =	simm.s32 @!p1 $0x0  }
0x237: {  	p1 =	sgt.u32 s23, $0x9;
	[dreg:$0x1b] =	wrdreg s31;
	s28 =	spop (v2sf)  }
0x238: {  	[smem:$0x7F5] =	sst s3;
	s3 =	smov.u32 s26;
	s7 =	spop (v2sf)  }
0x239: {  	s3 =	simm.s32 @!p1 $0x0;
	p1 =	sgt.u32 s23, $0xA;
	[dreg:$0x1c] =	wrdreg s7  }
0x23a: {  	s29 =	spop (v2sf);
	[smem:$0x7F6] =	sst s3;
	s3 =	smov.u32 s28  }
0x23b: {  	s14 =	spop (v2sf);
	s3 =	simm.s32 @!p1 $0x0;
	p1 =	sgt.u32 s23, $0xB  }
0x23c: {  	s7 =	spop (v2sf);
	[smem:$0x7F7] =	sst s3;
	s3 =	smov.u32 s29  }
0x23d: {  	[dreg:$0x1d] =	wrdreg s14;
	s17 =	spop (v2sf);
	s3 =	simm.s32 @!p1 $0x0  }
0x23e: {  	p1 =	sgt.u32 s23, $0xC;
	[dreg:$0x1e] =	wrdreg s17;
	s14 =	spop (v2sf)  }
0x23f: {  	[smem:$0x7F8] =	sst s3;
	s3 =	smov.u32 s7;
	s19 =	spop (v2sf)  }
0x240: {  	s3 =	simm.s32 @!p1 $0x0;
	p1 =	sgt.u32 s23, $0xD;
	[dreg:$0x1f] =	wrdreg s19  }
.Ltmp9:
0x241: {  	[smem:$0x7F9] =	sst s3;
	s3 =	smov.u32 s14;
	(pc) =	sbr.rel @p0 .LBB2_17-.Ltmp9, $4  }
0x242: {  	s17 =	spop (v2sf);
	s3 =	simm.s32 @!p1 $0x0;
	p1 =	seq.s32 s23, $0xF  }
0x243: {  	s31 =	spop (v2sf);
	[smem:$0x7FA] =	sst s3;
	s3 =	smov.u32 s17  }
0x244: {  	[smem:$0x7FB] =	sst s31;
	s3 =	simm.s32 @!p1 $0x0  }
0x245: {  	s30 =	spop (v2sf);
	[smem:$0x7FD] =	sst s3  }
0x246: {  	[smem:$0x7EF] =	sst s18  }
0x247: {  	[dreg:$0x12] =	wrdreg s21  }
0x248: {  	[dreg:$0x11] =	wrdreg s20  }
0x249: {  	s3 =	sld [smem:$0x7F2]  }
0x24a: {  	s11 =	sld [smem:$0x7FC]  }
0x24b: {  	s20 =	sld [smem:$0x7F3]  }
0x24c: {  	s21 =	sld [smem:$0x7F4]  }
0x24d: {  	s23 =	sld [smem:$0x7F5];
	s11 =	sadd.s32 s3, s11  }
0x24e: {  	s15 =	sld [smem:$0x7F6];
	s11 =	sadd.s32 s20, s11  }
0x24f: {  	s18 =	sld [smem:$0x7F7];
	s11 =	sadd.s32 s21, s11  }
0x250: {  	s19 =	sld [smem:$0x7F8];
	s11 =	sadd.s32 s23, s11  }
0x251: {  	s20 =	sld [smem:$0x7F9];
	s11 =	sadd.s32 s15, s11  }
0x252: {  	s21 =	sld [smem:$0x7FA];
	s11 =	sadd.s32 s18, s11  }
0x253: {  	s23 =	sld [smem:$0x7FD];
	s11 =	sadd.s32 s19, s11  }
0x254: {  	s19 =	sld [smem:$0x7F1];
	s15 =	sadd.s32 s20, s11;
	s11 =	simm.s32 $0x2000  }
0x255: {  	s18 =	simm.s32 $0x4000;
	s20 =	sld [smem:$0x7F0];
	s15 =	sadd.s32 s21, s15;
	v2 =	vld [tilespmem:s11+$0x0]  }
0x256: {  	v3 =	vld [tilespmem:s18+$0x0];
	s15 =	sadd.s32 s23, s15  }
0x257: {  	s15 =	sadd.s32 s19, s15  }
0x258: {  	s21 =	simm.s32 $0x0;
	s19 =	sadd.s32 s20, s15  }
0x259: {  	v4 =	vor.u32 s21, v1;
	s23 =	sadd.s32 $0x0, s19  }
0x25a: {  	p1 =	sne.s32 s12, $0x1;
	vm0 =	vlt.s32 v4, v0;
	v2 =	vshll.u32 v2, $0xC;
	v63 =	vadd.s32 s23, v1  }
.Ltmp10:
0x25b: {  	v2 =	vadd.s32 v3, v2;
	v3 =	vnsel vm0, $0x1FFFF, v63;
	(pc) =	sbr.rel @!p1 .LBB2_16-.Ltmp10, $4  }
0x25c: {  	v2 =	vnsel vm0, $0x0, v2;
	[tilespmem:$0xBC80] =	vst v3  }
0x25d: {  	s31 =	simm.s32 $0x10;
	s21 =	simm.s32 $0xBC80;
	s20 =	simm.s32 $0xBC00;
	[tilespmem:$0xBC00] =	vst v2  }
0x25e: {  	[hbm4b:s9+s31] =	stream.indirect.scatter [tilespmem:s21], [sflag:$0x4], $0x1, s20, s31, $0xb8;
	[tilespmem:$0x1EC90] =	vst v63  }
0x25f: {  	s15 =	simm.s32 $0x10;
	s23 =	sadd.s32 $0xFFFFFFFF, s12;
	_ =	swait.ge [sflag:s1], $0x10  }
.LBB2_15:
0x260: {  	[sflag:s1] =	ssyncset.done $0x0;
	s11 =	sadd.s32 $0x10, s11;
	s18 =	sadd.s32 $0x10, s18  }
0x261: {  	p1 =	sne.s32 s23, $0x1;
	s23 =	sadd.s32 $0xFFFFFFFF, s23;
	[sflag:s1] =	ssyncadd.s32 $0xFFFFFFF0  }
0x262: {  	v2 =	vld [tilespmem:s11+$0x0]  }
0x263: {  	v3 =	vld [tilespmem:s18+$0x0];
	_ =	sdelay $0x2  }
0x264: {  	v4 =	vor.u32 s15, v1;
	s3 =	sadd.s32 s15, s19  }
0x265: {  	vm0 =	vlt.s32 v4, v0;
	v4 =	vadd.s32 s3, v1;
	v2 =	vshll.u32 v2, $0xC  }
.Ltmp11:
0x266: {  	v2 =	vadd.s32 v3, v2;
	v3 =	vnsel vm0, $0x1FFFF, v4;
	(pc) =	sbr.rel @p1 .LBB2_15-.Ltmp11, $4  }
0x267: {  	v2 =	vnsel vm0, $0x0, v2;
	[tilespmem:$0xBC80] =	vst v3  }
0x268: {  	[tilespmem:$0xBC00] =	vst v2  }
0x269: {  	[hbm4b:s9+s31] =	stream.indirect.scatter [tilespmem:s21], [sflag:$0x4], $0x1, s20, s31, $0xb8;
	[tilespmem:$0x1EC90] =	vst v63  }
0x26a: {  	s15 =	sadd.s32 $0x10, s15;
	_ =	swait.ge [sflag:s1], $0x10  }
.LBB2_16:
0x26b: {  	s20 =	rddreg [dreg:$0x11]  }
0x26c: {  	[sflag:s1] =	ssyncset.done $0x0;
	s21 =	rddreg [dreg:$0x12]  }
0x26d: {  	s23 =	stileid.u32;
	s18 =	sld [smem:$0x7EF];
	[sflag:s1] =	ssyncadd.s32 $0xFFFFFFF0  }
.LBB2_17:
0x26e: {  	_ =	sdelay $0x1  }
0x26f: {  	s1 =	sadd.s32 s5, s18  }
0x270: {  	s1 =	sadd.s32 s16, s1  }
0x271: {  	s0 =	sadd.s32 s0, s1  }
0x272: {  	s0 =	sadd.s32 s2, s0  }
0x273: {  	s0 =	sadd.s32 s6, s0  }
0x274: {  	s0 =	sadd.s32 s22, s0  }
0x275: {  	s0 =	sadd.s32 s24, s0  }
0x276: {  	s0 =	sadd.s32 s25, s0  }
0x277: {  	s0 =	sadd.s32 s26, s0  }
0x278: {  	s0 =	sadd.s32 s28, s0  }
0x279: {  	s0 =	sadd.s32 s29, s0  }
0x27a: {  	s0 =	sadd.s32 s7, s0  }
0x27b: {  	s0 =	sadd.s32 s14, s0  }
0x27c: {  	s0 =	sadd.s32 s17, s0  }
0x27d: {  	s0 =	sadd.s32 s30, s0  }
0x27e: {  	s0 =	sadd.s32 $0x3FFF, s0  }
0x27f: {  	s28 =	sand.u32 $0x3FFF, s0  }
0x280: {  	s29 =	sshra.s32 s0, $0x1F;
	p1 =	slt.s32 s0, $0x1;
	p2 =	sne.s32 s28, $0x0  }
0x281: {  	s30 =	sshrl.u32 s29, $0x12;
	p1 =	por !p1, !p2  }
0x282: {  	s1 =	simm.s32 $0x1;
	s0 =	sadd.s32 s30, s0;
	p1 =	por !p1, !p1  }
0x283: {  	s0 =	sshra.s32 s0, $0xE;
	s1 =	simm.s32 @!p1 $0x0  }
0x284: {  	s5 =	ssub.s32 s0, s1  }
0x285: {  	p1 =	slt.s32 s5, $0x1  }
.Ltmp12:
0x286: {  	_ = 	snop;
	(pc) =	sbr.rel @p1 .LBB2_24-.Ltmp12, $4  }
0x287: {  	s31 =	sshll.u32 s23, $0x5  }
0x288: {  	[smem:$0x7EE] =	sst s31  }
0x289: {  	[bflag:$0x0] =	sbarrier.arrive $0xFFFF  }
0x28a: {  	s3 =	sshll.u32 s23, $0xC;
	s16 =	simm.s32 $0x1;
	s15 =	rddreg [dreg:$0xf]  }
.Ltmp13:
0x28b: {  	s25 =	sadd.s32 s15, s13;
	(pc) =	sbr.rel .LBB2_19-.Ltmp13, $4  }
0x28c: {  	s30 =	simm.s32 $0x0;
	p1 =	sgt.s32 s12, $0x0;
	s31 =	simm.s32 $0xE680  }
0x28d: {  	s1 =	simm.s32 $0x4;
	s0 =	simm.s32 $0x10;
	s2 =	simm.s32 $0xBC00  }
0x28e: {  	s22 =	simm.s32 $0x8A80;
	s24 =	simm.s32 $0xBC80;
	s6 =	simm.s32 $0xBD00  }
0x28f: {  	v1 =	vlaneseq.u32;
	v2 =	vimm.s32 $0x0;
	s26 =	sadd.s32 $0x100, s25;
	s28 =	sadd.s32 $0x200, s25;
	s29 =	sadd.s32 $0x300, s25  }
.LBB2_22:
0x290: {  	[sflag:s1] =	ssyncadd.s32 $0xFFFFFFF0  }
.LBB2_23:
0x291: {  	s7 =	sor.u32 s15, s17  }
0x292: {  	[bflag:$0x0] =	sbarrier.arrive $0xFFFF;
	s11 =	sshll.u32 s23, $0x6;
	s30 =	sadd.s32 $0x1, s30  }
0x293: {  	s14 =	sshrl.u32 s25, $0x3;
	s7 =	sshrl.u32 s7, $0x3;
	p2 =	sne.s32 s30, s5  }
.Ltmp14:
0x294: {  	s11 =	sor.u32 $0x1C04, s11;
	s7 =	sadd.s32 s10, s7;
	(pc) =	sbr.rel @!p2 .LBB2_24-.Ltmp14, $4  }
0x295: {  	[hbm:s7], [sflag:s11] =	dma.local [spmem:s14], $0x80  }
0x296: {  	_ =	swait.ge [sflag:s1], $0x80  }
0x297: {  	[sflag:s1] =	ssyncset.done $0x0  }
0x298: {  	[sflag:s1] =	ssyncadd.s32 $0xFFFFFF80  }
.LBB2_19:
0x299: {  	[spmem:s25] =	stream.linear.scatter [tilespmem:s31], [sflag:$0x4], $0x100, $0x38;
	[tilespmem:$0x1EC90] =	vst v63  }
0x29a: {  	_ =	swait.ge [sflag:s1], $0x100  }
0x29b: {  	[sflag:s1] =	ssyncset.done $0x0  }
0x29c: {  	[sflag:s1] =	ssyncadd.s32 $0xFFFFFF00  }
0x29d: {  	[spmem:s26] =	stream.linear.scatter [tilespmem:s31], [sflag:$0x4], $0x100, $0x38;
	[tilespmem:$0x1EC90] =	vst v63  }
0x29e: {  	_ =	swait.ge [sflag:s1], $0x100  }
0x29f: {  	[sflag:s1] =	ssyncset.done $0x0  }
0x2a0: {  	[sflag:s1] =	ssyncadd.s32 $0xFFFFFF00  }
0x2a1: {  	[spmem:s28] =	stream.linear.scatter [tilespmem:s31], [sflag:$0x4], $0x100, $0x38;
	[tilespmem:$0x1EC90] =	vst v63  }
0x2a2: {  	_ =	swait.ge [sflag:s1], $0x100  }
0x2a3: {  	[sflag:s1] =	ssyncset.done $0x0  }
0x2a4: {  	[sflag:s1] =	ssyncadd.s32 $0xFFFFFF00  }
0x2a5: {  	[spmem:s29] =	stream.linear.scatter [tilespmem:s31], [sflag:$0x4], $0x100, $0x38;
	[tilespmem:$0x1EC90] =	vst v63  }
.Ltmp15:
0x2a6: {  	_ =	swait.ge [sflag:s1], $0x100;
	(pc) =	sbr.rel @!p1 .LBB2_23-.Ltmp15, $4  }
0x2a7: {  	[sflag:s1] =	ssyncset.done $0x0  }
0x2a8: {  	[sflag:s1] =	ssyncadd.s32 $0xFFFFFF00  }
0x2a9: {  	[bflag:$0x0] =	sbarrier.arrive $0xFFFF  }
0x2aa: {  	s17 =	sshll.u32 s30, $0xE  }
0x2ab: {  	s14 =	simm.s32 $0x2000  }
0x2ac: {  	s7 =	simm.s32 $0x4000;
	v3 =	vld [tilespmem:s14+$0x0]  }
0x2ad: {  	v4 =	vld [tilespmem:s7+$0x0];
	_ =	sdelay $0x2  }
0x2ae: {  	s11 =	simm.s32 $0x0  }
0x2af: {  	v5 =	vor.u32 s11, v1;
	v3 =	vshll.u32 v3, $0xC  }
0x2b0: {  	vm0 =	vlt.s32 v5, v0;
	v3 =	vadd.s32 v4, v3  }
0x2b1: {  	s19 =	simm.s32 $0x6000;
	v3 =	vnsel vm0, $0x0, v3  }
0x2b2: {  	v5 =	vld [tilespmem:s19+$0x0];
	[tilespmem:$0xBC00] =	vst v3  }
0x2b3: {  	[tilespmem:s22], [sflag:$0x1] =	stream.indirect.gather [hbm4b:s9+s0], $0x1, s2, s0, $0xb8;
	[tilespmem:$0x1EC90] =	vst v63  }
0x2b4: {  	_ =	swait.ge [sflag:s16], $0x10  }
0x2b5: {  	[sflag:s16] =	ssyncset.done $0x0  }
0x2b6: {  	[sflag:s16] =	ssyncadd.s32 $0xFFFFFFF0  }
0x2b7: {  	v6 =	vld [tilespmem:$0x8A80];
	_ =	sdelay $0x4  }
0x2b8: {  	v3 =	vshra.s32 v6, $0x1F;
	v4 =	vand.u32 $0x3FFF, v6  }
0x2b9: {  	vm1 =	vlt.s32 v6, $0x1;
	v3 =	vshrl.u32 v3, $0x12;
	vm2 =	vne.s32 v4, $0x0  }
0x2ba: {  	v3 =	vadd.s32 v3, v6;
	vm1 =	vmand vm1, vm2  }
0x2bb: {  	s17 =	sshll.u32 s30, $0xE;
	v7 =	vshra.s32 v3, $0xE;
	v8 =	vsel vm1, $0xFFFFFFFF, v2  }
0x2bc: {  	v4 =	vmov s17;
	v3 =	vmov s30;
	v7 =	vadd.s32 v8, v7  }
0x2bd: {  	v6 =	vsub.s32 v6, v4;
	vm15 =	veq.s32 v7, v3  }
0x2be: {  	p2 =	sne.s32 s12, $0x1;
	v6 =	vnsel vm15, $0x0, v6;
	vm0 =	vmand vm0, vm15  }
.Ltmp16:
0x2bf: {  	[tilespmem:$0xBC80] =	vst v6;
	v5 =	vnsel vm0, $0x0, v5;
	(pc) =	sbr.rel @!p2 .LBB2_22-.Ltmp16, $4  }
0x2c0: {  	[tilespmem:$0xBD00] =	vst v5  }
0x2c1: {  	[spmem:s13] =	stream.indirect.scatter.add.f32 [tilespmem:s6], [sflag:$0x4], $0x1, s24, s0, $0xb8;
	[tilespmem:$0x1EC90] =	vst v63  }
0x2c2: {  	s18 =	simm.s32 $0x6010;
	_ =	swait.ge [sflag:s1], $0x10  }
0x2c3: {  	s11 =	sadd.s32 $0xFFFFFFFF, s12;
	s19 =	simm.s32 $0x10;
	[sflag:s1] =	ssyncset.done $0x0  }
.LBB2_21:
0x2c4: {  	[sflag:s1] =	ssyncadd.s32 $0xFFFFFFF0;
	s14 =	sadd.s32 $0x10, s14;
	s7 =	sadd.s32 $0x10, s7  }
0x2c5: {  	p2 =	sne.s32 s11, $0x1;
	s11 =	sadd.s32 $0xFFFFFFFF, s11;
	v5 =	vld [tilespmem:s14+$0x0]  }
0x2c6: {  	v6 =	vld [tilespmem:s7+$0x0];
	_ =	sdelay $0x3  }
0x2c7: {  	v7 =	vor.u32 s19, v1;
	v5 =	vshll.u32 v5, $0xC  }
0x2c8: {  	vm0 =	vlt.s32 v7, v0;
	v5 =	vadd.s32 v6, v5  }
0x2c9: {  	v6 =	vld [tilespmem:s18+$0x0];
	v5 =	vnsel vm0, $0x0, v5  }
0x2ca: {  	[tilespmem:$0xBC00] =	vst v5  }
0x2cb: {  	[tilespmem:s22], [sflag:$0x1] =	stream.indirect.gather [hbm4b:s9+s0], $0x1, s2, s0, $0xb8;
	[tilespmem:$0x1EC90] =	vst v63  }
0x2cc: {  	_ =	swait.ge [sflag:s16], $0x10  }
0x2cd: {  	[sflag:s16] =	ssyncset.done $0x0  }
0x2ce: {  	[sflag:s16] =	ssyncadd.s32 $0xFFFFFFF0  }
0x2cf: {  	v5 =	vld [tilespmem:$0x8A80];
	_ =	sdelay $0x4  }
0x2d0: {  	v7 =	vshra.s32 v5, $0x1F;
	v8 =	vand.u32 $0x3FFF, v5  }
0x2d1: {  	vm1 =	vlt.s32 v5, $0x1;
	v7 =	vshrl.u32 v7, $0x12;
	vm2 =	vne.s32 v8, $0x0  }
0x2d2: {  	v7 =	vadd.s32 v7, v5;
	vm1 =	vmand vm1, vm2  }
0x2d3: {  	v7 =	vshra.s32 v7, $0xE;
	v8 =	vsel vm1, $0xFFFFFFFF, v2  }
0x2d4: {  	v7 =	vadd.s32 v8, v7  }
0x2d5: {  	v5 =	vsub.s32 v5, v4;
	vm1 =	veq.s32 v7, v3  }
0x2d6: {  	v5 =	vnsel vm1, $0x0, v5;
	vm0 =	vmand vm0, vm1  }
.Ltmp17:
0x2d7: {  	[tilespmem:$0xBC80] =	vst v5;
	v5 =	vnsel vm0, $0x0, v6;
	(pc) =	sbr.rel @p2 .LBB2_21-.Ltmp17, $4  }
0x2d8: {  	[tilespmem:$0xBD00] =	vst v5  }
0x2d9: {  	[spmem:s13] =	stream.indirect.scatter.add.f32 [tilespmem:s6], [sflag:$0x4], $0x1, s24, s0, $0xb8;
	[tilespmem:$0x1EC90] =	vst v63  }
0x2da: {  	_ =	swait.ge [sflag:s1], $0x10  }
0x2db: {  	s19 =	sadd.s32 $0x10, s19;
	s18 =	sadd.s32 $0x10, s18;
	[sflag:s1] =	ssyncset.done $0x0  }
.Ltmp18:
0x2dc: {  	_ = 	snop;
	(pc) =	sbr.rel .LBB2_22-.Ltmp18, $1  }
0x2dd: {  	_ =	sdelay $0x3  }
.LBB2_24:
.Ltmp19:
0x2de: {  	s25 =	rddreg [dreg:$0x9];
	(pc) =	sbr.rel @p0 .LBB2_31-.Ltmp19, $4  }
0x2df: {  	s0 =	sld [smem:$0x7EE]  }
0x2e0: {  	s30 =	rddreg [dreg:$0xd]  }
0x2e1: {  	s31 =	rddreg [dreg:$0xe];
	[bflag:$0x0] =	sbarrier.arrive $0xFFFF  }
0x2e2: {  	s28 =	sadd.s32 s30, s3;
	s26 =	sadd.s32 s31, s3;
	s1 =	sadd.s32 s25, s0  }
0x2e3: {  	s3 =	simm.s32 $0x2000  }
0x2e4: {  	s5 =	simm.s32 $0x4000;
	v3 =	vld [tilespmem:s3+$0x0]  }
0x2e5: {  	s0 =	sld [smem:$0x7F2];
	v4 =	vld [tilespmem:s5+$0x0]  }
0x2e6: {  	s2 =	sld [smem:$0x7FC]  }
0x2e7: {  	s13 =	sld [smem:$0x7F3]  }
0x2e8: {  	v1 =	vlaneseq.u32;
	s6 =	simm.s32 $0x0;
	s14 =	sld [smem:$0x7F4]  }
0x2e9: {  	s15 =	sld [smem:$0x7F5];
	s7 =	simm.s32 $0x6000;
	v2 =	vor.u32 s6, v1;
	v5 =	vshll.u32 v3, $0xC  }
0x2ea: {  	s16 =	sld [smem:$0x7F6];
	s11 =	simm.s32 $0x10;
	vm0 =	vlt.s32 v2, v0;
	s0 =	sadd.s32 s0, s2;
	v2 =	vadd.s32 v4, v5  }
0x2eb: {  	s18 =	simm.s32 $0x8A80;
	s17 =	sld [smem:$0x7F7];
	s0 =	sadd.s32 s13, s0;
	v2 =	vnsel vm0, $0x0, v2  }
0x2ec: {  	v60 =	vld [tilespmem:s7+$0x0];
	s13 =	simm.s32 $0xBC00;
	s0 =	sadd.s32 s14, s0;
	s14 =	simm.s32 $0x1;
	[tilespmem:$0xBC00] =	vst v2  }
0x2ed: {  	[tilespmem:s18], [sflag:$0x1] =	stream.indirect.gather [hbm4b:s9+s11], $0x1, s13, s11, $0xb8;
	[tilespmem:$0x1EC90] =	vst v63  }
0x2ee: {  	s19 =	sld [smem:$0x7F8];
	s0 =	sadd.s32 s15, s0;
	_ =	swait.ge [sflag:s14], $0x10  }
0x2ef: {  	s0 =	sadd.s32 s16, s0;
	s22 =	sld [smem:$0x7F9]  }
0x2f0: {  	s0 =	sadd.s32 s17, s0;
	s24 =	sld [smem:$0x7FA]  }
0x2f1: {  	s0 =	sadd.s32 s19, s0;
	s29 =	sld [smem:$0x7FD]  }
0x2f2: {  	[sflag:s14] =	ssyncset.done $0x0;
	s30 =	sld [smem:$0x7F1];
	s0 =	sadd.s32 s22, s0  }
0x2f3: {  	s31 =	sld [smem:$0x7F0];
	[sflag:s14] =	ssyncadd.s32 $0xFFFFFFF0;
	s0 =	sadd.s32 s24, s0  }
0x2f4: {  	v2 =	vld [tilespmem:$0x8A80];
	s0 =	sadd.s32 s29, s0  }
0x2f5: {  	s0 =	sadd.s32 s30, s0  }
0x2f6: {  	s17 =	sadd.s32 s31, s0  }
0x2f7: {  	s0 =	sadd.s32 $0x0, s17  }
0x2f8: {  	v6 =	vadd.s32 s0, v1  }
0x2f9: {  	vm1 =	veq.s32 v2, v6  }
0x2fa: {  	vm1 =	vmand vm0, vm1  }
0x2fb: {  	v2 =	vnsel vm1, $0x0, v6  }
0x2fc: {  	s16 =	simm.s32 $0xBC80;
	s22 =	simm.s32 $0xDE00;
	s24 =	simm.s32 $0x2;
	[tilespmem:$0xBC80] =	vst v2  }
0x2fd: {  	[tilespmem:s22], [sflag:$0x2] =	stream.indirect.gather [hbm4b:s10+s11], $0x1, s16, s11, $0xb8;
	[tilespmem:$0x1EC90] =	vst v63  }
0x2fe: {  	p0 =	slt.s32 s20, s21;
	_ =	swait.ge [sflag:s24], $0x10  }
0x2ff: {  	s21 =	smov.u32 @p0 s20;
	s0 =	rddreg [dreg:$0x13]  }
0x300: {  	[sflag:s24] =	ssyncset.done $0x0;
	p0 =	slt.s32 s21, s0  }
0x301: {  	s2 =	rddreg [dreg:$0x14];
	[sflag:s24] =	ssyncadd.s32 $0xFFFFFFF0;
	s0 =	smov.u32 @p0 s21  }
0x302: {  	v2 =	vld [tilespmem:$0xDE00];
	p0 =	slt.s32 s0, s2  }
0x303: {  	s2 =	smov.u32 @p0 s0;
	s0 =	rddreg [dreg:$0x15]  }
0x304: {  	p0 =	slt.s32 s2, s0  }
0x305: {  	s0 =	smov.u32 @p0 s2;
	s2 =	rddreg [dreg:$0x16]  }
0x306: {  	p0 =	slt.s32 s0, s2  }
0x307: {  	v2 =	vsel vm1, v2, v60;
	s2 =	smov.u32 @p0 s0;
	s0 =	rddreg [dreg:$0x17]  }
0x308: {  	v2 =	vsub.f32 $0.0e+00, v2;
	p0 =	slt.s32 s2, s0  }
0x309: {  	s0 =	smov.u32 @p0 s2;
	s2 =	rddreg [dreg:$0x18]  }
0x30a: {  	v2 =	vmul.f32 $1.442695020e+00, v2;
	p0 =	slt.s32 s0, s2  }
0x30b: {  	s2 =	smov.u32 @p0 s0;
	s0 =	rddreg [dreg:$0x19]  }
0x30c: {  	(erf) = vpow2.f32 v2;
	p0 =	slt.s32 s2, s0  }
0x30d: {  	s0 =	smov.u32 @p0 s2;
	s2 =	rddreg [dreg:$0x1a]  }
0x30e: {  	p0 =	slt.s32 s0, s2  }
0x30f: {  	s2 =	smov.u32 @p0 s0;
	s0 =	rddreg [dreg:$0x1b]  }
0x310: {  	p0 =	slt.s32 s2, s0  }
0x311: {  	s0 =	smov.u32 @p0 s2;
	s2 =	rddreg [dreg:$0x1c]  }
0x312: {  	p0 =	slt.s32 s0, s2  }
0x313: {  	s2 =	smov.u32 @p0 s0;
	s0 =	rddreg [dreg:$0x1d]  }
0x314: {  	p0 =	slt.s32 s2, s0  }
0x315: {  	v2 =	vpop (erf);
	s0 =	smov.u32 @p0 s2;
	s2 =	rddreg [dreg:$0x1e]  }
0x316: {  	v2 =	vadd.f32 $1.000000000e+00, v2;
	p0 =	slt.s32 s0, s2  }
0x317: {  	s2 =	smov.u32 @p0 s0;
	s0 =	rddreg [dreg:$0x1f]  }
0x318: {  	(erf) = vrcp.f32 v2;
	p0 =	slt.s32 s2, s0  }
0x319: {  	s0 =	smov.u32 @p0 s2;
	s2 =	sld [smem:$0x7FB];
	_ =	sdelay $0x2  }
0x31a: {  	p0 =	slt.s32 s0, s2  }
0x31b: {  	s2 =	smov.u32 @p0 s0  }
0x31c: {  	p0 =	slt.s32 s2, $0x1000  }
0x31d: {  	s2 =	simm.s32 @!p0 $0x1000  }
0x31e: {  	v4 =	vsel vm1, v4, v3;
	v2 =	vmov s2  }
0x31f: {  	vm1 =	vne.s32 v3, v4;
	v7 =	vpop (erf);
	v62 =	vsub.s32 v3, v2  }
0x320: {  	v61 =	vsub.s32 v4, v2;
	v3 =	vadd.f32 $-5.000000000e-01, v7;
	v63 =	vnsel vm0, $0x0, v62  }
0x321: {  	vm1 =	vmand vm0, vm1;
	v5 =	vnsel vm0, $0x0, v61;
	[tilespmem:s3+$0x0] =	vst v63  }
0x322: {  	p0 =	sne.s32 s12, $0x1;
	v3 =	vnsel vm1, $0x0, v3;
	[tilespmem:s5+$0x0] =	vst v5  }
.Ltmp20:
0x323: {  	[tilespmem:s7+$0x0] =	vst v3;
	(pc) =	sbr.rel @!p0 .LBB2_27-.Ltmp20, $4  }
0x324: {  	[tilespmem:$0xBC00] =	vst v63  }
0x325: {  	s20 =	simm.s32 $0x10;
	s0 =	simm.s32 $0x4;
	s2 =	simm.s32 $0xBD00;
	[tilespmem:$0xBD00] =	vst v3  }
0x326: {  	[spmem:s8] =	stream.indirect.scatter.add.f32 [tilespmem:s2], [sflag:$0x4], $0x1, s13, s11, $0xb8;
	[tilespmem:$0x1EC90] =	vst v63  }
0x327: {  	s15 =	sadd.s32 $0xFFFFFFFF, s12;
	s19 =	simm.s32 $0x6010;
	_ =	swait.ge [sflag:s0], $0x10  }
.LBB2_26:
0x328: {  	[sflag:s0] =	ssyncset.done $0x0;
	s3 =	sadd.s32 $0x10, s3;
	s5 =	sadd.s32 $0x10, s5  }
0x329: {  	p0 =	sne.s32 s15, $0x1;
	s15 =	sadd.s32 $0xFFFFFFFF, s15;
	[sflag:s0] =	ssyncadd.s32 $0xFFFFFFF0  }
0x32a: {  	v3 =	vld [tilespmem:s3+$0x0]  }
0x32b: {  	v4 =	vld [tilespmem:s5+$0x0];
	_ =	sdelay $0x3  }
0x32c: {  	v5 =	vor.u32 s20, v1;
	v6 =	vshll.u32 v3, $0xC  }
0x32d: {  	vm0 =	vlt.s32 v5, v0;
	v5 =	vadd.s32 v4, v6  }
0x32e: {  	v6 =	vld [tilespmem:s19+$0x0];
	v5 =	vnsel vm0, $0x0, v5  }
0x32f: {  	[tilespmem:$0xBC00] =	vst v5  }
0x330: {  	[tilespmem:s18], [sflag:$0x1] =	stream.indirect.gather [hbm4b:s9+s11], $0x1, s13, s11, $0xb8;
	[tilespmem:$0x1EC90] =	vst v63  }
0x331: {  	_ =	swait.ge [sflag:s14], $0x10  }
0x332: {  	[sflag:s14] =	ssyncset.done $0x0  }
0x333: {  	[sflag:s14] =	ssyncadd.s32 $0xFFFFFFF0  }
0x334: {  	v5 =	vld [tilespmem:$0x8A80];
	_ =	sdelay $0x2  }
0x335: {  	s21 =	sadd.s32 s20, s17  }
0x336: {  	v7 =	vadd.s32 s21, v1  }
0x337: {  	vm1 =	veq.s32 v5, v7  }
0x338: {  	vm2 =	vmand vm0, vm1  }
0x339: {  	v5 =	vnsel vm2, $0x0, v7;
	v4 =	vsel vm2, v4, v3  }
0x33a: {  	[tilespmem:$0xBC80] =	vst v5;
	v5 =	vsub.s32 v4, v2;
	vm1 =	vne.s32 v3, v4  }
0x33b: {  	[tilespmem:s22], [sflag:$0x2] =	stream.indirect.gather [hbm4b:s10+s11], $0x1, s16, s11, $0xb8;
	vm1 =	vmand vm0, vm1;
	v4 =	vnsel vm0, $0x0, v5;
	[tilespmem:$0x1EC90] =	vst v63  }
0x33c: {  	_ =	swait.ge [sflag:s24], $0x10  }
0x33d: {  	[sflag:s24] =	ssyncset.done $0x0  }
0x33e: {  	[sflag:s24] =	ssyncadd.s32 $0xFFFFFFF0  }
0x33f: {  	v5 =	vld [tilespmem:$0xDE00];
	_ =	sdelay $0x4  }
0x340: {  	v5 =	vsel vm2, v5, v6  }
0x341: {  	v5 =	vsub.f32 $0.0e+00, v5;
	_ =	sdelay $0x1  }
0x342: {  	v5 =	vmul.f32 $1.442695020e+00, v5;
	_ =	sdelay $0x1  }
0x343: {  	(erf) = vpow2.f32 v5;
	_ =	sdelay $0x8  }
0x344: {  	v5 =	vpop (erf)  }
0x345: {  	v5 =	vadd.f32 $1.000000000e+00, v5;
	_ =	sdelay $0x1  }
0x346: {  	(erf) = vrcp.f32 v5;
	_ =	sdelay $0x8  }
0x347: {  	v3 =	vsub.s32 v3, v2;
	v5 =	vpop (erf)  }
0x348: {  	v3 =	vnsel vm0, $0x0, v3;
	v5 =	vadd.f32 $-5.000000000e-01, v5  }
0x349: {  	[tilespmem:s3+$0x0] =	vst v3  }
0x34a: {  	v5 =	vnsel vm1, $0x0, v5;
	[tilespmem:s5+$0x0] =	vst v4  }
.Ltmp21:
0x34b: {  	[tilespmem:s19+$0x0] =	vst v5;
	(pc) =	sbr.rel @p0 .LBB2_26-.Ltmp21, $4  }
0x34c: {  	[tilespmem:$0xBC00] =	vst v3  }
0x34d: {  	[tilespmem:$0xBD00] =	vst v5  }
0x34e: {  	[spmem:s8] =	stream.indirect.scatter.add.f32 [tilespmem:s2], [sflag:$0x4], $0x1, s13, s11, $0xb8;
	[tilespmem:$0x1EC90] =	vst v63  }
0x34f: {  	s20 =	sadd.s32 $0x10, s20;
	s19 =	sadd.s32 $0x10, s19;
	_ =	swait.ge [sflag:s0], $0x10  }
.LBB2_27:
0x350: {  	[sflag:s0] =	ssyncset.done $0x0  }
0x351: {  	[sflag:s0] =	ssyncadd.s32 $0xFFFFFFF0  }
0x352: {  	[bflag:$0x0] =	sbarrier.arrive $0xFFFF  }
0x353: {  	s2 =	sshll.u32 s23, $0x6;
	s3 =	rddreg [dreg:$0xc]  }
0x354: {  	s2 =	sor.u32 $0x1C04, s2;
	s3 =	sshrl.u32 s3, $0x3  }
0x355: {  	[hbm:s1], [sflag:s2] =	dma.local [spmem:s3], $0x20  }
0x356: {  	_ =	swait.ge [sflag:s0], $0x20  }
0x357: {  	[sflag:s0] =	ssyncset.done $0x0  }
0x358: {  	[sflag:s0] =	ssyncadd.s32 $0xFFFFFFE0  }
0x359: {  	s5 =	simm.s32 $0xD600;
	[bflag:$0x0] =	sbarrier.arrive $0xFFFF  }
0x35a: {  	s1 =	simm.s32 $0xC600;
	s2 =	simm.s32 $0x3;
	s18 =	rddreg [dreg:$0x3]  }
0x35b: {  	s3 =	simm.s32 $0xCE00;
	s0 =	simm.s32 $0xBE00;
	s19 =	rddreg [dreg:$0x4]  }
.LBB2_28:
0x35c: {  	s8 =	sshll.u32 s6, $0x4  }
0x35d: {  	v0 =	vld [tilespmem:s8+$0x2000]  }
0x35e: {  	v1 =	vld [tilespmem:s8+$0x4000];
	_ =	sdelay $0x3  }
0x35f: {  	v2 =	vld [tilespmem:s8+$0x6000];
	[tilespmem:$0xBC00] =	vst v0  }
0x360: {  	[tilespmem:$0xBC80] =	vst v1  }
0x361: {  	[tilespmem:s0], [sflag:$0x1] =	stream.indirect.gather [hbm4b:s4+s11], $0x80, s13, s11, $0xb8;
	[tilespmem:$0x1EC90] =	vst v63  }
0x362: {  	_ = 	snop  }
0x363: {  	[tilespmem:s1], [sflag:$0x2] =	stream.indirect.gather [hbm4b:s4+s11], $0x80, s16, s11, $0xb8;
	[tilespmem:$0x1EC90] =	vst v63  }
0x364: {  	_ = 	snop  }
0x365: {  	[tilespmem:s22], [sflag:$0x3] =	stream.indirect.gather [hbm4b:s25+s11], $0x1, s16, s11, $0xb8;
	[tilespmem:$0x1EC90] =	vst v63  }
0x366: {  	_ =	swait.ge [sflag:s14], $0x800  }
0x367: {  	[sflag:s14] =	ssyncset.done $0x0  }
0x368: {  	[sflag:s14] =	ssyncadd.s32 $0xFFFFF800  }
0x369: {  	_ =	swait.ge [sflag:s24], $0x800  }
0x36a: {  	[sflag:s24] =	ssyncset.done $0x0  }
0x36b: {  	[sflag:s24] =	ssyncadd.s32 $0xFFFFF800  }
0x36c: {  	_ =	swait.ge [sflag:s2], $0x10  }
0x36d: {  	[sflag:s2] =	ssyncset.done $0x0  }
0x36e: {  	[sflag:s2] =	ssyncadd.s32 $0xFFFFFFF0  }
0x36f: {  	v0 =	vld [tilespmem:$0xDE00];
	_ =	sdelay $0x4  }
0x370: {  	v0 =	vadd.f32 $2.047500000e+03, v0;
	_ =	sdelay $0x1  }
0x371: {  	(erf) = vrcp.f32 v0;
	_ =	sdelay $0x8  }
0x372: {  	v0 =	vpop (erf)  }
0x373: {  	v0 =	vmul.f32 v0, v2;
	_ =	sdelay $0x1  }
0x374: {  	s9 =	simm.s32 $0x0;
	[tilespmem:$0xBD80] =	vst v0  }
0x375: {  	v0 =	vld [tilespmem:s9+$0xC610]  }
0x376: {  	s31 =	simm.s32 $0xBD80;
	v1 =	vld [tilespmem:s9+$0xC620]  }
0x377: {  	v2 =	vld.msk [tilespmem:s31+$0x0 ss:$0x0], $0xffff  }
0x378: {  	v3 =	vld [tilespmem:s9+$0xC630]  }
0x379: {  	v4 =	vld [tilespmem:s9+$0xC640]  }
0x37a: {  	v5 =	vld [tilespmem:s9+$0xC650]  }
0x37b: {  	v6 =	vld [tilespmem:s9+$0xC660]  }
0x37c: {  	v7 =	vld [tilespmem:s9+$0xC670];
	v0 =	vmul.f32 v0, v2  }
0x37d: {  	v9 =	vld [tilespmem:s9+$0xC600];
	v3 =	vmul.f32 v3, v2  }
0x37e: {  	v8 =	vld.msk [tilespmem:s7+$0x0 ss:$0x0], $0xffff;
	v1 =	vmul.f32 v1, v2;
	[tilespmem:s9+$0xCE10] =	vst v0  }
0x37f: {  	v4 =	vmul.f32 v4, v2;
	[tilespmem:s9+$0xCE30] =	vst v3;
	v3 =	vld [tilespmem:s9+$0xBE20]  }
0x380: {  	v5 =	vmul.f32 v5, v2;
	v0 =	vld [tilespmem:s9+$0xBE00];
	[tilespmem:s9+$0xCE20] =	vst v1  }
0x381: {  	v1 =	vld [tilespmem:s9+$0xBE10];
	[tilespmem:s9+$0xCE40] =	vst v4;
	v4 =	vmul.f32 v7, v2  }
0x382: {  	v6 =	vmul.f32 v6, v2;
	[tilespmem:s9+$0xCE50] =	vst v5;
	v5 =	vld [tilespmem:s9+$0xBE30];
	v2 =	vmul.f32 v2, v9  }
0x383: {  	[tilespmem:s9+$0xCE70] =	vst v4;
	v4 =	vld [tilespmem:s9+$0xBE40]  }
0x384: {  	[tilespmem:s9+$0xCE00] =	vst v2;
	v2 =	vmul.f32 v3, v8;
	v3 =	vld [tilespmem:s9+$0xBE50]  }
0x385: {  	[tilespmem:s9+$0xCE60] =	vst v6;
	v6 =	vld [tilespmem:s9+$0xBE60];
	v0 =	vmul.f32 v0, v8  }
0x386: {  	v1 =	vmul.f32 v1, v8;
	[tilespmem:s9+$0xD620] =	vst v2;
	v2 =	vld [tilespmem:s9+$0xBE70]  }
0x387: {  	[tilespmem:s9+$0xD600] =	vst v0;
	v0 =	vmul.f32 v5, v8  }
0x388: {  	s8 =	simm.s32 $0x80;
	[tilespmem:s9+$0xD610] =	vst v1;
	v4 =	vmul.f32 v4, v8  }
0x389: {  	v1 =	vld [tilespmem:s8+$0xC600];
	[tilespmem:s9+$0xD630] =	vst v0;
	v5 =	vmul.f32 v3, v8  }
0x38a: {  	v6 =	vmul.f32 v6, v8;
	v0 =	vld [tilespmem:s8+$0xBE00];
	[tilespmem:s9+$0xD640] =	vst v4  }
0x38b: {  	v3 =	vld [tilespmem:s8+$0xC610];
	[tilespmem:s9+$0xD650] =	vst v5;
	v2 =	vmul.f32 v2, v8  }
0x38c: {  	v4 =	vld [tilespmem:s8+$0xC620];
	[tilespmem:s9+$0xD660] =	vst v6  }
0x38d: {  	s10 =	simm.s32 $0xBD81;
	v5 =	vld [tilespmem:s8+$0xC630];
	[tilespmem:s9+$0xD670] =	vst v2  }
0x38e: {  	s15 =	simm.s32 $0x400;
	s9 =	smov.u32 s7;
	v2 =	vld.msk [tilespmem:s10+$0x0 ss:$0x0], $0xffff  }
.LBB2_29:
0x38f: {  	p0 =	sne.s32 s15, $0x1E00;
	v6 =	vld [tilespmem:s8+$0xC640]  }
0x390: {  	v7 =	vld [tilespmem:s8+$0xC650]  }
0x391: {  	v8 =	vld [tilespmem:s8+$0xC660]  }
0x392: {  	v9 =	vld [tilespmem:s8+$0xC670]  }
0x393: {  	v10 =	vld [tilespmem:s8+$0xBE10]  }
0x394: {  	v3 =	vmul.f32 v3, v2;
	v4 =	vmul.f32 v4, v2;
	v11 =	vld [tilespmem:s8+$0xBE20]  }
0x395: {  	s9 =	sadd.s32 $0x1, s9;
	v5 =	vmul.f32 v5, v2;
	v6 =	vmul.f32 v6, v2;
	v12 =	vld [tilespmem:s8+$0xBE30]  }
0x396: {  	v13 =	vld.msk [tilespmem:s9+$0x0 ss:$0x0], $0xffff;
	[tilespmem:s8+$0xCE10] =	vst v3;
	v3 =	vmul.f32 v7, v2;
	v7 =	vmul.f32 v8, v2  }
0x397: {  	v1 =	vmul.f32 v2, v1;
	[tilespmem:s8+$0xCE20] =	vst v4;
	v4 =	vld [tilespmem:s8+$0xBE40];
	v2 =	vmul.f32 v9, v2  }
0x398: {  	[tilespmem:s8+$0xCE30] =	vst v5;
	v5 =	vld [tilespmem:s8+$0xBE50]  }
0x399: {  	[tilespmem:s8+$0xCE40] =	vst v6;
	v6 =	vld [tilespmem:s8+$0xBE60]  }
0x39a: {  	[tilespmem:s8+$0xCE50] =	vst v3;
	v3 =	vld [tilespmem:s8+$0xBE70]  }
0x39b: {  	[tilespmem:s8+$0xCE60] =	vst v7  }
0x39c: {  	v0 =	vmul.f32 v0, v13;
	v7 =	vmul.f32 v10, v13;
	[tilespmem:s8+$0xCE70] =	vst v2  }
0x39d: {  	v2 =	vmul.f32 v12, v13;
	[tilespmem:s8+$0xCE00] =	vst v1;
	v1 =	vmul.f32 v11, v13  }
0x39e: {  	v4 =	vmul.f32 v4, v13;
	v5 =	vmul.f32 v5, v13;
	[tilespmem:s8+$0xD600] =	vst v0  }
0x39f: {  	v6 =	vmul.f32 v6, v13;
	[tilespmem:s8+$0xD610] =	vst v7;
	v7 =	vmul.f32 v3, v13  }
0x3a0: {  	s17 =	sshra.s32 s15, $0x2;
	[tilespmem:s8+$0xD620] =	vst v1  }
0x3a1: {  	v1 =	vld [tilespmem:s17+$0xC600];
	[tilespmem:s8+$0xD630] =	vst v2  }
.Ltmp22:
0x3a2: {  	v0 =	vld [tilespmem:s17+$0xBE00];
	[tilespmem:s8+$0xD640] =	vst v4;
	(pc) =	sbr.rel @p0 .LBB2_29-.Ltmp22, $4  }
0x3a3: {  	v3 =	vld [tilespmem:s17+$0xC610];
	[tilespmem:s8+$0xD650] =	vst v5  }
0x3a4: {  	v4 =	vld [tilespmem:s17+$0xC620];
	[tilespmem:s8+$0xD660] =	vst v6  }
0x3a5: {  	s10 =	sadd.s32 $0x1, s10;
	v5 =	vld [tilespmem:s17+$0xC630];
	[tilespmem:s8+$0xD670] =	vst v7;
	s8 =	smov.u32 s17  }
0x3a6: {  	s15 =	sadd.s32 $0x200, s15;
	v2 =	vld.msk [tilespmem:s10+$0x0 ss:$0x0], $0xffff  }
0x3a7: {  	_ =	sdelay $0x1  }
0x3a8: {  	v6 =	vld [tilespmem:s8+$0xC640]  }
0x3a9: {  	v7 =	vld [tilespmem:s8+$0xC650]  }
0x3aa: {  	v8 =	vld [tilespmem:s8+$0xC660];
	v3 =	vmul.f32 v3, v2  }
0x3ab: {  	v9 =	vld [tilespmem:s8+$0xC670];
	s9 =	sadd.s32 $0x1, s9;
	v4 =	vmul.f32 v4, v2  }
0x3ac: {  	v13 =	vld.msk [tilespmem:s9+$0x0 ss:$0x0], $0xffff;
	v48 =	vmul.f32 v5, v2;
	[tilespmem:s8+$0xCE10] =	vst v3  }
0x3ad: {  	v1 =	vmul.f32 v2, v1;
	[tilespmem:s8+$0xCE20] =	vst v4  }
0x3ae: {  	v10 =	vld [tilespmem:s8+$0xBE10];
	v50 =	vmul.f32 v6, v2;
	[tilespmem:s8+$0xCE30] =	vst v48  }
0x3af: {  	v11 =	vld [tilespmem:s8+$0xBE20];
	v52 =	vmul.f32 v7, v2;
	[tilespmem:s8+$0xCE00] =	vst v1  }
0x3b0: {  	v12 =	vld [tilespmem:s8+$0xBE30];
	v54 =	vmul.f32 v8, v2;
	[tilespmem:s8+$0xCE40] =	vst v50  }
0x3b1: {  	v49 =	vld [tilespmem:s8+$0xBE40];
	v55 =	vmul.f32 v9, v2;
	[tilespmem:s8+$0xCE50] =	vst v52  }
0x3b2: {  	v51 =	vld [tilespmem:s8+$0xBE50];
	v0 =	vmul.f32 v0, v13;
	[tilespmem:s8+$0xCE60] =	vst v54  }
0x3b3: {  	v53 =	vld [tilespmem:s8+$0xBE60];
	v57 =	vmul.f32 v10, v13;
	[tilespmem:s8+$0xCE70] =	vst v55  }
0x3b4: {  	v56 =	vld [tilespmem:s8+$0xBE70];
	v58 =	vmul.f32 v11, v13;
	[tilespmem:s8+$0xD600] =	vst v0  }
0x3b5: {  	v59 =	vmul.f32 v12, v13;
	[tilespmem:s8+$0xD610] =	vst v57  }
0x3b6: {  	v60 =	vmul.f32 v49, v13;
	[tilespmem:s8+$0xD620] =	vst v58  }
0x3b7: {  	v61 =	vmul.f32 v51, v13;
	[tilespmem:s8+$0xD630] =	vst v59  }
0x3b8: {  	v62 =	vmul.f32 v53, v13;
	[tilespmem:s8+$0xD640] =	vst v60  }
0x3b9: {  	v63 =	vmul.f32 v56, v13;
	[tilespmem:s8+$0xD650] =	vst v61  }
0x3ba: {  	[tilespmem:s8+$0xD660] =	vst v62  }
0x3bb: {  	[tilespmem:s8+$0xD670] =	vst v63  }
0x3bc: {  	[spmem:s18] =	stream.indirect.scatter.add.f32 [tilespmem:s3], [sflag:$0x1], $0x80, s13, s11, $0xb8;
	[tilespmem:$0x1EC90] =	vst v63  }
0x3bd: {  	s6 =	sadd.s32 $0x1, s6  }
0x3be: {  	[spmem:s19] =	stream.indirect.scatter.add.f32 [tilespmem:s5], [sflag:$0x2], $0x80, s16, s11, $0xb8;
	[tilespmem:$0x1EC90] =	vst v63  }
0x3bf: {  	p0 =	seq.s32 s6, s12;
	_ =	swait.ge [sflag:s14], $0x800  }
.Ltmp23:
0x3c0: {  	[sflag:s14] =	ssyncset.done $0x0;
	(pc) =	sbr.rel @!p0 .LBB2_28-.Ltmp23, $4  }
.Ltmp24:
0x3c1: {  	[sflag:s14] =	ssyncadd.s32 $0xFFFFF800;
	(pc) =	sbr.rel @p0 .LBB2_32-.Ltmp24, $4  }
0x3c2: {  	_ =	swait.ge [sflag:s24], $0x800  }
0x3c3: {  	[sflag:s24] =	ssyncset.done $0x0  }
0x3c4: {  	s7 =	sadd.s32 $0x10, s7;
	[sflag:s24] =	ssyncadd.s32 $0xFFFFF800  }
0x3c5: {  	_ = 	snop  }
.LBB2_31:
0x3c6: {  	[bflag:$0x0] =	sbarrier.arrive $0xFFFF  }
0x3c7: {  	s0 =	sshll.u32 s23, $0x6;
	s2 =	rddreg [dreg:$0xc]  }
0x3c8: {  	s31 =	simm.s32 $0x4;
	s0 =	sor.u32 $0x1C04, s0;
	s2 =	sshrl.u32 s2, $0x3  }
0x3c9: {  	[hbm:s1], [sflag:s0] =	dma.local [spmem:s2], $0x20  }
0x3ca: {  	_ =	swait.ge [sflag:s31], $0x20  }
0x3cb: {  	[sflag:s31] =	ssyncset.done $0x0  }
0x3cc: {  	[sflag:s31] =	ssyncadd.s32 $0xFFFFFFE0  }
0x3cd: {  	[bflag:$0x0] =	sbarrier.arrive $0xFFFF  }
.LBB2_32:
0x3ce: {  	[bflag:$0x0] =	sbarrier.arrive $0xFFFF  }
0x3cf: {  	s0 =	sshll.u32 s23, $0x6;
	s2 =	rddreg [dreg:$0xa]  }
0x3d0: {  	s1 =	sor.u32 $0x1C01, s0;
	s2 =	sshrl.u32 s2, $0x3  }
0x3d1: {  	[hbm:s28], [sflag:s1] =	dma.local [spmem:s2], $0x1000  }
0x3d2: {  	s1 =	rddreg [dreg:$0xb]  }
0x3d3: {  	s30 =	simm.s32 $0x1;
	s0 =	sor.u32 $0x1C02, s0;
	s1 =	sshrl.u32 s1, $0x3  }
0x3d4: {  	[hbm:s26], [sflag:s0] =	dma.local [spmem:s1], $0x1000  }
0x3d5: {  	_ =	swait.ge [sflag:s30], $0x1000  }
0x3d6: {  	[sflag:s30] =	ssyncset.done $0x0  }
0x3d7: {  	s31 =	simm.s32 $0x2;
	[sflag:s30] =	ssyncadd.s32 $0xFFFFF000  }
0x3d8: {  	_ =	swait.ge [sflag:s31], $0x1000  }
0x3d9: {  	[sflag:s31] =	ssyncset.done $0x0  }
0x3da: {  	[sflag:s31] =	ssyncadd.s32 $0xFFFFF000  }
0x3db: {  	_ =	sfence.sel $0x180000  }
0x3dc: {  	[bflag:$0x0] =	sbarrier.arrive $0xFFFF  }
0x3dd: {  	_ =	strace $0x90000047  }
0x3de: {  	[bflag:$0x2] =	sbarrier.arrive $0xFFFF  }
0x3df: {  	p0 =	sne.s32 s23, $0x0;
	s0 =	rddreg [dreg:$0x8]  }
0x3e0: {  	s0 =	sadd.s32 @!p0 $0x100000, s0  }
0x3e1: {  	[sflag:s0] =	ssyncadd.tile.s32 @!p0 $0x1;
	_ =	shalt  }
.Lfunc_end2:
_tile_overlayer_lowered:
.L_overlay_start_2:
0x3e2: {  	(tag) =	ssettag $0x2  }
0x3e3: {  	s0 =	rddreg [dreg:$0x0];
	s2 =	stileid.u32  }
0x3e4: {  	s1 =	rddreg [dreg:$0x1];
	p0 =	sne.s32 s2, $0x0  }
0x3e5: {  	s3 =	rddreg [dreg:$0x2];
	[bflag:$0x3] =	sbarrier.arrive $0xFFFF;
	s2 =	simm.s32 @!p0 $0x1C04  }
0x3e6: {  	[timem:s3], [sflag:s2] =	dma.local @!p0 [hbm:s0], s1  }
0x3e7: {  	s0 =	simm.s32 @!p0 $0x4  }
0x3e8: {  	_ =	swait.ge @!p0 [sflag:s0], s1  }
0x3e9: {  	s1 =	ssub.s32 @!p0 $0x0, s1;
	[sflag:s0] =	ssyncset.done @!p0 $0x0  }
0x3ea: {  	[sflag:s0] =	ssyncadd.s32 @!p0 s1  }
0x3eb: {  	[bflag:$0x3] =	sbarrier.arrive $0xFFFF  }
0x3ec: {  	_ =	shalt  }

</sc_bundles>
